<compile_context>
chip_gen: v7x
topology: tpu7x:2x2x1
jax: 0.10.2.dev20260603
libtpu: 0.0.44.dev20260713+nightly
codegen_flags: <defaults>
</compile_context>

<pallas_src>
import functools

import jax
import jax.numpy as jnp
from jax import lax
from jax.experimental import pallas as pl
from jax.experimental.pallas import tpu as pltpu
from jax.experimental.pallas import tpu_sc as plsc

N_NODES = 10000
N_ACC = 10240
NUM_CORES = 2
NUM_SUBCORES = 16
K_EDGES = 128
ROWS_PER_TILE = N_ACC // NUM_SUBCORES
CPB = 4

_HIGH = jax.lax.Precision.HIGHEST


def _dot(a, b):
    return jax.lax.dot_general(a, b, (((1,), (0,)), ((), ())),
                               precision=_HIGH,
                               preferred_element_type=jnp.float32)


def _sc_segment_sum(table, gidx, sidx, zeros, d, n_chunks):
    mesh = plsc.VectorSubcoreMesh(core_axis_name="c", subcore_axis_name="s")
    n_blocks = n_chunks // CPB
    assert n_chunks % (2 * CPB) == 0

    @functools.partial(
        pl.kernel,
        out_type=jax.ShapeDtypeStruct((N_ACC, 128), jnp.float32),
        mesh=mesh,
        scratch_types=(
            [pltpu.VMEM((CPB, K_EDGES), jnp.int32) for _ in range(4)]
            + [pltpu.VMEM((K_EDGES, d), jnp.float32) for _ in range(CPB)]
            + [pltpu.VMEM_SHARED((N_ACC, d), jnp.float32),
               pltpu.VMEM_SHARED((N_ACC, d), jnp.float32)]
            + [pltpu.SemaphoreType.DMA for _ in range(CPB + 2)]
        ),
        compiler_params=pltpu.CompilerParams(use_tc_tiling_on_sc=False),
    )
    def seg_kernel(table_hbm, gidx_hbm, sidx_hbm, zeros_hbm, out_hbm, *rest):
        gbuf = rest[0:2]
        dbuf = rest[2:4]
        rows = rest[4:4 + CPB]
        acc_sh = rest[4 + CPB]
        tbl_sh = rest[5 + CPB]
        gsem = rest[6 + CPB:6 + 2 * CPB]
        isem = rest[6 + 2 * CPB:]
        c = lax.axis_index("c")
        s = lax.axis_index("s")
        rslc = pl.ds(s * ROWS_PER_TILE, ROWS_PER_TILE)
        cslc = pl.ds(c * d, d)
        pltpu.sync_copy(zeros_hbm.at[rslc], acc_sh.at[rslc])
        pltpu.sync_copy(table_hbm.at[rslc, cslc], tbl_sh.at[rslc])
        pltpu.sync_copy(gidx_hbm.at[s, pl.ds(0, CPB)], gbuf[0])
        pltpu.sync_copy(sidx_hbm.at[s, pl.ds(0, CPB)], dbuf[0])
        pltpu.make_async_copy(gidx_hbm.at[s, pl.ds(CPB, CPB)], gbuf[1],
                              isem[1]).start()
        pltpu.make_async_copy(sidx_hbm.at[s, pl.ds(CPB, CPB)], dbuf[1],
                              isem[1]).start()
        plsc.subcore_barrier()

        for j in range(CPB):
            pltpu.make_async_copy(tbl_sh.at[gbuf[0].at[j]], rows[j],
                                  gsem[j]).start()

        def half_step(blk_off, p):
            q = 1 - p
            pltpu.make_async_copy(gidx_hbm.at[s, pl.ds(0, CPB)], gbuf[q],
                                  isem[q]).wait()
            pltpu.make_async_copy(sidx_hbm.at[s, pl.ds(0, CPB)], dbuf[q],
                                  isem[q]).wait()
            for j in range(CPB):
                pltpu.make_async_copy(tbl_sh.at[gbuf[p].at[j]], rows[j],
                                      gsem[j]).wait()
                pltpu.sync_copy(rows[j], acc_sh.at[dbuf[p].at[j]], add=True)
                pltpu.make_async_copy(tbl_sh.at[gbuf[q].at[j]], rows[j],
                                      gsem[j]).start()
            nxt = pl.ds(lax.rem(blk_off + 2, n_blocks) * CPB, CPB)
            pltpu.make_async_copy(gidx_hbm.at[s, nxt], gbuf[p],
                                  isem[p]).start()
            pltpu.make_async_copy(sidx_hbm.at[s, nxt], dbuf[p],
                                  isem[p]).start()

        @pl.loop(0, n_blocks // 2)
        def _(t):
            half_step(2 * t, 0)
            half_step(2 * t + 1, 1)

        for j in range(CPB):
            pltpu.make_async_copy(tbl_sh.at[gbuf[0].at[j]], rows[j],
                                  gsem[j]).wait()
        pltpu.make_async_copy(gidx_hbm.at[s, pl.ds(0, CPB)], gbuf[1],
                              isem[1]).wait()
        pltpu.make_async_copy(sidx_hbm.at[s, pl.ds(0, CPB)], dbuf[1],
                              isem[1]).wait()

        plsc.subcore_barrier()
        pltpu.sync_copy(acc_sh.at[rslc], out_hbm.at[rslc, cslc])

    return seg_kernel(table, gidx, sidx, zeros)


def _sc_degree(sidx, zeros16, n_chunks):
    mesh = plsc.VectorSubcoreMesh(core_axis_name="c", subcore_axis_name="s")
    half = n_chunks // 2
    n_blocks = half // CPB

    @functools.partial(
        pl.kernel,
        out_type=jax.ShapeDtypeStruct((N_ACC, 128), jnp.float32),
        mesh=mesh,
        scratch_types=(
            [pltpu.VMEM((CPB, K_EDGES), jnp.int32) for _ in range(2)]
            + [pltpu.VMEM((K_EDGES, 16), jnp.float32),
               pltpu.VMEM_SHARED((N_ACC, 16), jnp.float32)]
            + [pltpu.SemaphoreType.DMA for _ in range(2)]
        ),
        compiler_params=pltpu.CompilerParams(use_tc_tiling_on_sc=False),
    )
    def deg_kernel(sidx_hbm, zeros_hbm, out_hbm, dbuf0, dbuf1, ones_v,
                   deg_sh, isem0, isem1):
        dbuf = (dbuf0, dbuf1)
        isem = (isem0, isem1)
        c = lax.axis_index("c")
        s = lax.axis_index("s")
        rslc = pl.ds(s * ROWS_PER_TILE, ROWS_PER_TILE)
        base = c * half
        pltpu.sync_copy(zeros_hbm.at[rslc], deg_sh.at[rslc])

        @pl.loop(0, K_EDGES)
        def _(i):
            ones_v[i] = jnp.full((16,), 1.0, jnp.float32)

        pltpu.sync_copy(sidx_hbm.at[s, pl.ds(base, CPB)], dbuf[0])
        pltpu.make_async_copy(sidx_hbm.at[s, pl.ds(base + CPB, CPB)], dbuf[1],
                              isem[1]).start()
        plsc.subcore_barrier()

        def half_step(blk_off, p):
            q = 1 - p
            pltpu.make_async_copy(sidx_hbm.at[s, pl.ds(0, CPB)], dbuf[q],
                                  isem[q]).wait()
            for j in range(CPB):
                pltpu.sync_copy(ones_v, deg_sh.at[dbuf[p].at[j]], add=True)
            nxt = pl.ds(base + lax.rem(blk_off + 2, n_blocks) * CPB, CPB)
            pltpu.make_async_copy(sidx_hbm.at[s, nxt], dbuf[p],
                                  isem[p]).start()

        @pl.loop(0, n_blocks // 2)
        def _(t):
            half_step(2 * t, 0)
            half_step(2 * t + 1, 1)

        pltpu.make_async_copy(sidx_hbm.at[s, pl.ds(0, CPB)], dbuf[1],
                              isem[1]).wait()
        plsc.subcore_barrier()
        pltpu.sync_copy(deg_sh.at[rslc], out_hbm.at[rslc, pl.ds(c * 16, 16)])

    return deg_kernel(sidx, zeros16)


ROW_BLK = 2000


def _tc_project(x, Ws, Wn):
    n, d_in = x.shape
    d_s = Ws.shape[1]
    d_n = Wn.shape[1]
    h2 = d_n // 2

    def body(x_ref, ws_ref, wn_ref, hs_ref, hw_ref):
        xb = x_ref[...]
        hs_ref[...] = _dot(xb, ws_ref[...])
        hw_ref[:, :d_n] = _dot(xb, wn_ref[...])

    return pl.pallas_call(
        body,
        grid=(n // ROW_BLK,),
        in_specs=[
            pl.BlockSpec((ROW_BLK, d_in), lambda i: (i, 0)),
            pl.BlockSpec((d_in, d_s), lambda i: (0, 0)),
            pl.BlockSpec((d_in, d_n), lambda i: (0, 0)),
        ],
        out_specs=[
            pl.BlockSpec((ROW_BLK, d_s), lambda i: (i, 0)),
            pl.BlockSpec((ROW_BLK, 128), lambda i: (i, 0)),
        ],
        out_shape=[
            jax.ShapeDtypeStruct((n, d_s), jnp.float32),
            jax.ShapeDtypeStruct((N_ACC, 128), jnp.float32),
        ],
    )(x, Ws, Wn)


def _tc_combine_project(hs, acc, deg, b, Ws_next, Wn_next):
    n, d = hs.shape
    d_s = Ws_next.shape[1]
    d_n = Wn_next.shape[1]
    h2 = d_n // 2

    def body(hs_ref, acc_ref, deg_ref, b_ref, ws_ref, wn_ref, hs2_ref,
             hw2_ref):
        degv = deg_ref[:, 0:1] + deg_ref[:, 16:17]
        inv = 1.0 / jnp.maximum(degv, 1.0)
        neigh = acc_ref[:, :d] * inv
        h = jnp.maximum(hs_ref[...] + neigh + b_ref[...], 0.0)
        hs2_ref[...] = _dot(h, ws_ref[...])
        hw2_ref[:, :d_n] = _dot(h, wn_ref[...])

    return pl.pallas_call(
        body,
        grid=(n // ROW_BLK,),
        in_specs=[
            pl.BlockSpec((ROW_BLK, d), lambda i: (i, 0)),
            pl.BlockSpec((ROW_BLK, 128), lambda i: (i, 0)),
            pl.BlockSpec((ROW_BLK, 128), lambda i: (i, 0)),
            pl.BlockSpec((1, d), lambda i: (0, 0)),
            pl.BlockSpec((d, d_s), lambda i: (0, 0)),
            pl.BlockSpec((d, d_n), lambda i: (0, 0)),
        ],
        out_specs=[
            pl.BlockSpec((ROW_BLK, d_s), lambda i: (i, 0)),
            pl.BlockSpec((ROW_BLK, 128), lambda i: (i, 0)),
        ],
        out_shape=[
            jax.ShapeDtypeStruct((n, d_s), jnp.float32),
            jax.ShapeDtypeStruct((N_ACC, 128), jnp.float32),
        ],
    )(hs, acc, deg, b, Ws_next, Wn_next)


def _tc_final(hs3, acc3, deg, b3, pW1, pb1, pW2, pb2, pW3, pb3):
    n, d = hs3.shape
    a_dim = pW3.shape[1]

    def body(hs_ref, acc_ref, deg_ref, b_ref, w1_ref, b1_ref, w2_ref, b2_ref,
             w3_ref, b3_ref, out_ref):
        degv = deg_ref[:n, 0:1] + deg_ref[:n, 16:17]
        inv = 1.0 / jnp.maximum(degv, 1.0)
        neigh = acc_ref[:n, :d] * inv
        h = jnp.maximum(hs_ref[...] + neigh + b_ref[...], 0.0)
        g = jnp.sum(h, axis=0, keepdims=True) * (1.0 / n)
        l1 = jnp.maximum(_dot(g, w1_ref[...]) + b1_ref[...], 0.0)
        l2 = jnp.maximum(_dot(l1, w2_ref[...]) + b2_ref[...], 0.0)
        out_ref[...] = _dot(l2, w3_ref[...]) + b3_ref[...]

    return pl.pallas_call(
        body,
        out_shape=jax.ShapeDtypeStruct((1, a_dim), jnp.float32),
    )(hs3, acc3, deg, b3, pW1, pb1, pW2, pb2, pW3, pb3)


def kernel(x, edge_index, Ws1, Wn1, b1, Ws2, Wn2, b2, Ws3, Wn3, b3,
           pW1, pb1, pW2, pb2, pW3, pb3):
    n = x.shape[0]
    e = edge_index.shape[1]
    src = edge_index[0]
    dst = edge_index[1]

    n_chunks = -(-e // (NUM_SUBCORES * K_EDGES))
    n_chunks = -(-n_chunks // (2 * CPB)) * (2 * CPB)
    e_pad = NUM_SUBCORES * K_EDGES * n_chunks
    pad = e_pad - e
    pad_rows = n + (jnp.arange(pad, dtype=jnp.int32) % (N_ACC - n))
    idx_c = (NUM_SUBCORES, n_chunks, K_EDGES)
    src_c = jnp.concatenate([src, jnp.zeros((pad,), jnp.int32)]).reshape(idx_c)
    dst_c = jnp.concatenate([dst, pad_rows]).reshape(idx_c)

    zeros64 = jnp.zeros((N_ACC, 64), jnp.float32)
    zeros32 = jnp.zeros((N_ACC, 32), jnp.float32)
    zeros16 = jnp.zeros((N_ACC, 16), jnp.float32)

    b1r = b1.reshape(1, -1)
    b2r = b2.reshape(1, -1)
    b3r = b3.reshape(1, -1)

    deg = _sc_degree(dst_c, zeros16, n_chunks)
    zeros64d = jnp.broadcast_to(jnp.minimum(deg[:, 0:1], 0.0), (N_ACC, 64))

    hs1, hw1p = _tc_project(x, Ws1, Wn1)
    acc1 = _sc_segment_sum(hw1p, src_c, dst_c, zeros64d, 64, n_chunks)
    hs2, hw2p = _tc_combine_project(hs1, acc1, deg, b1r, Ws2, Wn2)
    acc2 = _sc_segment_sum(hw2p, src_c, dst_c, zeros64, 64, n_chunks)
    hs3, hw3p = _tc_combine_project(hs2, acc2, deg, b2r, Ws3, Wn3)
    acc3 = _sc_segment_sum(hw3p, src_c, dst_c, zeros32, 32, n_chunks)
    logits = _tc_final(hs3, acc3, deg, b3r,
                       pW1, pb1.reshape(1, -1), pW2, pb2.reshape(1, -1),
                       pW3, pb3.reshape(1, -1))
    return logits[0]

# --- scband reference (transcript-rebuilt; emitter-appended) ---
"""Pipeline reference for scband-gnnactor-75625784148321 (READ-ONLY COPY).

The authoritative reference and input builder live on the scoring server;
editing this copy changes nothing except your own understanding.
"""

import jax, jax.numpy as jnp
import numpy as np

N = 10000
E = 320000
D = 128
H = 128
EMB = 64
P = 64
A = 64


def _glorot(key, shape):
    fan_in = shape[0]
    return jax.random.normal(key, shape, dtype=jnp.float32) * (1.0 / np.sqrt(fan_in))


def setup_inputs(seed: int = 0) -> dict:
    key = jax.random.key(seed)
    ks = jax.random.split(key, 20)
    x = jax.random.normal(ks[0], (N, D), dtype=jnp.float32)
    edge_index = jax.random.randint(ks[1], (2, E), 0, N, dtype=jnp.int32)
    params = {
        'Ws1': _glorot(ks[2], (D, H)), 'Wn1': _glorot(ks[3], (D, H)), 'b1': jnp.zeros((H,), jnp.float32),
        'Ws2': _glorot(ks[4], (H, H)), 'Wn2': _glorot(ks[5], (H, H)), 'b2': jnp.zeros((H,), jnp.float32),
        'Ws3': _glorot(ks[6], (H, EMB)), 'Wn3': _glorot(ks[7], (H, EMB)), 'b3': jnp.zeros((EMB,), jnp.float32),
        'pW1': _glorot(ks[8], (EMB, P)), 'pb1': jnp.zeros((P,), jnp.float32),
        'pW2': _glorot(ks[9], (P, P)), 'pb2': jnp.zeros((P,), jnp.float32),
        'pW3': _glorot(ks[10], (P, A)), 'pb3': jnp.zeros((A,), jnp.float32),
    }
    out = {'x': x, 'edge_index': edge_index}
    out.update(params)
    return out


def _sage_layer(h, edge_index, Ws, Wn, b):
    # GraphSAGE with mean aggregation: gather src features, scatter-add to dst, normalize by degree
    src = edge_index[0]
    dst = edge_index[1]
    msg = jnp.take(h, src, axis=0)                       # gather  [E, d]
    neigh_sum = jax.ops.segment_sum(msg, dst, num_segments=N)  # scatter-add [N, d]
    deg = jax.ops.segment_sum(jnp.ones((edge_index.shape[1],), jnp.float32), dst, num_segments=N)
    neigh_mean = neigh_sum / jnp.clip(deg, 1.0)[:, None]
    return jax.nn.relu(h @ Ws + neigh_mean @ Wn + b)


def reference(x, edge_index, Ws1, Wn1, b1, Ws2, Wn2, b2, Ws3, Wn3, b3, pW1, pb1, pW2, pb2, pW3, pb3):
    h = _sage_layer(x, edge_index, Ws1, Wn1, b1)
    h = _sage_layer(h, edge_index, Ws2, Wn2, b2)
    h = _sage_layer(h, edge_index, Ws3, Wn3, b3)
    # global mean pool (batch=None -> single graph)
    g = jnp.mean(h, axis=0)                              # [EMB]
    state_embedding = g[None, :]                         # unsqueeze(0)
    l = jax.nn.relu(state_embedding @ pW1 + pb1)
    l = jax.nn.relu(l @ pW2 + pb2)
    logits = l @ pW3 + pb3                               # [1, A]
    return logits[0]                                     # squeeze(0) since batch is None

if __name__ == "__main__":
    import jax
    _d = setup_inputs()
    print(jax.jit(kernel)(*tuple(_d.values())))

</pallas_src>

<mosaic_0001>
#map = affine_map<(d0, d1) -> (0, 0, 0)>
#map1 = affine_map<(d0, d1) -> (0, 0)>
module attributes {stable_mosaic.version = 14 : i64} {
  func.func @deg_kernel(%arg0: i32, %arg1: i32, %arg2: memref<16x160x128xi32, #tpu.memory_space<hbm>>, %arg3: memref<10240x16xf32, #tpu.memory_space<hbm>>, %arg4: memref<10240x128xf32, #tpu.memory_space<hbm>>, %arg5: memref<4x128xi32, #tpu.memory_space<vmem>>, %arg6: memref<4x128xi32, #tpu.memory_space<vmem>>, %arg7: memref<128x16xf32, #tpu.memory_space<vmem>>, %arg8: memref<10240x16xf32, #tpu.memory_space<vmem_shared>>, %arg9: memref<!tpu.dma_semaphore, #tpu.memory_space<semaphore_mem>>, %arg10: memref<!tpu.dma_semaphore, #tpu.memory_space<semaphore_mem>>) attributes {dimension_semantics = [#tpu.dimension_semantics<core_parallel>, #tpu.dimension_semantics<subcore_parallel>], iteration_bounds = array<i64: 2, 16>, scalar_prefetch = 0 : i64, scratch_operands = 6 : i64, tpu.core_type = #tpu.core_type<sc_vector_subcore>, window_params = [{transform_indices = #map}, {transform_indices = #map1}, {transform_indices = #map1}]} {
    %mul3A = arith.constant 640 : i32
    %mul3A_0 = arith.muli %arg1, %mul3A : i32
    %mul3A_1 = arith.constant 80 : i32
    %mul3A_2 = arith.muli %arg0, %mul3A_1 : i32
    "tpu.region"() ({
      %run_scoped3A = tpu.sem_alloc : memref<!tpu.dma_semaphore, #tpu.memory_space<semaphore_mem>>
      %dma_start3A_28 = arith.constant 0 : i32
      %dma_start3A_29 = tpu.memref_slice %arg8[%mul3A_0, %dma_start3A_28] : memref<10240x16xf32, #tpu.memory_space<vmem_shared>> -> memref<640x16xf32, #tpu.memory_space<vmem_shared>>
      %dma_start3A_30 = arith.constant 0 : i32
      %dma_start3A_31 = tpu.memref_slice %arg3[%mul3A_0, %dma_start3A_30] : memref<10240x16xf32, #tpu.memory_space<hbm>> -> memref<640x16xf32, #tpu.memory_space<hbm>>
      tpu.enqueue_dma source(%dma_start3A_31 : memref<640x16xf32, #tpu.memory_space<hbm>>) target(%dma_start3A_29 : memref<640x16xf32, #tpu.memory_space<vmem_shared>>) target_semaphore(%run_scoped3A : memref<!tpu.dma_semaphore, #tpu.memory_space<semaphore_mem>>)
      %dma_wait3A_32 = arith.constant 0 : i32
      %dma_wait3A_33 = tpu.memref_slice %arg8[%mul3A_0, %dma_wait3A_32] : memref<10240x16xf32, #tpu.memory_space<vmem_shared>> -> memref<640x16xf32, #tpu.memory_space<vmem_shared>>
      %dma_wait3A_34 = arith.constant 0 : i32
      %dma_wait3A_35 = tpu.memref_slice %arg3[%mul3A_0, %dma_wait3A_34] : memref<10240x16xf32, #tpu.memory_space<hbm>> -> memref<640x16xf32, #tpu.memory_space<hbm>>
      tpu.wait_dma2 semaphore(%run_scoped3A : memref<!tpu.dma_semaphore, #tpu.memory_space<semaphore_mem>>) src(%dma_wait3A_35 : memref<640x16xf32, #tpu.memory_space<hbm>>) dst(%dma_wait3A_33 : memref<640x16xf32, #tpu.memory_space<vmem_shared>>)
      tpu.yield
    }) : () -> ()
    %scan3A = arith.constant 0 : i32
    %scan3A_3 = arith.constant 128 : i32
    %scan3A_4 = arith.addi %scan3A, %scan3A_3 : i32
    %scan3A_5 = arith.constant 1 : i32
    scf.for %scan3A_28 = %scan3A to %scan3A_4 step %scan3A_5  : i32 {
      %mul3A_29 = arith.constant 1 : i32
      %mul3A_30 = arith.muli %scan3A_28, %mul3A_29 : i32
      %add3A_31 = arith.constant 0 : i32
      %add3A_32 = arith.addi %add3A_31, %mul3A_30 : i32
      %broadcast_in_dim3A = arith.constant 1.000000e+00 : f32
      %broadcast_in_dim3A_33 = vector.broadcast %broadcast_in_dim3A : f32 to vector<16xf32>
      %swap3A = arith.index_cast %add3A_32 : i32 to index
      %swap3A_34 = arith.constant 0 : index
      %swap3A_35 = tpu.vector_load %arg7[%swap3A, %swap3A_34] {strides = array<i32>} : memref<128x16xf32, #tpu.memory_space<vmem>>, vector<1x16xf32>,
      %swap3A_36 = vector.shape_cast %swap3A_35 : vector<1x16xf32> to vector<16xf32>
      %swap3A_37 = vector.shape_cast %broadcast_in_dim3A_33 : vector<16xf32> to vector<1x16xf32>
      tpu.vector_store %arg7[%swap3A, %swap3A_34], %swap3A_37 {strides = array<i32>} : memref<128x16xf32, #tpu.memory_space<vmem>>, vector<1x16xf32>,
    }
    %scan3A_6 = arith.constant 128 : i32
    "tpu.region"() ({
      %run_scoped3A = tpu.sem_alloc : memref<!tpu.dma_semaphore, #tpu.memory_space<semaphore_mem>>
      %dma_start3A_28 = arith.constant 0 : i32
      %dma_start3A_29 = tpu.memref_slice %arg2[%arg1, %mul3A_2, %dma_start3A_28] : memref<16x160x128xi32, #tpu.memory_space<hbm>> -> memref<1x4x128xi32, #tpu.memory_space<hbm>>
      %dma_start3A_30 = tpu.memref_squeeze %dma_start3A_29 : memref<1x4x128xi32, #tpu.memory_space<hbm>> -> memref<4x128xi32, #tpu.memory_space<hbm>>
      %dma_start3A_31 = arith.constant 0 : i32
      %dma_start3A_32 = tpu.memref_slice %arg2[%arg1, %mul3A_2, %dma_start3A_31] : memref<16x160x128xi32, #tpu.memory_space<hbm>> -> memref<1x4x128xi32, #tpu.memory_space<hbm>>
      %dma_start3A_33 = tpu.memref_squeeze %dma_start3A_32 : memref<1x4x128xi32, #tpu.memory_space<hbm>> -> memref<4x128xi32, #tpu.memory_space<hbm>>
      tpu.enqueue_dma source(%dma_start3A_33 : memref<4x128xi32, #tpu.memory_space<hbm>>) target(%arg5 : memref<4x128xi32, #tpu.memory_space<vmem>>) target_semaphore(%run_scoped3A : memref<!tpu.dma_semaphore, #tpu.memory_space<semaphore_mem>>)
      %dma_wait3A_34 = arith.constant 0 : i32
      %dma_wait3A_35 = tpu.memref_slice %arg2[%arg1, %mul3A_2, %dma_wait3A_34] : memref<16x160x128xi32, #tpu.memory_space<hbm>> -> memref<1x4x128xi32, #tpu.memory_space<hbm>>
      %dma_wait3A_36 = tpu.memref_squeeze %dma_wait3A_35 : memref<1x4x128xi32, #tpu.memory_space<hbm>> -> memref<4x128xi32, #tpu.memory_space<hbm>>
      %dma_wait3A_37 = arith.constant 0 : i32
      %dma_wait3A_38 = tpu.memref_slice %arg2[%arg1, %mul3A_2, %dma_wait3A_37] : memref<16x160x128xi32, #tpu.memory_space<hbm>> -> memref<1x4x128xi32, #tpu.memory_space<hbm>>
      %dma_wait3A_39 = tpu.memref_squeeze %dma_wait3A_38 : memref<1x4x128xi32, #tpu.memory_space<hbm>> -> memref<4x128xi32, #tpu.memory_space<hbm>>
      tpu.wait_dma2 semaphore(%run_scoped3A : memref<!tpu.dma_semaphore, #tpu.memory_space<semaphore_mem>>) src(%dma_wait3A_39 : memref<4x128xi32, #tpu.memory_space<hbm>>) dst(%arg5 : memref<4x128xi32, #tpu.memory_space<vmem>>)
      tpu.yield
    }) : () -> ()
    %add3A = arith.constant 4 : i32
    %add3A_7 = arith.addi %mul3A_2, %add3A : i32
    %dma_start3A = arith.constant 0 : i32
    %dma_start3A_8 = tpu.memref_slice %arg2[%arg1, %add3A_7, %dma_start3A] : memref<16x160x128xi32, #tpu.memory_space<hbm>> -> memref<1x4x128xi32, #tpu.memory_space<hbm>>
    %dma_start3A_9 = tpu.memref_squeeze %dma_start3A_8 : memref<1x4x128xi32, #tpu.memory_space<hbm>> -> memref<4x128xi32, #tpu.memory_space<hbm>>
    %dma_start3A_10 = arith.constant 0 : i32
    %dma_start3A_11 = tpu.memref_slice %arg2[%arg1, %add3A_7, %dma_start3A_10] : memref<16x160x128xi32, #tpu.memory_space<hbm>> -> memref<1x4x128xi32, #tpu.memory_space<hbm>>
    %dma_start3A_12 = tpu.memref_squeeze %dma_start3A_11 : memref<1x4x128xi32, #tpu.memory_space<hbm>> -> memref<4x128xi32, #tpu.memory_space<hbm>>
    tpu.enqueue_dma source(%dma_start3A_12 : memref<4x128xi32, #tpu.memory_space<hbm>>) target(%arg6 : memref<4x128xi32, #tpu.memory_space<vmem>>) target_semaphore(%arg10 : memref<!tpu.dma_semaphore, #tpu.memory_space<semaphore_mem>>)
    %barrier3A = arith.constant 0 : index
    tpu.barrier barrier_id(%barrier3A)
    %scan3A_13 = arith.constant 0 : i32
    %scan3A_14 = arith.constant 10 : i32
    %scan3A_15 = arith.addi %scan3A_13, %scan3A_14 : i32
    %scan3A_16 = arith.constant 1 : i32
    scf.for %scan3A_28 = %scan3A_13 to %scan3A_15 step %scan3A_16  : i32 {
      %mul3A_29 = arith.constant 1 : i32
      %mul3A_30 = arith.muli %scan3A_28, %mul3A_29 : i32
      %add3A_31 = arith.constant 0 : i32
      %add3A_32 = arith.addi %add3A_31, %mul3A_30 : i32
      %mul3A_33 = arith.constant 2 : i32
      %mul3A_34 = arith.muli %mul3A_33, %add3A_32 : i32
      %dma_wait3A_35 = arith.constant 0 : i32
      %dma_wait3A_36 = arith.constant 0 : i32
      %dma_wait3A_37 = tpu.memref_slice %arg2[%arg1, %dma_wait3A_35, %dma_wait3A_36] : memref<16x160x128xi32, #tpu.memory_space<hbm>> -> memref<1x4x128xi32, #tpu.memory_space<hbm>>
      %dma_wait3A_38 = tpu.memref_squeeze %dma_wait3A_37 : memref<1x4x128xi32, #tpu.memory_space<hbm>> -> memref<4x128xi32, #tpu.memory_space<hbm>>
      %dma_wait3A_39 = arith.constant 0 : i32
      %dma_wait3A_40 = arith.constant 0 : i32
      %dma_wait3A_41 = tpu.memref_slice %arg2[%arg1, %dma_wait3A_39, %dma_wait3A_40] : memref<16x160x128xi32, #tpu.memory_space<hbm>> -> memref<1x4x128xi32, #tpu.memory_space<hbm>>
      %dma_wait3A_42 = tpu.memref_squeeze %dma_wait3A_41 : memref<1x4x128xi32, #tpu.memory_space<hbm>> -> memref<4x128xi32, #tpu.memory_space<hbm>>
      tpu.wait_dma2 semaphore(%arg10 : memref<!tpu.dma_semaphore, #tpu.memory_space<semaphore_mem>>) src(%dma_wait3A_42 : memref<4x128xi32, #tpu.memory_space<hbm>>) dst(%arg6 : memref<4x128xi32, #tpu.memory_space<vmem>>)
      %run_scoped3A = arith.constant 0 : i32
      "tpu.region"() ({
        %run_scoped3A_87 = tpu.sem_alloc : memref<!tpu.dma_semaphore, #tpu.memory_space<semaphore_mem>>
        %dma_start3A_88 = arith.constant 0 : i32
        %dma_start3A_89 = tpu.memref_slice %arg5[%run_scoped3A, %dma_start3A_88] : memref<4x128xi32, #tpu.memory_space<vmem>> -> memref<1x128xi32, #tpu.memory_space<vmem>>
        %dma_start3A_90 = tpu.memref_squeeze %dma_start3A_89 : memref<1x128xi32, #tpu.memory_space<vmem>> -> memref<128xi32, #tpu.memory_space<vmem>>
        %dma_start3A_91 = arith.constant 0 : i32
        %dma_start3A_92 = arith.constant 0 : i32
        %dma_start3A_93 = tpu.memref_slice %arg8[%dma_start3A_91, %dma_start3A_92] : memref<10240x16xf32, #tpu.memory_space<vmem_shared>> -> memref<10240x16xf32, #tpu.memory_space<vmem_shared>>
        tpu.enqueue_indirect_dma source(%arg7 : memref<128x16xf32, #tpu.memory_space<vmem>>) target(%dma_start3A_93 : memref<10240x16xf32, #tpu.memory_space<vmem_shared>>) offsets(%dma_start3A_90 : memref<128xi32, #tpu.memory_space<vmem>>) semaphore(%run_scoped3A_87 : memref<!tpu.dma_semaphore, #tpu.memory_space<semaphore_mem>>) {add = true}
        %dma_wait3A_94 = arith.constant 0 : i32
        %dma_wait3A_95 = tpu.memref_slice %arg5[%run_scoped3A, %dma_wait3A_94] : memref<4x128xi32, #tpu.memory_space<vmem>> -> memref<1x128xi32, #tpu.memory_space<vmem>>
        %dma_wait3A_96 = tpu.memref_squeeze %dma_wait3A_95 : memref<1x128xi32, #tpu.memory_space<vmem>> -> memref<128xi32, #tpu.memory_space<vmem>>
        %dma_wait3A_97 = arith.constant 0 : i32
        %dma_wait3A_98 = arith.constant 0 : i32
        %dma_wait3A_99 = tpu.memref_slice %arg8[%dma_wait3A_97, %dma_wait3A_98] : memref<10240x16xf32, #tpu.memory_space<vmem_shared>> -> memref<10240x16xf32, #tpu.memory_space<vmem_shared>>
        tpu.wait_indirect_dma semaphore(%run_scoped3A_87 : memref<!tpu.dma_semaphore, #tpu.memory_space<semaphore_mem>>) src(%arg7 : memref<128x16xf32, #tpu.memory_space<vmem>>) dst(%dma_wait3A_99 : memref<10240x16xf32, #tpu.memory_space<vmem_shared>>)
        tpu.yield
      }) : () -> ()
      %run_scoped3A_43 = arith.constant 1 : i32
      "tpu.region"() ({
        %run_scoped3A_87 = tpu.sem_alloc : memref<!tpu.dma_semaphore, #tpu.memory_space<semaphore_mem>>
        %dma_start3A_88 = arith.constant 0 : i32
        %dma_start3A_89 = tpu.memref_slice %arg5[%run_scoped3A_43, %dma_start3A_88] : memref<4x128xi32, #tpu.memory_space<vmem>> -> memref<1x128xi32, #tpu.memory_space<vmem>>
        %dma_start3A_90 = tpu.memref_squeeze %dma_start3A_89 : memref<1x128xi32, #tpu.memory_space<vmem>> -> memref<128xi32, #tpu.memory_space<vmem>>
        %dma_start3A_91 = arith.constant 0 : i32
        %dma_start3A_92 = arith.constant 0 : i32
        %dma_start3A_93 = tpu.memref_slice %arg8[%dma_start3A_91, %dma_start3A_92] : memref<10240x16xf32, #tpu.memory_space<vmem_shared>> -> memref<10240x16xf32, #tpu.memory_space<vmem_shared>>
        tpu.enqueue_indirect_dma source(%arg7 : memref<128x16xf32, #tpu.memory_space<vmem>>) target(%dma_start3A_93 : memref<10240x16xf32, #tpu.memory_space<vmem_shared>>) offsets(%dma_start3A_90 : memref<128xi32, #tpu.memory_space<vmem>>) semaphore(%run_scoped3A_87 : memref<!tpu.dma_semaphore, #tpu.memory_space<semaphore_mem>>) {add = true}
        %dma_wait3A_94 = arith.constant 0 : i32
        %dma_wait3A_95 = tpu.memref_slice %arg5[%run_scoped3A_43, %dma_wait3A_94] : memref<4x128xi32, #tpu.memory_space<vmem>> -> memref<1x128xi32, #tpu.memory_space<vmem>>
        %dma_wait3A_96 = tpu.memref_squeeze %dma_wait3A_95 : memref<1x128xi32, #tpu.memory_space<vmem>> -> memref<128xi32, #tpu.memory_space<vmem>>
        %dma_wait3A_97 = arith.constant 0 : i32
        %dma_wait3A_98 = arith.constant 0 : i32
        %dma_wait3A_99 = tpu.memref_slice %arg8[%dma_wait3A_97, %dma_wait3A_98] : memref<10240x16xf32, #tpu.memory_space<vmem_shared>> -> memref<10240x16xf32, #tpu.memory_space<vmem_shared>>
        tpu.wait_indirect_dma semaphore(%run_scoped3A_87 : memref<!tpu.dma_semaphore, #tpu.memory_space<semaphore_mem>>) src(%arg7 : memref<128x16xf32, #tpu.memory_space<vmem>>) dst(%dma_wait3A_99 : memref<10240x16xf32, #tpu.memory_space<vmem_shared>>)
        tpu.yield
      }) : () -> ()
      %run_scoped3A_44 = arith.constant 2 : i32
      "tpu.region"() ({
        %run_scoped3A_87 = tpu.sem_alloc : memref<!tpu.dma_semaphore, #tpu.memory_space<semaphore_mem>>
        %dma_start3A_88 = arith.constant 0 : i32
        %dma_start3A_89 = tpu.memref_slice %arg5[%run_scoped3A_44, %dma_start3A_88] : memref<4x128xi32, #tpu.memory_space<vmem>> -> memref<1x128xi32, #tpu.memory_space<vmem>>
        %dma_start3A_90 = tpu.memref_squeeze %dma_start3A_89 : memref<1x128xi32, #tpu.memory_space<vmem>> -> memref<128xi32, #tpu.memory_space<vmem>>
        %dma_start3A_91 = arith.constant 0 : i32
        %dma_start3A_92 = arith.constant 0 : i32
        %dma_start3A_93 = tpu.memref_slice %arg8[%dma_start3A_91, %dma_start3A_92] : memref<10240x16xf32, #tpu.memory_space<vmem_shared>> -> memref<10240x16xf32, #tpu.memory_space<vmem_shared>>
        tpu.enqueue_indirect_dma source(%arg7 : memref<128x16xf32, #tpu.memory_space<vmem>>) target(%dma_start3A_93 : memref<10240x16xf32, #tpu.memory_space<vmem_shared>>) offsets(%dma_start3A_90 : memref<128xi32, #tpu.memory_space<vmem>>) semaphore(%run_scoped3A_87 : memref<!tpu.dma_semaphore, #tpu.memory_space<semaphore_mem>>) {add = true}
        %dma_wait3A_94 = arith.constant 0 : i32
        %dma_wait3A_95 = tpu.memref_slice %arg5[%run_scoped3A_44, %dma_wait3A_94] : memref<4x128xi32, #tpu.memory_space<vmem>> -> memref<1x128xi32, #tpu.memory_space<vmem>>
        %dma_wait3A_96 = tpu.memref_squeeze %dma_wait3A_95 : memref<1x128xi32, #tpu.memory_space<vmem>> -> memref<128xi32, #tpu.memory_space<vmem>>
        %dma_wait3A_97 = arith.constant 0 : i32
        %dma_wait3A_98 = arith.constant 0 : i32
        %dma_wait3A_99 = tpu.memref_slice %arg8[%dma_wait3A_97, %dma_wait3A_98] : memref<10240x16xf32, #tpu.memory_space<vmem_shared>> -> memref<10240x16xf32, #tpu.memory_space<vmem_shared>>
        tpu.wait_indirect_dma semaphore(%run_scoped3A_87 : memref<!tpu.dma_semaphore, #tpu.memory_space<semaphore_mem>>) src(%arg7 : memref<128x16xf32, #tpu.memory_space<vmem>>) dst(%dma_wait3A_99 : memref<10240x16xf32, #tpu.memory_space<vmem_shared>>)
        tpu.yield
      }) : () -> ()
      %run_scoped3A_45 = arith.constant 3 : i32
      "tpu.region"() ({
        %run_scoped3A_87 = tpu.sem_alloc : memref<!tpu.dma_semaphore, #tpu.memory_space<semaphore_mem>>
        %dma_start3A_88 = arith.constant 0 : i32
        %dma_start3A_89 = tpu.memref_slice %arg5[%run_scoped3A_45, %dma_start3A_88] : memref<4x128xi32, #tpu.memory_space<vmem>> -> memref<1x128xi32, #tpu.memory_space<vmem>>
        %dma_start3A_90 = tpu.memref_squeeze %dma_start3A_89 : memref<1x128xi32, #tpu.memory_space<vmem>> -> memref<128xi32, #tpu.memory_space<vmem>>
        %dma_start3A_91 = arith.constant 0 : i32
        %dma_start3A_92 = arith.constant 0 : i32
        %dma_start3A_93 = tpu.memref_slice %arg8[%dma_start3A_91, %dma_start3A_92] : memref<10240x16xf32, #tpu.memory_space<vmem_shared>> -> memref<10240x16xf32, #tpu.memory_space<vmem_shared>>
        tpu.enqueue_indirect_dma source(%arg7 : memref<128x16xf32, #tpu.memory_space<vmem>>) target(%dma_start3A_93 : memref<10240x16xf32, #tpu.memory_space<vmem_shared>>) offsets(%dma_start3A_90 : memref<128xi32, #tpu.memory_space<vmem>>) semaphore(%run_scoped3A_87 : memref<!tpu.dma_semaphore, #tpu.memory_space<semaphore_mem>>) {add = true}
        %dma_wait3A_94 = arith.constant 0 : i32
        %dma_wait3A_95 = tpu.memref_slice %arg5[%run_scoped3A_45, %dma_wait3A_94] : memref<4x128xi32, #tpu.memory_space<vmem>> -> memref<1x128xi32, #tpu.memory_space<vmem>>
        %dma_wait3A_96 = tpu.memref_squeeze %dma_wait3A_95 : memref<1x128xi32, #tpu.memory_space<vmem>> -> memref<128xi32, #tpu.memory_space<vmem>>
        %dma_wait3A_97 = arith.constant 0 : i32
        %dma_wait3A_98 = arith.constant 0 : i32
        %dma_wait3A_99 = tpu.memref_slice %arg8[%dma_wait3A_97, %dma_wait3A_98] : memref<10240x16xf32, #tpu.memory_space<vmem_shared>> -> memref<10240x16xf32, #tpu.memory_space<vmem_shared>>
        tpu.wait_indirect_dma semaphore(%run_scoped3A_87 : memref<!tpu.dma_semaphore, #tpu.memory_space<semaphore_mem>>) src(%arg7 : memref<128x16xf32, #tpu.memory_space<vmem>>) dst(%dma_wait3A_99 : memref<10240x16xf32, #tpu.memory_space<vmem_shared>>)
        tpu.yield
      }) : () -> ()
      %add3A_46 = arith.constant 2 : i32
      %add3A_47 = arith.addi %mul3A_34, %add3A_46 : i32
      %rem3A = arith.constant 20 : i32
      %rem3A_48 = arith.remsi %add3A_47, %rem3A : i32
      %mul3A_49 = arith.constant 4 : i32
      %mul3A_50 = arith.muli %rem3A_48, %mul3A_49 : i32
      %add3A_51 = arith.addi %mul3A_2, %mul3A_50 : i32
      %dma_start3A_52 = arith.constant 0 : i32
      %dma_start3A_53 = tpu.memref_slice %arg2[%arg1, %add3A_51, %dma_start3A_52] : memref<16x160x128xi32, #tpu.memory_space<hbm>> -> memref<1x4x128xi32, #tpu.memory_space<hbm>>
      %dma_start3A_54 = tpu.memref_squeeze %dma_start3A_53 : memref<1x4x128xi32, #tpu.memory_space<hbm>> -> memref<4x128xi32, #tpu.memory_space<hbm>>
      %dma_start3A_55 = arith.constant 0 : i32
      %dma_start3A_56 = tpu.memref_slice %arg2[%arg1, %add3A_51, %dma_start3A_55] : memref<16x160x128xi32, #tpu.memory_space<hbm>> -> memref<1x4x128xi32, #tpu.memory_space<hbm>>
      %dma_start3A_57 = tpu.memref_squeeze %dma_start3A_56 : memref<1x4x128xi32, #tpu.memory_space<hbm>> -> memref<4x128xi32, #tpu.memory_space<hbm>>
      tpu.enqueue_dma source(%dma_start3A_57 : memref<4x128xi32, #tpu.memory_space<hbm>>) target(%arg5 : memref<4x128xi32, #tpu.memory_space<vmem>>) target_semaphore(%arg9 : memref<!tpu.dma_semaphore, #tpu.memory_space<semaphore_mem>>)
      %mul3A_58 = arith.constant 2 : i32
      %mul3A_59 = arith.muli %mul3A_58, %add3A_32 : i32
      %add3A_60 = arith.constant 1 : i32
      %add3A_61 = arith.addi %mul3A_59, %add3A_60 : i32
      %dma_wait3A_62 = arith.constant 0 : i32
      %dma_wait3A_63 = arith.constant 0 : i32
      %dma_wait3A_64 = tpu.memref_slice %arg2[%arg1, %dma_wait3A_62, %dma_wait3A_63] : memref<16x160x128xi32, #tpu.memory_space<hbm>> -> memref<1x4x128xi32, #tpu.memory_space<hbm>>
      %dma_wait3A_65 = tpu.memref_squeeze %dma_wait3A_64 : memref<1x4x128xi32, #tpu.memory_space<hbm>> -> memref<4x128xi32, #tpu.memory_space<hbm>>
      %dma_wait3A_66 = arith.constant 0 : i32
      %dma_wait3A_67 = arith.constant 0 : i32
      %dma_wait3A_68 = tpu.memref_slice %arg2[%arg1, %dma_wait3A_66, %dma_wait3A_67] : memref<16x160x128xi32, #tpu.memory_space<hbm>> -> memref<1x4x128xi32, #tpu.memory_space<hbm>>
      %dma_wait3A_69 = tpu.memref_squeeze %dma_wait3A_68 : memref<1x4x128xi32, #tpu.memory_space<hbm>> -> memref<4x128xi32, #tpu.memory_space<hbm>>
      tpu.wait_dma2 semaphore(%arg9 : memref<!tpu.dma_semaphore, #tpu.memory_space<semaphore_mem>>) src(%dma_wait3A_69 : memref<4x128xi32, #tpu.memory_space<hbm>>) dst(%arg5 : memref<4x128xi32, #tpu.memory_space<vmem>>)
      %run_scoped3A_70 = arith.constant 0 : i32
      "tpu.region"() ({
        %run_scoped3A_87 = tpu.sem_alloc : memref<!tpu.dma_semaphore, #tpu.memory_space<semaphore_mem>>
        %dma_start3A_88 = arith.constant 0 : i32
        %dma_start3A_89 = tpu.memref_slice %arg6[%run_scoped3A_70, %dma_start3A_88] : memref<4x128xi32, #tpu.memory_space<vmem>> -> memref<1x128xi32, #tpu.memory_space<vmem>>
        %dma_start3A_90 = tpu.memref_squeeze %dma_start3A_89 : memref<1x128xi32, #tpu.memory_space<vmem>> -> memref<128xi32, #tpu.memory_space<vmem>>
        %dma_start3A_91 = arith.constant 0 : i32
        %dma_start3A_92 = arith.constant 0 : i32
        %dma_start3A_93 = tpu.memref_slice %arg8[%dma_start3A_91, %dma_start3A_92] : memref<10240x16xf32, #tpu.memory_space<vmem_shared>> -> memref<10240x16xf32, #tpu.memory_space<vmem_shared>>
        tpu.enqueue_indirect_dma source(%arg7 : memref<128x16xf32, #tpu.memory_space<vmem>>) target(%dma_start3A_93 : memref<10240x16xf32, #tpu.memory_space<vmem_shared>>) offsets(%dma_start3A_90 : memref<128xi32, #tpu.memory_space<vmem>>) semaphore(%run_scoped3A_87 : memref<!tpu.dma_semaphore, #tpu.memory_space<semaphore_mem>>) {add = true}
        %dma_wait3A_94 = arith.constant 0 : i32
        %dma_wait3A_95 = tpu.memref_slice %arg6[%run_scoped3A_70, %dma_wait3A_94] : memref<4x128xi32, #tpu.memory_space<vmem>> -> memref<1x128xi32, #tpu.memory_space<vmem>>
        %dma_wait3A_96 = tpu.memref_squeeze %dma_wait3A_95 : memref<1x128xi32, #tpu.memory_space<vmem>> -> memref<128xi32, #tpu.memory_space<vmem>>
        %dma_wait3A_97 = arith.constant 0 : i32
        %dma_wait3A_98 = arith.constant 0 : i32
        %dma_wait3A_99 = tpu.memref_slice %arg8[%dma_wait3A_97, %dma_wait3A_98] : memref<10240x16xf32, #tpu.memory_space<vmem_shared>> -> memref<10240x16xf32, #tpu.memory_space<vmem_shared>>
        tpu.wait_indirect_dma semaphore(%run_scoped3A_87 : memref<!tpu.dma_semaphore, #tpu.memory_space<semaphore_mem>>) src(%arg7 : memref<128x16xf32, #tpu.memory_space<vmem>>) dst(%dma_wait3A_99 : memref<10240x16xf32, #tpu.memory_space<vmem_shared>>)
        tpu.yield
      }) : () -> ()
      %run_scoped3A_71 = arith.constant 1 : i32
      "tpu.region"() ({
        %run_scoped3A_87 = tpu.sem_alloc : memref<!tpu.dma_semaphore, #tpu.memory_space<semaphore_mem>>
        %dma_start3A_88 = arith.constant 0 : i32
        %dma_start3A_89 = tpu.memref_slice %arg6[%run_scoped3A_71, %dma_start3A_88] : memref<4x128xi32, #tpu.memory_space<vmem>> -> memref<1x128xi32, #tpu.memory_space<vmem>>
        %dma_start3A_90 = tpu.memref_squeeze %dma_start3A_89 : memref<1x128xi32, #tpu.memory_space<vmem>> -> memref<128xi32, #tpu.memory_space<vmem>>
        %dma_start3A_91 = arith.constant 0 : i32
        %dma_start3A_92 = arith.constant 0 : i32
        %dma_start3A_93 = tpu.memref_slice %arg8[%dma_start3A_91, %dma_start3A_92] : memref<10240x16xf32, #tpu.memory_space<vmem_shared>> -> memref<10240x16xf32, #tpu.memory_space<vmem_shared>>
        tpu.enqueue_indirect_dma source(%arg7 : memref<128x16xf32, #tpu.memory_space<vmem>>) target(%dma_start3A_93 : memref<10240x16xf32, #tpu.memory_space<vmem_shared>>) offsets(%dma_start3A_90 : memref<128xi32, #tpu.memory_space<vmem>>) semaphore(%run_scoped3A_87 : memref<!tpu.dma_semaphore, #tpu.memory_space<semaphore_mem>>) {add = true}
        %dma_wait3A_94 = arith.constant 0 : i32
        %dma_wait3A_95 = tpu.memref_slice %arg6[%run_scoped3A_71, %dma_wait3A_94] : memref<4x128xi32, #tpu.memory_space<vmem>> -> memref<1x128xi32, #tpu.memory_space<vmem>>
        %dma_wait3A_96 = tpu.memref_squeeze %dma_wait3A_95 : memref<1x128xi32, #tpu.memory_space<vmem>> -> memref<128xi32, #tpu.memory_space<vmem>>
        %dma_wait3A_97 = arith.constant 0 : i32
        %dma_wait3A_98 = arith.constant 0 : i32
        %dma_wait3A_99 = tpu.memref_slice %arg8[%dma_wait3A_97, %dma_wait3A_98] : memref<10240x16xf32, #tpu.memory_space<vmem_shared>> -> memref<10240x16xf32, #tpu.memory_space<vmem_shared>>
        tpu.wait_indirect_dma semaphore(%run_scoped3A_87 : memref<!tpu.dma_semaphore, #tpu.memory_space<semaphore_mem>>) src(%arg7 : memref<128x16xf32, #tpu.memory_space<vmem>>) dst(%dma_wait3A_99 : memref<10240x16xf32, #tpu.memory_space<vmem_shared>>)
        tpu.yield
      }) : () -> ()
      %run_scoped3A_72 = arith.constant 2 : i32
      "tpu.region"() ({
        %run_scoped3A_87 = tpu.sem_alloc : memref<!tpu.dma_semaphore, #tpu.memory_space<semaphore_mem>>
        %dma_start3A_88 = arith.constant 0 : i32
        %dma_start3A_89 = tpu.memref_slice %arg6[%run_scoped3A_72, %dma_start3A_88] : memref<4x128xi32, #tpu.memory_space<vmem>> -> memref<1x128xi32, #tpu.memory_space<vmem>>
        %dma_start3A_90 = tpu.memref_squeeze %dma_start3A_89 : memref<1x128xi32, #tpu.memory_space<vmem>> -> memref<128xi32, #tpu.memory_space<vmem>>
        %dma_start3A_91 = arith.constant 0 : i32
        %dma_start3A_92 = arith.constant 0 : i32
        %dma_start3A_93 = tpu.memref_slice %arg8[%dma_start3A_91, %dma_start3A_92] : memref<10240x16xf32, #tpu.memory_space<vmem_shared>> -> memref<10240x16xf32, #tpu.memory_space<vmem_shared>>
        tpu.enqueue_indirect_dma source(%arg7 : memref<128x16xf32, #tpu.memory_space<vmem>>) target(%dma_start3A_93 : memref<10240x16xf32, #tpu.memory_space<vmem_shared>>) offsets(%dma_start3A_90 : memref<128xi32, #tpu.memory_space<vmem>>) semaphore(%run_scoped3A_87 : memref<!tpu.dma_semaphore, #tpu.memory_space<semaphore_mem>>) {add = true}
        %dma_wait3A_94 = arith.constant 0 : i32
        %dma_wait3A_95 = tpu.memref_slice %arg6[%run_scoped3A_72, %dma_wait3A_94] : memref<4x128xi32, #tpu.memory_space<vmem>> -> memref<1x128xi32, #tpu.memory_space<vmem>>
        %dma_wait3A_96 = tpu.memref_squeeze %dma_wait3A_95 : memref<1x128xi32, #tpu.memory_space<vmem>> -> memref<128xi32, #tpu.memory_space<vmem>>
        %dma_wait3A_97 = arith.constant 0 : i32
        %dma_wait3A_98 = arith.constant 0 : i32
        %dma_wait3A_99 = tpu.memref_slice %arg8[%dma_wait3A_97, %dma_wait3A_98] : memref<10240x16xf32, #tpu.memory_space<vmem_shared>> -> memref<10240x16xf32, #tpu.memory_space<vmem_shared>>
        tpu.wait_indirect_dma semaphore(%run_scoped3A_87 : memref<!tpu.dma_semaphore, #tpu.memory_space<semaphore_mem>>) src(%arg7 : memref<128x16xf32, #tpu.memory_space<vmem>>) dst(%dma_wait3A_99 : memref<10240x16xf32, #tpu.memory_space<vmem_shared>>)
        tpu.yield
      }) : () -> ()
      %run_scoped3A_73 = arith.constant 3 : i32
      "tpu.region"() ({
        %run_scoped3A_87 = tpu.sem_alloc : memref<!tpu.dma_semaphore, #tpu.memory_space<semaphore_mem>>
        %dma_start3A_88 = arith.constant 0 : i32
        %dma_start3A_89 = tpu.memref_slice %arg6[%run_scoped3A_73, %dma_start3A_88] : memref<4x128xi32, #tpu.memory_space<vmem>> -> memref<1x128xi32, #tpu.memory_space<vmem>>
        %dma_start3A_90 = tpu.memref_squeeze %dma_start3A_89 : memref<1x128xi32, #tpu.memory_space<vmem>> -> memref<128xi32, #tpu.memory_space<vmem>>
        %dma_start3A_91 = arith.constant 0 : i32
        %dma_start3A_92 = arith.constant 0 : i32
        %dma_start3A_93 = tpu.memref_slice %arg8[%dma_start3A_91, %dma_start3A_92] : memref<10240x16xf32, #tpu.memory_space<vmem_shared>> -> memref<10240x16xf32, #tpu.memory_space<vmem_shared>>
        tpu.enqueue_indirect_dma source(%arg7 : memref<128x16xf32, #tpu.memory_space<vmem>>) target(%dma_start3A_93 : memref<10240x16xf32, #tpu.memory_space<vmem_shared>>) offsets(%dma_start3A_90 : memref<128xi32, #tpu.memory_space<vmem>>) semaphore(%run_scoped3A_87 : memref<!tpu.dma_semaphore, #tpu.memory_space<semaphore_mem>>) {add = true}
        %dma_wait3A_94 = arith.constant 0 : i32
        %dma_wait3A_95 = tpu.memref_slice %arg6[%run_scoped3A_73, %dma_wait3A_94] : memref<4x128xi32, #tpu.memory_space<vmem>> -> memref<1x128xi32, #tpu.memory_space<vmem>>
        %dma_wait3A_96 = tpu.memref_squeeze %dma_wait3A_95 : memref<1x128xi32, #tpu.memory_space<vmem>> -> memref<128xi32, #tpu.memory_space<vmem>>
        %dma_wait3A_97 = arith.constant 0 : i32
        %dma_wait3A_98 = arith.constant 0 : i32
        %dma_wait3A_99 = tpu.memref_slice %arg8[%dma_wait3A_97, %dma_wait3A_98] : memref<10240x16xf32, #tpu.memory_space<vmem_shared>> -> memref<10240x16xf32, #tpu.memory_space<vmem_shared>>
        tpu.wait_indirect_dma semaphore(%run_scoped3A_87 : memref<!tpu.dma_semaphore, #tpu.memory_space<semaphore_mem>>) src(%arg7 : memref<128x16xf32, #tpu.memory_space<vmem>>) dst(%dma_wait3A_99 : memref<10240x16xf32, #tpu.memory_space<vmem_shared>>)
        tpu.yield
      }) : () -> ()
      %add3A_74 = arith.constant 2 : i32
      %add3A_75 = arith.addi %add3A_61, %add3A_74 : i32
      %rem3A_76 = arith.constant 20 : i32
      %rem3A_77 = arith.remsi %add3A_75, %rem3A_76 : i32
      %mul3A_78 = arith.constant 4 : i32
      %mul3A_79 = arith.muli %rem3A_77, %mul3A_78 : i32
      %add3A_80 = arith.addi %mul3A_2, %mul3A_79 : i32
      %dma_start3A_81 = arith.constant 0 : i32
      %dma_start3A_82 = tpu.memref_slice %arg2[%arg1, %add3A_80, %dma_start3A_81] : memref<16x160x128xi32, #tpu.memory_space<hbm>> -> memref<1x4x128xi32, #tpu.memory_space<hbm>>
      %dma_start3A_83 = tpu.memref_squeeze %dma_start3A_82 : memref<1x4x128xi32, #tpu.memory_space<hbm>> -> memref<4x128xi32, #tpu.memory_space<hbm>>
      %dma_start3A_84 = arith.constant 0 : i32
      %dma_start3A_85 = tpu.memref_slice %arg2[%arg1, %add3A_80, %dma_start3A_84] : memref<16x160x128xi32, #tpu.memory_space<hbm>> -> memref<1x4x128xi32, #tpu.memory_space<hbm>>
      %dma_start3A_86 = tpu.memref_squeeze %dma_start3A_85 : memref<1x4x128xi32, #tpu.memory_space<hbm>> -> memref<4x128xi32, #tpu.memory_space<hbm>>
      tpu.enqueue_dma source(%dma_start3A_86 : memref<4x128xi32, #tpu.memory_space<hbm>>) target(%arg6 : memref<4x128xi32, #tpu.memory_space<vmem>>) target_semaphore(%arg10 : memref<!tpu.dma_semaphore, #tpu.memory_space<semaphore_mem>>)
    }
    %scan3A_17 = arith.constant 10 : i32
    %dma_wait3A = arith.constant 0 : i32
    %dma_wait3A_18 = arith.constant 0 : i32
    %dma_wait3A_19 = tpu.memref_slice %arg2[%arg1, %dma_wait3A, %dma_wait3A_18] : memref<16x160x128xi32, #tpu.memory_space<hbm>> -> memref<1x4x128xi32, #tpu.memory_space<hbm>>
    %dma_wait3A_20 = tpu.memref_squeeze %dma_wait3A_19 : memref<1x4x128xi32, #tpu.memory_space<hbm>> -> memref<4x128xi32, #tpu.memory_space<hbm>>
    %dma_wait3A_21 = arith.constant 0 : i32
    %dma_wait3A_22 = arith.constant 0 : i32
    %dma_wait3A_23 = tpu.memref_slice %arg2[%arg1, %dma_wait3A_21, %dma_wait3A_22] : memref<16x160x128xi32, #tpu.memory_space<hbm>> -> memref<1x4x128xi32, #tpu.memory_space<hbm>>
    %dma_wait3A_24 = tpu.memref_squeeze %dma_wait3A_23 : memref<1x4x128xi32, #tpu.memory_space<hbm>> -> memref<4x128xi32, #tpu.memory_space<hbm>>
    tpu.wait_dma2 semaphore(%arg10 : memref<!tpu.dma_semaphore, #tpu.memory_space<semaphore_mem>>) src(%dma_wait3A_24 : memref<4x128xi32, #tpu.memory_space<hbm>>) dst(%arg6 : memref<4x128xi32, #tpu.memory_space<vmem>>)
    %barrier3A_25 = arith.constant 0 : index
    tpu.barrier barrier_id(%barrier3A_25)
    %mul3A_26 = arith.constant 16 : i32
    %mul3A_27 = arith.muli %arg0, %mul3A_26 : i32
    "tpu.region"() ({
      %run_scoped3A = tpu.sem_alloc : memref<!tpu.dma_semaphore, #tpu.memory_space<semaphore_mem>>
      %dma_start3A_28 = tpu.memref_slice %arg4[%mul3A_0, %mul3A_27] : memref<10240x128xf32, #tpu.memory_space<hbm>> -> memref<640x16xf32, #tpu.memory_space<hbm>>
      %dma_start3A_29 = arith.constant 0 : i32
      %dma_start3A_30 = tpu.memref_slice %arg8[%mul3A_0, %dma_start3A_29] : memref<10240x16xf32, #tpu.memory_space<vmem_shared>> -> memref<640x16xf32, #tpu.memory_space<vmem_shared>>
      tpu.enqueue_dma source(%dma_start3A_30 : memref<640x16xf32, #tpu.memory_space<vmem_shared>>) target(%dma_start3A_28 : memref<640x16xf32, #tpu.memory_space<hbm>>) target_semaphore(%run_scoped3A : memref<!tpu.dma_semaphore, #tpu.memory_space<semaphore_mem>>)
      %dma_wait3A_31 = tpu.memref_slice %arg4[%mul3A_0, %mul3A_27] : memref<10240x128xf32, #tpu.memory_space<hbm>> -> memref<640x16xf32, #tpu.memory_space<hbm>>
      %dma_wait3A_32 = arith.constant 0 : i32
      %dma_wait3A_33 = tpu.memref_slice %arg8[%mul3A_0, %dma_wait3A_32] : memref<10240x16xf32, #tpu.memory_space<vmem_shared>> -> memref<640x16xf32, #tpu.memory_space<vmem_shared>>
      tpu.wait_dma2 semaphore(%run_scoped3A : memref<!tpu.dma_semaphore, #tpu.memory_space<semaphore_mem>>) src(%dma_wait3A_33 : memref<640x16xf32, #tpu.memory_space<vmem_shared>>) dst(%dma_wait3A_31 : memref<640x16xf32, #tpu.memory_space<hbm>>)
      tpu.yield
    }) : () -> ()
    return
  }
}

#map = affine_map<(d0, d1) -> (0, 0)>
#map1 = affine_map<(d0, d1) -> (0, 0, 0)>
module attributes {stable_mosaic.version = 14 : i64} {
  func.func @seg_kernel(%arg0: i32, %arg1: i32, %arg2: memref<10240x128xf32, #tpu.memory_space<hbm>>, %arg3: memref<16x160x128xi32, #tpu.memory_space<hbm>>, %arg4: memref<16x160x128xi32, #tpu.memory_space<hbm>>, %arg5: memref<10240x64xf32, #tpu.memory_space<hbm>>, %arg6: memref<10240x128xf32, #tpu.memory_space<hbm>>, %arg7: memref<4x128xi32, #tpu.memory_space<vmem>>, %arg8: memref<4x128xi32, #tpu.memory_space<vmem>>, %arg9: memref<4x128xi32, #tpu.memory_space<vmem>>, %arg10: memref<4x128xi32, #tpu.memory_space<vmem>>, %arg11: memref<128x64xf32, #tpu.memory_space<vmem>>, %arg12: memref<128x64xf32, #tpu.memory_space<vmem>>, %arg13: memref<128x64xf32, #tpu.memory_space<vmem>>, %arg14: memref<128x64xf32, #tpu.memory_space<vmem>>, %arg15: memref<10240x64xf32, #tpu.memory_space<vmem_shared>>, %arg16: memref<10240x64xf32, #tpu.memory_space<vmem_shared>>, %arg17: memref<!tpu.dma_semaphore, #tpu.memory_space<semaphore_mem>>, %arg18: memref<!tpu.dma_semaphore, #tpu.memory_space<semaphore_mem>>, %arg19: memref<!tpu.dma_semaphore, #tpu.memory_space<semaphore_mem>>, %arg20: memref<!tpu.dma_semaphore, #tpu.memory_space<semaphore_mem>>, %arg21: memref<!tpu.dma_semaphore, #tpu.memory_space<semaphore_mem>>, %arg22: memref<!tpu.dma_semaphore, #tpu.memory_space<semaphore_mem>>) attributes {dimension_semantics = [#tpu.dimension_semantics<core_parallel>, #tpu.dimension_semantics<subcore_parallel>], iteration_bounds = array<i64: 2, 16>, scalar_prefetch = 0 : i64, scratch_operands = 16 : i64, tpu.core_type = #tpu.core_type<sc_vector_subcore>, window_params = [{transform_indices = #map}, {transform_indices = #map1}, {transform_indices = #map1}, {transform_indices = #map}, {transform_indices = #map}]} {
    %mul3A = arith.constant 640 : i32
    %mul3A_0 = arith.muli %arg1, %mul3A : i32
    %mul3A_1 = arith.constant 64 : i32
    %mul3A_2 = arith.muli %arg0, %mul3A_1 : i32
    "tpu.region"() ({
      %run_scoped3A = tpu.sem_alloc : memref<!tpu.dma_semaphore, #tpu.memory_space<semaphore_mem>>
      %dma_start3A_94 = arith.constant 0 : i32
      %dma_start3A_95 = tpu.memref_slice %arg15[%mul3A_0, %dma_start3A_94] : memref<10240x64xf32, #tpu.memory_space<vmem_shared>> -> memref<640x64xf32, #tpu.memory_space<vmem_shared>>
      %dma_start3A_96 = arith.constant 0 : i32
      %dma_start3A_97 = tpu.memref_slice %arg5[%mul3A_0, %dma_start3A_96] : memref<10240x64xf32, #tpu.memory_space<hbm>> -> memref<640x64xf32, #tpu.memory_space<hbm>>
      tpu.enqueue_dma source(%dma_start3A_97 : memref<640x64xf32, #tpu.memory_space<hbm>>) target(%dma_start3A_95 : memref<640x64xf32, #tpu.memory_space<vmem_shared>>) target_semaphore(%run_scoped3A : memref<!tpu.dma_semaphore, #tpu.memory_space<semaphore_mem>>)
      %dma_wait3A_98 = arith.constant 0 : i32
      %dma_wait3A_99 = tpu.memref_slice %arg15[%mul3A_0, %dma_wait3A_98] : memref<10240x64xf32, #tpu.memory_space<vmem_shared>> -> memref<640x64xf32, #tpu.memory_space<vmem_shared>>
      %dma_wait3A_100 = arith.constant 0 : i32
      %dma_wait3A_101 = tpu.memref_slice %arg5[%mul3A_0, %dma_wait3A_100] : memref<10240x64xf32, #tpu.memory_space<hbm>> -> memref<640x64xf32, #tpu.memory_space<hbm>>
      tpu.wait_dma2 semaphore(%run_scoped3A : memref<!tpu.dma_semaphore, #tpu.memory_space<semaphore_mem>>) src(%dma_wait3A_101 : memref<640x64xf32, #tpu.memory_space<hbm>>) dst(%dma_wait3A_99 : memref<640x64xf32, #tpu.memory_space<vmem_shared>>)
      tpu.yield
    }) : () -> ()
    "tpu.region"() ({
      %run_scoped3A = tpu.sem_alloc : memref<!tpu.dma_semaphore, #tpu.memory_space<semaphore_mem>>
      %dma_start3A_94 = arith.constant 0 : i32
      %dma_start3A_95 = tpu.memref_slice %arg16[%mul3A_0, %dma_start3A_94] : memref<10240x64xf32, #tpu.memory_space<vmem_shared>> -> memref<640x64xf32, #tpu.memory_space<vmem_shared>>
      %dma_start3A_96 = tpu.memref_slice %arg2[%mul3A_0, %mul3A_2] : memref<10240x128xf32, #tpu.memory_space<hbm>> -> memref<640x64xf32, #tpu.memory_space<hbm>>
      tpu.enqueue_dma source(%dma_start3A_96 : memref<640x64xf32, #tpu.memory_space<hbm>>) target(%dma_start3A_95 : memref<640x64xf32, #tpu.memory_space<vmem_shared>>) target_semaphore(%run_scoped3A : memref<!tpu.dma_semaphore, #tpu.memory_space<semaphore_mem>>)
      %dma_wait3A_97 = arith.constant 0 : i32
      %dma_wait3A_98 = tpu.memref_slice %arg16[%mul3A_0, %dma_wait3A_97] : memref<10240x64xf32, #tpu.memory_space<vmem_shared>> -> memref<640x64xf32, #tpu.memory_space<vmem_shared>>
      %dma_wait3A_99 = tpu.memref_slice %arg2[%mul3A_0, %mul3A_2] : memref<10240x128xf32, #tpu.memory_space<hbm>> -> memref<640x64xf32, #tpu.memory_space<hbm>>
      tpu.wait_dma2 semaphore(%run_scoped3A : memref<!tpu.dma_semaphore, #tpu.memory_space<semaphore_mem>>) src(%dma_wait3A_99 : memref<640x64xf32, #tpu.memory_space<hbm>>) dst(%dma_wait3A_98 : memref<640x64xf32, #tpu.memory_space<vmem_shared>>)
      tpu.yield
    }) : () -> ()
    "tpu.region"() ({
      %run_scoped3A = tpu.sem_alloc : memref<!tpu.dma_semaphore, #tpu.memory_space<semaphore_mem>>
      %dma_start3A_94 = arith.constant 0 : i32
      %dma_start3A_95 = arith.constant 0 : i32
      %dma_start3A_96 = tpu.memref_slice %arg3[%arg1, %dma_start3A_94, %dma_start3A_95] : memref<16x160x128xi32, #tpu.memory_space<hbm>> -> memref<1x4x128xi32, #tpu.memory_space<hbm>>
      %dma_start3A_97 = tpu.memref_squeeze %dma_start3A_96 : memref<1x4x128xi32, #tpu.memory_space<hbm>> -> memref<4x128xi32, #tpu.memory_space<hbm>>
      %dma_start3A_98 = arith.constant 0 : i32
      %dma_start3A_99 = arith.constant 0 : i32
      %dma_start3A_100 = tpu.memref_slice %arg3[%arg1, %dma_start3A_98, %dma_start3A_99] : memref<16x160x128xi32, #tpu.memory_space<hbm>> -> memref<1x4x128xi32, #tpu.memory_space<hbm>>
      %dma_start3A_101 = tpu.memref_squeeze %dma_start3A_100 : memref<1x4x128xi32, #tpu.memory_space<hbm>> -> memref<4x128xi32, #tpu.memory_space<hbm>>
      tpu.enqueue_dma source(%dma_start3A_101 : memref<4x128xi32, #tpu.memory_space<hbm>>) target(%arg7 : memref<4x128xi32, #tpu.memory_space<vmem>>) target_semaphore(%run_scoped3A : memref<!tpu.dma_semaphore, #tpu.memory_space<semaphore_mem>>)
      %dma_wait3A_102 = arith.constant 0 : i32
      %dma_wait3A_103 = arith.constant 0 : i32
      %dma_wait3A_104 = tpu.memref_slice %arg3[%arg1, %dma_wait3A_102, %dma_wait3A_103] : memref<16x160x128xi32, #tpu.memory_space<hbm>> -> memref<1x4x128xi32, #tpu.memory_space<hbm>>
      %dma_wait3A_105 = tpu.memref_squeeze %dma_wait3A_104 : memref<1x4x128xi32, #tpu.memory_space<hbm>> -> memref<4x128xi32, #tpu.memory_space<hbm>>
      %dma_wait3A_106 = arith.constant 0 : i32
      %dma_wait3A_107 = arith.constant 0 : i32
      %dma_wait3A_108 = tpu.memref_slice %arg3[%arg1, %dma_wait3A_106, %dma_wait3A_107] : memref<16x160x128xi32, #tpu.memory_space<hbm>> -> memref<1x4x128xi32, #tpu.memory_space<hbm>>
      %dma_wait3A_109 = tpu.memref_squeeze %dma_wait3A_108 : memref<1x4x128xi32, #tpu.memory_space<hbm>> -> memref<4x128xi32, #tpu.memory_space<hbm>>
      tpu.wait_dma2 semaphore(%run_scoped3A : memref<!tpu.dma_semaphore, #tpu.memory_space<semaphore_mem>>) src(%dma_wait3A_109 : memref<4x128xi32, #tpu.memory_space<hbm>>) dst(%arg7 : memref<4x128xi32, #tpu.memory_space<vmem>>)
      tpu.yield
    }) : () -> ()
    "tpu.region"() ({
      %run_scoped3A = tpu.sem_alloc : memref<!tpu.dma_semaphore, #tpu.memory_space<semaphore_mem>>
      %dma_start3A_94 = arith.constant 0 : i32
      %dma_start3A_95 = arith.constant 0 : i32
      %dma_start3A_96 = tpu.memref_slice %arg4[%arg1, %dma_start3A_94, %dma_start3A_95] : memref<16x160x128xi32, #tpu.memory_space<hbm>> -> memref<1x4x128xi32, #tpu.memory_space<hbm>>
      %dma_start3A_97 = tpu.memref_squeeze %dma_start3A_96 : memref<1x4x128xi32, #tpu.memory_space<hbm>> -> memref<4x128xi32, #tpu.memory_space<hbm>>
      %dma_start3A_98 = arith.constant 0 : i32
      %dma_start3A_99 = arith.constant 0 : i32
      %dma_start3A_100 = tpu.memref_slice %arg4[%arg1, %dma_start3A_98, %dma_start3A_99] : memref<16x160x128xi32, #tpu.memory_space<hbm>> -> memref<1x4x128xi32, #tpu.memory_space<hbm>>
      %dma_start3A_101 = tpu.memref_squeeze %dma_start3A_100 : memref<1x4x128xi32, #tpu.memory_space<hbm>> -> memref<4x128xi32, #tpu.memory_space<hbm>>
      tpu.enqueue_dma source(%dma_start3A_101 : memref<4x128xi32, #tpu.memory_space<hbm>>) target(%arg9 : memref<4x128xi32, #tpu.memory_space<vmem>>) target_semaphore(%run_scoped3A : memref<!tpu.dma_semaphore, #tpu.memory_space<semaphore_mem>>)
      %dma_wait3A_102 = arith.constant 0 : i32
      %dma_wait3A_103 = arith.constant 0 : i32
      %dma_wait3A_104 = tpu.memref_slice %arg4[%arg1, %dma_wait3A_102, %dma_wait3A_103] : memref<16x160x128xi32, #tpu.memory_space<hbm>> -> memref<1x4x128xi32, #tpu.memory_space<hbm>>
      %dma_wait3A_105 = tpu.memref_squeeze %dma_wait3A_104 : memref<1x4x128xi32, #tpu.memory_space<hbm>> -> memref<4x128xi32, #tpu.memory_space<hbm>>
      %dma_wait3A_106 = arith.constant 0 : i32
      %dma_wait3A_107 = arith.constant 0 : i32
      %dma_wait3A_108 = tpu.memref_slice %arg4[%arg1, %dma_wait3A_106, %dma_wait3A_107] : memref<16x160x128xi32, #tpu.memory_space<hbm>> -> memref<1x4x128xi32, #tpu.memory_space<hbm>>
      %dma_wait3A_109 = tpu.memref_squeeze %dma_wait3A_108 : memref<1x4x128xi32, #tpu.memory_space<hbm>> -> memref<4x128xi32, #tpu.memory_space<hbm>>
      tpu.wait_dma2 semaphore(%run_scoped3A : memref<!tpu.dma_semaphore, #tpu.memory_space<semaphore_mem>>) src(%dma_wait3A_109 : memref<4x128xi32, #tpu.memory_space<hbm>>) dst(%arg9 : memref<4x128xi32, #tpu.memory_space<vmem>>)
      tpu.yield
    }) : () -> ()
    %dma_start3A = arith.constant 4 : i32
    %dma_start3A_3 = arith.constant 0 : i32
    %dma_start3A_4 = tpu.memref_slice %arg3[%arg1, %dma_start3A, %dma_start3A_3] : memref<16x160x128xi32, #tpu.memory_space<hbm>> -> memref<1x4x128xi32, #tpu.memory_space<hbm>>
    %dma_start3A_5 = tpu.memref_squeeze %dma_start3A_4 : memref<1x4x128xi32, #tpu.memory_space<hbm>> -> memref<4x128xi32, #tpu.memory_space<hbm>>
    %dma_start3A_6 = arith.constant 4 : i32
    %dma_start3A_7 = arith.constant 0 : i32
    %dma_start3A_8 = tpu.memref_slice %arg3[%arg1, %dma_start3A_6, %dma_start3A_7] : memref<16x160x128xi32, #tpu.memory_space<hbm>> -> memref<1x4x128xi32, #tpu.memory_space<hbm>>
    %dma_start3A_9 = tpu.memref_squeeze %dma_start3A_8 : memref<1x4x128xi32, #tpu.memory_space<hbm>> -> memref<4x128xi32, #tpu.memory_space<hbm>>
    tpu.enqueue_dma source(%dma_start3A_9 : memref<4x128xi32, #tpu.memory_space<hbm>>) target(%arg8 : memref<4x128xi32, #tpu.memory_space<vmem>>) target_semaphore(%arg22 : memref<!tpu.dma_semaphore, #tpu.memory_space<semaphore_mem>>)
    %dma_start3A_10 = arith.constant 4 : i32
    %dma_start3A_11 = arith.constant 0 : i32
    %dma_start3A_12 = tpu.memref_slice %arg4[%arg1, %dma_start3A_10, %dma_start3A_11] : memref<16x160x128xi32, #tpu.memory_space<hbm>> -> memref<1x4x128xi32, #tpu.memory_space<hbm>>
    %dma_start3A_13 = tpu.memref_squeeze %dma_start3A_12 : memref<1x4x128xi32, #tpu.memory_space<hbm>> -> memref<4x128xi32, #tpu.memory_space<hbm>>
    %dma_start3A_14 = arith.constant 4 : i32
    %dma_start3A_15 = arith.constant 0 : i32
    %dma_start3A_16 = tpu.memref_slice %arg4[%arg1, %dma_start3A_14, %dma_start3A_15] : memref<16x160x128xi32, #tpu.memory_space<hbm>> -> memref<1x4x128xi32, #tpu.memory_space<hbm>>
    %dma_start3A_17 = tpu.memref_squeeze %dma_start3A_16 : memref<1x4x128xi32, #tpu.memory_space<hbm>> -> memref<4x128xi32, #tpu.memory_space<hbm>>
    tpu.enqueue_dma source(%dma_start3A_17 : memref<4x128xi32, #tpu.memory_space<hbm>>) target(%arg10 : memref<4x128xi32, #tpu.memory_space<vmem>>) target_semaphore(%arg22 : memref<!tpu.dma_semaphore, #tpu.memory_space<semaphore_mem>>)
    %barrier3A = arith.constant 0 : index
    tpu.barrier barrier_id(%barrier3A)
    %dma_start3A_18 = arith.constant 0 : i32
    %dma_start3A_19 = arith.constant 0 : i32
    %dma_start3A_20 = tpu.memref_slice %arg7[%dma_start3A_18, %dma_start3A_19] : memref<4x128xi32, #tpu.memory_space<vmem>> -> memref<1x128xi32, #tpu.memory_space<vmem>>
    %dma_start3A_21 = tpu.memref_squeeze %dma_start3A_20 : memref<1x128xi32, #tpu.memory_space<vmem>> -> memref<128xi32, #tpu.memory_space<vmem>>
    %dma_start3A_22 = arith.constant 0 : i32
    %dma_start3A_23 = arith.constant 0 : i32
    %dma_start3A_24 = tpu.memref_slice %arg16[%dma_start3A_22, %dma_start3A_23] : memref<10240x64xf32, #tpu.memory_space<vmem_shared>> -> memref<10240x64xf32, #tpu.memory_space<vmem_shared>>
    tpu.enqueue_indirect_dma source(%dma_start3A_24 : memref<10240x64xf32, #tpu.memory_space<vmem_shared>>) target(%arg11 : memref<128x64xf32, #tpu.memory_space<vmem>>) offsets(%dma_start3A_21 : memref<128xi32, #tpu.memory_space<vmem>>) semaphore(%arg17 : memref<!tpu.dma_semaphore, #tpu.memory_space<semaphore_mem>>)
    %dma_start3A_25 = arith.constant 1 : i32
    %dma_start3A_26 = arith.constant 0 : i32
    %dma_start3A_27 = tpu.memref_slice %arg7[%dma_start3A_25, %dma_start3A_26] : memref<4x128xi32, #tpu.memory_space<vmem>> -> memref<1x128xi32, #tpu.memory_space<vmem>>
    %dma_start3A_28 = tpu.memref_squeeze %dma_start3A_27 : memref<1x128xi32, #tpu.memory_space<vmem>> -> memref<128xi32, #tpu.memory_space<vmem>>
    %dma_start3A_29 = arith.constant 0 : i32
    %dma_start3A_30 = arith.constant 0 : i32
    %dma_start3A_31 = tpu.memref_slice %arg16[%dma_start3A_29, %dma_start3A_30] : memref<10240x64xf32, #tpu.memory_space<vmem_shared>> -> memref<10240x64xf32, #tpu.memory_space<vmem_shared>>
    tpu.enqueue_indirect_dma source(%dma_start3A_31 : memref<10240x64xf32, #tpu.memory_space<vmem_shared>>) target(%arg12 : memref<128x64xf32, #tpu.memory_space<vmem>>) offsets(%dma_start3A_28 : memref<128xi32, #tpu.memory_space<vmem>>) semaphore(%arg18 : memref<!tpu.dma_semaphore, #tpu.memory_space<semaphore_mem>>)
    %dma_start3A_32 = arith.constant 2 : i32
    %dma_start3A_33 = arith.constant 0 : i32
    %dma_start3A_34 = tpu.memref_slice %arg7[%dma_start3A_32, %dma_start3A_33] : memref<4x128xi32, #tpu.memory_space<vmem>> -> memref<1x128xi32, #tpu.memory_space<vmem>>
    %dma_start3A_35 = tpu.memref_squeeze %dma_start3A_34 : memref<1x128xi32, #tpu.memory_space<vmem>> -> memref<128xi32, #tpu.memory_space<vmem>>
    %dma_start3A_36 = arith.constant 0 : i32
    %dma_start3A_37 = arith.constant 0 : i32
    %dma_start3A_38 = tpu.memref_slice %arg16[%dma_start3A_36, %dma_start3A_37] : memref<10240x64xf32, #tpu.memory_space<vmem_shared>> -> memref<10240x64xf32, #tpu.memory_space<vmem_shared>>
    tpu.enqueue_indirect_dma source(%dma_start3A_38 : memref<10240x64xf32, #tpu.memory_space<vmem_shared>>) target(%arg13 : memref<128x64xf32, #tpu.memory_space<vmem>>) offsets(%dma_start3A_35 : memref<128xi32, #tpu.memory_space<vmem>>) semaphore(%arg19 : memref<!tpu.dma_semaphore, #tpu.memory_space<semaphore_mem>>)
    %dma_start3A_39 = arith.constant 3 : i32
    %dma_start3A_40 = arith.constant 0 : i32
    %dma_start3A_41 = tpu.memref_slice %arg7[%dma_start3A_39, %dma_start3A_40] : memref<4x128xi32, #tpu.memory_space<vmem>> -> memref<1x128xi32, #tpu.memory_space<vmem>>
    %dma_start3A_42 = tpu.memref_squeeze %dma_start3A_41 : memref<1x128xi32, #tpu.memory_space<vmem>> -> memref<128xi32, #tpu.memory_space<vmem>>
    %dma_start3A_43 = arith.constant 0 : i32
    %dma_start3A_44 = arith.constant 0 : i32
    %dma_start3A_45 = tpu.memref_slice %arg16[%dma_start3A_43, %dma_start3A_44] : memref<10240x64xf32, #tpu.memory_space<vmem_shared>> -> memref<10240x64xf32, #tpu.memory_space<vmem_shared>>
    tpu.enqueue_indirect_dma source(%dma_start3A_45 : memref<10240x64xf32, #tpu.memory_space<vmem_shared>>) target(%arg14 : memref<128x64xf32, #tpu.memory_space<vmem>>) offsets(%dma_start3A_42 : memref<128xi32, #tpu.memory_space<vmem>>) semaphore(%arg20 : memref<!tpu.dma_semaphore, #tpu.memory_space<semaphore_mem>>)
    %scan3A = arith.constant 0 : i32
    %scan3A_46 = arith.constant 20 : i32
    %scan3A_47 = arith.addi %scan3A, %scan3A_46 : i32
    %scan3A_48 = arith.constant 1 : i32
    scf.for %scan3A_94 = %scan3A to %scan3A_47 step %scan3A_48  : i32 {
      %mul3A_95 = arith.constant 1 : i32
      %mul3A_96 = arith.muli %scan3A_94, %mul3A_95 : i32
      %add3A = arith.constant 0 : i32
      %add3A_97 = arith.addi %add3A, %mul3A_96 : i32
      %mul3A_98 = arith.constant 2 : i32
      %mul3A_99 = arith.muli %mul3A_98, %add3A_97 : i32
      %dma_wait3A_100 = arith.constant 0 : i32
      %dma_wait3A_101 = arith.constant 0 : i32
      %dma_wait3A_102 = tpu.memref_slice %arg3[%arg1, %dma_wait3A_100, %dma_wait3A_101] : memref<16x160x128xi32, #tpu.memory_space<hbm>> -> memref<1x4x128xi32, #tpu.memory_space<hbm>>
      %dma_wait3A_103 = tpu.memref_squeeze %dma_wait3A_102 : memref<1x4x128xi32, #tpu.memory_space<hbm>> -> memref<4x128xi32, #tpu.memory_space<hbm>>
      %dma_wait3A_104 = arith.constant 0 : i32
      %dma_wait3A_105 = arith.constant 0 : i32
      %dma_wait3A_106 = tpu.memref_slice %arg3[%arg1, %dma_wait3A_104, %dma_wait3A_105] : memref<16x160x128xi32, #tpu.memory_space<hbm>> -> memref<1x4x128xi32, #tpu.memory_space<hbm>>
      %dma_wait3A_107 = tpu.memref_squeeze %dma_wait3A_106 : memref<1x4x128xi32, #tpu.memory_space<hbm>> -> memref<4x128xi32, #tpu.memory_space<hbm>>
      tpu.wait_dma2 semaphore(%arg22 : memref<!tpu.dma_semaphore, #tpu.memory_space<semaphore_mem>>) src(%dma_wait3A_107 : memref<4x128xi32, #tpu.memory_space<hbm>>) dst(%arg8 : memref<4x128xi32, #tpu.memory_space<vmem>>)
      %dma_wait3A_108 = arith.constant 0 : i32
      %dma_wait3A_109 = arith.constant 0 : i32
      %dma_wait3A_110 = tpu.memref_slice %arg4[%arg1, %dma_wait3A_108, %dma_wait3A_109] : memref<16x160x128xi32, #tpu.memory_space<hbm>> -> memref<1x4x128xi32, #tpu.memory_space<hbm>>
      %dma_wait3A_111 = tpu.memref_squeeze %dma_wait3A_110 : memref<1x4x128xi32, #tpu.memory_space<hbm>> -> memref<4x128xi32, #tpu.memory_space<hbm>>
      %dma_wait3A_112 = arith.constant 0 : i32
      %dma_wait3A_113 = arith.constant 0 : i32
      %dma_wait3A_114 = tpu.memref_slice %arg4[%arg1, %dma_wait3A_112, %dma_wait3A_113] : memref<16x160x128xi32, #tpu.memory_space<hbm>> -> memref<1x4x128xi32, #tpu.memory_space<hbm>>
      %dma_wait3A_115 = tpu.memref_squeeze %dma_wait3A_114 : memref<1x4x128xi32, #tpu.memory_space<hbm>> -> memref<4x128xi32, #tpu.memory_space<hbm>>
      tpu.wait_dma2 semaphore(%arg22 : memref<!tpu.dma_semaphore, #tpu.memory_space<semaphore_mem>>) src(%dma_wait3A_115 : memref<4x128xi32, #tpu.memory_space<hbm>>) dst(%arg10 : memref<4x128xi32, #tpu.memory_space<vmem>>)
      %dma_wait3A_116 = arith.constant 0 : i32
      %dma_wait3A_117 = arith.constant 0 : i32
      %dma_wait3A_118 = tpu.memref_slice %arg7[%dma_wait3A_116, %dma_wait3A_117] : memref<4x128xi32, #tpu.memory_space<vmem>> -> memref<1x128xi32, #tpu.memory_space<vmem>>
      %dma_wait3A_119 = tpu.memref_squeeze %dma_wait3A_118 : memref<1x128xi32, #tpu.memory_space<vmem>> -> memref<128xi32, #tpu.memory_space<vmem>>
      %dma_wait3A_120 = arith.constant 0 : i32
      %dma_wait3A_121 = arith.constant 0 : i32
      %dma_wait3A_122 = tpu.memref_slice %arg16[%dma_wait3A_120, %dma_wait3A_121] : memref<10240x64xf32, #tpu.memory_space<vmem_shared>> -> memref<10240x64xf32, #tpu.memory_space<vmem_shared>>
      tpu.wait_indirect_dma semaphore(%arg17 : memref<!tpu.dma_semaphore, #tpu.memory_space<semaphore_mem>>) src(%dma_wait3A_122 : memref<10240x64xf32, #tpu.memory_space<vmem_shared>>) dst(%arg11 : memref<128x64xf32, #tpu.memory_space<vmem>>)
      %run_scoped3A = arith.constant 0 : i32
      "tpu.region"() ({
        %run_scoped3A_290 = tpu.sem_alloc : memref<!tpu.dma_semaphore, #tpu.memory_space<semaphore_mem>>
        %dma_start3A_291 = arith.constant 0 : i32
        %dma_start3A_292 = tpu.memref_slice %arg9[%run_scoped3A, %dma_start3A_291] : memref<4x128xi32, #tpu.memory_space<vmem>> -> memref<1x128xi32, #tpu.memory_space<vmem>>
        %dma_start3A_293 = tpu.memref_squeeze %dma_start3A_292 : memref<1x128xi32, #tpu.memory_space<vmem>> -> memref<128xi32, #tpu.memory_space<vmem>>
        %dma_start3A_294 = arith.constant 0 : i32
        %dma_start3A_295 = arith.constant 0 : i32
        %dma_start3A_296 = tpu.memref_slice %arg15[%dma_start3A_294, %dma_start3A_295] : memref<10240x64xf32, #tpu.memory_space<vmem_shared>> -> memref<10240x64xf32, #tpu.memory_space<vmem_shared>>
        tpu.enqueue_indirect_dma source(%arg11 : memref<128x64xf32, #tpu.memory_space<vmem>>) target(%dma_start3A_296 : memref<10240x64xf32, #tpu.memory_space<vmem_shared>>) offsets(%dma_start3A_293 : memref<128xi32, #tpu.memory_space<vmem>>) semaphore(%run_scoped3A_290 : memref<!tpu.dma_semaphore, #tpu.memory_space<semaphore_mem>>) {add = true}
        %dma_wait3A_297 = arith.constant 0 : i32
        %dma_wait3A_298 = tpu.memref_slice %arg9[%run_scoped3A, %dma_wait3A_297] : memref<4x128xi32, #tpu.memory_space<vmem>> -> memref<1x128xi32, #tpu.memory_space<vmem>>
        %dma_wait3A_299 = tpu.memref_squeeze %dma_wait3A_298 : memref<1x128xi32, #tpu.memory_space<vmem>> -> memref<128xi32, #tpu.memory_space<vmem>>
        %dma_wait3A_300 = arith.constant 0 : i32
        %dma_wait3A_301 = arith.constant 0 : i32
        %dma_wait3A_302 = tpu.memref_slice %arg15[%dma_wait3A_300, %dma_wait3A_301] : memref<10240x64xf32, #tpu.memory_space<vmem_shared>> -> memref<10240x64xf32, #tpu.memory_space<vmem_shared>>
        tpu.wait_indirect_dma semaphore(%run_scoped3A_290 : memref<!tpu.dma_semaphore, #tpu.memory_space<semaphore_mem>>) src(%arg11 : memref<128x64xf32, #tpu.memory_space<vmem>>) dst(%dma_wait3A_302 : memref<10240x64xf32, #tpu.memory_space<vmem_shared>>)
        tpu.yield
      }) : () -> ()
      %dma_start3A_123 = arith.constant 0 : i32
      %dma_start3A_124 = arith.constant 0 : i32
      %dma_start3A_125 = tpu.memref_slice %arg8[%dma_start3A_123, %dma_start3A_124] : memref<4x128xi32, #tpu.memory_space<vmem>> -> memref<1x128xi32, #tpu.memory_space<vmem>>
      %dma_start3A_126 = tpu.memref_squeeze %dma_start3A_125 : memref<1x128xi32, #tpu.memory_space<vmem>> -> memref<128xi32, #tpu.memory_space<vmem>>
      %dma_start3A_127 = arith.constant 0 : i32
      %dma_start3A_128 = arith.constant 0 : i32
      %dma_start3A_129 = tpu.memref_slice %arg16[%dma_start3A_127, %dma_start3A_128] : memref<10240x64xf32, #tpu.memory_space<vmem_shared>> -> memref<10240x64xf32, #tpu.memory_space<vmem_shared>>
      tpu.enqueue_indirect_dma source(%dma_start3A_129 : memref<10240x64xf32, #tpu.memory_space<vmem_shared>>) target(%arg11 : memref<128x64xf32, #tpu.memory_space<vmem>>) offsets(%dma_start3A_126 : memref<128xi32, #tpu.memory_space<vmem>>) semaphore(%arg17 : memref<!tpu.dma_semaphore, #tpu.memory_space<semaphore_mem>>)
      %dma_wait3A_130 = arith.constant 1 : i32
      %dma_wait3A_131 = arith.constant 0 : i32
      %dma_wait3A_132 = tpu.memref_slice %arg7[%dma_wait3A_130, %dma_wait3A_131] : memref<4x128xi32, #tpu.memory_space<vmem>> -> memref<1x128xi32, #tpu.memory_space<vmem>>
      %dma_wait3A_133 = tpu.memref_squeeze %dma_wait3A_132 : memref<1x128xi32, #tpu.memory_space<vmem>> -> memref<128xi32, #tpu.memory_space<vmem>>
      %dma_wait3A_134 = arith.constant 0 : i32
      %dma_wait3A_135 = arith.constant 0 : i32
      %dma_wait3A_136 = tpu.memref_slice %arg16[%dma_wait3A_134, %dma_wait3A_135] : memref<10240x64xf32, #tpu.memory_space<vmem_shared>> -> memref<10240x64xf32, #tpu.memory_space<vmem_shared>>
      tpu.wait_indirect_dma semaphore(%arg18 : memref<!tpu.dma_semaphore, #tpu.memory_space<semaphore_mem>>) src(%dma_wait3A_136 : memref<10240x64xf32, #tpu.memory_space<vmem_shared>>) dst(%arg12 : memref<128x64xf32, #tpu.memory_space<vmem>>)
      %run_scoped3A_137 = arith.constant 1 : i32
      "tpu.region"() ({
        %run_scoped3A_290 = tpu.sem_alloc : memref<!tpu.dma_semaphore, #tpu.memory_space<semaphore_mem>>
        %dma_start3A_291 = arith.constant 0 : i32
        %dma_start3A_292 = tpu.memref_slice %arg9[%run_scoped3A_137, %dma_start3A_291] : memref<4x128xi32, #tpu.memory_space<vmem>> -> memref<1x128xi32, #tpu.memory_space<vmem>>
        %dma_start3A_293 = tpu.memref_squeeze %dma_start3A_292 : memref<1x128xi32, #tpu.memory_space<vmem>> -> memref<128xi32, #tpu.memory_space<vmem>>
        %dma_start3A_294 = arith.constant 0 : i32
        %dma_start3A_295 = arith.constant 0 : i32
        %dma_start3A_296 = tpu.memref_slice %arg15[%dma_start3A_294, %dma_start3A_295] : memref<10240x64xf32, #tpu.memory_space<vmem_shared>> -> memref<10240x64xf32, #tpu.memory_space<vmem_shared>>
        tpu.enqueue_indirect_dma source(%arg12 : memref<128x64xf32, #tpu.memory_space<vmem>>) target(%dma_start3A_296 : memref<10240x64xf32, #tpu.memory_space<vmem_shared>>) offsets(%dma_start3A_293 : memref<128xi32, #tpu.memory_space<vmem>>) semaphore(%run_scoped3A_290 : memref<!tpu.dma_semaphore, #tpu.memory_space<semaphore_mem>>) {add = true}
        %dma_wait3A_297 = arith.constant 0 : i32
        %dma_wait3A_298 = tpu.memref_slice %arg9[%run_scoped3A_137, %dma_wait3A_297] : memref<4x128xi32, #tpu.memory_space<vmem>> -> memref<1x128xi32, #tpu.memory_space<vmem>>
        %dma_wait3A_299 = tpu.memref_squeeze %dma_wait3A_298 : memref<1x128xi32, #tpu.memory_space<vmem>> -> memref<128xi32, #tpu.memory_space<vmem>>
        %dma_wait3A_300 = arith.constant 0 : i32
        %dma_wait3A_301 = arith.constant 0 : i32
        %dma_wait3A_302 = tpu.memref_slice %arg15[%dma_wait3A_300, %dma_wait3A_301] : memref<10240x64xf32, #tpu.memory_space<vmem_shared>> -> memref<10240x64xf32, #tpu.memory_space<vmem_shared>>
        tpu.wait_indirect_dma semaphore(%run_scoped3A_290 : memref<!tpu.dma_semaphore, #tpu.memory_space<semaphore_mem>>) src(%arg12 : memref<128x64xf32, #tpu.memory_space<vmem>>) dst(%dma_wait3A_302 : memref<10240x64xf32, #tpu.memory_space<vmem_shared>>)
        tpu.yield
      }) : () -> ()
      %dma_start3A_138 = arith.constant 1 : i32
      %dma_start3A_139 = arith.constant 0 : i32
      %dma_start3A_140 = tpu.memref_slice %arg8[%dma_start3A_138, %dma_start3A_139] : memref<4x128xi32, #tpu.memory_space<vmem>> -> memref<1x128xi32, #tpu.memory_space<vmem>>
      %dma_start3A_141 = tpu.memref_squeeze %dma_start3A_140 : memref<1x128xi32, #tpu.memory_space<vmem>> -> memref<128xi32, #tpu.memory_space<vmem>>
      %dma_start3A_142 = arith.constant 0 : i32
      %dma_start3A_143 = arith.constant 0 : i32
      %dma_start3A_144 = tpu.memref_slice %arg16[%dma_start3A_142, %dma_start3A_143] : memref<10240x64xf32, #tpu.memory_space<vmem_shared>> -> memref<10240x64xf32, #tpu.memory_space<vmem_shared>>
      tpu.enqueue_indirect_dma source(%dma_start3A_144 : memref<10240x64xf32, #tpu.memory_space<vmem_shared>>) target(%arg12 : memref<128x64xf32, #tpu.memory_space<vmem>>) offsets(%dma_start3A_141 : memref<128xi32, #tpu.memory_space<vmem>>) semaphore(%arg18 : memref<!tpu.dma_semaphore, #tpu.memory_space<semaphore_mem>>)
      %dma_wait3A_145 = arith.constant 2 : i32
      %dma_wait3A_146 = arith.constant 0 : i32
      %dma_wait3A_147 = tpu.memref_slice %arg7[%dma_wait3A_145, %dma_wait3A_146] : memref<4x128xi32, #tpu.memory_space<vmem>> -> memref<1x128xi32, #tpu.memory_space<vmem>>
      %dma_wait3A_148 = tpu.memref_squeeze %dma_wait3A_147 : memref<1x128xi32, #tpu.memory_space<vmem>> -> memref<128xi32, #tpu.memory_space<vmem>>
      %dma_wait3A_149 = arith.constant 0 : i32
      %dma_wait3A_150 = arith.constant 0 : i32
      %dma_wait3A_151 = tpu.memref_slice %arg16[%dma_wait3A_149, %dma_wait3A_150] : memref<10240x64xf32, #tpu.memory_space<vmem_shared>> -> memref<10240x64xf32, #tpu.memory_space<vmem_shared>>
      tpu.wait_indirect_dma semaphore(%arg19 : memref<!tpu.dma_semaphore, #tpu.memory_space<semaphore_mem>>) src(%dma_wait3A_151 : memref<10240x64xf32, #tpu.memory_space<vmem_shared>>) dst(%arg13 : memref<128x64xf32, #tpu.memory_space<vmem>>)
      %run_scoped3A_152 = arith.constant 2 : i32
      "tpu.region"() ({
        %run_scoped3A_290 = tpu.sem_alloc : memref<!tpu.dma_semaphore, #tpu.memory_space<semaphore_mem>>
        %dma_start3A_291 = arith.constant 0 : i32
        %dma_start3A_292 = tpu.memref_slice %arg9[%run_scoped3A_152, %dma_start3A_291] : memref<4x128xi32, #tpu.memory_space<vmem>> -> memref<1x128xi32, #tpu.memory_space<vmem>>
        %dma_start3A_293 = tpu.memref_squeeze %dma_start3A_292 : memref<1x128xi32, #tpu.memory_space<vmem>> -> memref<128xi32, #tpu.memory_space<vmem>>
        %dma_start3A_294 = arith.constant 0 : i32
        %dma_start3A_295 = arith.constant 0 : i32
        %dma_start3A_296 = tpu.memref_slice %arg15[%dma_start3A_294, %dma_start3A_295] : memref<10240x64xf32, #tpu.memory_space<vmem_shared>> -> memref<10240x64xf32, #tpu.memory_space<vmem_shared>>
        tpu.enqueue_indirect_dma source(%arg13 : memref<128x64xf32, #tpu.memory_space<vmem>>) target(%dma_start3A_296 : memref<10240x64xf32, #tpu.memory_space<vmem_shared>>) offsets(%dma_start3A_293 : memref<128xi32, #tpu.memory_space<vmem>>) semaphore(%run_scoped3A_290 : memref<!tpu.dma_semaphore, #tpu.memory_space<semaphore_mem>>) {add = true}
        %dma_wait3A_297 = arith.constant 0 : i32
        %dma_wait3A_298 = tpu.memref_slice %arg9[%run_scoped3A_152, %dma_wait3A_297] : memref<4x128xi32, #tpu.memory_space<vmem>> -> memref<1x128xi32, #tpu.memory_space<vmem>>
        %dma_wait3A_299 = tpu.memref_squeeze %dma_wait3A_298 : memref<1x128xi32, #tpu.memory_space<vmem>> -> memref<128xi32, #tpu.memory_space<vmem>>
        %dma_wait3A_300 = arith.constant 0 : i32
        %dma_wait3A_301 = arith.constant 0 : i32
        %dma_wait3A_302 = tpu.memref_slice %arg15[%dma_wait3A_300, %dma_wait3A_301] : memref<10240x64xf32, #tpu.memory_space<vmem_shared>> -> memref<10240x64xf32, #tpu.memory_space<vmem_shared>>
        tpu.wait_indirect_dma semaphore(%run_scoped3A_290 : memref<!tpu.dma_semaphore, #tpu.memory_space<semaphore_mem>>) src(%arg13 : memref<128x64xf32, #tpu.memory_space<vmem>>) dst(%dma_wait3A_302 : memref<10240x64xf32, #tpu.memory_space<vmem_shared>>)
        tpu.yield
      }) : () -> ()
      %dma_start3A_153 = arith.constant 2 : i32
      %dma_start3A_154 = arith.constant 0 : i32
      %dma_start3A_155 = tpu.memref_slice %arg8[%dma_start3A_153, %dma_start3A_154] : memref<4x128xi32, #tpu.memory_space<vmem>> -> memref<1x128xi32, #tpu.memory_space<vmem>>
      %dma_start3A_156 = tpu.memref_squeeze %dma_start3A_155 : memref<1x128xi32, #tpu.memory_space<vmem>> -> memref<128xi32, #tpu.memory_space<vmem>>
      %dma_start3A_157 = arith.constant 0 : i32
      %dma_start3A_158 = arith.constant 0 : i32
      %dma_start3A_159 = tpu.memref_slice %arg16[%dma_start3A_157, %dma_start3A_158] : memref<10240x64xf32, #tpu.memory_space<vmem_shared>> -> memref<10240x64xf32, #tpu.memory_space<vmem_shared>>
      tpu.enqueue_indirect_dma source(%dma_start3A_159 : memref<10240x64xf32, #tpu.memory_space<vmem_shared>>) target(%arg13 : memref<128x64xf32, #tpu.memory_space<vmem>>) offsets(%dma_start3A_156 : memref<128xi32, #tpu.memory_space<vmem>>) semaphore(%arg19 : memref<!tpu.dma_semaphore, #tpu.memory_space<semaphore_mem>>)
      %dma_wait3A_160 = arith.constant 3 : i32
      %dma_wait3A_161 = arith.constant 0 : i32
      %dma_wait3A_162 = tpu.memref_slice %arg7[%dma_wait3A_160, %dma_wait3A_161] : memref<4x128xi32, #tpu.memory_space<vmem>> -> memref<1x128xi32, #tpu.memory_space<vmem>>
      %dma_wait3A_163 = tpu.memref_squeeze %dma_wait3A_162 : memref<1x128xi32, #tpu.memory_space<vmem>> -> memref<128xi32, #tpu.memory_space<vmem>>
      %dma_wait3A_164 = arith.constant 0 : i32
      %dma_wait3A_165 = arith.constant 0 : i32
      %dma_wait3A_166 = tpu.memref_slice %arg16[%dma_wait3A_164, %dma_wait3A_165] : memref<10240x64xf32, #tpu.memory_space<vmem_shared>> -> memref<10240x64xf32, #tpu.memory_space<vmem_shared>>
      tpu.wait_indirect_dma semaphore(%arg20 : memref<!tpu.dma_semaphore, #tpu.memory_space<semaphore_mem>>) src(%dma_wait3A_166 : memref<10240x64xf32, #tpu.memory_space<vmem_shared>>) dst(%arg14 : memref<128x64xf32, #tpu.memory_space<vmem>>)
      %run_scoped3A_167 = arith.constant 3 : i32
      "tpu.region"() ({
        %run_scoped3A_290 = tpu.sem_alloc : memref<!tpu.dma_semaphore, #tpu.memory_space<semaphore_mem>>
        %dma_start3A_291 = arith.constant 0 : i32
        %dma_start3A_292 = tpu.memref_slice %arg9[%run_scoped3A_167, %dma_start3A_291] : memref<4x128xi32, #tpu.memory_space<vmem>> -> memref<1x128xi32, #tpu.memory_space<vmem>>
        %dma_start3A_293 = tpu.memref_squeeze %dma_start3A_292 : memref<1x128xi32, #tpu.memory_space<vmem>> -> memref<128xi32, #tpu.memory_space<vmem>>
        %dma_start3A_294 = arith.constant 0 : i32
        %dma_start3A_295 = arith.constant 0 : i32
        %dma_start3A_296 = tpu.memref_slice %arg15[%dma_start3A_294, %dma_start3A_295] : memref<10240x64xf32, #tpu.memory_space<vmem_shared>> -> memref<10240x64xf32, #tpu.memory_space<vmem_shared>>
        tpu.enqueue_indirect_dma source(%arg14 : memref<128x64xf32, #tpu.memory_space<vmem>>) target(%dma_start3A_296 : memref<10240x64xf32, #tpu.memory_space<vmem_shared>>) offsets(%dma_start3A_293 : memref<128xi32, #tpu.memory_space<vmem>>) semaphore(%run_scoped3A_290 : memref<!tpu.dma_semaphore, #tpu.memory_space<semaphore_mem>>) {add = true}
        %dma_wait3A_297 = arith.constant 0 : i32
        %dma_wait3A_298 = tpu.memref_slice %arg9[%run_scoped3A_167, %dma_wait3A_297] : memref<4x128xi32, #tpu.memory_space<vmem>> -> memref<1x128xi32, #tpu.memory_space<vmem>>
        %dma_wait3A_299 = tpu.memref_squeeze %dma_wait3A_298 : memref<1x128xi32, #tpu.memory_space<vmem>> -> memref<128xi32, #tpu.memory_space<vmem>>
        %dma_wait3A_300 = arith.constant 0 : i32
        %dma_wait3A_301 = arith.constant 0 : i32
        %dma_wait3A_302 = tpu.memref_slice %arg15[%dma_wait3A_300, %dma_wait3A_301] : memref<10240x64xf32, #tpu.memory_space<vmem_shared>> -> memref<10240x64xf32, #tpu.memory_space<vmem_shared>>
        tpu.wait_indirect_dma semaphore(%run_scoped3A_290 : memref<!tpu.dma_semaphore, #tpu.memory_space<semaphore_mem>>) src(%arg14 : memref<128x64xf32, #tpu.memory_space<vmem>>) dst(%dma_wait3A_302 : memref<10240x64xf32, #tpu.memory_space<vmem_shared>>)
        tpu.yield
      }) : () -> ()
      %dma_start3A_168 = arith.constant 3 : i32
      %dma_start3A_169 = arith.constant 0 : i32
      %dma_start3A_170 = tpu.memref_slice %arg8[%dma_start3A_168, %dma_start3A_169] : memref<4x128xi32, #tpu.memory_space<vmem>> -> memref<1x128xi32, #tpu.memory_space<vmem>>
      %dma_start3A_171 = tpu.memref_squeeze %dma_start3A_170 : memref<1x128xi32, #tpu.memory_space<vmem>> -> memref<128xi32, #tpu.memory_space<vmem>>
      %dma_start3A_172 = arith.constant 0 : i32
      %dma_start3A_173 = arith.constant 0 : i32
      %dma_start3A_174 = tpu.memref_slice %arg16[%dma_start3A_172, %dma_start3A_173] : memref<10240x64xf32, #tpu.memory_space<vmem_shared>> -> memref<10240x64xf32, #tpu.memory_space<vmem_shared>>
      tpu.enqueue_indirect_dma source(%dma_start3A_174 : memref<10240x64xf32, #tpu.memory_space<vmem_shared>>) target(%arg14 : memref<128x64xf32, #tpu.memory_space<vmem>>) offsets(%dma_start3A_171 : memref<128xi32, #tpu.memory_space<vmem>>) semaphore(%arg20 : memref<!tpu.dma_semaphore, #tpu.memory_space<semaphore_mem>>)
      %add3A_175 = arith.constant 2 : i32
      %add3A_176 = arith.addi %mul3A_99, %add3A_175 : i32
      %rem3A = arith.constant 40 : i32
      %rem3A_177 = arith.remsi %add3A_176, %rem3A : i32
      %mul3A_178 = arith.constant 4 : i32
      %mul3A_179 = arith.muli %rem3A_177, %mul3A_178 : i32
      %dma_start3A_180 = arith.constant 0 : i32
      %dma_start3A_181 = tpu.memref_slice %arg3[%arg1, %mul3A_179, %dma_start3A_180] : memref<16x160x128xi32, #tpu.memory_space<hbm>> -> memref<1x4x128xi32, #tpu.memory_space<hbm>>
      %dma_start3A_182 = tpu.memref_squeeze %dma_start3A_181 : memref<1x4x128xi32, #tpu.memory_space<hbm>> -> memref<4x128xi32, #tpu.memory_space<hbm>>
      %dma_start3A_183 = arith.constant 0 : i32
      %dma_start3A_184 = tpu.memref_slice %arg3[%arg1, %mul3A_179, %dma_start3A_183] : memref<16x160x128xi32, #tpu.memory_space<hbm>> -> memref<1x4x128xi32, #tpu.memory_space<hbm>>
      %dma_start3A_185 = tpu.memref_squeeze %dma_start3A_184 : memref<1x4x128xi32, #tpu.memory_space<hbm>> -> memref<4x128xi32, #tpu.memory_space<hbm>>
      tpu.enqueue_dma source(%dma_start3A_185 : memref<4x128xi32, #tpu.memory_space<hbm>>) target(%arg7 : memref<4x128xi32, #tpu.memory_space<vmem>>) target_semaphore(%arg21 : memref<!tpu.dma_semaphore, #tpu.memory_space<semaphore_mem>>)
      %dma_start3A_186 = arith.constant 0 : i32
      %dma_start3A_187 = tpu.memref_slice %arg4[%arg1, %mul3A_179, %dma_start3A_186] : memref<16x160x128xi32, #tpu.memory_space<hbm>> -> memref<1x4x128xi32, #tpu.memory_space<hbm>>
      %dma_start3A_188 = tpu.memref_squeeze %dma_start3A_187 : memref<1x4x128xi32, #tpu.memory_space<hbm>> -> memref<4x128xi32, #tpu.memory_space<hbm>>
      %dma_start3A_189 = arith.constant 0 : i32
      %dma_start3A_190 = tpu.memref_slice %arg4[%arg1, %mul3A_179, %dma_start3A_189] : memref<16x160x128xi32, #tpu.memory_space<hbm>> -> memref<1x4x128xi32, #tpu.memory_space<hbm>>
      %dma_start3A_191 = tpu.memref_squeeze %dma_start3A_190 : memref<1x4x128xi32, #tpu.memory_space<hbm>> -> memref<4x128xi32, #tpu.memory_space<hbm>>
      tpu.enqueue_dma source(%dma_start3A_191 : memref<4x128xi32, #tpu.memory_space<hbm>>) target(%arg9 : memref<4x128xi32, #tpu.memory_space<vmem>>) target_semaphore(%arg21 : memref<!tpu.dma_semaphore, #tpu.memory_space<semaphore_mem>>)
      %mul3A_192 = arith.constant 2 : i32
      %mul3A_193 = arith.muli %mul3A_192, %add3A_97 : i32
      %add3A_194 = arith.constant 1 : i32
      %add3A_195 = arith.addi %mul3A_193, %add3A_194 : i32
      %dma_wait3A_196 = arith.constant 0 : i32
      %dma_wait3A_197 = arith.constant 0 : i32
      %dma_wait3A_198 = tpu.memref_slice %arg3[%arg1, %dma_wait3A_196, %dma_wait3A_197] : memref<16x160x128xi32, #tpu.memory_space<hbm>> -> memref<1x4x128xi32, #tpu.memory_space<hbm>>
      %dma_wait3A_199 = tpu.memref_squeeze %dma_wait3A_198 : memref<1x4x128xi32, #tpu.memory_space<hbm>> -> memref<4x128xi32, #tpu.memory_space<hbm>>
      %dma_wait3A_200 = arith.constant 0 : i32
      %dma_wait3A_201 = arith.constant 0 : i32
      %dma_wait3A_202 = tpu.memref_slice %arg3[%arg1, %dma_wait3A_200, %dma_wait3A_201] : memref<16x160x128xi32, #tpu.memory_space<hbm>> -> memref<1x4x128xi32, #tpu.memory_space<hbm>>
      %dma_wait3A_203 = tpu.memref_squeeze %dma_wait3A_202 : memref<1x4x128xi32, #tpu.memory_space<hbm>> -> memref<4x128xi32, #tpu.memory_space<hbm>>
      tpu.wait_dma2 semaphore(%arg21 : memref<!tpu.dma_semaphore, #tpu.memory_space<semaphore_mem>>) src(%dma_wait3A_203 : memref<4x128xi32, #tpu.memory_space<hbm>>) dst(%arg7 : memref<4x128xi32, #tpu.memory_space<vmem>>)
      %dma_wait3A_204 = arith.constant 0 : i32
      %dma_wait3A_205 = arith.constant 0 : i32
      %dma_wait3A_206 = tpu.memref_slice %arg4[%arg1, %dma_wait3A_204, %dma_wait3A_205] : memref<16x160x128xi32, #tpu.memory_space<hbm>> -> memref<1x4x128xi32, #tpu.memory_space<hbm>>
      %dma_wait3A_207 = tpu.memref_squeeze %dma_wait3A_206 : memref<1x4x128xi32, #tpu.memory_space<hbm>> -> memref<4x128xi32, #tpu.memory_space<hbm>>
      %dma_wait3A_208 = arith.constant 0 : i32
      %dma_wait3A_209 = arith.constant 0 : i32
      %dma_wait3A_210 = tpu.memref_slice %arg4[%arg1, %dma_wait3A_208, %dma_wait3A_209] : memref<16x160x128xi32, #tpu.memory_space<hbm>> -> memref<1x4x128xi32, #tpu.memory_space<hbm>>
      %dma_wait3A_211 = tpu.memref_squeeze %dma_wait3A_210 : memref<1x4x128xi32, #tpu.memory_space<hbm>> -> memref<4x128xi32, #tpu.memory_space<hbm>>
      tpu.wait_dma2 semaphore(%arg21 : memref<!tpu.dma_semaphore, #tpu.memory_space<semaphore_mem>>) src(%dma_wait3A_211 : memref<4x128xi32, #tpu.memory_space<hbm>>) dst(%arg9 : memref<4x128xi32, #tpu.memory_space<vmem>>)
      %dma_wait3A_212 = arith.constant 0 : i32
      %dma_wait3A_213 = arith.constant 0 : i32
      %dma_wait3A_214 = tpu.memref_slice %arg8[%dma_wait3A_212, %dma_wait3A_213] : memref<4x128xi32, #tpu.memory_space<vmem>> -> memref<1x128xi32, #tpu.memory_space<vmem>>
      %dma_wait3A_215 = tpu.memref_squeeze %dma_wait3A_214 : memref<1x128xi32, #tpu.memory_space<vmem>> -> memref<128xi32, #tpu.memory_space<vmem>>
      %dma_wait3A_216 = arith.constant 0 : i32
      %dma_wait3A_217 = arith.constant 0 : i32
      %dma_wait3A_218 = tpu.memref_slice %arg16[%dma_wait3A_216, %dma_wait3A_217] : memref<10240x64xf32, #tpu.memory_space<vmem_shared>> -> memref<10240x64xf32, #tpu.memory_space<vmem_shared>>
      tpu.wait_indirect_dma semaphore(%arg17 : memref<!tpu.dma_semaphore, #tpu.memory_space<semaphore_mem>>) src(%dma_wait3A_218 : memref<10240x64xf32, #tpu.memory_space<vmem_shared>>) dst(%arg11 : memref<128x64xf32, #tpu.memory_space<vmem>>)
      %run_scoped3A_219 = arith.constant 0 : i32
      "tpu.region"() ({
        %run_scoped3A_290 = tpu.sem_alloc : memref<!tpu.dma_semaphore, #tpu.memory_space<semaphore_mem>>
        %dma_start3A_291 = arith.constant 0 : i32
        %dma_start3A_292 = tpu.memref_slice %arg10[%run_scoped3A_219, %dma_start3A_291] : memref<4x128xi32, #tpu.memory_space<vmem>> -> memref<1x128xi32, #tpu.memory_space<vmem>>
        %dma_start3A_293 = tpu.memref_squeeze %dma_start3A_292 : memref<1x128xi32, #tpu.memory_space<vmem>> -> memref<128xi32, #tpu.memory_space<vmem>>
        %dma_start3A_294 = arith.constant 0 : i32
        %dma_start3A_295 = arith.constant 0 : i32
        %dma_start3A_296 = tpu.memref_slice %arg15[%dma_start3A_294, %dma_start3A_295] : memref<10240x64xf32, #tpu.memory_space<vmem_shared>> -> memref<10240x64xf32, #tpu.memory_space<vmem_shared>>
        tpu.enqueue_indirect_dma source(%arg11 : memref<128x64xf32, #tpu.memory_space<vmem>>) target(%dma_start3A_296 : memref<10240x64xf32, #tpu.memory_space<vmem_shared>>) offsets(%dma_start3A_293 : memref<128xi32, #tpu.memory_space<vmem>>) semaphore(%run_scoped3A_290 : memref<!tpu.dma_semaphore, #tpu.memory_space<semaphore_mem>>) {add = true}
        %dma_wait3A_297 = arith.constant 0 : i32
        %dma_wait3A_298 = tpu.memref_slice %arg10[%run_scoped3A_219, %dma_wait3A_297] : memref<4x128xi32, #tpu.memory_space<vmem>> -> memref<1x128xi32, #tpu.memory_space<vmem>>
        %dma_wait3A_299 = tpu.memref_squeeze %dma_wait3A_298 : memref<1x128xi32, #tpu.memory_space<vmem>> -> memref<128xi32, #tpu.memory_space<vmem>>
        %dma_wait3A_300 = arith.constant 0 : i32
        %dma_wait3A_301 = arith.constant 0 : i32
        %dma_wait3A_302 = tpu.memref_slice %arg15[%dma_wait3A_300, %dma_wait3A_301] : memref<10240x64xf32, #tpu.memory_space<vmem_shared>> -> memref<10240x64xf32, #tpu.memory_space<vmem_shared>>
        tpu.wait_indirect_dma semaphore(%run_scoped3A_290 : memref<!tpu.dma_semaphore, #tpu.memory_space<semaphore_mem>>) src(%arg11 : memref<128x64xf32, #tpu.memory_space<vmem>>) dst(%dma_wait3A_302 : memref<10240x64xf32, #tpu.memory_space<vmem_shared>>)
        tpu.yield
      }) : () -> ()
      %dma_start3A_220 = arith.constant 0 : i32
      %dma_start3A_221 = arith.constant 0 : i32
      %dma_start3A_222 = tpu.memref_slice %arg7[%dma_start3A_220, %dma_start3A_221] : memref<4x128xi32, #tpu.memory_space<vmem>> -> memref<1x128xi32, #tpu.memory_space<vmem>>
      %dma_start3A_223 = tpu.memref_squeeze %dma_start3A_222 : memref<1x128xi32, #tpu.memory_space<vmem>> -> memref<128xi32, #tpu.memory_space<vmem>>
      %dma_start3A_224 = arith.constant 0 : i32
      %dma_start3A_225 = arith.constant 0 : i32
      %dma_start3A_226 = tpu.memref_slice %arg16[%dma_start3A_224, %dma_start3A_225] : memref<10240x64xf32, #tpu.memory_space<vmem_shared>> -> memref<10240x64xf32, #tpu.memory_space<vmem_shared>>
      tpu.enqueue_indirect_dma source(%dma_start3A_226 : memref<10240x64xf32, #tpu.memory_space<vmem_shared>>) target(%arg11 : memref<128x64xf32, #tpu.memory_space<vmem>>) offsets(%dma_start3A_223 : memref<128xi32, #tpu.memory_space<vmem>>) semaphore(%arg17 : memref<!tpu.dma_semaphore, #tpu.memory_space<semaphore_mem>>)
      %dma_wait3A_227 = arith.constant 1 : i32
      %dma_wait3A_228 = arith.constant 0 : i32
      %dma_wait3A_229 = tpu.memref_slice %arg8[%dma_wait3A_227, %dma_wait3A_228] : memref<4x128xi32, #tpu.memory_space<vmem>> -> memref<1x128xi32, #tpu.memory_space<vmem>>
      %dma_wait3A_230 = tpu.memref_squeeze %dma_wait3A_229 : memref<1x128xi32, #tpu.memory_space<vmem>> -> memref<128xi32, #tpu.memory_space<vmem>>
      %dma_wait3A_231 = arith.constant 0 : i32
      %dma_wait3A_232 = arith.constant 0 : i32
      %dma_wait3A_233 = tpu.memref_slice %arg16[%dma_wait3A_231, %dma_wait3A_232] : memref<10240x64xf32, #tpu.memory_space<vmem_shared>> -> memref<10240x64xf32, #tpu.memory_space<vmem_shared>>
      tpu.wait_indirect_dma semaphore(%arg18 : memref<!tpu.dma_semaphore, #tpu.memory_space<semaphore_mem>>) src(%dma_wait3A_233 : memref<10240x64xf32, #tpu.memory_space<vmem_shared>>) dst(%arg12 : memref<128x64xf32, #tpu.memory_space<vmem>>)
      %run_scoped3A_234 = arith.constant 1 : i32
      "tpu.region"() ({
        %run_scoped3A_290 = tpu.sem_alloc : memref<!tpu.dma_semaphore, #tpu.memory_space<semaphore_mem>>
        %dma_start3A_291 = arith.constant 0 : i32
        %dma_start3A_292 = tpu.memref_slice %arg10[%run_scoped3A_234, %dma_start3A_291] : memref<4x128xi32, #tpu.memory_space<vmem>> -> memref<1x128xi32, #tpu.memory_space<vmem>>
        %dma_start3A_293 = tpu.memref_squeeze %dma_start3A_292 : memref<1x128xi32, #tpu.memory_space<vmem>> -> memref<128xi32, #tpu.memory_space<vmem>>
        %dma_start3A_294 = arith.constant 0 : i32
        %dma_start3A_295 = arith.constant 0 : i32
        %dma_start3A_296 = tpu.memref_slice %arg15[%dma_start3A_294, %dma_start3A_295] : memref<10240x64xf32, #tpu.memory_space<vmem_shared>> -> memref<10240x64xf32, #tpu.memory_space<vmem_shared>>
        tpu.enqueue_indirect_dma source(%arg12 : memref<128x64xf32, #tpu.memory_space<vmem>>) target(%dma_start3A_296 : memref<10240x64xf32, #tpu.memory_space<vmem_shared>>) offsets(%dma_start3A_293 : memref<128xi32, #tpu.memory_space<vmem>>) semaphore(%run_scoped3A_290 : memref<!tpu.dma_semaphore, #tpu.memory_space<semaphore_mem>>) {add = true}
        %dma_wait3A_297 = arith.constant 0 : i32
        %dma_wait3A_298 = tpu.memref_slice %arg10[%run_scoped3A_234, %dma_wait3A_297] : memref<4x128xi32, #tpu.memory_space<vmem>> -> memref<1x128xi32, #tpu.memory_space<vmem>>
        %dma_wait3A_299 = tpu.memref_squeeze %dma_wait3A_298 : memref<1x128xi32, #tpu.memory_space<vmem>> -> memref<128xi32, #tpu.memory_space<vmem>>
        %dma_wait3A_300 = arith.constant 0 : i32
        %dma_wait3A_301 = arith.constant 0 : i32
        %dma_wait3A_302 = tpu.memref_slice %arg15[%dma_wait3A_300, %dma_wait3A_301] : memref<10240x64xf32, #tpu.memory_space<vmem_shared>> -> memref<10240x64xf32, #tpu.memory_space<vmem_shared>>
        tpu.wait_indirect_dma semaphore(%run_scoped3A_290 : memref<!tpu.dma_semaphore, #tpu.memory_space<semaphore_mem>>) src(%arg12 : memref<128x64xf32, #tpu.memory_space<vmem>>) dst(%dma_wait3A_302 : memref<10240x64xf32, #tpu.memory_space<vmem_shared>>)
        tpu.yield
      }) : () -> ()
      %dma_start3A_235 = arith.constant 1 : i32
      %dma_start3A_236 = arith.constant 0 : i32
      %dma_start3A_237 = tpu.memref_slice %arg7[%dma_start3A_235, %dma_start3A_236] : memref<4x128xi32, #tpu.memory_space<vmem>> -> memref<1x128xi32, #tpu.memory_space<vmem>>
      %dma_start3A_238 = tpu.memref_squeeze %dma_start3A_237 : memref<1x128xi32, #tpu.memory_space<vmem>> -> memref<128xi32, #tpu.memory_space<vmem>>
      %dma_start3A_239 = arith.constant 0 : i32
      %dma_start3A_240 = arith.constant 0 : i32
      %dma_start3A_241 = tpu.memref_slice %arg16[%dma_start3A_239, %dma_start3A_240] : memref<10240x64xf32, #tpu.memory_space<vmem_shared>> -> memref<10240x64xf32, #tpu.memory_space<vmem_shared>>
      tpu.enqueue_indirect_dma source(%dma_start3A_241 : memref<10240x64xf32, #tpu.memory_space<vmem_shared>>) target(%arg12 : memref<128x64xf32, #tpu.memory_space<vmem>>) offsets(%dma_start3A_238 : memref<128xi32, #tpu.memory_space<vmem>>) semaphore(%arg18 : memref<!tpu.dma_semaphore, #tpu.memory_space<semaphore_mem>>)
      %dma_wait3A_242 = arith.constant 2 : i32
      %dma_wait3A_243 = arith.constant 0 : i32
      %dma_wait3A_244 = tpu.memref_slice %arg8[%dma_wait3A_242, %dma_wait3A_243] : memref<4x128xi32, #tpu.memory_space<vmem>> -> memref<1x128xi32, #tpu.memory_space<vmem>>
      %dma_wait3A_245 = tpu.memref_squeeze %dma_wait3A_244 : memref<1x128xi32, #tpu.memory_space<vmem>> -> memref<128xi32, #tpu.memory_space<vmem>>
      %dma_wait3A_246 = arith.constant 0 : i32
      %dma_wait3A_247 = arith.constant 0 : i32
      %dma_wait3A_248 = tpu.memref_slice %arg16[%dma_wait3A_246, %dma_wait3A_247] : memref<10240x64xf32, #tpu.memory_space<vmem_shared>> -> memref<10240x64xf32, #tpu.memory_space<vmem_shared>>
      tpu.wait_indirect_dma semaphore(%arg19 : memref<!tpu.dma_semaphore, #tpu.memory_space<semaphore_mem>>) src(%dma_wait3A_248 : memref<10240x64xf32, #tpu.memory_space<vmem_shared>>) dst(%arg13 : memref<128x64xf32, #tpu.memory_space<vmem>>)
      %run_scoped3A_249 = arith.constant 2 : i32
      "tpu.region"() ({
        %run_scoped3A_290 = tpu.sem_alloc : memref<!tpu.dma_semaphore, #tpu.memory_space<semaphore_mem>>
        %dma_start3A_291 = arith.constant 0 : i32
        %dma_start3A_292 = tpu.memref_slice %arg10[%run_scoped3A_249, %dma_start3A_291] : memref<4x128xi32, #tpu.memory_space<vmem>> -> memref<1x128xi32, #tpu.memory_space<vmem>>
        %dma_start3A_293 = tpu.memref_squeeze %dma_start3A_292 : memref<1x128xi32, #tpu.memory_space<vmem>> -> memref<128xi32, #tpu.memory_space<vmem>>
        %dma_start3A_294 = arith.constant 0 : i32
        %dma_start3A_295 = arith.constant 0 : i32
        %dma_start3A_296 = tpu.memref_slice %arg15[%dma_start3A_294, %dma_start3A_295] : memref<10240x64xf32, #tpu.memory_space<vmem_shared>> -> memref<10240x64xf32, #tpu.memory_space<vmem_shared>>
        tpu.enqueue_indirect_dma source(%arg13 : memref<128x64xf32, #tpu.memory_space<vmem>>) target(%dma_start3A_296 : memref<10240x64xf32, #tpu.memory_space<vmem_shared>>) offsets(%dma_start3A_293 : memref<128xi32, #tpu.memory_space<vmem>>) semaphore(%run_scoped3A_290 : memref<!tpu.dma_semaphore, #tpu.memory_space<semaphore_mem>>) {add = true}
        %dma_wait3A_297 = arith.constant 0 : i32
        %dma_wait3A_298 = tpu.memref_slice %arg10[%run_scoped3A_249, %dma_wait3A_297] : memref<4x128xi32, #tpu.memory_space<vmem>> -> memref<1x128xi32, #tpu.memory_space<vmem>>
        %dma_wait3A_299 = tpu.memref_squeeze %dma_wait3A_298 : memref<1x128xi32, #tpu.memory_space<vmem>> -> memref<128xi32, #tpu.memory_space<vmem>>
        %dma_wait3A_300 = arith.constant 0 : i32
        %dma_wait3A_301 = arith.constant 0 : i32
        %dma_wait3A_302 = tpu.memref_slice %arg15[%dma_wait3A_300, %dma_wait3A_301] : memref<10240x64xf32, #tpu.memory_space<vmem_shared>> -> memref<10240x64xf32, #tpu.memory_space<vmem_shared>>
        tpu.wait_indirect_dma semaphore(%run_scoped3A_290 : memref<!tpu.dma_semaphore, #tpu.memory_space<semaphore_mem>>) src(%arg13 : memref<128x64xf32, #tpu.memory_space<vmem>>) dst(%dma_wait3A_302 : memref<10240x64xf32, #tpu.memory_space<vmem_shared>>)
        tpu.yield
      }) : () -> ()
      %dma_start3A_250 = arith.constant 2 : i32
      %dma_start3A_251 = arith.constant 0 : i32
      %dma_start3A_252 = tpu.memref_slice %arg7[%dma_start3A_250, %dma_start3A_251] : memref<4x128xi32, #tpu.memory_space<vmem>> -> memref<1x128xi32, #tpu.memory_space<vmem>>
      %dma_start3A_253 = tpu.memref_squeeze %dma_start3A_252 : memref<1x128xi32, #tpu.memory_space<vmem>> -> memref<128xi32, #tpu.memory_space<vmem>>
      %dma_start3A_254 = arith.constant 0 : i32
      %dma_start3A_255 = arith.constant 0 : i32
      %dma_start3A_256 = tpu.memref_slice %arg16[%dma_start3A_254, %dma_start3A_255] : memref<10240x64xf32, #tpu.memory_space<vmem_shared>> -> memref<10240x64xf32, #tpu.memory_space<vmem_shared>>
      tpu.enqueue_indirect_dma source(%dma_start3A_256 : memref<10240x64xf32, #tpu.memory_space<vmem_shared>>) target(%arg13 : memref<128x64xf32, #tpu.memory_space<vmem>>) offsets(%dma_start3A_253 : memref<128xi32, #tpu.memory_space<vmem>>) semaphore(%arg19 : memref<!tpu.dma_semaphore, #tpu.memory_space<semaphore_mem>>)
      %dma_wait3A_257 = arith.constant 3 : i32
      %dma_wait3A_258 = arith.constant 0 : i32
      %dma_wait3A_259 = tpu.memref_slice %arg8[%dma_wait3A_257, %dma_wait3A_258] : memref<4x128xi32, #tpu.memory_space<vmem>> -> memref<1x128xi32, #tpu.memory_space<vmem>>
      %dma_wait3A_260 = tpu.memref_squeeze %dma_wait3A_259 : memref<1x128xi32, #tpu.memory_space<vmem>> -> memref<128xi32, #tpu.memory_space<vmem>>
      %dma_wait3A_261 = arith.constant 0 : i32
      %dma_wait3A_262 = arith.constant 0 : i32
      %dma_wait3A_263 = tpu.memref_slice %arg16[%dma_wait3A_261, %dma_wait3A_262] : memref<10240x64xf32, #tpu.memory_space<vmem_shared>> -> memref<10240x64xf32, #tpu.memory_space<vmem_shared>>
      tpu.wait_indirect_dma semaphore(%arg20 : memref<!tpu.dma_semaphore, #tpu.memory_space<semaphore_mem>>) src(%dma_wait3A_263 : memref<10240x64xf32, #tpu.memory_space<vmem_shared>>) dst(%arg14 : memref<128x64xf32, #tpu.memory_space<vmem>>)
      %run_scoped3A_264 = arith.constant 3 : i32
      "tpu.region"() ({
        %run_scoped3A_290 = tpu.sem_alloc : memref<!tpu.dma_semaphore, #tpu.memory_space<semaphore_mem>>
        %dma_start3A_291 = arith.constant 0 : i32
        %dma_start3A_292 = tpu.memref_slice %arg10[%run_scoped3A_264, %dma_start3A_291] : memref<4x128xi32, #tpu.memory_space<vmem>> -> memref<1x128xi32, #tpu.memory_space<vmem>>
        %dma_start3A_293 = tpu.memref_squeeze %dma_start3A_292 : memref<1x128xi32, #tpu.memory_space<vmem>> -> memref<128xi32, #tpu.memory_space<vmem>>
        %dma_start3A_294 = arith.constant 0 : i32
        %dma_start3A_295 = arith.constant 0 : i32
        %dma_start3A_296 = tpu.memref_slice %arg15[%dma_start3A_294, %dma_start3A_295] : memref<10240x64xf32, #tpu.memory_space<vmem_shared>> -> memref<10240x64xf32, #tpu.memory_space<vmem_shared>>
        tpu.enqueue_indirect_dma source(%arg14 : memref<128x64xf32, #tpu.memory_space<vmem>>) target(%dma_start3A_296 : memref<10240x64xf32, #tpu.memory_space<vmem_shared>>) offsets(%dma_start3A_293 : memref<128xi32, #tpu.memory_space<vmem>>) semaphore(%run_scoped3A_290 : memref<!tpu.dma_semaphore, #tpu.memory_space<semaphore_mem>>) {add = true}
        %dma_wait3A_297 = arith.constant 0 : i32
        %dma_wait3A_298 = tpu.memref_slice %arg10[%run_scoped3A_264, %dma_wait3A_297] : memref<4x128xi32, #tpu.memory_space<vmem>> -> memref<1x128xi32, #tpu.memory_space<vmem>>
        %dma_wait3A_299 = tpu.memref_squeeze %dma_wait3A_298 : memref<1x128xi32, #tpu.memory_space<vmem>> -> memref<128xi32, #tpu.memory_space<vmem>>
        %dma_wait3A_300 = arith.constant 0 : i32
        %dma_wait3A_301 = arith.constant 0 : i32
        %dma_wait3A_302 = tpu.memref_slice %arg15[%dma_wait3A_300, %dma_wait3A_301] : memref<10240x64xf32, #tpu.memory_space<vmem_shared>> -> memref<10240x64xf32, #tpu.memory_space<vmem_shared>>
        tpu.wait_indirect_dma semaphore(%run_scoped3A_290 : memref<!tpu.dma_semaphore, #tpu.memory_space<semaphore_mem>>) src(%arg14 : memref<128x64xf32, #tpu.memory_space<vmem>>) dst(%dma_wait3A_302 : memref<10240x64xf32, #tpu.memory_space<vmem_shared>>)
        tpu.yield
      }) : () -> ()
      %dma_start3A_265 = arith.constant 3 : i32
      %dma_start3A_266 = arith.constant 0 : i32
      %dma_start3A_267 = tpu.memref_slice %arg7[%dma_start3A_265, %dma_start3A_266] : memref<4x128xi32, #tpu.memory_space<vmem>> -> memref<1x128xi32, #tpu.memory_space<vmem>>
      %dma_start3A_268 = tpu.memref_squeeze %dma_start3A_267 : memref<1x128xi32, #tpu.memory_space<vmem>> -> memref<128xi32, #tpu.memory_space<vmem>>
      %dma_start3A_269 = arith.constant 0 : i32
      %dma_start3A_270 = arith.constant 0 : i32
      %dma_start3A_271 = tpu.memref_slice %arg16[%dma_start3A_269, %dma_start3A_270] : memref<10240x64xf32, #tpu.memory_space<vmem_shared>> -> memref<10240x64xf32, #tpu.memory_space<vmem_shared>>
      tpu.enqueue_indirect_dma source(%dma_start3A_271 : memref<10240x64xf32, #tpu.memory_space<vmem_shared>>) target(%arg14 : memref<128x64xf32, #tpu.memory_space<vmem>>) offsets(%dma_start3A_268 : memref<128xi32, #tpu.memory_space<vmem>>) semaphore(%arg20 : memref<!tpu.dma_semaphore, #tpu.memory_space<semaphore_mem>>)
      %add3A_272 = arith.constant 2 : i32
      %add3A_273 = arith.addi %add3A_195, %add3A_272 : i32
      %rem3A_274 = arith.constant 40 : i32
      %rem3A_275 = arith.remsi %add3A_273, %rem3A_274 : i32
      %mul3A_276 = arith.constant 4 : i32
      %mul3A_277 = arith.muli %rem3A_275, %mul3A_276 : i32
      %dma_start3A_278 = arith.constant 0 : i32
      %dma_start3A_279 = tpu.memref_slice %arg3[%arg1, %mul3A_277, %dma_start3A_278] : memref<16x160x128xi32, #tpu.memory_space<hbm>> -> memref<1x4x128xi32, #tpu.memory_space<hbm>>
      %dma_start3A_280 = tpu.memref_squeeze %dma_start3A_279 : memref<1x4x128xi32, #tpu.memory_space<hbm>> -> memref<4x128xi32, #tpu.memory_space<hbm>>
      %dma_start3A_281 = arith.constant 0 : i32
      %dma_start3A_282 = tpu.memref_slice %arg3[%arg1, %mul3A_277, %dma_start3A_281] : memref<16x160x128xi32, #tpu.memory_space<hbm>> -> memref<1x4x128xi32, #tpu.memory_space<hbm>>
      %dma_start3A_283 = tpu.memref_squeeze %dma_start3A_282 : memref<1x4x128xi32, #tpu.memory_space<hbm>> -> memref<4x128xi32, #tpu.memory_space<hbm>>
      tpu.enqueue_dma source(%dma_start3A_283 : memref<4x128xi32, #tpu.memory_space<hbm>>) target(%arg8 : memref<4x128xi32, #tpu.memory_space<vmem>>) target_semaphore(%arg22 : memref<!tpu.dma_semaphore, #tpu.memory_space<semaphore_mem>>)
      %dma_start3A_284 = arith.constant 0 : i32
      %dma_start3A_285 = tpu.memref_slice %arg4[%arg1, %mul3A_277, %dma_start3A_284] : memref<16x160x128xi32, #tpu.memory_space<hbm>> -> memref<1x4x128xi32, #tpu.memory_space<hbm>>
      %dma_start3A_286 = tpu.memref_squeeze %dma_start3A_285 : memref<1x4x128xi32, #tpu.memory_space<hbm>> -> memref<4x128xi32, #tpu.memory_space<hbm>>
      %dma_start3A_287 = arith.constant 0 : i32
      %dma_start3A_288 = tpu.memref_slice %arg4[%arg1, %mul3A_277, %dma_start3A_287] : memref<16x160x128xi32, #tpu.memory_space<hbm>> -> memref<1x4x128xi32, #tpu.memory_space<hbm>>
      %dma_start3A_289 = tpu.memref_squeeze %dma_start3A_288 : memref<1x4x128xi32, #tpu.memory_space<hbm>> -> memref<4x128xi32, #tpu.memory_space<hbm>>
      tpu.enqueue_dma source(%dma_start3A_289 : memref<4x128xi32, #tpu.memory_space<hbm>>) target(%arg10 : memref<4x128xi32, #tpu.memory_space<vmem>>) target_semaphore(%arg22 : memref<!tpu.dma_semaphore, #tpu.memory_space<semaphore_mem>>)
    }
    %scan3A_49 = arith.constant 20 : i32
    %dma_wait3A = arith.constant 0 : i32
    %dma_wait3A_50 = arith.constant 0 : i32
    %dma_wait3A_51 = tpu.memref_slice %arg7[%dma_wait3A, %dma_wait3A_50] : memref<4x128xi32, #tpu.memory_space<vmem>> -> memref<1x128xi32, #tpu.memory_space<vmem>>
    %dma_wait3A_52 = tpu.memref_squeeze %dma_wait3A_51 : memref<1x128xi32, #tpu.memory_space<vmem>> -> memref<128xi32, #tpu.memory_space<vmem>>
    %dma_wait3A_53 = arith.constant 0 : i32
    %dma_wait3A_54 = arith.constant 0 : i32
    %dma_wait3A_55 = tpu.memref_slice %arg16[%dma_wait3A_53, %dma_wait3A_54] : memref<10240x64xf32, #tpu.memory_space<vmem_shared>> -> memref<10240x64xf32, #tpu.memory_space<vmem_shared>>
    tpu.wait_indirect_dma semaphore(%arg17 : memref<!tpu.dma_semaphore, #tpu.memory_space<semaphore_mem>>) src(%dma_wait3A_55 : memref<10240x64xf32, #tpu.memory_space<vmem_shared>>) dst(%arg11 : memref<128x64xf32, #tpu.memory_space<vmem>>)
    %dma_wait3A_56 = arith.constant 1 : i32
    %dma_wait3A_57 = arith.constant 0 : i32
    %dma_wait3A_58 = tpu.memref_slice %arg7[%dma_wait3A_56, %dma_wait3A_57] : memref<4x128xi32, #tpu.memory_space<vmem>> -> memref<1x128xi32, #tpu.memory_space<vmem>>
    %dma_wait3A_59 = tpu.memref_squeeze %dma_wait3A_58 : memref<1x128xi32, #tpu.memory_space<vmem>> -> memref<128xi32, #tpu.memory_space<vmem>>
    %dma_wait3A_60 = arith.constant 0 : i32
    %dma_wait3A_61 = arith.constant 0 : i32
    %dma_wait3A_62 = tpu.memref_slice %arg16[%dma_wait3A_60, %dma_wait3A_61] : memref<10240x64xf32, #tpu.memory_space<vmem_shared>> -> memref<10240x64xf32, #tpu.memory_space<vmem_shared>>
    tpu.wait_indirect_dma semaphore(%arg18 : memref<!tpu.dma_semaphore, #tpu.memory_space<semaphore_mem>>) src(%dma_wait3A_62 : memref<10240x64xf32, #tpu.memory_space<vmem_shared>>) dst(%arg12 : memref<128x64xf32, #tpu.memory_space<vmem>>)
    %dma_wait3A_63 = arith.constant 2 : i32
    %dma_wait3A_64 = arith.constant 0 : i32
    %dma_wait3A_65 = tpu.memref_slice %arg7[%dma_wait3A_63, %dma_wait3A_64] : memref<4x128xi32, #tpu.memory_space<vmem>> -> memref<1x128xi32, #tpu.memory_space<vmem>>
    %dma_wait3A_66 = tpu.memref_squeeze %dma_wait3A_65 : memref<1x128xi32, #tpu.memory_space<vmem>> -> memref<128xi32, #tpu.memory_space<vmem>>
    %dma_wait3A_67 = arith.constant 0 : i32
    %dma_wait3A_68 = arith.constant 0 : i32
    %dma_wait3A_69 = tpu.memref_slice %arg16[%dma_wait3A_67, %dma_wait3A_68] : memref<10240x64xf32, #tpu.memory_space<vmem_shared>> -> memref<10240x64xf32, #tpu.memory_space<vmem_shared>>
    tpu.wait_indirect_dma semaphore(%arg19 : memref<!tpu.dma_semaphore, #tpu.memory_space<semaphore_mem>>) src(%dma_wait3A_69 : memref<10240x64xf32, #tpu.memory_space<vmem_shared>>) dst(%arg13 : memref<128x64xf32, #tpu.memory_space<vmem>>)
    %dma_wait3A_70 = arith.constant 3 : i32
    %dma_wait3A_71 = arith.constant 0 : i32
    %dma_wait3A_72 = tpu.memref_slice %arg7[%dma_wait3A_70, %dma_wait3A_71] : memref<4x128xi32, #tpu.memory_space<vmem>> -> memref<1x128xi32, #tpu.memory_space<vmem>>
    %dma_wait3A_73 = tpu.memref_squeeze %dma_wait3A_72 : memref<1x128xi32, #tpu.memory_space<vmem>> -> memref<128xi32, #tpu.memory_space<vmem>>
    %dma_wait3A_74 = arith.constant 0 : i32
    %dma_wait3A_75 = arith.constant 0 : i32
    %dma_wait3A_76 = tpu.memref_slice %arg16[%dma_wait3A_74, %dma_wait3A_75] : memref<10240x64xf32, #tpu.memory_space<vmem_shared>> -> memref<10240x64xf32, #tpu.memory_space<vmem_shared>>
    tpu.wait_indirect_dma semaphore(%arg20 : memref<!tpu.dma_semaphore, #tpu.memory_space<semaphore_mem>>) src(%dma_wait3A_76 : memref<10240x64xf32, #tpu.memory_space<vmem_shared>>) dst(%arg14 : memref<128x64xf32, #tpu.memory_space<vmem>>)
    %dma_wait3A_77 = arith.constant 0 : i32
    %dma_wait3A_78 = arith.constant 0 : i32
    %dma_wait3A_79 = tpu.memref_slice %arg3[%arg1, %dma_wait3A_77, %dma_wait3A_78] : memref<16x160x128xi32, #tpu.memory_space<hbm>> -> memref<1x4x128xi32, #tpu.memory_space<hbm>>
    %dma_wait3A_80 = tpu.memref_squeeze %dma_wait3A_79 : memref<1x4x128xi32, #tpu.memory_space<hbm>> -> memref<4x128xi32, #tpu.memory_space<hbm>>
    %dma_wait3A_81 = arith.constant 0 : i32
    %dma_wait3A_82 = arith.constant 0 : i32
    %dma_wait3A_83 = tpu.memref_slice %arg3[%arg1, %dma_wait3A_81, %dma_wait3A_82] : memref<16x160x128xi32, #tpu.memory_space<hbm>> -> memref<1x4x128xi32, #tpu.memory_space<hbm>>
    %dma_wait3A_84 = tpu.memref_squeeze %dma_wait3A_83 : memref<1x4x128xi32, #tpu.memory_space<hbm>> -> memref<4x128xi32, #tpu.memory_space<hbm>>
    tpu.wait_dma2 semaphore(%arg22 : memref<!tpu.dma_semaphore, #tpu.memory_space<semaphore_mem>>) src(%dma_wait3A_84 : memref<4x128xi32, #tpu.memory_space<hbm>>) dst(%arg8 : memref<4x128xi32, #tpu.memory_space<vmem>>)
    %dma_wait3A_85 = arith.constant 0 : i32
    %dma_wait3A_86 = arith.constant 0 : i32
    %dma_wait3A_87 = tpu.memref_slice %arg4[%arg1, %dma_wait3A_85, %dma_wait3A_86] : memref<16x160x128xi32, #tpu.memory_space<hbm>> -> memref<1x4x128xi32, #tpu.memory_space<hbm>>
    %dma_wait3A_88 = tpu.memref_squeeze %dma_wait3A_87 : memref<1x4x128xi32, #tpu.memory_space<hbm>> -> memref<4x128xi32, #tpu.memory_space<hbm>>
    %dma_wait3A_89 = arith.constant 0 : i32
    %dma_wait3A_90 = arith.constant 0 : i32
    %dma_wait3A_91 = tpu.memref_slice %arg4[%arg1, %dma_wait3A_89, %dma_wait3A_90] : memref<16x160x128xi32, #tpu.memory_space<hbm>> -> memref<1x4x128xi32, #tpu.memory_space<hbm>>
    %dma_wait3A_92 = tpu.memref_squeeze %dma_wait3A_91 : memref<1x4x128xi32, #tpu.memory_space<hbm>> -> memref<4x128xi32, #tpu.memory_space<hbm>>
    tpu.wait_dma2 semaphore(%arg22 : memref<!tpu.dma_semaphore, #tpu.memory_space<semaphore_mem>>) src(%dma_wait3A_92 : memref<4x128xi32, #tpu.memory_space<hbm>>) dst(%arg10 : memref<4x128xi32, #tpu.memory_space<vmem>>)
    %barrier3A_93 = arith.constant 0 : index
    tpu.barrier barrier_id(%barrier3A_93)
    "tpu.region"() ({
      %run_scoped3A = tpu.sem_alloc : memref<!tpu.dma_semaphore, #tpu.memory_space<semaphore_mem>>
      %dma_start3A_94 = tpu.memref_slice %arg6[%mul3A_0, %mul3A_2] : memref<10240x128xf32, #tpu.memory_space<hbm>> -> memref<640x64xf32, #tpu.memory_space<hbm>>
      %dma_start3A_95 = arith.constant 0 : i32
      %dma_start3A_96 = tpu.memref_slice %arg15[%mul3A_0, %dma_start3A_95] : memref<10240x64xf32, #tpu.memory_space<vmem_shared>> -> memref<640x64xf32, #tpu.memory_space<vmem_shared>>
      tpu.enqueue_dma source(%dma_start3A_96 : memref<640x64xf32, #tpu.memory_space<vmem_shared>>) target(%dma_start3A_94 : memref<640x64xf32, #tpu.memory_space<hbm>>) target_semaphore(%run_scoped3A : memref<!tpu.dma_semaphore, #tpu.memory_space<semaphore_mem>>)
      %dma_wait3A_97 = tpu.memref_slice %arg6[%mul3A_0, %mul3A_2] : memref<10240x128xf32, #tpu.memory_space<hbm>> -> memref<640x64xf32, #tpu.memory_space<hbm>>
      %dma_wait3A_98 = arith.constant 0 : i32
      %dma_wait3A_99 = tpu.memref_slice %arg15[%mul3A_0, %dma_wait3A_98] : memref<10240x64xf32, #tpu.memory_space<vmem_shared>> -> memref<640x64xf32, #tpu.memory_space<vmem_shared>>
      tpu.wait_dma2 semaphore(%run_scoped3A : memref<!tpu.dma_semaphore, #tpu.memory_space<semaphore_mem>>) src(%dma_wait3A_99 : memref<640x64xf32, #tpu.memory_space<vmem_shared>>) dst(%dma_wait3A_97 : memref<640x64xf32, #tpu.memory_space<hbm>>)
      tpu.yield
    }) : () -> ()
    return
  }
}

#map = affine_map<(d0, d1) -> (0, 0)>
#map1 = affine_map<(d0, d1) -> (0, 0, 0)>
module attributes {stable_mosaic.version = 14 : i64} {
  func.func @seg_kernel(%arg0: i32, %arg1: i32, %arg2: memref<10240x128xf32, #tpu.memory_space<hbm>>, %arg3: memref<16x160x128xi32, #tpu.memory_space<hbm>>, %arg4: memref<16x160x128xi32, #tpu.memory_space<hbm>>, %arg5: memref<10240x64xf32, #tpu.memory_space<hbm>>, %arg6: memref<10240x128xf32, #tpu.memory_space<hbm>>, %arg7: memref<4x128xi32, #tpu.memory_space<vmem>>, %arg8: memref<4x128xi32, #tpu.memory_space<vmem>>, %arg9: memref<4x128xi32, #tpu.memory_space<vmem>>, %arg10: memref<4x128xi32, #tpu.memory_space<vmem>>, %arg11: memref<128x64xf32, #tpu.memory_space<vmem>>, %arg12: memref<128x64xf32, #tpu.memory_space<vmem>>, %arg13: memref<128x64xf32, #tpu.memory_space<vmem>>, %arg14: memref<128x64xf32, #tpu.memory_space<vmem>>, %arg15: memref<10240x64xf32, #tpu.memory_space<vmem_shared>>, %arg16: memref<10240x64xf32, #tpu.memory_space<vmem_shared>>, %arg17: memref<!tpu.dma_semaphore, #tpu.memory_space<semaphore_mem>>, %arg18: memref<!tpu.dma_semaphore, #tpu.memory_space<semaphore_mem>>, %arg19: memref<!tpu.dma_semaphore, #tpu.memory_space<semaphore_mem>>, %arg20: memref<!tpu.dma_semaphore, #tpu.memory_space<semaphore_mem>>, %arg21: memref<!tpu.dma_semaphore, #tpu.memory_space<semaphore_mem>>, %arg22: memref<!tpu.dma_semaphore, #tpu.memory_space<semaphore_mem>>) attributes {dimension_semantics = [#tpu.dimension_semantics<core_parallel>, #tpu.dimension_semantics<subcore_parallel>], iteration_bounds = array<i64: 2, 16>, scalar_prefetch = 0 : i64, scratch_operands = 16 : i64, tpu.core_type = #tpu.core_type<sc_vector_subcore>, window_params = [{transform_indices = #map}, {transform_indices = #map1}, {transform_indices = #map1}, {transform_indices = #map}, {transform_indices = #map}]} {
    %mul3A = arith.constant 640 : i32
    %mul3A_0 = arith.muli %arg1, %mul3A : i32
    %mul3A_1 = arith.constant 64 : i32
    %mul3A_2 = arith.muli %arg0, %mul3A_1 : i32
    "tpu.region"() ({
      %run_scoped3A = tpu.sem_alloc : memref<!tpu.dma_semaphore, #tpu.memory_space<semaphore_mem>>
      %dma_start3A_94 = arith.constant 0 : i32
      %dma_start3A_95 = tpu.memref_slice %arg15[%mul3A_0, %dma_start3A_94] : memref<10240x64xf32, #tpu.memory_space<vmem_shared>> -> memref<640x64xf32, #tpu.memory_space<vmem_shared>>
      %dma_start3A_96 = arith.constant 0 : i32
      %dma_start3A_97 = tpu.memref_slice %arg5[%mul3A_0, %dma_start3A_96] : memref<10240x64xf32, #tpu.memory_space<hbm>> -> memref<640x64xf32, #tpu.memory_space<hbm>>
      tpu.enqueue_dma source(%dma_start3A_97 : memref<640x64xf32, #tpu.memory_space<hbm>>) target(%dma_start3A_95 : memref<640x64xf32, #tpu.memory_space<vmem_shared>>) target_semaphore(%run_scoped3A : memref<!tpu.dma_semaphore, #tpu.memory_space<semaphore_mem>>)
      %dma_wait3A_98 = arith.constant 0 : i32
      %dma_wait3A_99 = tpu.memref_slice %arg15[%mul3A_0, %dma_wait3A_98] : memref<10240x64xf32, #tpu.memory_space<vmem_shared>> -> memref<640x64xf32, #tpu.memory_space<vmem_shared>>
      %dma_wait3A_100 = arith.constant 0 : i32
      %dma_wait3A_101 = tpu.memref_slice %arg5[%mul3A_0, %dma_wait3A_100] : memref<10240x64xf32, #tpu.memory_space<hbm>> -> memref<640x64xf32, #tpu.memory_space<hbm>>
      tpu.wait_dma2 semaphore(%run_scoped3A : memref<!tpu.dma_semaphore, #tpu.memory_space<semaphore_mem>>) src(%dma_wait3A_101 : memref<640x64xf32, #tpu.memory_space<hbm>>) dst(%dma_wait3A_99 : memref<640x64xf32, #tpu.memory_space<vmem_shared>>)
      tpu.yield
    }) : () -> ()
    "tpu.region"() ({
      %run_scoped3A = tpu.sem_alloc : memref<!tpu.dma_semaphore, #tpu.memory_space<semaphore_mem>>
      %dma_start3A_94 = arith.constant 0 : i32
      %dma_start3A_95 = tpu.memref_slice %arg16[%mul3A_0, %dma_start3A_94] : memref<10240x64xf32, #tpu.memory_space<vmem_shared>> -> memref<640x64xf32, #tpu.memory_space<vmem_shared>>
      %dma_start3A_96 = tpu.memref_slice %arg2[%mul3A_0, %mul3A_2] : memref<10240x128xf32, #tpu.memory_space<hbm>> -> memref<640x64xf32, #tpu.memory_space<hbm>>
      tpu.enqueue_dma source(%dma_start3A_96 : memref<640x64xf32, #tpu.memory_space<hbm>>) target(%dma_start3A_95 : memref<640x64xf32, #tpu.memory_space<vmem_shared>>) target_semaphore(%run_scoped3A : memref<!tpu.dma_semaphore, #tpu.memory_space<semaphore_mem>>)
      %dma_wait3A_97 = arith.constant 0 : i32
      %dma_wait3A_98 = tpu.memref_slice %arg16[%mul3A_0, %dma_wait3A_97] : memref<10240x64xf32, #tpu.memory_space<vmem_shared>> -> memref<640x64xf32, #tpu.memory_space<vmem_shared>>
      %dma_wait3A_99 = tpu.memref_slice %arg2[%mul3A_0, %mul3A_2] : memref<10240x128xf32, #tpu.memory_space<hbm>> -> memref<640x64xf32, #tpu.memory_space<hbm>>
      tpu.wait_dma2 semaphore(%run_scoped3A : memref<!tpu.dma_semaphore, #tpu.memory_space<semaphore_mem>>) src(%dma_wait3A_99 : memref<640x64xf32, #tpu.memory_space<hbm>>) dst(%dma_wait3A_98 : memref<640x64xf32, #tpu.memory_space<vmem_shared>>)
      tpu.yield
    }) : () -> ()
    "tpu.region"() ({
      %run_scoped3A = tpu.sem_alloc : memref<!tpu.dma_semaphore, #tpu.memory_space<semaphore_mem>>
      %dma_start3A_94 = arith.constant 0 : i32
      %dma_start3A_95 = arith.constant 0 : i32
      %dma_start3A_96 = tpu.memref_slice %arg3[%arg1, %dma_start3A_94, %dma_start3A_95] : memref<16x160x128xi32, #tpu.memory_space<hbm>> -> memref<1x4x128xi32, #tpu.memory_space<hbm>>
      %dma_start3A_97 = tpu.memref_squeeze %dma_start3A_96 : memref<1x4x128xi32, #tpu.memory_space<hbm>> -> memref<4x128xi32, #tpu.memory_space<hbm>>
      %dma_start3A_98 = arith.constant 0 : i32
      %dma_start3A_99 = arith.constant 0 : i32
      %dma_start3A_100 = tpu.memref_slice %arg3[%arg1, %dma_start3A_98, %dma_start3A_99] : memref<16x160x128xi32, #tpu.memory_space<hbm>> -> memref<1x4x128xi32, #tpu.memory_space<hbm>>
      %dma_start3A_101 = tpu.memref_squeeze %dma_start3A_100 : memref<1x4x128xi32, #tpu.memory_space<hbm>> -> memref<4x128xi32, #tpu.memory_space<hbm>>
      tpu.enqueue_dma source(%dma_start3A_101 : memref<4x128xi32, #tpu.memory_space<hbm>>) target(%arg7 : memref<4x128xi32, #tpu.memory_space<vmem>>) target_semaphore(%run_scoped3A : memref<!tpu.dma_semaphore, #tpu.memory_space<semaphore_mem>>)
      %dma_wait3A_102 = arith.constant 0 : i32
      %dma_wait3A_103 = arith.constant 0 : i32
      %dma_wait3A_104 = tpu.memref_slice %arg3[%arg1, %dma_wait3A_102, %dma_wait3A_103] : memref<16x160x128xi32, #tpu.memory_space<hbm>> -> memref<1x4x128xi32, #tpu.memory_space<hbm>>
      %dma_wait3A_105 = tpu.memref_squeeze %dma_wait3A_104 : memref<1x4x128xi32, #tpu.memory_space<hbm>> -> memref<4x128xi32, #tpu.memory_space<hbm>>
      %dma_wait3A_106 = arith.constant 0 : i32
      %dma_wait3A_107 = arith.constant 0 : i32
      %dma_wait3A_108 = tpu.memref_slice %arg3[%arg1, %dma_wait3A_106, %dma_wait3A_107] : memref<16x160x128xi32, #tpu.memory_space<hbm>> -> memref<1x4x128xi32, #tpu.memory_space<hbm>>
      %dma_wait3A_109 = tpu.memref_squeeze %dma_wait3A_108 : memref<1x4x128xi32, #tpu.memory_space<hbm>> -> memref<4x128xi32, #tpu.memory_space<hbm>>
      tpu.wait_dma2 semaphore(%run_scoped3A : memref<!tpu.dma_semaphore, #tpu.memory_space<semaphore_mem>>) src(%dma_wait3A_109 : memref<4x128xi32, #tpu.memory_space<hbm>>) dst(%arg7 : memref<4x128xi32, #tpu.memory_space<vmem>>)
      tpu.yield
    }) : () -> ()
    "tpu.region"() ({
      %run_scoped3A = tpu.sem_alloc : memref<!tpu.dma_semaphore, #tpu.memory_space<semaphore_mem>>
      %dma_start3A_94 = arith.constant 0 : i32
      %dma_start3A_95 = arith.constant 0 : i32
      %dma_start3A_96 = tpu.memref_slice %arg4[%arg1, %dma_start3A_94, %dma_start3A_95] : memref<16x160x128xi32, #tpu.memory_space<hbm>> -> memref<1x4x128xi32, #tpu.memory_space<hbm>>
      %dma_start3A_97 = tpu.memref_squeeze %dma_start3A_96 : memref<1x4x128xi32, #tpu.memory_space<hbm>> -> memref<4x128xi32, #tpu.memory_space<hbm>>
      %dma_start3A_98 = arith.constant 0 : i32
      %dma_start3A_99 = arith.constant 0 : i32
      %dma_start3A_100 = tpu.memref_slice %arg4[%arg1, %dma_start3A_98, %dma_start3A_99] : memref<16x160x128xi32, #tpu.memory_space<hbm>> -> memref<1x4x128xi32, #tpu.memory_space<hbm>>
      %dma_start3A_101 = tpu.memref_squeeze %dma_start3A_100 : memref<1x4x128xi32, #tpu.memory_space<hbm>> -> memref<4x128xi32, #tpu.memory_space<hbm>>
      tpu.enqueue_dma source(%dma_start3A_101 : memref<4x128xi32, #tpu.memory_space<hbm>>) target(%arg9 : memref<4x128xi32, #tpu.memory_space<vmem>>) target_semaphore(%run_scoped3A : memref<!tpu.dma_semaphore, #tpu.memory_space<semaphore_mem>>)
      %dma_wait3A_102 = arith.constant 0 : i32
      %dma_wait3A_103 = arith.constant 0 : i32
      %dma_wait3A_104 = tpu.memref_slice %arg4[%arg1, %dma_wait3A_102, %dma_wait3A_103] : memref<16x160x128xi32, #tpu.memory_space<hbm>> -> memref<1x4x128xi32, #tpu.memory_space<hbm>>
      %dma_wait3A_105 = tpu.memref_squeeze %dma_wait3A_104 : memref<1x4x128xi32, #tpu.memory_space<hbm>> -> memref<4x128xi32, #tpu.memory_space<hbm>>
      %dma_wait3A_106 = arith.constant 0 : i32
      %dma_wait3A_107 = arith.constant 0 : i32
      %dma_wait3A_108 = tpu.memref_slice %arg4[%arg1, %dma_wait3A_106, %dma_wait3A_107] : memref<16x160x128xi32, #tpu.memory_space<hbm>> -> memref<1x4x128xi32, #tpu.memory_space<hbm>>
      %dma_wait3A_109 = tpu.memref_squeeze %dma_wait3A_108 : memref<1x4x128xi32, #tpu.memory_space<hbm>> -> memref<4x128xi32, #tpu.memory_space<hbm>>
      tpu.wait_dma2 semaphore(%run_scoped3A : memref<!tpu.dma_semaphore, #tpu.memory_space<semaphore_mem>>) src(%dma_wait3A_109 : memref<4x128xi32, #tpu.memory_space<hbm>>) dst(%arg9 : memref<4x128xi32, #tpu.memory_space<vmem>>)
      tpu.yield
    }) : () -> ()
    %dma_start3A = arith.constant 4 : i32
    %dma_start3A_3 = arith.constant 0 : i32
    %dma_start3A_4 = tpu.memref_slice %arg3[%arg1, %dma_start3A, %dma_start3A_3] : memref<16x160x128xi32, #tpu.memory_space<hbm>> -> memref<1x4x128xi32, #tpu.memory_space<hbm>>
    %dma_start3A_5 = tpu.memref_squeeze %dma_start3A_4 : memref<1x4x128xi32, #tpu.memory_space<hbm>> -> memref<4x128xi32, #tpu.memory_space<hbm>>
    %dma_start3A_6 = arith.constant 4 : i32
    %dma_start3A_7 = arith.constant 0 : i32
    %dma_start3A_8 = tpu.memref_slice %arg3[%arg1, %dma_start3A_6, %dma_start3A_7] : memref<16x160x128xi32, #tpu.memory_space<hbm>> -> memref<1x4x128xi32, #tpu.memory_space<hbm>>
    %dma_start3A_9 = tpu.memref_squeeze %dma_start3A_8 : memref<1x4x128xi32, #tpu.memory_space<hbm>> -> memref<4x128xi32, #tpu.memory_space<hbm>>
    tpu.enqueue_dma source(%dma_start3A_9 : memref<4x128xi32, #tpu.memory_space<hbm>>) target(%arg8 : memref<4x128xi32, #tpu.memory_space<vmem>>) target_semaphore(%arg22 : memref<!tpu.dma_semaphore, #tpu.memory_space<semaphore_mem>>)
    %dma_start3A_10 = arith.constant 4 : i32
    %dma_start3A_11 = arith.constant 0 : i32
    %dma_start3A_12 = tpu.memref_slice %arg4[%arg1, %dma_start3A_10, %dma_start3A_11] : memref<16x160x128xi32, #tpu.memory_space<hbm>> -> memref<1x4x128xi32, #tpu.memory_space<hbm>>
    %dma_start3A_13 = tpu.memref_squeeze %dma_start3A_12 : memref<1x4x128xi32, #tpu.memory_space<hbm>> -> memref<4x128xi32, #tpu.memory_space<hbm>>
    %dma_start3A_14 = arith.constant 4 : i32
    %dma_start3A_15 = arith.constant 0 : i32
    %dma_start3A_16 = tpu.memref_slice %arg4[%arg1, %dma_start3A_14, %dma_start3A_15] : memref<16x160x128xi32, #tpu.memory_space<hbm>> -> memref<1x4x128xi32, #tpu.memory_space<hbm>>
    %dma_start3A_17 = tpu.memref_squeeze %dma_start3A_16 : memref<1x4x128xi32, #tpu.memory_space<hbm>> -> memref<4x128xi32, #tpu.memory_space<hbm>>
    tpu.enqueue_dma source(%dma_start3A_17 : memref<4x128xi32, #tpu.memory_space<hbm>>) target(%arg10 : memref<4x128xi32, #tpu.memory_space<vmem>>) target_semaphore(%arg22 : memref<!tpu.dma_semaphore, #tpu.memory_space<semaphore_mem>>)
    %barrier3A = arith.constant 0 : index
    tpu.barrier barrier_id(%barrier3A)
    %dma_start3A_18 = arith.constant 0 : i32
    %dma_start3A_19 = arith.constant 0 : i32
    %dma_start3A_20 = tpu.memref_slice %arg7[%dma_start3A_18, %dma_start3A_19] : memref<4x128xi32, #tpu.memory_space<vmem>> -> memref<1x128xi32, #tpu.memory_space<vmem>>
    %dma_start3A_21 = tpu.memref_squeeze %dma_start3A_20 : memref<1x128xi32, #tpu.memory_space<vmem>> -> memref<128xi32, #tpu.memory_space<vmem>>
    %dma_start3A_22 = arith.constant 0 : i32
    %dma_start3A_23 = arith.constant 0 : i32
    %dma_start3A_24 = tpu.memref_slice %arg16[%dma_start3A_22, %dma_start3A_23] : memref<10240x64xf32, #tpu.memory_space<vmem_shared>> -> memref<10240x64xf32, #tpu.memory_space<vmem_shared>>
    tpu.enqueue_indirect_dma source(%dma_start3A_24 : memref<10240x64xf32, #tpu.memory_space<vmem_shared>>) target(%arg11 : memref<128x64xf32, #tpu.memory_space<vmem>>) offsets(%dma_start3A_21 : memref<128xi32, #tpu.memory_space<vmem>>) semaphore(%arg17 : memref<!tpu.dma_semaphore, #tpu.memory_space<semaphore_mem>>)
    %dma_start3A_25 = arith.constant 1 : i32
    %dma_start3A_26 = arith.constant 0 : i32
    %dma_start3A_27 = tpu.memref_slice %arg7[%dma_start3A_25, %dma_start3A_26] : memref<4x128xi32, #tpu.memory_space<vmem>> -> memref<1x128xi32, #tpu.memory_space<vmem>>
    %dma_start3A_28 = tpu.memref_squeeze %dma_start3A_27 : memref<1x128xi32, #tpu.memory_space<vmem>> -> memref<128xi32, #tpu.memory_space<vmem>>
    %dma_start3A_29 = arith.constant 0 : i32
    %dma_start3A_30 = arith.constant 0 : i32
    %dma_start3A_31 = tpu.memref_slice %arg16[%dma_start3A_29, %dma_start3A_30] : memref<10240x64xf32, #tpu.memory_space<vmem_shared>> -> memref<10240x64xf32, #tpu.memory_space<vmem_shared>>
    tpu.enqueue_indirect_dma source(%dma_start3A_31 : memref<10240x64xf32, #tpu.memory_space<vmem_shared>>) target(%arg12 : memref<128x64xf32, #tpu.memory_space<vmem>>) offsets(%dma_start3A_28 : memref<128xi32, #tpu.memory_space<vmem>>) semaphore(%arg18 : memref<!tpu.dma_semaphore, #tpu.memory_space<semaphore_mem>>)
    %dma_start3A_32 = arith.constant 2 : i32
    %dma_start3A_33 = arith.constant 0 : i32
    %dma_start3A_34 = tpu.memref_slice %arg7[%dma_start3A_32, %dma_start3A_33] : memref<4x128xi32, #tpu.memory_space<vmem>> -> memref<1x128xi32, #tpu.memory_space<vmem>>
    %dma_start3A_35 = tpu.memref_squeeze %dma_start3A_34 : memref<1x128xi32, #tpu.memory_space<vmem>> -> memref<128xi32, #tpu.memory_space<vmem>>
    %dma_start3A_36 = arith.constant 0 : i32
    %dma_start3A_37 = arith.constant 0 : i32
    %dma_start3A_38 = tpu.memref_slice %arg16[%dma_start3A_36, %dma_start3A_37] : memref<10240x64xf32, #tpu.memory_space<vmem_shared>> -> memref<10240x64xf32, #tpu.memory_space<vmem_shared>>
    tpu.enqueue_indirect_dma source(%dma_start3A_38 : memref<10240x64xf32, #tpu.memory_space<vmem_shared>>) target(%arg13 : memref<128x64xf32, #tpu.memory_space<vmem>>) offsets(%dma_start3A_35 : memref<128xi32, #tpu.memory_space<vmem>>) semaphore(%arg19 : memref<!tpu.dma_semaphore, #tpu.memory_space<semaphore_mem>>)
    %dma_start3A_39 = arith.constant 3 : i32
    %dma_start3A_40 = arith.constant 0 : i32
    %dma_start3A_41 = tpu.memref_slice %arg7[%dma_start3A_39, %dma_start3A_40] : memref<4x128xi32, #tpu.memory_space<vmem>> -> memref<1x128xi32, #tpu.memory_space<vmem>>
    %dma_start3A_42 = tpu.memref_squeeze %dma_start3A_41 : memref<1x128xi32, #tpu.memory_space<vmem>> -> memref<128xi32, #tpu.memory_space<vmem>>
    %dma_start3A_43 = arith.constant 0 : i32
    %dma_start3A_44 = arith.constant 0 : i32
    %dma_start3A_45 = tpu.memref_slice %arg16[%dma_start3A_43, %dma_start3A_44] : memref<10240x64xf32, #tpu.memory_space<vmem_shared>> -> memref<10240x64xf32, #tpu.memory_space<vmem_shared>>
    tpu.enqueue_indirect_dma source(%dma_start3A_45 : memref<10240x64xf32, #tpu.memory_space<vmem_shared>>) target(%arg14 : memref<128x64xf32, #tpu.memory_space<vmem>>) offsets(%dma_start3A_42 : memref<128xi32, #tpu.memory_space<vmem>>) semaphore(%arg20 : memref<!tpu.dma_semaphore, #tpu.memory_space<semaphore_mem>>)
    %scan3A = arith.constant 0 : i32
    %scan3A_46 = arith.constant 20 : i32
    %scan3A_47 = arith.addi %scan3A, %scan3A_46 : i32
    %scan3A_48 = arith.constant 1 : i32
    scf.for %scan3A_94 = %scan3A to %scan3A_47 step %scan3A_48  : i32 {
      %mul3A_95 = arith.constant 1 : i32
      %mul3A_96 = arith.muli %scan3A_94, %mul3A_95 : i32
      %add3A = arith.constant 0 : i32
      %add3A_97 = arith.addi %add3A, %mul3A_96 : i32
      %mul3A_98 = arith.constant 2 : i32
      %mul3A_99 = arith.muli %mul3A_98, %add3A_97 : i32
      %dma_wait3A_100 = arith.constant 0 : i32
      %dma_wait3A_101 = arith.constant 0 : i32
      %dma_wait3A_102 = tpu.memref_slice %arg3[%arg1, %dma_wait3A_100, %dma_wait3A_101] : memref<16x160x128xi32, #tpu.memory_space<hbm>> -> memref<1x4x128xi32, #tpu.memory_space<hbm>>
      %dma_wait3A_103 = tpu.memref_squeeze %dma_wait3A_102 : memref<1x4x128xi32, #tpu.memory_space<hbm>> -> memref<4x128xi32, #tpu.memory_space<hbm>>
      %dma_wait3A_104 = arith.constant 0 : i32
      %dma_wait3A_105 = arith.constant 0 : i32
      %dma_wait3A_106 = tpu.memref_slice %arg3[%arg1, %dma_wait3A_104, %dma_wait3A_105] : memref<16x160x128xi32, #tpu.memory_space<hbm>> -> memref<1x4x128xi32, #tpu.memory_space<hbm>>
      %dma_wait3A_107 = tpu.memref_squeeze %dma_wait3A_106 : memref<1x4x128xi32, #tpu.memory_space<hbm>> -> memref<4x128xi32, #tpu.memory_space<hbm>>
      tpu.wait_dma2 semaphore(%arg22 : memref<!tpu.dma_semaphore, #tpu.memory_space<semaphore_mem>>) src(%dma_wait3A_107 : memref<4x128xi32, #tpu.memory_space<hbm>>) dst(%arg8 : memref<4x128xi32, #tpu.memory_space<vmem>>)
      %dma_wait3A_108 = arith.constant 0 : i32
      %dma_wait3A_109 = arith.constant 0 : i32
      %dma_wait3A_110 = tpu.memref_slice %arg4[%arg1, %dma_wait3A_108, %dma_wait3A_109] : memref<16x160x128xi32, #tpu.memory_space<hbm>> -> memref<1x4x128xi32, #tpu.memory_space<hbm>>
      %dma_wait3A_111 = tpu.memref_squeeze %dma_wait3A_110 : memref<1x4x128xi32, #tpu.memory_space<hbm>> -> memref<4x128xi32, #tpu.memory_space<hbm>>
      %dma_wait3A_112 = arith.constant 0 : i32
      %dma_wait3A_113 = arith.constant 0 : i32
      %dma_wait3A_114 = tpu.memref_slice %arg4[%arg1, %dma_wait3A_112, %dma_wait3A_113] : memref<16x160x128xi32, #tpu.memory_space<hbm>> -> memref<1x4x128xi32, #tpu.memory_space<hbm>>
      %dma_wait3A_115 = tpu.memref_squeeze %dma_wait3A_114 : memref<1x4x128xi32, #tpu.memory_space<hbm>> -> memref<4x128xi32, #tpu.memory_space<hbm>>
      tpu.wait_dma2 semaphore(%arg22 : memref<!tpu.dma_semaphore, #tpu.memory_space<semaphore_mem>>) src(%dma_wait3A_115 : memref<4x128xi32, #tpu.memory_space<hbm>>) dst(%arg10 : memref<4x128xi32, #tpu.memory_space<vmem>>)
      %dma_wait3A_116 = arith.constant 0 : i32
      %dma_wait3A_117 = arith.constant 0 : i32
      %dma_wait3A_118 = tpu.memref_slice %arg7[%dma_wait3A_116, %dma_wait3A_117] : memref<4x128xi32, #tpu.memory_space<vmem>> -> memref<1x128xi32, #tpu.memory_space<vmem>>
      %dma_wait3A_119 = tpu.memref_squeeze %dma_wait3A_118 : memref<1x128xi32, #tpu.memory_space<vmem>> -> memref<128xi32, #tpu.memory_space<vmem>>
      %dma_wait3A_120 = arith.constant 0 : i32
      %dma_wait3A_121 = arith.constant 0 : i32
      %dma_wait3A_122 = tpu.memref_slice %arg16[%dma_wait3A_120, %dma_wait3A_121] : memref<10240x64xf32, #tpu.memory_space<vmem_shared>> -> memref<10240x64xf32, #tpu.memory_space<vmem_shared>>
      tpu.wait_indirect_dma semaphore(%arg17 : memref<!tpu.dma_semaphore, #tpu.memory_space<semaphore_mem>>) src(%dma_wait3A_122 : memref<10240x64xf32, #tpu.memory_space<vmem_shared>>) dst(%arg11 : memref<128x64xf32, #tpu.memory_space<vmem>>)
      %run_scoped3A = arith.constant 0 : i32
      "tpu.region"() ({
        %run_scoped3A_290 = tpu.sem_alloc : memref<!tpu.dma_semaphore, #tpu.memory_space<semaphore_mem>>
        %dma_start3A_291 = arith.constant 0 : i32
        %dma_start3A_292 = tpu.memref_slice %arg9[%run_scoped3A, %dma_start3A_291] : memref<4x128xi32, #tpu.memory_space<vmem>> -> memref<1x128xi32, #tpu.memory_space<vmem>>
        %dma_start3A_293 = tpu.memref_squeeze %dma_start3A_292 : memref<1x128xi32, #tpu.memory_space<vmem>> -> memref<128xi32, #tpu.memory_space<vmem>>
        %dma_start3A_294 = arith.constant 0 : i32
        %dma_start3A_295 = arith.constant 0 : i32
        %dma_start3A_296 = tpu.memref_slice %arg15[%dma_start3A_294, %dma_start3A_295] : memref<10240x64xf32, #tpu.memory_space<vmem_shared>> -> memref<10240x64xf32, #tpu.memory_space<vmem_shared>>
        tpu.enqueue_indirect_dma source(%arg11 : memref<128x64xf32, #tpu.memory_space<vmem>>) target(%dma_start3A_296 : memref<10240x64xf32, #tpu.memory_space<vmem_shared>>) offsets(%dma_start3A_293 : memref<128xi32, #tpu.memory_space<vmem>>) semaphore(%run_scoped3A_290 : memref<!tpu.dma_semaphore, #tpu.memory_space<semaphore_mem>>) {add = true}
        %dma_wait3A_297 = arith.constant 0 : i32
        %dma_wait3A_298 = tpu.memref_slice %arg9[%run_scoped3A, %dma_wait3A_297] : memref<4x128xi32, #tpu.memory_space<vmem>> -> memref<1x128xi32, #tpu.memory_space<vmem>>
        %dma_wait3A_299 = tpu.memref_squeeze %dma_wait3A_298 : memref<1x128xi32, #tpu.memory_space<vmem>> -> memref<128xi32, #tpu.memory_space<vmem>>
        %dma_wait3A_300 = arith.constant 0 : i32
        %dma_wait3A_301 = arith.constant 0 : i32
        %dma_wait3A_302 = tpu.memref_slice %arg15[%dma_wait3A_300, %dma_wait3A_301] : memref<10240x64xf32, #tpu.memory_space<vmem_shared>> -> memref<10240x64xf32, #tpu.memory_space<vmem_shared>>
        tpu.wait_indirect_dma semaphore(%run_scoped3A_290 : memref<!tpu.dma_semaphore, #tpu.memory_space<semaphore_mem>>) src(%arg11 : memref<128x64xf32, #tpu.memory_space<vmem>>) dst(%dma_wait3A_302 : memref<10240x64xf32, #tpu.memory_space<vmem_shared>>)
        tpu.yield
      }) : () -> ()
      %dma_start3A_123 = arith.constant 0 : i32
      %dma_start3A_124 = arith.constant 0 : i32
      %dma_start3A_125 = tpu.memref_slice %arg8[%dma_start3A_123, %dma_start3A_124] : memref<4x128xi32, #tpu.memory_space<vmem>> -> memref<1x128xi32, #tpu.memory_space<vmem>>
      %dma_start3A_126 = tpu.memref_squeeze %dma_start3A_125 : memref<1x128xi32, #tpu.memory_space<vmem>> -> memref<128xi32, #tpu.memory_space<vmem>>
      %dma_start3A_127 = arith.constant 0 : i32
      %dma_start3A_128 = arith.constant 0 : i32
      %dma_start3A_129 = tpu.memref_slice %arg16[%dma_start3A_127, %dma_start3A_128] : memref<10240x64xf32, #tpu.memory_space<vmem_shared>> -> memref<10240x64xf32, #tpu.memory_space<vmem_shared>>
      tpu.enqueue_indirect_dma source(%dma_start3A_129 : memref<10240x64xf32, #tpu.memory_space<vmem_shared>>) target(%arg11 : memref<128x64xf32, #tpu.memory_space<vmem>>) offsets(%dma_start3A_126 : memref<128xi32, #tpu.memory_space<vmem>>) semaphore(%arg17 : memref<!tpu.dma_semaphore, #tpu.memory_space<semaphore_mem>>)
      %dma_wait3A_130 = arith.constant 1 : i32
      %dma_wait3A_131 = arith.constant 0 : i32
      %dma_wait3A_132 = tpu.memref_slice %arg7[%dma_wait3A_130, %dma_wait3A_131] : memref<4x128xi32, #tpu.memory_space<vmem>> -> memref<1x128xi32, #tpu.memory_space<vmem>>
      %dma_wait3A_133 = tpu.memref_squeeze %dma_wait3A_132 : memref<1x128xi32, #tpu.memory_space<vmem>> -> memref<128xi32, #tpu.memory_space<vmem>>
      %dma_wait3A_134 = arith.constant 0 : i32
      %dma_wait3A_135 = arith.constant 0 : i32
      %dma_wait3A_136 = tpu.memref_slice %arg16[%dma_wait3A_134, %dma_wait3A_135] : memref<10240x64xf32, #tpu.memory_space<vmem_shared>> -> memref<10240x64xf32, #tpu.memory_space<vmem_shared>>
      tpu.wait_indirect_dma semaphore(%arg18 : memref<!tpu.dma_semaphore, #tpu.memory_space<semaphore_mem>>) src(%dma_wait3A_136 : memref<10240x64xf32, #tpu.memory_space<vmem_shared>>) dst(%arg12 : memref<128x64xf32, #tpu.memory_space<vmem>>)
      %run_scoped3A_137 = arith.constant 1 : i32
      "tpu.region"() ({
        %run_scoped3A_290 = tpu.sem_alloc : memref<!tpu.dma_semaphore, #tpu.memory_space<semaphore_mem>>
        %dma_start3A_291 = arith.constant 0 : i32
        %dma_start3A_292 = tpu.memref_slice %arg9[%run_scoped3A_137, %dma_start3A_291] : memref<4x128xi32, #tpu.memory_space<vmem>> -> memref<1x128xi32, #tpu.memory_space<vmem>>
        %dma_start3A_293 = tpu.memref_squeeze %dma_start3A_292 : memref<1x128xi32, #tpu.memory_space<vmem>> -> memref<128xi32, #tpu.memory_space<vmem>>
        %dma_start3A_294 = arith.constant 0 : i32
        %dma_start3A_295 = arith.constant 0 : i32
        %dma_start3A_296 = tpu.memref_slice %arg15[%dma_start3A_294, %dma_start3A_295] : memref<10240x64xf32, #tpu.memory_space<vmem_shared>> -> memref<10240x64xf32, #tpu.memory_space<vmem_shared>>
        tpu.enqueue_indirect_dma source(%arg12 : memref<128x64xf32, #tpu.memory_space<vmem>>) target(%dma_start3A_296 : memref<10240x64xf32, #tpu.memory_space<vmem_shared>>) offsets(%dma_start3A_293 : memref<128xi32, #tpu.memory_space<vmem>>) semaphore(%run_scoped3A_290 : memref<!tpu.dma_semaphore, #tpu.memory_space<semaphore_mem>>) {add = true}
        %dma_wait3A_297 = arith.constant 0 : i32
        %dma_wait3A_298 = tpu.memref_slice %arg9[%run_scoped3A_137, %dma_wait3A_297] : memref<4x128xi32, #tpu.memory_space<vmem>> -> memref<1x128xi32, #tpu.memory_space<vmem>>
        %dma_wait3A_299 = tpu.memref_squeeze %dma_wait3A_298 : memref<1x128xi32, #tpu.memory_space<vmem>> -> memref<128xi32, #tpu.memory_space<vmem>>
        %dma_wait3A_300 = arith.constant 0 : i32
        %dma_wait3A_301 = arith.constant 0 : i32
        %dma_wait3A_302 = tpu.memref_slice %arg15[%dma_wait3A_300, %dma_wait3A_301] : memref<10240x64xf32, #tpu.memory_space<vmem_shared>> -> memref<10240x64xf32, #tpu.memory_space<vmem_shared>>
        tpu.wait_indirect_dma semaphore(%run_scoped3A_290 : memref<!tpu.dma_semaphore, #tpu.memory_space<semaphore_mem>>) src(%arg12 : memref<128x64xf32, #tpu.memory_space<vmem>>) dst(%dma_wait3A_302 : memref<10240x64xf32, #tpu.memory_space<vmem_shared>>)
        tpu.yield
      }) : () -> ()
      %dma_start3A_138 = arith.constant 1 : i32
      %dma_start3A_139 = arith.constant 0 : i32
      %dma_start3A_140 = tpu.memref_slice %arg8[%dma_start3A_138, %dma_start3A_139] : memref<4x128xi32, #tpu.memory_space<vmem>> -> memref<1x128xi32, #tpu.memory_space<vmem>>
      %dma_start3A_141 = tpu.memref_squeeze %dma_start3A_140 : memref<1x128xi32, #tpu.memory_space<vmem>> -> memref<128xi32, #tpu.memory_space<vmem>>
      %dma_start3A_142 = arith.constant 0 : i32
      %dma_start3A_143 = arith.constant 0 : i32
      %dma_start3A_144 = tpu.memref_slice %arg16[%dma_start3A_142, %dma_start3A_143] : memref<10240x64xf32, #tpu.memory_space<vmem_shared>> -> memref<10240x64xf32, #tpu.memory_space<vmem_shared>>
      tpu.enqueue_indirect_dma source(%dma_start3A_144 : memref<10240x64xf32, #tpu.memory_space<vmem_shared>>) target(%arg12 : memref<128x64xf32, #tpu.memory_space<vmem>>) offsets(%dma_start3A_141 : memref<128xi32, #tpu.memory_space<vmem>>) semaphore(%arg18 : memref<!tpu.dma_semaphore, #tpu.memory_space<semaphore_mem>>)
      %dma_wait3A_145 = arith.constant 2 : i32
      %dma_wait3A_146 = arith.constant 0 : i32
      %dma_wait3A_147 = tpu.memref_slice %arg7[%dma_wait3A_145, %dma_wait3A_146] : memref<4x128xi32, #tpu.memory_space<vmem>> -> memref<1x128xi32, #tpu.memory_space<vmem>>
      %dma_wait3A_148 = tpu.memref_squeeze %dma_wait3A_147 : memref<1x128xi32, #tpu.memory_space<vmem>> -> memref<128xi32, #tpu.memory_space<vmem>>
      %dma_wait3A_149 = arith.constant 0 : i32
      %dma_wait3A_150 = arith.constant 0 : i32
      %dma_wait3A_151 = tpu.memref_slice %arg16[%dma_wait3A_149, %dma_wait3A_150] : memref<10240x64xf32, #tpu.memory_space<vmem_shared>> -> memref<10240x64xf32, #tpu.memory_space<vmem_shared>>
      tpu.wait_indirect_dma semaphore(%arg19 : memref<!tpu.dma_semaphore, #tpu.memory_space<semaphore_mem>>) src(%dma_wait3A_151 : memref<10240x64xf32, #tpu.memory_space<vmem_shared>>) dst(%arg13 : memref<128x64xf32, #tpu.memory_space<vmem>>)
      %run_scoped3A_152 = arith.constant 2 : i32
      "tpu.region"() ({
        %run_scoped3A_290 = tpu.sem_alloc : memref<!tpu.dma_semaphore, #tpu.memory_space<semaphore_mem>>
        %dma_start3A_291 = arith.constant 0 : i32
        %dma_start3A_292 = tpu.memref_slice %arg9[%run_scoped3A_152, %dma_start3A_291] : memref<4x128xi32, #tpu.memory_space<vmem>> -> memref<1x128xi32, #tpu.memory_space<vmem>>
        %dma_start3A_293 = tpu.memref_squeeze %dma_start3A_292 : memref<1x128xi32, #tpu.memory_space<vmem>> -> memref<128xi32, #tpu.memory_space<vmem>>
        %dma_start3A_294 = arith.constant 0 : i32
        %dma_start3A_295 = arith.constant 0 : i32
        %dma_start3A_296 = tpu.memref_slice %arg15[%dma_start3A_294, %dma_start3A_295] : memref<10240x64xf32, #tpu.memory_space<vmem_shared>> -> memref<10240x64xf32, #tpu.memory_space<vmem_shared>>
        tpu.enqueue_indirect_dma source(%arg13 : memref<128x64xf32, #tpu.memory_space<vmem>>) target(%dma_start3A_296 : memref<10240x64xf32, #tpu.memory_space<vmem_shared>>) offsets(%dma_start3A_293 : memref<128xi32, #tpu.memory_space<vmem>>) semaphore(%run_scoped3A_290 : memref<!tpu.dma_semaphore, #tpu.memory_space<semaphore_mem>>) {add = true}
        %dma_wait3A_297 = arith.constant 0 : i32
        %dma_wait3A_298 = tpu.memref_slice %arg9[%run_scoped3A_152, %dma_wait3A_297] : memref<4x128xi32, #tpu.memory_space<vmem>> -> memref<1x128xi32, #tpu.memory_space<vmem>>
        %dma_wait3A_299 = tpu.memref_squeeze %dma_wait3A_298 : memref<1x128xi32, #tpu.memory_space<vmem>> -> memref<128xi32, #tpu.memory_space<vmem>>
        %dma_wait3A_300 = arith.constant 0 : i32
        %dma_wait3A_301 = arith.constant 0 : i32
        %dma_wait3A_302 = tpu.memref_slice %arg15[%dma_wait3A_300, %dma_wait3A_301] : memref<10240x64xf32, #tpu.memory_space<vmem_shared>> -> memref<10240x64xf32, #tpu.memory_space<vmem_shared>>
        tpu.wait_indirect_dma semaphore(%run_scoped3A_290 : memref<!tpu.dma_semaphore, #tpu.memory_space<semaphore_mem>>) src(%arg13 : memref<128x64xf32, #tpu.memory_space<vmem>>) dst(%dma_wait3A_302 : memref<10240x64xf32, #tpu.memory_space<vmem_shared>>)
        tpu.yield
      }) : () -> ()
      %dma_start3A_153 = arith.constant 2 : i32
      %dma_start3A_154 = arith.constant 0 : i32
      %dma_start3A_155 = tpu.memref_slice %arg8[%dma_start3A_153, %dma_start3A_154] : memref<4x128xi32, #tpu.memory_space<vmem>> -> memref<1x128xi32, #tpu.memory_space<vmem>>
      %dma_start3A_156 = tpu.memref_squeeze %dma_start3A_155 : memref<1x128xi32, #tpu.memory_space<vmem>> -> memref<128xi32, #tpu.memory_space<vmem>>
      %dma_start3A_157 = arith.constant 0 : i32
      %dma_start3A_158 = arith.constant 0 : i32
      %dma_start3A_159 = tpu.memref_slice %arg16[%dma_start3A_157, %dma_start3A_158] : memref<10240x64xf32, #tpu.memory_space<vmem_shared>> -> memref<10240x64xf32, #tpu.memory_space<vmem_shared>>
      tpu.enqueue_indirect_dma source(%dma_start3A_159 : memref<10240x64xf32, #tpu.memory_space<vmem_shared>>) target(%arg13 : memref<128x64xf32, #tpu.memory_space<vmem>>) offsets(%dma_start3A_156 : memref<128xi32, #tpu.memory_space<vmem>>) semaphore(%arg19 : memref<!tpu.dma_semaphore, #tpu.memory_space<semaphore_mem>>)
      %dma_wait3A_160 = arith.constant 3 : i32
      %dma_wait3A_161 = arith.constant 0 : i32
      %dma_wait3A_162 = tpu.memref_slice %arg7[%dma_wait3A_160, %dma_wait3A_161] : memref<4x128xi32, #tpu.memory_space<vmem>> -> memref<1x128xi32, #tpu.memory_space<vmem>>
      %dma_wait3A_163 = tpu.memref_squeeze %dma_wait3A_162 : memref<1x128xi32, #tpu.memory_space<vmem>> -> memref<128xi32, #tpu.memory_space<vmem>>
      %dma_wait3A_164 = arith.constant 0 : i32
      %dma_wait3A_165 = arith.constant 0 : i32
      %dma_wait3A_166 = tpu.memref_slice %arg16[%dma_wait3A_164, %dma_wait3A_165] : memref<10240x64xf32, #tpu.memory_space<vmem_shared>> -> memref<10240x64xf32, #tpu.memory_space<vmem_shared>>
      tpu.wait_indirect_dma semaphore(%arg20 : memref<!tpu.dma_semaphore, #tpu.memory_space<semaphore_mem>>) src(%dma_wait3A_166 : memref<10240x64xf32, #tpu.memory_space<vmem_shared>>) dst(%arg14 : memref<128x64xf32, #tpu.memory_space<vmem>>)
      %run_scoped3A_167 = arith.constant 3 : i32
      "tpu.region"() ({
        %run_scoped3A_290 = tpu.sem_alloc : memref<!tpu.dma_semaphore, #tpu.memory_space<semaphore_mem>>
        %dma_start3A_291 = arith.constant 0 : i32
        %dma_start3A_292 = tpu.memref_slice %arg9[%run_scoped3A_167, %dma_start3A_291] : memref<4x128xi32, #tpu.memory_space<vmem>> -> memref<1x128xi32, #tpu.memory_space<vmem>>
        %dma_start3A_293 = tpu.memref_squeeze %dma_start3A_292 : memref<1x128xi32, #tpu.memory_space<vmem>> -> memref<128xi32, #tpu.memory_space<vmem>>
        %dma_start3A_294 = arith.constant 0 : i32
        %dma_start3A_295 = arith.constant 0 : i32
        %dma_start3A_296 = tpu.memref_slice %arg15[%dma_start3A_294, %dma_start3A_295] : memref<10240x64xf32, #tpu.memory_space<vmem_shared>> -> memref<10240x64xf32, #tpu.memory_space<vmem_shared>>
        tpu.enqueue_indirect_dma source(%arg14 : memref<128x64xf32, #tpu.memory_space<vmem>>) target(%dma_start3A_296 : memref<10240x64xf32, #tpu.memory_space<vmem_shared>>) offsets(%dma_start3A_293 : memref<128xi32, #tpu.memory_space<vmem>>) semaphore(%run_scoped3A_290 : memref<!tpu.dma_semaphore, #tpu.memory_space<semaphore_mem>>) {add = true}
        %dma_wait3A_297 = arith.constant 0 : i32
        %dma_wait3A_298 = tpu.memref_slice %arg9[%run_scoped3A_167, %dma_wait3A_297] : memref<4x128xi32, #tpu.memory_space<vmem>> -> memref<1x128xi32, #tpu.memory_space<vmem>>
        %dma_wait3A_299 = tpu.memref_squeeze %dma_wait3A_298 : memref<1x128xi32, #tpu.memory_space<vmem>> -> memref<128xi32, #tpu.memory_space<vmem>>
        %dma_wait3A_300 = arith.constant 0 : i32
        %dma_wait3A_301 = arith.constant 0 : i32
        %dma_wait3A_302 = tpu.memref_slice %arg15[%dma_wait3A_300, %dma_wait3A_301] : memref<10240x64xf32, #tpu.memory_space<vmem_shared>> -> memref<10240x64xf32, #tpu.memory_space<vmem_shared>>
        tpu.wait_indirect_dma semaphore(%run_scoped3A_290 : memref<!tpu.dma_semaphore, #tpu.memory_space<semaphore_mem>>) src(%arg14 : memref<128x64xf32, #tpu.memory_space<vmem>>) dst(%dma_wait3A_302 : memref<10240x64xf32, #tpu.memory_space<vmem_shared>>)
        tpu.yield
      }) : () -> ()
      %dma_start3A_168 = arith.constant 3 : i32
      %dma_start3A_169 = arith.constant 0 : i32
      %dma_start3A_170 = tpu.memref_slice %arg8[%dma_start3A_168, %dma_start3A_169] : memref<4x128xi32, #tpu.memory_space<vmem>> -> memref<1x128xi32, #tpu.memory_space<vmem>>
      %dma_start3A_171 = tpu.memref_squeeze %dma_start3A_170 : memref<1x128xi32, #tpu.memory_space<vmem>> -> memref<128xi32, #tpu.memory_space<vmem>>
      %dma_start3A_172 = arith.constant 0 : i32
      %dma_start3A_173 = arith.constant 0 : i32
      %dma_start3A_174 = tpu.memref_slice %arg16[%dma_start3A_172, %dma_start3A_173] : memref<10240x64xf32, #tpu.memory_space<vmem_shared>> -> memref<10240x64xf32, #tpu.memory_space<vmem_shared>>
      tpu.enqueue_indirect_dma source(%dma_start3A_174 : memref<10240x64xf32, #tpu.memory_space<vmem_shared>>) target(%arg14 : memref<128x64xf32, #tpu.memory_space<vmem>>) offsets(%dma_start3A_171 : memref<128xi32, #tpu.memory_space<vmem>>) semaphore(%arg20 : memref<!tpu.dma_semaphore, #tpu.memory_space<semaphore_mem>>)
      %add3A_175 = arith.constant 2 : i32
      %add3A_176 = arith.addi %mul3A_99, %add3A_175 : i32
      %rem3A = arith.constant 40 : i32
      %rem3A_177 = arith.remsi %add3A_176, %rem3A : i32
      %mul3A_178 = arith.constant 4 : i32
      %mul3A_179 = arith.muli %rem3A_177, %mul3A_178 : i32
      %dma_start3A_180 = arith.constant 0 : i32
      %dma_start3A_181 = tpu.memref_slice %arg3[%arg1, %mul3A_179, %dma_start3A_180] : memref<16x160x128xi32, #tpu.memory_space<hbm>> -> memref<1x4x128xi32, #tpu.memory_space<hbm>>
      %dma_start3A_182 = tpu.memref_squeeze %dma_start3A_181 : memref<1x4x128xi32, #tpu.memory_space<hbm>> -> memref<4x128xi32, #tpu.memory_space<hbm>>
      %dma_start3A_183 = arith.constant 0 : i32
      %dma_start3A_184 = tpu.memref_slice %arg3[%arg1, %mul3A_179, %dma_start3A_183] : memref<16x160x128xi32, #tpu.memory_space<hbm>> -> memref<1x4x128xi32, #tpu.memory_space<hbm>>
      %dma_start3A_185 = tpu.memref_squeeze %dma_start3A_184 : memref<1x4x128xi32, #tpu.memory_space<hbm>> -> memref<4x128xi32, #tpu.memory_space<hbm>>
      tpu.enqueue_dma source(%dma_start3A_185 : memref<4x128xi32, #tpu.memory_space<hbm>>) target(%arg7 : memref<4x128xi32, #tpu.memory_space<vmem>>) target_semaphore(%arg21 : memref<!tpu.dma_semaphore, #tpu.memory_space<semaphore_mem>>)
      %dma_start3A_186 = arith.constant 0 : i32
      %dma_start3A_187 = tpu.memref_slice %arg4[%arg1, %mul3A_179, %dma_start3A_186] : memref<16x160x128xi32, #tpu.memory_space<hbm>> -> memref<1x4x128xi32, #tpu.memory_space<hbm>>
      %dma_start3A_188 = tpu.memref_squeeze %dma_start3A_187 : memref<1x4x128xi32, #tpu.memory_space<hbm>> -> memref<4x128xi32, #tpu.memory_space<hbm>>
      %dma_start3A_189 = arith.constant 0 : i32
      %dma_start3A_190 = tpu.memref_slice %arg4[%arg1, %mul3A_179, %dma_start3A_189] : memref<16x160x128xi32, #tpu.memory_space<hbm>> -> memref<1x4x128xi32, #tpu.memory_space<hbm>>
      %dma_start3A_191 = tpu.memref_squeeze %dma_start3A_190 : memref<1x4x128xi32, #tpu.memory_space<hbm>> -> memref<4x128xi32, #tpu.memory_space<hbm>>
      tpu.enqueue_dma source(%dma_start3A_191 : memref<4x128xi32, #tpu.memory_space<hbm>>) target(%arg9 : memref<4x128xi32, #tpu.memory_space<vmem>>) target_semaphore(%arg21 : memref<!tpu.dma_semaphore, #tpu.memory_space<semaphore_mem>>)
      %mul3A_192 = arith.constant 2 : i32
      %mul3A_193 = arith.muli %mul3A_192, %add3A_97 : i32
      %add3A_194 = arith.constant 1 : i32
      %add3A_195 = arith.addi %mul3A_193, %add3A_194 : i32
      %dma_wait3A_196 = arith.constant 0 : i32
      %dma_wait3A_197 = arith.constant 0 : i32
      %dma_wait3A_198 = tpu.memref_slice %arg3[%arg1, %dma_wait3A_196, %dma_wait3A_197] : memref<16x160x128xi32, #tpu.memory_space<hbm>> -> memref<1x4x128xi32, #tpu.memory_space<hbm>>
      %dma_wait3A_199 = tpu.memref_squeeze %dma_wait3A_198 : memref<1x4x128xi32, #tpu.memory_space<hbm>> -> memref<4x128xi32, #tpu.memory_space<hbm>>
      %dma_wait3A_200 = arith.constant 0 : i32
      %dma_wait3A_201 = arith.constant 0 : i32
      %dma_wait3A_202 = tpu.memref_slice %arg3[%arg1, %dma_wait3A_200, %dma_wait3A_201] : memref<16x160x128xi32, #tpu.memory_space<hbm>> -> memref<1x4x128xi32, #tpu.memory_space<hbm>>
      %dma_wait3A_203 = tpu.memref_squeeze %dma_wait3A_202 : memref<1x4x128xi32, #tpu.memory_space<hbm>> -> memref<4x128xi32, #tpu.memory_space<hbm>>
      tpu.wait_dma2 semaphore(%arg21 : memref<!tpu.dma_semaphore, #tpu.memory_space<semaphore_mem>>) src(%dma_wait3A_203 : memref<4x128xi32, #tpu.memory_space<hbm>>) dst(%arg7 : memref<4x128xi32, #tpu.memory_space<vmem>>)
      %dma_wait3A_204 = arith.constant 0 : i32
      %dma_wait3A_205 = arith.constant 0 : i32
      %dma_wait3A_206 = tpu.memref_slice %arg4[%arg1, %dma_wait3A_204, %dma_wait3A_205] : memref<16x160x128xi32, #tpu.memory_space<hbm>> -> memref<1x4x128xi32, #tpu.memory_space<hbm>>
      %dma_wait3A_207 = tpu.memref_squeeze %dma_wait3A_206 : memref<1x4x128xi32, #tpu.memory_space<hbm>> -> memref<4x128xi32, #tpu.memory_space<hbm>>
      %dma_wait3A_208 = arith.constant 0 : i32
      %dma_wait3A_209 = arith.constant 0 : i32
      %dma_wait3A_210 = tpu.memref_slice %arg4[%arg1, %dma_wait3A_208, %dma_wait3A_209] : memref<16x160x128xi32, #tpu.memory_space<hbm>> -> memref<1x4x128xi32, #tpu.memory_space<hbm>>
      %dma_wait3A_211 = tpu.memref_squeeze %dma_wait3A_210 : memref<1x4x128xi32, #tpu.memory_space<hbm>> -> memref<4x128xi32, #tpu.memory_space<hbm>>
      tpu.wait_dma2 semaphore(%arg21 : memref<!tpu.dma_semaphore, #tpu.memory_space<semaphore_mem>>) src(%dma_wait3A_211 : memref<4x128xi32, #tpu.memory_space<hbm>>) dst(%arg9 : memref<4x128xi32, #tpu.memory_space<vmem>>)
      %dma_wait3A_212 = arith.constant 0 : i32
      %dma_wait3A_213 = arith.constant 0 : i32
      %dma_wait3A_214 = tpu.memref_slice %arg8[%dma_wait3A_212, %dma_wait3A_213] : memref<4x128xi32, #tpu.memory_space<vmem>> -> memref<1x128xi32, #tpu.memory_space<vmem>>
      %dma_wait3A_215 = tpu.memref_squeeze %dma_wait3A_214 : memref<1x128xi32, #tpu.memory_space<vmem>> -> memref<128xi32, #tpu.memory_space<vmem>>
      %dma_wait3A_216 = arith.constant 0 : i32
      %dma_wait3A_217 = arith.constant 0 : i32
      %dma_wait3A_218 = tpu.memref_slice %arg16[%dma_wait3A_216, %dma_wait3A_217] : memref<10240x64xf32, #tpu.memory_space<vmem_shared>> -> memref<10240x64xf32, #tpu.memory_space<vmem_shared>>
      tpu.wait_indirect_dma semaphore(%arg17 : memref<!tpu.dma_semaphore, #tpu.memory_space<semaphore_mem>>) src(%dma_wait3A_218 : memref<10240x64xf32, #tpu.memory_space<vmem_shared>>) dst(%arg11 : memref<128x64xf32, #tpu.memory_space<vmem>>)
      %run_scoped3A_219 = arith.constant 0 : i32
      "tpu.region"() ({
        %run_scoped3A_290 = tpu.sem_alloc : memref<!tpu.dma_semaphore, #tpu.memory_space<semaphore_mem>>
        %dma_start3A_291 = arith.constant 0 : i32
        %dma_start3A_292 = tpu.memref_slice %arg10[%run_scoped3A_219, %dma_start3A_291] : memref<4x128xi32, #tpu.memory_space<vmem>> -> memref<1x128xi32, #tpu.memory_space<vmem>>
        %dma_start3A_293 = tpu.memref_squeeze %dma_start3A_292 : memref<1x128xi32, #tpu.memory_space<vmem>> -> memref<128xi32, #tpu.memory_space<vmem>>
        %dma_start3A_294 = arith.constant 0 : i32
        %dma_start3A_295 = arith.constant 0 : i32
        %dma_start3A_296 = tpu.memref_slice %arg15[%dma_start3A_294, %dma_start3A_295] : memref<10240x64xf32, #tpu.memory_space<vmem_shared>> -> memref<10240x64xf32, #tpu.memory_space<vmem_shared>>
        tpu.enqueue_indirect_dma source(%arg11 : memref<128x64xf32, #tpu.memory_space<vmem>>) target(%dma_start3A_296 : memref<10240x64xf32, #tpu.memory_space<vmem_shared>>) offsets(%dma_start3A_293 : memref<128xi32, #tpu.memory_space<vmem>>) semaphore(%run_scoped3A_290 : memref<!tpu.dma_semaphore, #tpu.memory_space<semaphore_mem>>) {add = true}
        %dma_wait3A_297 = arith.constant 0 : i32
        %dma_wait3A_298 = tpu.memref_slice %arg10[%run_scoped3A_219, %dma_wait3A_297] : memref<4x128xi32, #tpu.memory_space<vmem>> -> memref<1x128xi32, #tpu.memory_space<vmem>>
        %dma_wait3A_299 = tpu.memref_squeeze %dma_wait3A_298 : memref<1x128xi32, #tpu.memory_space<vmem>> -> memref<128xi32, #tpu.memory_space<vmem>>
        %dma_wait3A_300 = arith.constant 0 : i32
        %dma_wait3A_301 = arith.constant 0 : i32
        %dma_wait3A_302 = tpu.memref_slice %arg15[%dma_wait3A_300, %dma_wait3A_301] : memref<10240x64xf32, #tpu.memory_space<vmem_shared>> -> memref<10240x64xf32, #tpu.memory_space<vmem_shared>>
        tpu.wait_indirect_dma semaphore(%run_scoped3A_290 : memref<!tpu.dma_semaphore, #tpu.memory_space<semaphore_mem>>) src(%arg11 : memref<128x64xf32, #tpu.memory_space<vmem>>) dst(%dma_wait3A_302 : memref<10240x64xf32, #tpu.memory_space<vmem_shared>>)
        tpu.yield
      }) : () -> ()
      %dma_start3A_220 = arith.constant 0 : i32
      %dma_start3A_221 = arith.constant 0 : i32
      %dma_start3A_222 = tpu.memref_slice %arg7[%dma_start3A_220, %dma_start3A_221] : memref<4x128xi32, #tpu.memory_space<vmem>> -> memref<1x128xi32, #tpu.memory_space<vmem>>
      %dma_start3A_223 = tpu.memref_squeeze %dma_start3A_222 : memref<1x128xi32, #tpu.memory_space<vmem>> -> memref<128xi32, #tpu.memory_space<vmem>>
      %dma_start3A_224 = arith.constant 0 : i32
      %dma_start3A_225 = arith.constant 0 : i32
      %dma_start3A_226 = tpu.memref_slice %arg16[%dma_start3A_224, %dma_start3A_225] : memref<10240x64xf32, #tpu.memory_space<vmem_shared>> -> memref<10240x64xf32, #tpu.memory_space<vmem_shared>>
      tpu.enqueue_indirect_dma source(%dma_start3A_226 : memref<10240x64xf32, #tpu.memory_space<vmem_shared>>) target(%arg11 : memref<128x64xf32, #tpu.memory_space<vmem>>) offsets(%dma_start3A_223 : memref<128xi32, #tpu.memory_space<vmem>>) semaphore(%arg17 : memref<!tpu.dma_semaphore, #tpu.memory_space<semaphore_mem>>)
      %dma_wait3A_227 = arith.constant 1 : i32
      %dma_wait3A_228 = arith.constant 0 : i32
      %dma_wait3A_229 = tpu.memref_slice %arg8[%dma_wait3A_227, %dma_wait3A_228] : memref<4x128xi32, #tpu.memory_space<vmem>> -> memref<1x128xi32, #tpu.memory_space<vmem>>
      %dma_wait3A_230 = tpu.memref_squeeze %dma_wait3A_229 : memref<1x128xi32, #tpu.memory_space<vmem>> -> memref<128xi32, #tpu.memory_space<vmem>>
      %dma_wait3A_231 = arith.constant 0 : i32
      %dma_wait3A_232 = arith.constant 0 : i32
      %dma_wait3A_233 = tpu.memref_slice %arg16[%dma_wait3A_231, %dma_wait3A_232] : memref<10240x64xf32, #tpu.memory_space<vmem_shared>> -> memref<10240x64xf32, #tpu.memory_space<vmem_shared>>
      tpu.wait_indirect_dma semaphore(%arg18 : memref<!tpu.dma_semaphore, #tpu.memory_space<semaphore_mem>>) src(%dma_wait3A_233 : memref<10240x64xf32, #tpu.memory_space<vmem_shared>>) dst(%arg12 : memref<128x64xf32, #tpu.memory_space<vmem>>)
      %run_scoped3A_234 = arith.constant 1 : i32
      "tpu.region"() ({
        %run_scoped3A_290 = tpu.sem_alloc : memref<!tpu.dma_semaphore, #tpu.memory_space<semaphore_mem>>
        %dma_start3A_291 = arith.constant 0 : i32
        %dma_start3A_292 = tpu.memref_slice %arg10[%run_scoped3A_234, %dma_start3A_291] : memref<4x128xi32, #tpu.memory_space<vmem>> -> memref<1x128xi32, #tpu.memory_space<vmem>>
        %dma_start3A_293 = tpu.memref_squeeze %dma_start3A_292 : memref<1x128xi32, #tpu.memory_space<vmem>> -> memref<128xi32, #tpu.memory_space<vmem>>
        %dma_start3A_294 = arith.constant 0 : i32
        %dma_start3A_295 = arith.constant 0 : i32
        %dma_start3A_296 = tpu.memref_slice %arg15[%dma_start3A_294, %dma_start3A_295] : memref<10240x64xf32, #tpu.memory_space<vmem_shared>> -> memref<10240x64xf32, #tpu.memory_space<vmem_shared>>
        tpu.enqueue_indirect_dma source(%arg12 : memref<128x64xf32, #tpu.memory_space<vmem>>) target(%dma_start3A_296 : memref<10240x64xf32, #tpu.memory_space<vmem_shared>>) offsets(%dma_start3A_293 : memref<128xi32, #tpu.memory_space<vmem>>) semaphore(%run_scoped3A_290 : memref<!tpu.dma_semaphore, #tpu.memory_space<semaphore_mem>>) {add = true}
        %dma_wait3A_297 = arith.constant 0 : i32
        %dma_wait3A_298 = tpu.memref_slice %arg10[%run_scoped3A_234, %dma_wait3A_297] : memref<4x128xi32, #tpu.memory_space<vmem>> -> memref<1x128xi32, #tpu.memory_space<vmem>>
        %dma_wait3A_299 = tpu.memref_squeeze %dma_wait3A_298 : memref<1x128xi32, #tpu.memory_space<vmem>> -> memref<128xi32, #tpu.memory_space<vmem>>
        %dma_wait3A_300 = arith.constant 0 : i32
        %dma_wait3A_301 = arith.constant 0 : i32
        %dma_wait3A_302 = tpu.memref_slice %arg15[%dma_wait3A_300, %dma_wait3A_301] : memref<10240x64xf32, #tpu.memory_space<vmem_shared>> -> memref<10240x64xf32, #tpu.memory_space<vmem_shared>>
        tpu.wait_indirect_dma semaphore(%run_scoped3A_290 : memref<!tpu.dma_semaphore, #tpu.memory_space<semaphore_mem>>) src(%arg12 : memref<128x64xf32, #tpu.memory_space<vmem>>) dst(%dma_wait3A_302 : memref<10240x64xf32, #tpu.memory_space<vmem_shared>>)
        tpu.yield
      }) : () -> ()
      %dma_start3A_235 = arith.constant 1 : i32
      %dma_start3A_236 = arith.constant 0 : i32
      %dma_start3A_237 = tpu.memref_slice %arg7[%dma_start3A_235, %dma_start3A_236] : memref<4x128xi32, #tpu.memory_space<vmem>> -> memref<1x128xi32, #tpu.memory_space<vmem>>
      %dma_start3A_238 = tpu.memref_squeeze %dma_start3A_237 : memref<1x128xi32, #tpu.memory_space<vmem>> -> memref<128xi32, #tpu.memory_space<vmem>>
      %dma_start3A_239 = arith.constant 0 : i32
      %dma_start3A_240 = arith.constant 0 : i32
      %dma_start3A_241 = tpu.memref_slice %arg16[%dma_start3A_239, %dma_start3A_240] : memref<10240x64xf32, #tpu.memory_space<vmem_shared>> -> memref<10240x64xf32, #tpu.memory_space<vmem_shared>>
      tpu.enqueue_indirect_dma source(%dma_start3A_241 : memref<10240x64xf32, #tpu.memory_space<vmem_shared>>) target(%arg12 : memref<128x64xf32, #tpu.memory_space<vmem>>) offsets(%dma_start3A_238 : memref<128xi32, #tpu.memory_space<vmem>>) semaphore(%arg18 : memref<!tpu.dma_semaphore, #tpu.memory_space<semaphore_mem>>)
      %dma_wait3A_242 = arith.constant 2 : i32
      %dma_wait3A_243 = arith.constant 0 : i32
      %dma_wait3A_244 = tpu.memref_slice %arg8[%dma_wait3A_242, %dma_wait3A_243] : memref<4x128xi32, #tpu.memory_space<vmem>> -> memref<1x128xi32, #tpu.memory_space<vmem>>
      %dma_wait3A_245 = tpu.memref_squeeze %dma_wait3A_244 : memref<1x128xi32, #tpu.memory_space<vmem>> -> memref<128xi32, #tpu.memory_space<vmem>>
      %dma_wait3A_246 = arith.constant 0 : i32
      %dma_wait3A_247 = arith.constant 0 : i32
      %dma_wait3A_248 = tpu.memref_slice %arg16[%dma_wait3A_246, %dma_wait3A_247] : memref<10240x64xf32, #tpu.memory_space<vmem_shared>> -> memref<10240x64xf32, #tpu.memory_space<vmem_shared>>
      tpu.wait_indirect_dma semaphore(%arg19 : memref<!tpu.dma_semaphore, #tpu.memory_space<semaphore_mem>>) src(%dma_wait3A_248 : memref<10240x64xf32, #tpu.memory_space<vmem_shared>>) dst(%arg13 : memref<128x64xf32, #tpu.memory_space<vmem>>)
      %run_scoped3A_249 = arith.constant 2 : i32
      "tpu.region"() ({
        %run_scoped3A_290 = tpu.sem_alloc : memref<!tpu.dma_semaphore, #tpu.memory_space<semaphore_mem>>
        %dma_start3A_291 = arith.constant 0 : i32
        %dma_start3A_292 = tpu.memref_slice %arg10[%run_scoped3A_249, %dma_start3A_291] : memref<4x128xi32, #tpu.memory_space<vmem>> -> memref<1x128xi32, #tpu.memory_space<vmem>>
        %dma_start3A_293 = tpu.memref_squeeze %dma_start3A_292 : memref<1x128xi32, #tpu.memory_space<vmem>> -> memref<128xi32, #tpu.memory_space<vmem>>
        %dma_start3A_294 = arith.constant 0 : i32
        %dma_start3A_295 = arith.constant 0 : i32
        %dma_start3A_296 = tpu.memref_slice %arg15[%dma_start3A_294, %dma_start3A_295] : memref<10240x64xf32, #tpu.memory_space<vmem_shared>> -> memref<10240x64xf32, #tpu.memory_space<vmem_shared>>
        tpu.enqueue_indirect_dma source(%arg13 : memref<128x64xf32, #tpu.memory_space<vmem>>) target(%dma_start3A_296 : memref<10240x64xf32, #tpu.memory_space<vmem_shared>>) offsets(%dma_start3A_293 : memref<128xi32, #tpu.memory_space<vmem>>) semaphore(%run_scoped3A_290 : memref<!tpu.dma_semaphore, #tpu.memory_space<semaphore_mem>>) {add = true}
        %dma_wait3A_297 = arith.constant 0 : i32
        %dma_wait3A_298 = tpu.memref_slice %arg10[%run_scoped3A_249, %dma_wait3A_297] : memref<4x128xi32, #tpu.memory_space<vmem>> -> memref<1x128xi32, #tpu.memory_space<vmem>>
        %dma_wait3A_299 = tpu.memref_squeeze %dma_wait3A_298 : memref<1x128xi32, #tpu.memory_space<vmem>> -> memref<128xi32, #tpu.memory_space<vmem>>
        %dma_wait3A_300 = arith.constant 0 : i32
        %dma_wait3A_301 = arith.constant 0 : i32
        %dma_wait3A_302 = tpu.memref_slice %arg15[%dma_wait3A_300, %dma_wait3A_301] : memref<10240x64xf32, #tpu.memory_space<vmem_shared>> -> memref<10240x64xf32, #tpu.memory_space<vmem_shared>>
        tpu.wait_indirect_dma semaphore(%run_scoped3A_290 : memref<!tpu.dma_semaphore, #tpu.memory_space<semaphore_mem>>) src(%arg13 : memref<128x64xf32, #tpu.memory_space<vmem>>) dst(%dma_wait3A_302 : memref<10240x64xf32, #tpu.memory_space<vmem_shared>>)
        tpu.yield
      }) : () -> ()
      %dma_start3A_250 = arith.constant 2 : i32
      %dma_start3A_251 = arith.constant 0 : i32
      %dma_start3A_252 = tpu.memref_slice %arg7[%dma_start3A_250, %dma_start3A_251] : memref<4x128xi32, #tpu.memory_space<vmem>> -> memref<1x128xi32, #tpu.memory_space<vmem>>
      %dma_start3A_253 = tpu.memref_squeeze %dma_start3A_252 : memref<1x128xi32, #tpu.memory_space<vmem>> -> memref<128xi32, #tpu.memory_space<vmem>>
      %dma_start3A_254 = arith.constant 0 : i32
      %dma_start3A_255 = arith.constant 0 : i32
      %dma_start3A_256 = tpu.memref_slice %arg16[%dma_start3A_254, %dma_start3A_255] : memref<10240x64xf32, #tpu.memory_space<vmem_shared>> -> memref<10240x64xf32, #tpu.memory_space<vmem_shared>>
      tpu.enqueue_indirect_dma source(%dma_start3A_256 : memref<10240x64xf32, #tpu.memory_space<vmem_shared>>) target(%arg13 : memref<128x64xf32, #tpu.memory_space<vmem>>) offsets(%dma_start3A_253 : memref<128xi32, #tpu.memory_space<vmem>>) semaphore(%arg19 : memref<!tpu.dma_semaphore, #tpu.memory_space<semaphore_mem>>)
      %dma_wait3A_257 = arith.constant 3 : i32
      %dma_wait3A_258 = arith.constant 0 : i32
      %dma_wait3A_259 = tpu.memref_slice %arg8[%dma_wait3A_257, %dma_wait3A_258] : memref<4x128xi32, #tpu.memory_space<vmem>> -> memref<1x128xi32, #tpu.memory_space<vmem>>
      %dma_wait3A_260 = tpu.memref_squeeze %dma_wait3A_259 : memref<1x128xi32, #tpu.memory_space<vmem>> -> memref<128xi32, #tpu.memory_space<vmem>>
      %dma_wait3A_261 = arith.constant 0 : i32
      %dma_wait3A_262 = arith.constant 0 : i32
      %dma_wait3A_263 = tpu.memref_slice %arg16[%dma_wait3A_261, %dma_wait3A_262] : memref<10240x64xf32, #tpu.memory_space<vmem_shared>> -> memref<10240x64xf32, #tpu.memory_space<vmem_shared>>
      tpu.wait_indirect_dma semaphore(%arg20 : memref<!tpu.dma_semaphore, #tpu.memory_space<semaphore_mem>>) src(%dma_wait3A_263 : memref<10240x64xf32, #tpu.memory_space<vmem_shared>>) dst(%arg14 : memref<128x64xf32, #tpu.memory_space<vmem>>)
      %run_scoped3A_264 = arith.constant 3 : i32
      "tpu.region"() ({
        %run_scoped3A_290 = tpu.sem_alloc : memref<!tpu.dma_semaphore, #tpu.memory_space<semaphore_mem>>
        %dma_start3A_291 = arith.constant 0 : i32
        %dma_start3A_292 = tpu.memref_slice %arg10[%run_scoped3A_264, %dma_start3A_291] : memref<4x128xi32, #tpu.memory_space<vmem>> -> memref<1x128xi32, #tpu.memory_space<vmem>>
        %dma_start3A_293 = tpu.memref_squeeze %dma_start3A_292 : memref<1x128xi32, #tpu.memory_space<vmem>> -> memref<128xi32, #tpu.memory_space<vmem>>
        %dma_start3A_294 = arith.constant 0 : i32
        %dma_start3A_295 = arith.constant 0 : i32
        %dma_start3A_296 = tpu.memref_slice %arg15[%dma_start3A_294, %dma_start3A_295] : memref<10240x64xf32, #tpu.memory_space<vmem_shared>> -> memref<10240x64xf32, #tpu.memory_space<vmem_shared>>
        tpu.enqueue_indirect_dma source(%arg14 : memref<128x64xf32, #tpu.memory_space<vmem>>) target(%dma_start3A_296 : memref<10240x64xf32, #tpu.memory_space<vmem_shared>>) offsets(%dma_start3A_293 : memref<128xi32, #tpu.memory_space<vmem>>) semaphore(%run_scoped3A_290 : memref<!tpu.dma_semaphore, #tpu.memory_space<semaphore_mem>>) {add = true}
        %dma_wait3A_297 = arith.constant 0 : i32
        %dma_wait3A_298 = tpu.memref_slice %arg10[%run_scoped3A_264, %dma_wait3A_297] : memref<4x128xi32, #tpu.memory_space<vmem>> -> memref<1x128xi32, #tpu.memory_space<vmem>>
        %dma_wait3A_299 = tpu.memref_squeeze %dma_wait3A_298 : memref<1x128xi32, #tpu.memory_space<vmem>> -> memref<128xi32, #tpu.memory_space<vmem>>
        %dma_wait3A_300 = arith.constant 0 : i32
        %dma_wait3A_301 = arith.constant 0 : i32
        %dma_wait3A_302 = tpu.memref_slice %arg15[%dma_wait3A_300, %dma_wait3A_301] : memref<10240x64xf32, #tpu.memory_space<vmem_shared>> -> memref<10240x64xf32, #tpu.memory_space<vmem_shared>>
        tpu.wait_indirect_dma semaphore(%run_scoped3A_290 : memref<!tpu.dma_semaphore, #tpu.memory_space<semaphore_mem>>) src(%arg14 : memref<128x64xf32, #tpu.memory_space<vmem>>) dst(%dma_wait3A_302 : memref<10240x64xf32, #tpu.memory_space<vmem_shared>>)
        tpu.yield
      }) : () -> ()
      %dma_start3A_265 = arith.constant 3 : i32
      %dma_start3A_266 = arith.constant 0 : i32
      %dma_start3A_267 = tpu.memref_slice %arg7[%dma_start3A_265, %dma_start3A_266] : memref<4x128xi32, #tpu.memory_space<vmem>> -> memref<1x128xi32, #tpu.memory_space<vmem>>
      %dma_start3A_268 = tpu.memref_squeeze %dma_start3A_267 : memref<1x128xi32, #tpu.memory_space<vmem>> -> memref<128xi32, #tpu.memory_space<vmem>>
      %dma_start3A_269 = arith.constant 0 : i32
      %dma_start3A_270 = arith.constant 0 : i32
      %dma_start3A_271 = tpu.memref_slice %arg16[%dma_start3A_269, %dma_start3A_270] : memref<10240x64xf32, #tpu.memory_space<vmem_shared>> -> memref<10240x64xf32, #tpu.memory_space<vmem_shared>>
      tpu.enqueue_indirect_dma source(%dma_start3A_271 : memref<10240x64xf32, #tpu.memory_space<vmem_shared>>) target(%arg14 : memref<128x64xf32, #tpu.memory_space<vmem>>) offsets(%dma_start3A_268 : memref<128xi32, #tpu.memory_space<vmem>>) semaphore(%arg20 : memref<!tpu.dma_semaphore, #tpu.memory_space<semaphore_mem>>)
      %add3A_272 = arith.constant 2 : i32
      %add3A_273 = arith.addi %add3A_195, %add3A_272 : i32
      %rem3A_274 = arith.constant 40 : i32
      %rem3A_275 = arith.remsi %add3A_273, %rem3A_274 : i32
      %mul3A_276 = arith.constant 4 : i32
      %mul3A_277 = arith.muli %rem3A_275, %mul3A_276 : i32
      %dma_start3A_278 = arith.constant 0 : i32
      %dma_start3A_279 = tpu.memref_slice %arg3[%arg1, %mul3A_277, %dma_start3A_278] : memref<16x160x128xi32, #tpu.memory_space<hbm>> -> memref<1x4x128xi32, #tpu.memory_space<hbm>>
      %dma_start3A_280 = tpu.memref_squeeze %dma_start3A_279 : memref<1x4x128xi32, #tpu.memory_space<hbm>> -> memref<4x128xi32, #tpu.memory_space<hbm>>
      %dma_start3A_281 = arith.constant 0 : i32
      %dma_start3A_282 = tpu.memref_slice %arg3[%arg1, %mul3A_277, %dma_start3A_281] : memref<16x160x128xi32, #tpu.memory_space<hbm>> -> memref<1x4x128xi32, #tpu.memory_space<hbm>>
      %dma_start3A_283 = tpu.memref_squeeze %dma_start3A_282 : memref<1x4x128xi32, #tpu.memory_space<hbm>> -> memref<4x128xi32, #tpu.memory_space<hbm>>
      tpu.enqueue_dma source(%dma_start3A_283 : memref<4x128xi32, #tpu.memory_space<hbm>>) target(%arg8 : memref<4x128xi32, #tpu.memory_space<vmem>>) target_semaphore(%arg22 : memref<!tpu.dma_semaphore, #tpu.memory_space<semaphore_mem>>)
      %dma_start3A_284 = arith.constant 0 : i32
      %dma_start3A_285 = tpu.memref_slice %arg4[%arg1, %mul3A_277, %dma_start3A_284] : memref<16x160x128xi32, #tpu.memory_space<hbm>> -> memref<1x4x128xi32, #tpu.memory_space<hbm>>
      %dma_start3A_286 = tpu.memref_squeeze %dma_start3A_285 : memref<1x4x128xi32, #tpu.memory_space<hbm>> -> memref<4x128xi32, #tpu.memory_space<hbm>>
      %dma_start3A_287 = arith.constant 0 : i32
      %dma_start3A_288 = tpu.memref_slice %arg4[%arg1, %mul3A_277, %dma_start3A_287] : memref<16x160x128xi32, #tpu.memory_space<hbm>> -> memref<1x4x128xi32, #tpu.memory_space<hbm>>
      %dma_start3A_289 = tpu.memref_squeeze %dma_start3A_288 : memref<1x4x128xi32, #tpu.memory_space<hbm>> -> memref<4x128xi32, #tpu.memory_space<hbm>>
      tpu.enqueue_dma source(%dma_start3A_289 : memref<4x128xi32, #tpu.memory_space<hbm>>) target(%arg10 : memref<4x128xi32, #tpu.memory_space<vmem>>) target_semaphore(%arg22 : memref<!tpu.dma_semaphore, #tpu.memory_space<semaphore_mem>>)
    }
    %scan3A_49 = arith.constant 20 : i32
    %dma_wait3A = arith.constant 0 : i32
    %dma_wait3A_50 = arith.constant 0 : i32
    %dma_wait3A_51 = tpu.memref_slice %arg7[%dma_wait3A, %dma_wait3A_50] : memref<4x128xi32, #tpu.memory_space<vmem>> -> memref<1x128xi32, #tpu.memory_space<vmem>>
    %dma_wait3A_52 = tpu.memref_squeeze %dma_wait3A_51 : memref<1x128xi32, #tpu.memory_space<vmem>> -> memref<128xi32, #tpu.memory_space<vmem>>
    %dma_wait3A_53 = arith.constant 0 : i32
    %dma_wait3A_54 = arith.constant 0 : i32
    %dma_wait3A_55 = tpu.memref_slice %arg16[%dma_wait3A_53, %dma_wait3A_54] : memref<10240x64xf32, #tpu.memory_space<vmem_shared>> -> memref<10240x64xf32, #tpu.memory_space<vmem_shared>>
    tpu.wait_indirect_dma semaphore(%arg17 : memref<!tpu.dma_semaphore, #tpu.memory_space<semaphore_mem>>) src(%dma_wait3A_55 : memref<10240x64xf32, #tpu.memory_space<vmem_shared>>) dst(%arg11 : memref<128x64xf32, #tpu.memory_space<vmem>>)
    %dma_wait3A_56 = arith.constant 1 : i32
    %dma_wait3A_57 = arith.constant 0 : i32
    %dma_wait3A_58 = tpu.memref_slice %arg7[%dma_wait3A_56, %dma_wait3A_57] : memref<4x128xi32, #tpu.memory_space<vmem>> -> memref<1x128xi32, #tpu.memory_space<vmem>>
    %dma_wait3A_59 = tpu.memref_squeeze %dma_wait3A_58 : memref<1x128xi32, #tpu.memory_space<vmem>> -> memref<128xi32, #tpu.memory_space<vmem>>
    %dma_wait3A_60 = arith.constant 0 : i32
    %dma_wait3A_61 = arith.constant 0 : i32
    %dma_wait3A_62 = tpu.memref_slice %arg16[%dma_wait3A_60, %dma_wait3A_61] : memref<10240x64xf32, #tpu.memory_space<vmem_shared>> -> memref<10240x64xf32, #tpu.memory_space<vmem_shared>>
    tpu.wait_indirect_dma semaphore(%arg18 : memref<!tpu.dma_semaphore, #tpu.memory_space<semaphore_mem>>) src(%dma_wait3A_62 : memref<10240x64xf32, #tpu.memory_space<vmem_shared>>) dst(%arg12 : memref<128x64xf32, #tpu.memory_space<vmem>>)
    %dma_wait3A_63 = arith.constant 2 : i32
    %dma_wait3A_64 = arith.constant 0 : i32
    %dma_wait3A_65 = tpu.memref_slice %arg7[%dma_wait3A_63, %dma_wait3A_64] : memref<4x128xi32, #tpu.memory_space<vmem>> -> memref<1x128xi32, #tpu.memory_space<vmem>>
    %dma_wait3A_66 = tpu.memref_squeeze %dma_wait3A_65 : memref<1x128xi32, #tpu.memory_space<vmem>> -> memref<128xi32, #tpu.memory_space<vmem>>
    %dma_wait3A_67 = arith.constant 0 : i32
    %dma_wait3A_68 = arith.constant 0 : i32
    %dma_wait3A_69 = tpu.memref_slice %arg16[%dma_wait3A_67, %dma_wait3A_68] : memref<10240x64xf32, #tpu.memory_space<vmem_shared>> -> memref<10240x64xf32, #tpu.memory_space<vmem_shared>>
    tpu.wait_indirect_dma semaphore(%arg19 : memref<!tpu.dma_semaphore, #tpu.memory_space<semaphore_mem>>) src(%dma_wait3A_69 : memref<10240x64xf32, #tpu.memory_space<vmem_shared>>) dst(%arg13 : memref<128x64xf32, #tpu.memory_space<vmem>>)
    %dma_wait3A_70 = arith.constant 3 : i32
    %dma_wait3A_71 = arith.constant 0 : i32
    %dma_wait3A_72 = tpu.memref_slice %arg7[%dma_wait3A_70, %dma_wait3A_71] : memref<4x128xi32, #tpu.memory_space<vmem>> -> memref<1x128xi32, #tpu.memory_space<vmem>>
    %dma_wait3A_73 = tpu.memref_squeeze %dma_wait3A_72 : memref<1x128xi32, #tpu.memory_space<vmem>> -> memref<128xi32, #tpu.memory_space<vmem>>
    %dma_wait3A_74 = arith.constant 0 : i32
    %dma_wait3A_75 = arith.constant 0 : i32
    %dma_wait3A_76 = tpu.memref_slice %arg16[%dma_wait3A_74, %dma_wait3A_75] : memref<10240x64xf32, #tpu.memory_space<vmem_shared>> -> memref<10240x64xf32, #tpu.memory_space<vmem_shared>>
    tpu.wait_indirect_dma semaphore(%arg20 : memref<!tpu.dma_semaphore, #tpu.memory_space<semaphore_mem>>) src(%dma_wait3A_76 : memref<10240x64xf32, #tpu.memory_space<vmem_shared>>) dst(%arg14 : memref<128x64xf32, #tpu.memory_space<vmem>>)
    %dma_wait3A_77 = arith.constant 0 : i32
    %dma_wait3A_78 = arith.constant 0 : i32
    %dma_wait3A_79 = tpu.memref_slice %arg3[%arg1, %dma_wait3A_77, %dma_wait3A_78] : memref<16x160x128xi32, #tpu.memory_space<hbm>> -> memref<1x4x128xi32, #tpu.memory_space<hbm>>
    %dma_wait3A_80 = tpu.memref_squeeze %dma_wait3A_79 : memref<1x4x128xi32, #tpu.memory_space<hbm>> -> memref<4x128xi32, #tpu.memory_space<hbm>>
    %dma_wait3A_81 = arith.constant 0 : i32
    %dma_wait3A_82 = arith.constant 0 : i32
    %dma_wait3A_83 = tpu.memref_slice %arg3[%arg1, %dma_wait3A_81, %dma_wait3A_82] : memref<16x160x128xi32, #tpu.memory_space<hbm>> -> memref<1x4x128xi32, #tpu.memory_space<hbm>>
    %dma_wait3A_84 = tpu.memref_squeeze %dma_wait3A_83 : memref<1x4x128xi32, #tpu.memory_space<hbm>> -> memref<4x128xi32, #tpu.memory_space<hbm>>
    tpu.wait_dma2 semaphore(%arg22 : memref<!tpu.dma_semaphore, #tpu.memory_space<semaphore_mem>>) src(%dma_wait3A_84 : memref<4x128xi32, #tpu.memory_space<hbm>>) dst(%arg8 : memref<4x128xi32, #tpu.memory_space<vmem>>)
    %dma_wait3A_85 = arith.constant 0 : i32
    %dma_wait3A_86 = arith.constant 0 : i32
    %dma_wait3A_87 = tpu.memref_slice %arg4[%arg1, %dma_wait3A_85, %dma_wait3A_86] : memref<16x160x128xi32, #tpu.memory_space<hbm>> -> memref<1x4x128xi32, #tpu.memory_space<hbm>>
    %dma_wait3A_88 = tpu.memref_squeeze %dma_wait3A_87 : memref<1x4x128xi32, #tpu.memory_space<hbm>> -> memref<4x128xi32, #tpu.memory_space<hbm>>
    %dma_wait3A_89 = arith.constant 0 : i32
    %dma_wait3A_90 = arith.constant 0 : i32
    %dma_wait3A_91 = tpu.memref_slice %arg4[%arg1, %dma_wait3A_89, %dma_wait3A_90] : memref<16x160x128xi32, #tpu.memory_space<hbm>> -> memref<1x4x128xi32, #tpu.memory_space<hbm>>
    %dma_wait3A_92 = tpu.memref_squeeze %dma_wait3A_91 : memref<1x4x128xi32, #tpu.memory_space<hbm>> -> memref<4x128xi32, #tpu.memory_space<hbm>>
    tpu.wait_dma2 semaphore(%arg22 : memref<!tpu.dma_semaphore, #tpu.memory_space<semaphore_mem>>) src(%dma_wait3A_92 : memref<4x128xi32, #tpu.memory_space<hbm>>) dst(%arg10 : memref<4x128xi32, #tpu.memory_space<vmem>>)
    %barrier3A_93 = arith.constant 0 : index
    tpu.barrier barrier_id(%barrier3A_93)
    "tpu.region"() ({
      %run_scoped3A = tpu.sem_alloc : memref<!tpu.dma_semaphore, #tpu.memory_space<semaphore_mem>>
      %dma_start3A_94 = tpu.memref_slice %arg6[%mul3A_0, %mul3A_2] : memref<10240x128xf32, #tpu.memory_space<hbm>> -> memref<640x64xf32, #tpu.memory_space<hbm>>
      %dma_start3A_95 = arith.constant 0 : i32
      %dma_start3A_96 = tpu.memref_slice %arg15[%mul3A_0, %dma_start3A_95] : memref<10240x64xf32, #tpu.memory_space<vmem_shared>> -> memref<640x64xf32, #tpu.memory_space<vmem_shared>>
      tpu.enqueue_dma source(%dma_start3A_96 : memref<640x64xf32, #tpu.memory_space<vmem_shared>>) target(%dma_start3A_94 : memref<640x64xf32, #tpu.memory_space<hbm>>) target_semaphore(%run_scoped3A : memref<!tpu.dma_semaphore, #tpu.memory_space<semaphore_mem>>)
      %dma_wait3A_97 = tpu.memref_slice %arg6[%mul3A_0, %mul3A_2] : memref<10240x128xf32, #tpu.memory_space<hbm>> -> memref<640x64xf32, #tpu.memory_space<hbm>>
      %dma_wait3A_98 = arith.constant 0 : i32
      %dma_wait3A_99 = tpu.memref_slice %arg15[%mul3A_0, %dma_wait3A_98] : memref<10240x64xf32, #tpu.memory_space<vmem_shared>> -> memref<640x64xf32, #tpu.memory_space<vmem_shared>>
      tpu.wait_dma2 semaphore(%run_scoped3A : memref<!tpu.dma_semaphore, #tpu.memory_space<semaphore_mem>>) src(%dma_wait3A_99 : memref<640x64xf32, #tpu.memory_space<vmem_shared>>) dst(%dma_wait3A_97 : memref<640x64xf32, #tpu.memory_space<hbm>>)
      tpu.yield
    }) : () -> ()
    return
  }
}

#map = affine_map<(d0, d1) -> (0, 0)>
#map1 = affine_map<(d0, d1) -> (0, 0, 0)>
module attributes {stable_mosaic.version = 14 : i64} {
  func.func @seg_kernel(%arg0: i32, %arg1: i32, %arg2: memref<10240x128xf32, #tpu.memory_space<hbm>>, %arg3: memref<16x160x128xi32, #tpu.memory_space<hbm>>, %arg4: memref<16x160x128xi32, #tpu.memory_space<hbm>>, %arg5: memref<10240x32xf32, #tpu.memory_space<hbm>>, %arg6: memref<10240x128xf32, #tpu.memory_space<hbm>>, %arg7: memref<4x128xi32, #tpu.memory_space<vmem>>, %arg8: memref<4x128xi32, #tpu.memory_space<vmem>>, %arg9: memref<4x128xi32, #tpu.memory_space<vmem>>, %arg10: memref<4x128xi32, #tpu.memory_space<vmem>>, %arg11: memref<128x32xf32, #tpu.memory_space<vmem>>, %arg12: memref<128x32xf32, #tpu.memory_space<vmem>>, %arg13: memref<128x32xf32, #tpu.memory_space<vmem>>, %arg14: memref<128x32xf32, #tpu.memory_space<vmem>>, %arg15: memref<10240x32xf32, #tpu.memory_space<vmem_shared>>, %arg16: memref<10240x32xf32, #tpu.memory_space<vmem_shared>>, %arg17: memref<!tpu.dma_semaphore, #tpu.memory_space<semaphore_mem>>, %arg18: memref<!tpu.dma_semaphore, #tpu.memory_space<semaphore_mem>>, %arg19: memref<!tpu.dma_semaphore, #tpu.memory_space<semaphore_mem>>, %arg20: memref<!tpu.dma_semaphore, #tpu.memory_space<semaphore_mem>>, %arg21: memref<!tpu.dma_semaphore, #tpu.memory_space<semaphore_mem>>, %arg22: memref<!tpu.dma_semaphore, #tpu.memory_space<semaphore_mem>>) attributes {dimension_semantics = [#tpu.dimension_semantics<core_parallel>, #tpu.dimension_semantics<subcore_parallel>], iteration_bounds = array<i64: 2, 16>, scalar_prefetch = 0 : i64, scratch_operands = 16 : i64, tpu.core_type = #tpu.core_type<sc_vector_subcore>, window_params = [{transform_indices = #map}, {transform_indices = #map1}, {transform_indices = #map1}, {transform_indices = #map}, {transform_indices = #map}]} {
    %mul3A = arith.constant 640 : i32
    %mul3A_0 = arith.muli %arg1, %mul3A : i32
    %mul3A_1 = arith.constant 32 : i32
    %mul3A_2 = arith.muli %arg0, %mul3A_1 : i32
    "tpu.region"() ({
      %run_scoped3A = tpu.sem_alloc : memref<!tpu.dma_semaphore, #tpu.memory_space<semaphore_mem>>
      %dma_start3A_94 = arith.constant 0 : i32
      %dma_start3A_95 = tpu.memref_slice %arg15[%mul3A_0, %dma_start3A_94] : memref<10240x32xf32, #tpu.memory_space<vmem_shared>> -> memref<640x32xf32, #tpu.memory_space<vmem_shared>>
      %dma_start3A_96 = arith.constant 0 : i32
      %dma_start3A_97 = tpu.memref_slice %arg5[%mul3A_0, %dma_start3A_96] : memref<10240x32xf32, #tpu.memory_space<hbm>> -> memref<640x32xf32, #tpu.memory_space<hbm>>
      tpu.enqueue_dma source(%dma_start3A_97 : memref<640x32xf32, #tpu.memory_space<hbm>>) target(%dma_start3A_95 : memref<640x32xf32, #tpu.memory_space<vmem_shared>>) target_semaphore(%run_scoped3A : memref<!tpu.dma_semaphore, #tpu.memory_space<semaphore_mem>>)
      %dma_wait3A_98 = arith.constant 0 : i32
      %dma_wait3A_99 = tpu.memref_slice %arg15[%mul3A_0, %dma_wait3A_98] : memref<10240x32xf32, #tpu.memory_space<vmem_shared>> -> memref<640x32xf32, #tpu.memory_space<vmem_shared>>
      %dma_wait3A_100 = arith.constant 0 : i32
      %dma_wait3A_101 = tpu.memref_slice %arg5[%mul3A_0, %dma_wait3A_100] : memref<10240x32xf32, #tpu.memory_space<hbm>> -> memref<640x32xf32, #tpu.memory_space<hbm>>
      tpu.wait_dma2 semaphore(%run_scoped3A : memref<!tpu.dma_semaphore, #tpu.memory_space<semaphore_mem>>) src(%dma_wait3A_101 : memref<640x32xf32, #tpu.memory_space<hbm>>) dst(%dma_wait3A_99 : memref<640x32xf32, #tpu.memory_space<vmem_shared>>)
      tpu.yield
    }) : () -> ()
    "tpu.region"() ({
      %run_scoped3A = tpu.sem_alloc : memref<!tpu.dma_semaphore, #tpu.memory_space<semaphore_mem>>
      %dma_start3A_94 = arith.constant 0 : i32
      %dma_start3A_95 = tpu.memref_slice %arg16[%mul3A_0, %dma_start3A_94] : memref<10240x32xf32, #tpu.memory_space<vmem_shared>> -> memref<640x32xf32, #tpu.memory_space<vmem_shared>>
      %dma_start3A_96 = tpu.memref_slice %arg2[%mul3A_0, %mul3A_2] : memref<10240x128xf32, #tpu.memory_space<hbm>> -> memref<640x32xf32, #tpu.memory_space<hbm>>
      tpu.enqueue_dma source(%dma_start3A_96 : memref<640x32xf32, #tpu.memory_space<hbm>>) target(%dma_start3A_95 : memref<640x32xf32, #tpu.memory_space<vmem_shared>>) target_semaphore(%run_scoped3A : memref<!tpu.dma_semaphore, #tpu.memory_space<semaphore_mem>>)
      %dma_wait3A_97 = arith.constant 0 : i32
      %dma_wait3A_98 = tpu.memref_slice %arg16[%mul3A_0, %dma_wait3A_97] : memref<10240x32xf32, #tpu.memory_space<vmem_shared>> -> memref<640x32xf32, #tpu.memory_space<vmem_shared>>
      %dma_wait3A_99 = tpu.memref_slice %arg2[%mul3A_0, %mul3A_2] : memref<10240x128xf32, #tpu.memory_space<hbm>> -> memref<640x32xf32, #tpu.memory_space<hbm>>
      tpu.wait_dma2 semaphore(%run_scoped3A : memref<!tpu.dma_semaphore, #tpu.memory_space<semaphore_mem>>) src(%dma_wait3A_99 : memref<640x32xf32, #tpu.memory_space<hbm>>) dst(%dma_wait3A_98 : memref<640x32xf32, #tpu.memory_space<vmem_shared>>)
      tpu.yield
    }) : () -> ()
    "tpu.region"() ({
      %run_scoped3A = tpu.sem_alloc : memref<!tpu.dma_semaphore, #tpu.memory_space<semaphore_mem>>
      %dma_start3A_94 = arith.constant 0 : i32
      %dma_start3A_95 = arith.constant 0 : i32
      %dma_start3A_96 = tpu.memref_slice %arg3[%arg1, %dma_start3A_94, %dma_start3A_95] : memref<16x160x128xi32, #tpu.memory_space<hbm>> -> memref<1x4x128xi32, #tpu.memory_space<hbm>>
      %dma_start3A_97 = tpu.memref_squeeze %dma_start3A_96 : memref<1x4x128xi32, #tpu.memory_space<hbm>> -> memref<4x128xi32, #tpu.memory_space<hbm>>
      %dma_start3A_98 = arith.constant 0 : i32
      %dma_start3A_99 = arith.constant 0 : i32
      %dma_start3A_100 = tpu.memref_slice %arg3[%arg1, %dma_start3A_98, %dma_start3A_99] : memref<16x160x128xi32, #tpu.memory_space<hbm>> -> memref<1x4x128xi32, #tpu.memory_space<hbm>>
      %dma_start3A_101 = tpu.memref_squeeze %dma_start3A_100 : memref<1x4x128xi32, #tpu.memory_space<hbm>> -> memref<4x128xi32, #tpu.memory_space<hbm>>
      tpu.enqueue_dma source(%dma_start3A_101 : memref<4x128xi32, #tpu.memory_space<hbm>>) target(%arg7 : memref<4x128xi32, #tpu.memory_space<vmem>>) target_semaphore(%run_scoped3A : memref<!tpu.dma_semaphore, #tpu.memory_space<semaphore_mem>>)
      %dma_wait3A_102 = arith.constant 0 : i32
      %dma_wait3A_103 = arith.constant 0 : i32
      %dma_wait3A_104 = tpu.memref_slice %arg3[%arg1, %dma_wait3A_102, %dma_wait3A_103] : memref<16x160x128xi32, #tpu.memory_space<hbm>> -> memref<1x4x128xi32, #tpu.memory_space<hbm>>
      %dma_wait3A_105 = tpu.memref_squeeze %dma_wait3A_104 : memref<1x4x128xi32, #tpu.memory_space<hbm>> -> memref<4x128xi32, #tpu.memory_space<hbm>>
      %dma_wait3A_106 = arith.constant 0 : i32
      %dma_wait3A_107 = arith.constant 0 : i32
      %dma_wait3A_108 = tpu.memref_slice %arg3[%arg1, %dma_wait3A_106, %dma_wait3A_107] : memref<16x160x128xi32, #tpu.memory_space<hbm>> -> memref<1x4x128xi32, #tpu.memory_space<hbm>>
      %dma_wait3A_109 = tpu.memref_squeeze %dma_wait3A_108 : memref<1x4x128xi32, #tpu.memory_space<hbm>> -> memref<4x128xi32, #tpu.memory_space<hbm>>
      tpu.wait_dma2 semaphore(%run_scoped3A : memref<!tpu.dma_semaphore, #tpu.memory_space<semaphore_mem>>) src(%dma_wait3A_109 : memref<4x128xi32, #tpu.memory_space<hbm>>) dst(%arg7 : memref<4x128xi32, #tpu.memory_space<vmem>>)
      tpu.yield
    }) : () -> ()
    "tpu.region"() ({
      %run_scoped3A = tpu.sem_alloc : memref<!tpu.dma_semaphore, #tpu.memory_space<semaphore_mem>>
      %dma_start3A_94 = arith.constant 0 : i32
      %dma_start3A_95 = arith.constant 0 : i32
      %dma_start3A_96 = tpu.memref_slice %arg4[%arg1, %dma_start3A_94, %dma_start3A_95] : memref<16x160x128xi32, #tpu.memory_space<hbm>> -> memref<1x4x128xi32, #tpu.memory_space<hbm>>
      %dma_start3A_97 = tpu.memref_squeeze %dma_start3A_96 : memref<1x4x128xi32, #tpu.memory_space<hbm>> -> memref<4x128xi32, #tpu.memory_space<hbm>>
      %dma_start3A_98 = arith.constant 0 : i32
      %dma_start3A_99 = arith.constant 0 : i32
      %dma_start3A_100 = tpu.memref_slice %arg4[%arg1, %dma_start3A_98, %dma_start3A_99] : memref<16x160x128xi32, #tpu.memory_space<hbm>> -> memref<1x4x128xi32, #tpu.memory_space<hbm>>
      %dma_start3A_101 = tpu.memref_squeeze %dma_start3A_100 : memref<1x4x128xi32, #tpu.memory_space<hbm>> -> memref<4x128xi32, #tpu.memory_space<hbm>>
      tpu.enqueue_dma source(%dma_start3A_101 : memref<4x128xi32, #tpu.memory_space<hbm>>) target(%arg9 : memref<4x128xi32, #tpu.memory_space<vmem>>) target_semaphore(%run_scoped3A : memref<!tpu.dma_semaphore, #tpu.memory_space<semaphore_mem>>)
      %dma_wait3A_102 = arith.constant 0 : i32
      %dma_wait3A_103 = arith.constant 0 : i32
      %dma_wait3A_104 = tpu.memref_slice %arg4[%arg1, %dma_wait3A_102, %dma_wait3A_103] : memref<16x160x128xi32, #tpu.memory_space<hbm>> -> memref<1x4x128xi32, #tpu.memory_space<hbm>>
      %dma_wait3A_105 = tpu.memref_squeeze %dma_wait3A_104 : memref<1x4x128xi32, #tpu.memory_space<hbm>> -> memref<4x128xi32, #tpu.memory_space<hbm>>
      %dma_wait3A_106 = arith.constant 0 : i32
      %dma_wait3A_107 = arith.constant 0 : i32
      %dma_wait3A_108 = tpu.memref_slice %arg4[%arg1, %dma_wait3A_106, %dma_wait3A_107] : memref<16x160x128xi32, #tpu.memory_space<hbm>> -> memref<1x4x128xi32, #tpu.memory_space<hbm>>
      %dma_wait3A_109 = tpu.memref_squeeze %dma_wait3A_108 : memref<1x4x128xi32, #tpu.memory_space<hbm>> -> memref<4x128xi32, #tpu.memory_space<hbm>>
      tpu.wait_dma2 semaphore(%run_scoped3A : memref<!tpu.dma_semaphore, #tpu.memory_space<semaphore_mem>>) src(%dma_wait3A_109 : memref<4x128xi32, #tpu.memory_space<hbm>>) dst(%arg9 : memref<4x128xi32, #tpu.memory_space<vmem>>)
      tpu.yield
    }) : () -> ()
    %dma_start3A = arith.constant 4 : i32
    %dma_start3A_3 = arith.constant 0 : i32
    %dma_start3A_4 = tpu.memref_slice %arg3[%arg1, %dma_start3A, %dma_start3A_3] : memref<16x160x128xi32, #tpu.memory_space<hbm>> -> memref<1x4x128xi32, #tpu.memory_space<hbm>>
    %dma_start3A_5 = tpu.memref_squeeze %dma_start3A_4 : memref<1x4x128xi32, #tpu.memory_space<hbm>> -> memref<4x128xi32, #tpu.memory_space<hbm>>
    %dma_start3A_6 = arith.constant 4 : i32
    %dma_start3A_7 = arith.constant 0 : i32
    %dma_start3A_8 = tpu.memref_slice %arg3[%arg1, %dma_start3A_6, %dma_start3A_7] : memref<16x160x128xi32, #tpu.memory_space<hbm>> -> memref<1x4x128xi32, #tpu.memory_space<hbm>>
    %dma_start3A_9 = tpu.memref_squeeze %dma_start3A_8 : memref<1x4x128xi32, #tpu.memory_space<hbm>> -> memref<4x128xi32, #tpu.memory_space<hbm>>
    tpu.enqueue_dma source(%dma_start3A_9 : memref<4x128xi32, #tpu.memory_space<hbm>>) target(%arg8 : memref<4x128xi32, #tpu.memory_space<vmem>>) target_semaphore(%arg22 : memref<!tpu.dma_semaphore, #tpu.memory_space<semaphore_mem>>)
    %dma_start3A_10 = arith.constant 4 : i32
    %dma_start3A_11 = arith.constant 0 : i32
    %dma_start3A_12 = tpu.memref_slice %arg4[%arg1, %dma_start3A_10, %dma_start3A_11] : memref<16x160x128xi32, #tpu.memory_space<hbm>> -> memref<1x4x128xi32, #tpu.memory_space<hbm>>
    %dma_start3A_13 = tpu.memref_squeeze %dma_start3A_12 : memref<1x4x128xi32, #tpu.memory_space<hbm>> -> memref<4x128xi32, #tpu.memory_space<hbm>>
    %dma_start3A_14 = arith.constant 4 : i32
    %dma_start3A_15 = arith.constant 0 : i32
    %dma_start3A_16 = tpu.memref_slice %arg4[%arg1, %dma_start3A_14, %dma_start3A_15] : memref<16x160x128xi32, #tpu.memory_space<hbm>> -> memref<1x4x128xi32, #tpu.memory_space<hbm>>
    %dma_start3A_17 = tpu.memref_squeeze %dma_start3A_16 : memref<1x4x128xi32, #tpu.memory_space<hbm>> -> memref<4x128xi32, #tpu.memory_space<hbm>>
    tpu.enqueue_dma source(%dma_start3A_17 : memref<4x128xi32, #tpu.memory_space<hbm>>) target(%arg10 : memref<4x128xi32, #tpu.memory_space<vmem>>) target_semaphore(%arg22 : memref<!tpu.dma_semaphore, #tpu.memory_space<semaphore_mem>>)
    %barrier3A = arith.constant 0 : index
    tpu.barrier barrier_id(%barrier3A)
    %dma_start3A_18 = arith.constant 0 : i32
    %dma_start3A_19 = arith.constant 0 : i32
    %dma_start3A_20 = tpu.memref_slice %arg7[%dma_start3A_18, %dma_start3A_19] : memref<4x128xi32, #tpu.memory_space<vmem>> -> memref<1x128xi32, #tpu.memory_space<vmem>>
    %dma_start3A_21 = tpu.memref_squeeze %dma_start3A_20 : memref<1x128xi32, #tpu.memory_space<vmem>> -> memref<128xi32, #tpu.memory_space<vmem>>
    %dma_start3A_22 = arith.constant 0 : i32
    %dma_start3A_23 = arith.constant 0 : i32
    %dma_start3A_24 = tpu.memref_slice %arg16[%dma_start3A_22, %dma_start3A_23] : memref<10240x32xf32, #tpu.memory_space<vmem_shared>> -> memref<10240x32xf32, #tpu.memory_space<vmem_shared>>
    tpu.enqueue_indirect_dma source(%dma_start3A_24 : memref<10240x32xf32, #tpu.memory_space<vmem_shared>>) target(%arg11 : memref<128x32xf32, #tpu.memory_space<vmem>>) offsets(%dma_start3A_21 : memref<128xi32, #tpu.memory_space<vmem>>) semaphore(%arg17 : memref<!tpu.dma_semaphore, #tpu.memory_space<semaphore_mem>>)
    %dma_start3A_25 = arith.constant 1 : i32
    %dma_start3A_26 = arith.constant 0 : i32
    %dma_start3A_27 = tpu.memref_slice %arg7[%dma_start3A_25, %dma_start3A_26] : memref<4x128xi32, #tpu.memory_space<vmem>> -> memref<1x128xi32, #tpu.memory_space<vmem>>
    %dma_start3A_28 = tpu.memref_squeeze %dma_start3A_27 : memref<1x128xi32, #tpu.memory_space<vmem>> -> memref<128xi32, #tpu.memory_space<vmem>>
    %dma_start3A_29 = arith.constant 0 : i32
    %dma_start3A_30 = arith.constant 0 : i32
    %dma_start3A_31 = tpu.memref_slice %arg16[%dma_start3A_29, %dma_start3A_30] : memref<10240x32xf32, #tpu.memory_space<vmem_shared>> -> memref<10240x32xf32, #tpu.memory_space<vmem_shared>>
    tpu.enqueue_indirect_dma source(%dma_start3A_31 : memref<10240x32xf32, #tpu.memory_space<vmem_shared>>) target(%arg12 : memref<128x32xf32, #tpu.memory_space<vmem>>) offsets(%dma_start3A_28 : memref<128xi32, #tpu.memory_space<vmem>>) semaphore(%arg18 : memref<!tpu.dma_semaphore, #tpu.memory_space<semaphore_mem>>)
    %dma_start3A_32 = arith.constant 2 : i32
    %dma_start3A_33 = arith.constant 0 : i32
    %dma_start3A_34 = tpu.memref_slice %arg7[%dma_start3A_32, %dma_start3A_33] : memref<4x128xi32, #tpu.memory_space<vmem>> -> memref<1x128xi32, #tpu.memory_space<vmem>>
    %dma_start3A_35 = tpu.memref_squeeze %dma_start3A_34 : memref<1x128xi32, #tpu.memory_space<vmem>> -> memref<128xi32, #tpu.memory_space<vmem>>
    %dma_start3A_36 = arith.constant 0 : i32
    %dma_start3A_37 = arith.constant 0 : i32
    %dma_start3A_38 = tpu.memref_slice %arg16[%dma_start3A_36, %dma_start3A_37] : memref<10240x32xf32, #tpu.memory_space<vmem_shared>> -> memref<10240x32xf32, #tpu.memory_space<vmem_shared>>
    tpu.enqueue_indirect_dma source(%dma_start3A_38 : memref<10240x32xf32, #tpu.memory_space<vmem_shared>>) target(%arg13 : memref<128x32xf32, #tpu.memory_space<vmem>>) offsets(%dma_start3A_35 : memref<128xi32, #tpu.memory_space<vmem>>) semaphore(%arg19 : memref<!tpu.dma_semaphore, #tpu.memory_space<semaphore_mem>>)
    %dma_start3A_39 = arith.constant 3 : i32
    %dma_start3A_40 = arith.constant 0 : i32
    %dma_start3A_41 = tpu.memref_slice %arg7[%dma_start3A_39, %dma_start3A_40] : memref<4x128xi32, #tpu.memory_space<vmem>> -> memref<1x128xi32, #tpu.memory_space<vmem>>
    %dma_start3A_42 = tpu.memref_squeeze %dma_start3A_41 : memref<1x128xi32, #tpu.memory_space<vmem>> -> memref<128xi32, #tpu.memory_space<vmem>>
    %dma_start3A_43 = arith.constant 0 : i32
    %dma_start3A_44 = arith.constant 0 : i32
    %dma_start3A_45 = tpu.memref_slice %arg16[%dma_start3A_43, %dma_start3A_44] : memref<10240x32xf32, #tpu.memory_space<vmem_shared>> -> memref<10240x32xf32, #tpu.memory_space<vmem_shared>>
    tpu.enqueue_indirect_dma source(%dma_start3A_45 : memref<10240x32xf32, #tpu.memory_space<vmem_shared>>) target(%arg14 : memref<128x32xf32, #tpu.memory_space<vmem>>) offsets(%dma_start3A_42 : memref<128xi32, #tpu.memory_space<vmem>>) semaphore(%arg20 : memref<!tpu.dma_semaphore, #tpu.memory_space<semaphore_mem>>)
    %scan3A = arith.constant 0 : i32
    %scan3A_46 = arith.constant 20 : i32
    %scan3A_47 = arith.addi %scan3A, %scan3A_46 : i32
    %scan3A_48 = arith.constant 1 : i32
    scf.for %scan3A_94 = %scan3A to %scan3A_47 step %scan3A_48  : i32 {
      %mul3A_95 = arith.constant 1 : i32
      %mul3A_96 = arith.muli %scan3A_94, %mul3A_95 : i32
      %add3A = arith.constant 0 : i32
      %add3A_97 = arith.addi %add3A, %mul3A_96 : i32
      %mul3A_98 = arith.constant 2 : i32
      %mul3A_99 = arith.muli %mul3A_98, %add3A_97 : i32
      %dma_wait3A_100 = arith.constant 0 : i32
      %dma_wait3A_101 = arith.constant 0 : i32
      %dma_wait3A_102 = tpu.memref_slice %arg3[%arg1, %dma_wait3A_100, %dma_wait3A_101] : memref<16x160x128xi32, #tpu.memory_space<hbm>> -> memref<1x4x128xi32, #tpu.memory_space<hbm>>
      %dma_wait3A_103 = tpu.memref_squeeze %dma_wait3A_102 : memref<1x4x128xi32, #tpu.memory_space<hbm>> -> memref<4x128xi32, #tpu.memory_space<hbm>>
      %dma_wait3A_104 = arith.constant 0 : i32
      %dma_wait3A_105 = arith.constant 0 : i32
      %dma_wait3A_106 = tpu.memref_slice %arg3[%arg1, %dma_wait3A_104, %dma_wait3A_105] : memref<16x160x128xi32, #tpu.memory_space<hbm>> -> memref<1x4x128xi32, #tpu.memory_space<hbm>>
      %dma_wait3A_107 = tpu.memref_squeeze %dma_wait3A_106 : memref<1x4x128xi32, #tpu.memory_space<hbm>> -> memref<4x128xi32, #tpu.memory_space<hbm>>
      tpu.wait_dma2 semaphore(%arg22 : memref<!tpu.dma_semaphore, #tpu.memory_space<semaphore_mem>>) src(%dma_wait3A_107 : memref<4x128xi32, #tpu.memory_space<hbm>>) dst(%arg8 : memref<4x128xi32, #tpu.memory_space<vmem>>)
      %dma_wait3A_108 = arith.constant 0 : i32
      %dma_wait3A_109 = arith.constant 0 : i32
      %dma_wait3A_110 = tpu.memref_slice %arg4[%arg1, %dma_wait3A_108, %dma_wait3A_109] : memref<16x160x128xi32, #tpu.memory_space<hbm>> -> memref<1x4x128xi32, #tpu.memory_space<hbm>>
      %dma_wait3A_111 = tpu.memref_squeeze %dma_wait3A_110 : memref<1x4x128xi32, #tpu.memory_space<hbm>> -> memref<4x128xi32, #tpu.memory_space<hbm>>
      %dma_wait3A_112 = arith.constant 0 : i32
      %dma_wait3A_113 = arith.constant 0 : i32
      %dma_wait3A_114 = tpu.memref_slice %arg4[%arg1, %dma_wait3A_112, %dma_wait3A_113] : memref<16x160x128xi32, #tpu.memory_space<hbm>> -> memref<1x4x128xi32, #tpu.memory_space<hbm>>
      %dma_wait3A_115 = tpu.memref_squeeze %dma_wait3A_114 : memref<1x4x128xi32, #tpu.memory_space<hbm>> -> memref<4x128xi32, #tpu.memory_space<hbm>>
      tpu.wait_dma2 semaphore(%arg22 : memref<!tpu.dma_semaphore, #tpu.memory_space<semaphore_mem>>) src(%dma_wait3A_115 : memref<4x128xi32, #tpu.memory_space<hbm>>) dst(%arg10 : memref<4x128xi32, #tpu.memory_space<vmem>>)
      %dma_wait3A_116 = arith.constant 0 : i32
      %dma_wait3A_117 = arith.constant 0 : i32
      %dma_wait3A_118 = tpu.memref_slice %arg7[%dma_wait3A_116, %dma_wait3A_117] : memref<4x128xi32, #tpu.memory_space<vmem>> -> memref<1x128xi32, #tpu.memory_space<vmem>>
      %dma_wait3A_119 = tpu.memref_squeeze %dma_wait3A_118 : memref<1x128xi32, #tpu.memory_space<vmem>> -> memref<128xi32, #tpu.memory_space<vmem>>
      %dma_wait3A_120 = arith.constant 0 : i32
      %dma_wait3A_121 = arith.constant 0 : i32
      %dma_wait3A_122 = tpu.memref_slice %arg16[%dma_wait3A_120, %dma_wait3A_121] : memref<10240x32xf32, #tpu.memory_space<vmem_shared>> -> memref<10240x32xf32, #tpu.memory_space<vmem_shared>>
      tpu.wait_indirect_dma semaphore(%arg17 : memref<!tpu.dma_semaphore, #tpu.memory_space<semaphore_mem>>) src(%dma_wait3A_122 : memref<10240x32xf32, #tpu.memory_space<vmem_shared>>) dst(%arg11 : memref<128x32xf32, #tpu.memory_space<vmem>>)
      %run_scoped3A = arith.constant 0 : i32
      "tpu.region"() ({
        %run_scoped3A_290 = tpu.sem_alloc : memref<!tpu.dma_semaphore, #tpu.memory_space<semaphore_mem>>
        %dma_start3A_291 = arith.constant 0 : i32
        %dma_start3A_292 = tpu.memref_slice %arg9[%run_scoped3A, %dma_start3A_291] : memref<4x128xi32, #tpu.memory_space<vmem>> -> memref<1x128xi32, #tpu.memory_space<vmem>>
        %dma_start3A_293 = tpu.memref_squeeze %dma_start3A_292 : memref<1x128xi32, #tpu.memory_space<vmem>> -> memref<128xi32, #tpu.memory_space<vmem>>
        %dma_start3A_294 = arith.constant 0 : i32
        %dma_start3A_295 = arith.constant 0 : i32
        %dma_start3A_296 = tpu.memref_slice %arg15[%dma_start3A_294, %dma_start3A_295] : memref<10240x32xf32, #tpu.memory_space<vmem_shared>> -> memref<10240x32xf32, #tpu.memory_space<vmem_shared>>
        tpu.enqueue_indirect_dma source(%arg11 : memref<128x32xf32, #tpu.memory_space<vmem>>) target(%dma_start3A_296 : memref<10240x32xf32, #tpu.memory_space<vmem_shared>>) offsets(%dma_start3A_293 : memref<128xi32, #tpu.memory_space<vmem>>) semaphore(%run_scoped3A_290 : memref<!tpu.dma_semaphore, #tpu.memory_space<semaphore_mem>>) {add = true}
        %dma_wait3A_297 = arith.constant 0 : i32
        %dma_wait3A_298 = tpu.memref_slice %arg9[%run_scoped3A, %dma_wait3A_297] : memref<4x128xi32, #tpu.memory_space<vmem>> -> memref<1x128xi32, #tpu.memory_space<vmem>>
        %dma_wait3A_299 = tpu.memref_squeeze %dma_wait3A_298 : memref<1x128xi32, #tpu.memory_space<vmem>> -> memref<128xi32, #tpu.memory_space<vmem>>
        %dma_wait3A_300 = arith.constant 0 : i32
        %dma_wait3A_301 = arith.constant 0 : i32
        %dma_wait3A_302 = tpu.memref_slice %arg15[%dma_wait3A_300, %dma_wait3A_301] : memref<10240x32xf32, #tpu.memory_space<vmem_shared>> -> memref<10240x32xf32, #tpu.memory_space<vmem_shared>>
        tpu.wait_indirect_dma semaphore(%run_scoped3A_290 : memref<!tpu.dma_semaphore, #tpu.memory_space<semaphore_mem>>) src(%arg11 : memref<128x32xf32, #tpu.memory_space<vmem>>) dst(%dma_wait3A_302 : memref<10240x32xf32, #tpu.memory_space<vmem_shared>>)
        tpu.yield
      }) : () -> ()
      %dma_start3A_123 = arith.constant 0 : i32
      %dma_start3A_124 = arith.constant 0 : i32
      %dma_start3A_125 = tpu.memref_slice %arg8[%dma_start3A_123, %dma_start3A_124] : memref<4x128xi32, #tpu.memory_space<vmem>> -> memref<1x128xi32, #tpu.memory_space<vmem>>
      %dma_start3A_126 = tpu.memref_squeeze %dma_start3A_125 : memref<1x128xi32, #tpu.memory_space<vmem>> -> memref<128xi32, #tpu.memory_space<vmem>>
      %dma_start3A_127 = arith.constant 0 : i32
      %dma_start3A_128 = arith.constant 0 : i32
      %dma_start3A_129 = tpu.memref_slice %arg16[%dma_start3A_127, %dma_start3A_128] : memref<10240x32xf32, #tpu.memory_space<vmem_shared>> -> memref<10240x32xf32, #tpu.memory_space<vmem_shared>>
      tpu.enqueue_indirect_dma source(%dma_start3A_129 : memref<10240x32xf32, #tpu.memory_space<vmem_shared>>) target(%arg11 : memref<128x32xf32, #tpu.memory_space<vmem>>) offsets(%dma_start3A_126 : memref<128xi32, #tpu.memory_space<vmem>>) semaphore(%arg17 : memref<!tpu.dma_semaphore, #tpu.memory_space<semaphore_mem>>)
      %dma_wait3A_130 = arith.constant 1 : i32
      %dma_wait3A_131 = arith.constant 0 : i32
      %dma_wait3A_132 = tpu.memref_slice %arg7[%dma_wait3A_130, %dma_wait3A_131] : memref<4x128xi32, #tpu.memory_space<vmem>> -> memref<1x128xi32, #tpu.memory_space<vmem>>
      %dma_wait3A_133 = tpu.memref_squeeze %dma_wait3A_132 : memref<1x128xi32, #tpu.memory_space<vmem>> -> memref<128xi32, #tpu.memory_space<vmem>>
      %dma_wait3A_134 = arith.constant 0 : i32
      %dma_wait3A_135 = arith.constant 0 : i32
      %dma_wait3A_136 = tpu.memref_slice %arg16[%dma_wait3A_134, %dma_wait3A_135] : memref<10240x32xf32, #tpu.memory_space<vmem_shared>> -> memref<10240x32xf32, #tpu.memory_space<vmem_shared>>
      tpu.wait_indirect_dma semaphore(%arg18 : memref<!tpu.dma_semaphore, #tpu.memory_space<semaphore_mem>>) src(%dma_wait3A_136 : memref<10240x32xf32, #tpu.memory_space<vmem_shared>>) dst(%arg12 : memref<128x32xf32, #tpu.memory_space<vmem>>)
      %run_scoped3A_137 = arith.constant 1 : i32
      "tpu.region"() ({
        %run_scoped3A_290 = tpu.sem_alloc : memref<!tpu.dma_semaphore, #tpu.memory_space<semaphore_mem>>
        %dma_start3A_291 = arith.constant 0 : i32
        %dma_start3A_292 = tpu.memref_slice %arg9[%run_scoped3A_137, %dma_start3A_291] : memref<4x128xi32, #tpu.memory_space<vmem>> -> memref<1x128xi32, #tpu.memory_space<vmem>>
        %dma_start3A_293 = tpu.memref_squeeze %dma_start3A_292 : memref<1x128xi32, #tpu.memory_space<vmem>> -> memref<128xi32, #tpu.memory_space<vmem>>
        %dma_start3A_294 = arith.constant 0 : i32
        %dma_start3A_295 = arith.constant 0 : i32
        %dma_start3A_296 = tpu.memref_slice %arg15[%dma_start3A_294, %dma_start3A_295] : memref<10240x32xf32, #tpu.memory_space<vmem_shared>> -> memref<10240x32xf32, #tpu.memory_space<vmem_shared>>
        tpu.enqueue_indirect_dma source(%arg12 : memref<128x32xf32, #tpu.memory_space<vmem>>) target(%dma_start3A_296 : memref<10240x32xf32, #tpu.memory_space<vmem_shared>>) offsets(%dma_start3A_293 : memref<128xi32, #tpu.memory_space<vmem>>) semaphore(%run_scoped3A_290 : memref<!tpu.dma_semaphore, #tpu.memory_space<semaphore_mem>>) {add = true}
        %dma_wait3A_297 = arith.constant 0 : i32
        %dma_wait3A_298 = tpu.memref_slice %arg9[%run_scoped3A_137, %dma_wait3A_297] : memref<4x128xi32, #tpu.memory_space<vmem>> -> memref<1x128xi32, #tpu.memory_space<vmem>>
        %dma_wait3A_299 = tpu.memref_squeeze %dma_wait3A_298 : memref<1x128xi32, #tpu.memory_space<vmem>> -> memref<128xi32, #tpu.memory_space<vmem>>
        %dma_wait3A_300 = arith.constant 0 : i32
        %dma_wait3A_301 = arith.constant 0 : i32
        %dma_wait3A_302 = tpu.memref_slice %arg15[%dma_wait3A_300, %dma_wait3A_301] : memref<10240x32xf32, #tpu.memory_space<vmem_shared>> -> memref<10240x32xf32, #tpu.memory_space<vmem_shared>>
        tpu.wait_indirect_dma semaphore(%run_scoped3A_290 : memref<!tpu.dma_semaphore, #tpu.memory_space<semaphore_mem>>) src(%arg12 : memref<128x32xf32, #tpu.memory_space<vmem>>) dst(%dma_wait3A_302 : memref<10240x32xf32, #tpu.memory_space<vmem_shared>>)
        tpu.yield
      }) : () -> ()
      %dma_start3A_138 = arith.constant 1 : i32
      %dma_start3A_139 = arith.constant 0 : i32
      %dma_start3A_140 = tpu.memref_slice %arg8[%dma_start3A_138, %dma_start3A_139] : memref<4x128xi32, #tpu.memory_space<vmem>> -> memref<1x128xi32, #tpu.memory_space<vmem>>
      %dma_start3A_141 = tpu.memref_squeeze %dma_start3A_140 : memref<1x128xi32, #tpu.memory_space<vmem>> -> memref<128xi32, #tpu.memory_space<vmem>>
      %dma_start3A_142 = arith.constant 0 : i32
      %dma_start3A_143 = arith.constant 0 : i32
      %dma_start3A_144 = tpu.memref_slice %arg16[%dma_start3A_142, %dma_start3A_143] : memref<10240x32xf32, #tpu.memory_space<vmem_shared>> -> memref<10240x32xf32, #tpu.memory_space<vmem_shared>>
      tpu.enqueue_indirect_dma source(%dma_start3A_144 : memref<10240x32xf32, #tpu.memory_space<vmem_shared>>) target(%arg12 : memref<128x32xf32, #tpu.memory_space<vmem>>) offsets(%dma_start3A_141 : memref<128xi32, #tpu.memory_space<vmem>>) semaphore(%arg18 : memref<!tpu.dma_semaphore, #tpu.memory_space<semaphore_mem>>)
      %dma_wait3A_145 = arith.constant 2 : i32
      %dma_wait3A_146 = arith.constant 0 : i32
      %dma_wait3A_147 = tpu.memref_slice %arg7[%dma_wait3A_145, %dma_wait3A_146] : memref<4x128xi32, #tpu.memory_space<vmem>> -> memref<1x128xi32, #tpu.memory_space<vmem>>
      %dma_wait3A_148 = tpu.memref_squeeze %dma_wait3A_147 : memref<1x128xi32, #tpu.memory_space<vmem>> -> memref<128xi32, #tpu.memory_space<vmem>>
      %dma_wait3A_149 = arith.constant 0 : i32
      %dma_wait3A_150 = arith.constant 0 : i32
      %dma_wait3A_151 = tpu.memref_slice %arg16[%dma_wait3A_149, %dma_wait3A_150] : memref<10240x32xf32, #tpu.memory_space<vmem_shared>> -> memref<10240x32xf32, #tpu.memory_space<vmem_shared>>
      tpu.wait_indirect_dma semaphore(%arg19 : memref<!tpu.dma_semaphore, #tpu.memory_space<semaphore_mem>>) src(%dma_wait3A_151 : memref<10240x32xf32, #tpu.memory_space<vmem_shared>>) dst(%arg13 : memref<128x32xf32, #tpu.memory_space<vmem>>)
      %run_scoped3A_152 = arith.constant 2 : i32
      "tpu.region"() ({
        %run_scoped3A_290 = tpu.sem_alloc : memref<!tpu.dma_semaphore, #tpu.memory_space<semaphore_mem>>
        %dma_start3A_291 = arith.constant 0 : i32
        %dma_start3A_292 = tpu.memref_slice %arg9[%run_scoped3A_152, %dma_start3A_291] : memref<4x128xi32, #tpu.memory_space<vmem>> -> memref<1x128xi32, #tpu.memory_space<vmem>>
        %dma_start3A_293 = tpu.memref_squeeze %dma_start3A_292 : memref<1x128xi32, #tpu.memory_space<vmem>> -> memref<128xi32, #tpu.memory_space<vmem>>
        %dma_start3A_294 = arith.constant 0 : i32
        %dma_start3A_295 = arith.constant 0 : i32
        %dma_start3A_296 = tpu.memref_slice %arg15[%dma_start3A_294, %dma_start3A_295] : memref<10240x32xf32, #tpu.memory_space<vmem_shared>> -> memref<10240x32xf32, #tpu.memory_space<vmem_shared>>
        tpu.enqueue_indirect_dma source(%arg13 : memref<128x32xf32, #tpu.memory_space<vmem>>) target(%dma_start3A_296 : memref<10240x32xf32, #tpu.memory_space<vmem_shared>>) offsets(%dma_start3A_293 : memref<128xi32, #tpu.memory_space<vmem>>) semaphore(%run_scoped3A_290 : memref<!tpu.dma_semaphore, #tpu.memory_space<semaphore_mem>>) {add = true}
        %dma_wait3A_297 = arith.constant 0 : i32
        %dma_wait3A_298 = tpu.memref_slice %arg9[%run_scoped3A_152, %dma_wait3A_297] : memref<4x128xi32, #tpu.memory_space<vmem>> -> memref<1x128xi32, #tpu.memory_space<vmem>>
        %dma_wait3A_299 = tpu.memref_squeeze %dma_wait3A_298 : memref<1x128xi32, #tpu.memory_space<vmem>> -> memref<128xi32, #tpu.memory_space<vmem>>
        %dma_wait3A_300 = arith.constant 0 : i32
        %dma_wait3A_301 = arith.constant 0 : i32
        %dma_wait3A_302 = tpu.memref_slice %arg15[%dma_wait3A_300, %dma_wait3A_301] : memref<10240x32xf32, #tpu.memory_space<vmem_shared>> -> memref<10240x32xf32, #tpu.memory_space<vmem_shared>>
        tpu.wait_indirect_dma semaphore(%run_scoped3A_290 : memref<!tpu.dma_semaphore, #tpu.memory_space<semaphore_mem>>) src(%arg13 : memref<128x32xf32, #tpu.memory_space<vmem>>) dst(%dma_wait3A_302 : memref<10240x32xf32, #tpu.memory_space<vmem_shared>>)
        tpu.yield
      }) : () -> ()
      %dma_start3A_153 = arith.constant 2 : i32
      %dma_start3A_154 = arith.constant 0 : i32
      %dma_start3A_155 = tpu.memref_slice %arg8[%dma_start3A_153, %dma_start3A_154] : memref<4x128xi32, #tpu.memory_space<vmem>> -> memref<1x128xi32, #tpu.memory_space<vmem>>
      %dma_start3A_156 = tpu.memref_squeeze %dma_start3A_155 : memref<1x128xi32, #tpu.memory_space<vmem>> -> memref<128xi32, #tpu.memory_space<vmem>>
      %dma_start3A_157 = arith.constant 0 : i32
      %dma_start3A_158 = arith.constant 0 : i32
      %dma_start3A_159 = tpu.memref_slice %arg16[%dma_start3A_157, %dma_start3A_158] : memref<10240x32xf32, #tpu.memory_space<vmem_shared>> -> memref<10240x32xf32, #tpu.memory_space<vmem_shared>>
      tpu.enqueue_indirect_dma source(%dma_start3A_159 : memref<10240x32xf32, #tpu.memory_space<vmem_shared>>) target(%arg13 : memref<128x32xf32, #tpu.memory_space<vmem>>) offsets(%dma_start3A_156 : memref<128xi32, #tpu.memory_space<vmem>>) semaphore(%arg19 : memref<!tpu.dma_semaphore, #tpu.memory_space<semaphore_mem>>)
      %dma_wait3A_160 = arith.constant 3 : i32
      %dma_wait3A_161 = arith.constant 0 : i32
      %dma_wait3A_162 = tpu.memref_slice %arg7[%dma_wait3A_160, %dma_wait3A_161] : memref<4x128xi32, #tpu.memory_space<vmem>> -> memref<1x128xi32, #tpu.memory_space<vmem>>
      %dma_wait3A_163 = tpu.memref_squeeze %dma_wait3A_162 : memref<1x128xi32, #tpu.memory_space<vmem>> -> memref<128xi32, #tpu.memory_space<vmem>>
      %dma_wait3A_164 = arith.constant 0 : i32
      %dma_wait3A_165 = arith.constant 0 : i32
      %dma_wait3A_166 = tpu.memref_slice %arg16[%dma_wait3A_164, %dma_wait3A_165] : memref<10240x32xf32, #tpu.memory_space<vmem_shared>> -> memref<10240x32xf32, #tpu.memory_space<vmem_shared>>
      tpu.wait_indirect_dma semaphore(%arg20 : memref<!tpu.dma_semaphore, #tpu.memory_space<semaphore_mem>>) src(%dma_wait3A_166 : memref<10240x32xf32, #tpu.memory_space<vmem_shared>>) dst(%arg14 : memref<128x32xf32, #tpu.memory_space<vmem>>)
      %run_scoped3A_167 = arith.constant 3 : i32
      "tpu.region"() ({
        %run_scoped3A_290 = tpu.sem_alloc : memref<!tpu.dma_semaphore, #tpu.memory_space<semaphore_mem>>
        %dma_start3A_291 = arith.constant 0 : i32
        %dma_start3A_292 = tpu.memref_slice %arg9[%run_scoped3A_167, %dma_start3A_291] : memref<4x128xi32, #tpu.memory_space<vmem>> -> memref<1x128xi32, #tpu.memory_space<vmem>>
        %dma_start3A_293 = tpu.memref_squeeze %dma_start3A_292 : memref<1x128xi32, #tpu.memory_space<vmem>> -> memref<128xi32, #tpu.memory_space<vmem>>
        %dma_start3A_294 = arith.constant 0 : i32
        %dma_start3A_295 = arith.constant 0 : i32
        %dma_start3A_296 = tpu.memref_slice %arg15[%dma_start3A_294, %dma_start3A_295] : memref<10240x32xf32, #tpu.memory_space<vmem_shared>> -> memref<10240x32xf32, #tpu.memory_space<vmem_shared>>
        tpu.enqueue_indirect_dma source(%arg14 : memref<128x32xf32, #tpu.memory_space<vmem>>) target(%dma_start3A_296 : memref<10240x32xf32, #tpu.memory_space<vmem_shared>>) offsets(%dma_start3A_293 : memref<128xi32, #tpu.memory_space<vmem>>) semaphore(%run_scoped3A_290 : memref<!tpu.dma_semaphore, #tpu.memory_space<semaphore_mem>>) {add = true}
        %dma_wait3A_297 = arith.constant 0 : i32
        %dma_wait3A_298 = tpu.memref_slice %arg9[%run_scoped3A_167, %dma_wait3A_297] : memref<4x128xi32, #tpu.memory_space<vmem>> -> memref<1x128xi32, #tpu.memory_space<vmem>>
        %dma_wait3A_299 = tpu.memref_squeeze %dma_wait3A_298 : memref<1x128xi32, #tpu.memory_space<vmem>> -> memref<128xi32, #tpu.memory_space<vmem>>
        %dma_wait3A_300 = arith.constant 0 : i32
        %dma_wait3A_301 = arith.constant 0 : i32
        %dma_wait3A_302 = tpu.memref_slice %arg15[%dma_wait3A_300, %dma_wait3A_301] : memref<10240x32xf32, #tpu.memory_space<vmem_shared>> -> memref<10240x32xf32, #tpu.memory_space<vmem_shared>>
        tpu.wait_indirect_dma semaphore(%run_scoped3A_290 : memref<!tpu.dma_semaphore, #tpu.memory_space<semaphore_mem>>) src(%arg14 : memref<128x32xf32, #tpu.memory_space<vmem>>) dst(%dma_wait3A_302 : memref<10240x32xf32, #tpu.memory_space<vmem_shared>>)
        tpu.yield
      }) : () -> ()
      %dma_start3A_168 = arith.constant 3 : i32
      %dma_start3A_169 = arith.constant 0 : i32
      %dma_start3A_170 = tpu.memref_slice %arg8[%dma_start3A_168, %dma_start3A_169] : memref<4x128xi32, #tpu.memory_space<vmem>> -> memref<1x128xi32, #tpu.memory_space<vmem>>
      %dma_start3A_171 = tpu.memref_squeeze %dma_start3A_170 : memref<1x128xi32, #tpu.memory_space<vmem>> -> memref<128xi32, #tpu.memory_space<vmem>>
      %dma_start3A_172 = arith.constant 0 : i32
      %dma_start3A_173 = arith.constant 0 : i32
      %dma_start3A_174 = tpu.memref_slice %arg16[%dma_start3A_172, %dma_start3A_173] : memref<10240x32xf32, #tpu.memory_space<vmem_shared>> -> memref<10240x32xf32, #tpu.memory_space<vmem_shared>>
      tpu.enqueue_indirect_dma source(%dma_start3A_174 : memref<10240x32xf32, #tpu.memory_space<vmem_shared>>) target(%arg14 : memref<128x32xf32, #tpu.memory_space<vmem>>) offsets(%dma_start3A_171 : memref<128xi32, #tpu.memory_space<vmem>>) semaphore(%arg20 : memref<!tpu.dma_semaphore, #tpu.memory_space<semaphore_mem>>)
      %add3A_175 = arith.constant 2 : i32
      %add3A_176 = arith.addi %mul3A_99, %add3A_175 : i32
      %rem3A = arith.constant 40 : i32
      %rem3A_177 = arith.remsi %add3A_176, %rem3A : i32
      %mul3A_178 = arith.constant 4 : i32
      %mul3A_179 = arith.muli %rem3A_177, %mul3A_178 : i32
      %dma_start3A_180 = arith.constant 0 : i32
      %dma_start3A_181 = tpu.memref_slice %arg3[%arg1, %mul3A_179, %dma_start3A_180] : memref<16x160x128xi32, #tpu.memory_space<hbm>> -> memref<1x4x128xi32, #tpu.memory_space<hbm>>
      %dma_start3A_182 = tpu.memref_squeeze %dma_start3A_181 : memref<1x4x128xi32, #tpu.memory_space<hbm>> -> memref<4x128xi32, #tpu.memory_space<hbm>>
      %dma_start3A_183 = arith.constant 0 : i32
      %dma_start3A_184 = tpu.memref_slice %arg3[%arg1, %mul3A_179, %dma_start3A_183] : memref<16x160x128xi32, #tpu.memory_space<hbm>> -> memref<1x4x128xi32, #tpu.memory_space<hbm>>
      %dma_start3A_185 = tpu.memref_squeeze %dma_start3A_184 : memref<1x4x128xi32, #tpu.memory_space<hbm>> -> memref<4x128xi32, #tpu.memory_space<hbm>>
      tpu.enqueue_dma source(%dma_start3A_185 : memref<4x128xi32, #tpu.memory_space<hbm>>) target(%arg7 : memref<4x128xi32, #tpu.memory_space<vmem>>) target_semaphore(%arg21 : memref<!tpu.dma_semaphore, #tpu.memory_space<semaphore_mem>>)
      %dma_start3A_186 = arith.constant 0 : i32
      %dma_start3A_187 = tpu.memref_slice %arg4[%arg1, %mul3A_179, %dma_start3A_186] : memref<16x160x128xi32, #tpu.memory_space<hbm>> -> memref<1x4x128xi32, #tpu.memory_space<hbm>>
      %dma_start3A_188 = tpu.memref_squeeze %dma_start3A_187 : memref<1x4x128xi32, #tpu.memory_space<hbm>> -> memref<4x128xi32, #tpu.memory_space<hbm>>
      %dma_start3A_189 = arith.constant 0 : i32
      %dma_start3A_190 = tpu.memref_slice %arg4[%arg1, %mul3A_179, %dma_start3A_189] : memref<16x160x128xi32, #tpu.memory_space<hbm>> -> memref<1x4x128xi32, #tpu.memory_space<hbm>>
      %dma_start3A_191 = tpu.memref_squeeze %dma_start3A_190 : memref<1x4x128xi32, #tpu.memory_space<hbm>> -> memref<4x128xi32, #tpu.memory_space<hbm>>
      tpu.enqueue_dma source(%dma_start3A_191 : memref<4x128xi32, #tpu.memory_space<hbm>>) target(%arg9 : memref<4x128xi32, #tpu.memory_space<vmem>>) target_semaphore(%arg21 : memref<!tpu.dma_semaphore, #tpu.memory_space<semaphore_mem>>)
      %mul3A_192 = arith.constant 2 : i32
      %mul3A_193 = arith.muli %mul3A_192, %add3A_97 : i32
      %add3A_194 = arith.constant 1 : i32
      %add3A_195 = arith.addi %mul3A_193, %add3A_194 : i32
      %dma_wait3A_196 = arith.constant 0 : i32
      %dma_wait3A_197 = arith.constant 0 : i32
      %dma_wait3A_198 = tpu.memref_slice %arg3[%arg1, %dma_wait3A_196, %dma_wait3A_197] : memref<16x160x128xi32, #tpu.memory_space<hbm>> -> memref<1x4x128xi32, #tpu.memory_space<hbm>>
      %dma_wait3A_199 = tpu.memref_squeeze %dma_wait3A_198 : memref<1x4x128xi32, #tpu.memory_space<hbm>> -> memref<4x128xi32, #tpu.memory_space<hbm>>
      %dma_wait3A_200 = arith.constant 0 : i32
      %dma_wait3A_201 = arith.constant 0 : i32
      %dma_wait3A_202 = tpu.memref_slice %arg3[%arg1, %dma_wait3A_200, %dma_wait3A_201] : memref<16x160x128xi32, #tpu.memory_space<hbm>> -> memref<1x4x128xi32, #tpu.memory_space<hbm>>
      %dma_wait3A_203 = tpu.memref_squeeze %dma_wait3A_202 : memref<1x4x128xi32, #tpu.memory_space<hbm>> -> memref<4x128xi32, #tpu.memory_space<hbm>>
      tpu.wait_dma2 semaphore(%arg21 : memref<!tpu.dma_semaphore, #tpu.memory_space<semaphore_mem>>) src(%dma_wait3A_203 : memref<4x128xi32, #tpu.memory_space<hbm>>) dst(%arg7 : memref<4x128xi32, #tpu.memory_space<vmem>>)
      %dma_wait3A_204 = arith.constant 0 : i32
      %dma_wait3A_205 = arith.constant 0 : i32
      %dma_wait3A_206 = tpu.memref_slice %arg4[%arg1, %dma_wait3A_204, %dma_wait3A_205] : memref<16x160x128xi32, #tpu.memory_space<hbm>> -> memref<1x4x128xi32, #tpu.memory_space<hbm>>
      %dma_wait3A_207 = tpu.memref_squeeze %dma_wait3A_206 : memref<1x4x128xi32, #tpu.memory_space<hbm>> -> memref<4x128xi32, #tpu.memory_space<hbm>>
      %dma_wait3A_208 = arith.constant 0 : i32
      %dma_wait3A_209 = arith.constant 0 : i32
      %dma_wait3A_210 = tpu.memref_slice %arg4[%arg1, %dma_wait3A_208, %dma_wait3A_209] : memref<16x160x128xi32, #tpu.memory_space<hbm>> -> memref<1x4x128xi32, #tpu.memory_space<hbm>>
      %dma_wait3A_211 = tpu.memref_squeeze %dma_wait3A_210 : memref<1x4x128xi32, #tpu.memory_space<hbm>> -> memref<4x128xi32, #tpu.memory_space<hbm>>
      tpu.wait_dma2 semaphore(%arg21 : memref<!tpu.dma_semaphore, #tpu.memory_space<semaphore_mem>>) src(%dma_wait3A_211 : memref<4x128xi32, #tpu.memory_space<hbm>>) dst(%arg9 : memref<4x128xi32, #tpu.memory_space<vmem>>)
      %dma_wait3A_212 = arith.constant 0 : i32
      %dma_wait3A_213 = arith.constant 0 : i32
      %dma_wait3A_214 = tpu.memref_slice %arg8[%dma_wait3A_212, %dma_wait3A_213] : memref<4x128xi32, #tpu.memory_space<vmem>> -> memref<1x128xi32, #tpu.memory_space<vmem>>
      %dma_wait3A_215 = tpu.memref_squeeze %dma_wait3A_214 : memref<1x128xi32, #tpu.memory_space<vmem>> -> memref<128xi32, #tpu.memory_space<vmem>>
      %dma_wait3A_216 = arith.constant 0 : i32
      %dma_wait3A_217 = arith.constant 0 : i32
      %dma_wait3A_218 = tpu.memref_slice %arg16[%dma_wait3A_216, %dma_wait3A_217] : memref<10240x32xf32, #tpu.memory_space<vmem_shared>> -> memref<10240x32xf32, #tpu.memory_space<vmem_shared>>
      tpu.wait_indirect_dma semaphore(%arg17 : memref<!tpu.dma_semaphore, #tpu.memory_space<semaphore_mem>>) src(%dma_wait3A_218 : memref<10240x32xf32, #tpu.memory_space<vmem_shared>>) dst(%arg11 : memref<128x32xf32, #tpu.memory_space<vmem>>)
      %run_scoped3A_219 = arith.constant 0 : i32
      "tpu.region"() ({
        %run_scoped3A_290 = tpu.sem_alloc : memref<!tpu.dma_semaphore, #tpu.memory_space<semaphore_mem>>
        %dma_start3A_291 = arith.constant 0 : i32
        %dma_start3A_292 = tpu.memref_slice %arg10[%run_scoped3A_219, %dma_start3A_291] : memref<4x128xi32, #tpu.memory_space<vmem>> -> memref<1x128xi32, #tpu.memory_space<vmem>>
        %dma_start3A_293 = tpu.memref_squeeze %dma_start3A_292 : memref<1x128xi32, #tpu.memory_space<vmem>> -> memref<128xi32, #tpu.memory_space<vmem>>
        %dma_start3A_294 = arith.constant 0 : i32
        %dma_start3A_295 = arith.constant 0 : i32
        %dma_start3A_296 = tpu.memref_slice %arg15[%dma_start3A_294, %dma_start3A_295] : memref<10240x32xf32, #tpu.memory_space<vmem_shared>> -> memref<10240x32xf32, #tpu.memory_space<vmem_shared>>
        tpu.enqueue_indirect_dma source(%arg11 : memref<128x32xf32, #tpu.memory_space<vmem>>) target(%dma_start3A_296 : memref<10240x32xf32, #tpu.memory_space<vmem_shared>>) offsets(%dma_start3A_293 : memref<128xi32, #tpu.memory_space<vmem>>) semaphore(%run_scoped3A_290 : memref<!tpu.dma_semaphore, #tpu.memory_space<semaphore_mem>>) {add = true}
        %dma_wait3A_297 = arith.constant 0 : i32
        %dma_wait3A_298 = tpu.memref_slice %arg10[%run_scoped3A_219, %dma_wait3A_297] : memref<4x128xi32, #tpu.memory_space<vmem>> -> memref<1x128xi32, #tpu.memory_space<vmem>>
        %dma_wait3A_299 = tpu.memref_squeeze %dma_wait3A_298 : memref<1x128xi32, #tpu.memory_space<vmem>> -> memref<128xi32, #tpu.memory_space<vmem>>
        %dma_wait3A_300 = arith.constant 0 : i32
        %dma_wait3A_301 = arith.constant 0 : i32
        %dma_wait3A_302 = tpu.memref_slice %arg15[%dma_wait3A_300, %dma_wait3A_301] : memref<10240x32xf32, #tpu.memory_space<vmem_shared>> -> memref<10240x32xf32, #tpu.memory_space<vmem_shared>>
        tpu.wait_indirect_dma semaphore(%run_scoped3A_290 : memref<!tpu.dma_semaphore, #tpu.memory_space<semaphore_mem>>) src(%arg11 : memref<128x32xf32, #tpu.memory_space<vmem>>) dst(%dma_wait3A_302 : memref<10240x32xf32, #tpu.memory_space<vmem_shared>>)
        tpu.yield
      }) : () -> ()
      %dma_start3A_220 = arith.constant 0 : i32
      %dma_start3A_221 = arith.constant 0 : i32
      %dma_start3A_222 = tpu.memref_slice %arg7[%dma_start3A_220, %dma_start3A_221] : memref<4x128xi32, #tpu.memory_space<vmem>> -> memref<1x128xi32, #tpu.memory_space<vmem>>
      %dma_start3A_223 = tpu.memref_squeeze %dma_start3A_222 : memref<1x128xi32, #tpu.memory_space<vmem>> -> memref<128xi32, #tpu.memory_space<vmem>>
      %dma_start3A_224 = arith.constant 0 : i32
      %dma_start3A_225 = arith.constant 0 : i32
      %dma_start3A_226 = tpu.memref_slice %arg16[%dma_start3A_224, %dma_start3A_225] : memref<10240x32xf32, #tpu.memory_space<vmem_shared>> -> memref<10240x32xf32, #tpu.memory_space<vmem_shared>>
      tpu.enqueue_indirect_dma source(%dma_start3A_226 : memref<10240x32xf32, #tpu.memory_space<vmem_shared>>) target(%arg11 : memref<128x32xf32, #tpu.memory_space<vmem>>) offsets(%dma_start3A_223 : memref<128xi32, #tpu.memory_space<vmem>>) semaphore(%arg17 : memref<!tpu.dma_semaphore, #tpu.memory_space<semaphore_mem>>)
      %dma_wait3A_227 = arith.constant 1 : i32
      %dma_wait3A_228 = arith.constant 0 : i32
      %dma_wait3A_229 = tpu.memref_slice %arg8[%dma_wait3A_227, %dma_wait3A_228] : memref<4x128xi32, #tpu.memory_space<vmem>> -> memref<1x128xi32, #tpu.memory_space<vmem>>
      %dma_wait3A_230 = tpu.memref_squeeze %dma_wait3A_229 : memref<1x128xi32, #tpu.memory_space<vmem>> -> memref<128xi32, #tpu.memory_space<vmem>>
      %dma_wait3A_231 = arith.constant 0 : i32
      %dma_wait3A_232 = arith.constant 0 : i32
      %dma_wait3A_233 = tpu.memref_slice %arg16[%dma_wait3A_231, %dma_wait3A_232] : memref<10240x32xf32, #tpu.memory_space<vmem_shared>> -> memref<10240x32xf32, #tpu.memory_space<vmem_shared>>
      tpu.wait_indirect_dma semaphore(%arg18 : memref<!tpu.dma_semaphore, #tpu.memory_space<semaphore_mem>>) src(%dma_wait3A_233 : memref<10240x32xf32, #tpu.memory_space<vmem_shared>>) dst(%arg12 : memref<128x32xf32, #tpu.memory_space<vmem>>)
      %run_scoped3A_234 = arith.constant 1 : i32
      "tpu.region"() ({
        %run_scoped3A_290 = tpu.sem_alloc : memref<!tpu.dma_semaphore, #tpu.memory_space<semaphore_mem>>
        %dma_start3A_291 = arith.constant 0 : i32
        %dma_start3A_292 = tpu.memref_slice %arg10[%run_scoped3A_234, %dma_start3A_291] : memref<4x128xi32, #tpu.memory_space<vmem>> -> memref<1x128xi32, #tpu.memory_space<vmem>>
        %dma_start3A_293 = tpu.memref_squeeze %dma_start3A_292 : memref<1x128xi32, #tpu.memory_space<vmem>> -> memref<128xi32, #tpu.memory_space<vmem>>
        %dma_start3A_294 = arith.constant 0 : i32
        %dma_start3A_295 = arith.constant 0 : i32
        %dma_start3A_296 = tpu.memref_slice %arg15[%dma_start3A_294, %dma_start3A_295] : memref<10240x32xf32, #tpu.memory_space<vmem_shared>> -> memref<10240x32xf32, #tpu.memory_space<vmem_shared>>
        tpu.enqueue_indirect_dma source(%arg12 : memref<128x32xf32, #tpu.memory_space<vmem>>) target(%dma_start3A_296 : memref<10240x32xf32, #tpu.memory_space<vmem_shared>>) offsets(%dma_start3A_293 : memref<128xi32, #tpu.memory_space<vmem>>) semaphore(%run_scoped3A_290 : memref<!tpu.dma_semaphore, #tpu.memory_space<semaphore_mem>>) {add = true}
        %dma_wait3A_297 = arith.constant 0 : i32
        %dma_wait3A_298 = tpu.memref_slice %arg10[%run_scoped3A_234, %dma_wait3A_297] : memref<4x128xi32, #tpu.memory_space<vmem>> -> memref<1x128xi32, #tpu.memory_space<vmem>>
        %dma_wait3A_299 = tpu.memref_squeeze %dma_wait3A_298 : memref<1x128xi32, #tpu.memory_space<vmem>> -> memref<128xi32, #tpu.memory_space<vmem>>
        %dma_wait3A_300 = arith.constant 0 : i32
        %dma_wait3A_301 = arith.constant 0 : i32
        %dma_wait3A_302 = tpu.memref_slice %arg15[%dma_wait3A_300, %dma_wait3A_301] : memref<10240x32xf32, #tpu.memory_space<vmem_shared>> -> memref<10240x32xf32, #tpu.memory_space<vmem_shared>>
        tpu.wait_indirect_dma semaphore(%run_scoped3A_290 : memref<!tpu.dma_semaphore, #tpu.memory_space<semaphore_mem>>) src(%arg12 : memref<128x32xf32, #tpu.memory_space<vmem>>) dst(%dma_wait3A_302 : memref<10240x32xf32, #tpu.memory_space<vmem_shared>>)
        tpu.yield
      }) : () -> ()
      %dma_start3A_235 = arith.constant 1 : i32
      %dma_start3A_236 = arith.constant 0 : i32
      %dma_start3A_237 = tpu.memref_slice %arg7[%dma_start3A_235, %dma_start3A_236] : memref<4x128xi32, #tpu.memory_space<vmem>> -> memref<1x128xi32, #tpu.memory_space<vmem>>
      %dma_start3A_238 = tpu.memref_squeeze %dma_start3A_237 : memref<1x128xi32, #tpu.memory_space<vmem>> -> memref<128xi32, #tpu.memory_space<vmem>>
      %dma_start3A_239 = arith.constant 0 : i32
      %dma_start3A_240 = arith.constant 0 : i32
      %dma_start3A_241 = tpu.memref_slice %arg16[%dma_start3A_239, %dma_start3A_240] : memref<10240x32xf32, #tpu.memory_space<vmem_shared>> -> memref<10240x32xf32, #tpu.memory_space<vmem_shared>>
      tpu.enqueue_indirect_dma source(%dma_start3A_241 : memref<10240x32xf32, #tpu.memory_space<vmem_shared>>) target(%arg12 : memref<128x32xf32, #tpu.memory_space<vmem>>) offsets(%dma_start3A_238 : memref<128xi32, #tpu.memory_space<vmem>>) semaphore(%arg18 : memref<!tpu.dma_semaphore, #tpu.memory_space<semaphore_mem>>)
      %dma_wait3A_242 = arith.constant 2 : i32
      %dma_wait3A_243 = arith.constant 0 : i32
      %dma_wait3A_244 = tpu.memref_slice %arg8[%dma_wait3A_242, %dma_wait3A_243] : memref<4x128xi32, #tpu.memory_space<vmem>> -> memref<1x128xi32, #tpu.memory_space<vmem>>
      %dma_wait3A_245 = tpu.memref_squeeze %dma_wait3A_244 : memref<1x128xi32, #tpu.memory_space<vmem>> -> memref<128xi32, #tpu.memory_space<vmem>>
      %dma_wait3A_246 = arith.constant 0 : i32
      %dma_wait3A_247 = arith.constant 0 : i32
      %dma_wait3A_248 = tpu.memref_slice %arg16[%dma_wait3A_246, %dma_wait3A_247] : memref<10240x32xf32, #tpu.memory_space<vmem_shared>> -> memref<10240x32xf32, #tpu.memory_space<vmem_shared>>
      tpu.wait_indirect_dma semaphore(%arg19 : memref<!tpu.dma_semaphore, #tpu.memory_space<semaphore_mem>>) src(%dma_wait3A_248 : memref<10240x32xf32, #tpu.memory_space<vmem_shared>>) dst(%arg13 : memref<128x32xf32, #tpu.memory_space<vmem>>)
      %run_scoped3A_249 = arith.constant 2 : i32
      "tpu.region"() ({
        %run_scoped3A_290 = tpu.sem_alloc : memref<!tpu.dma_semaphore, #tpu.memory_space<semaphore_mem>>
        %dma_start3A_291 = arith.constant 0 : i32
        %dma_start3A_292 = tpu.memref_slice %arg10[%run_scoped3A_249, %dma_start3A_291] : memref<4x128xi32, #tpu.memory_space<vmem>> -> memref<1x128xi32, #tpu.memory_space<vmem>>
        %dma_start3A_293 = tpu.memref_squeeze %dma_start3A_292 : memref<1x128xi32, #tpu.memory_space<vmem>> -> memref<128xi32, #tpu.memory_space<vmem>>
        %dma_start3A_294 = arith.constant 0 : i32
        %dma_start3A_295 = arith.constant 0 : i32
        %dma_start3A_296 = tpu.memref_slice %arg15[%dma_start3A_294, %dma_start3A_295] : memref<10240x32xf32, #tpu.memory_space<vmem_shared>> -> memref<10240x32xf32, #tpu.memory_space<vmem_shared>>
        tpu.enqueue_indirect_dma source(%arg13 : memref<128x32xf32, #tpu.memory_space<vmem>>) target(%dma_start3A_296 : memref<10240x32xf32, #tpu.memory_space<vmem_shared>>) offsets(%dma_start3A_293 : memref<128xi32, #tpu.memory_space<vmem>>) semaphore(%run_scoped3A_290 : memref<!tpu.dma_semaphore, #tpu.memory_space<semaphore_mem>>) {add = true}
        %dma_wait3A_297 = arith.constant 0 : i32
        %dma_wait3A_298 = tpu.memref_slice %arg10[%run_scoped3A_249, %dma_wait3A_297] : memref<4x128xi32, #tpu.memory_space<vmem>> -> memref<1x128xi32, #tpu.memory_space<vmem>>
        %dma_wait3A_299 = tpu.memref_squeeze %dma_wait3A_298 : memref<1x128xi32, #tpu.memory_space<vmem>> -> memref<128xi32, #tpu.memory_space<vmem>>
        %dma_wait3A_300 = arith.constant 0 : i32
        %dma_wait3A_301 = arith.constant 0 : i32
        %dma_wait3A_302 = tpu.memref_slice %arg15[%dma_wait3A_300, %dma_wait3A_301] : memref<10240x32xf32, #tpu.memory_space<vmem_shared>> -> memref<10240x32xf32, #tpu.memory_space<vmem_shared>>
        tpu.wait_indirect_dma semaphore(%run_scoped3A_290 : memref<!tpu.dma_semaphore, #tpu.memory_space<semaphore_mem>>) src(%arg13 : memref<128x32xf32, #tpu.memory_space<vmem>>) dst(%dma_wait3A_302 : memref<10240x32xf32, #tpu.memory_space<vmem_shared>>)
        tpu.yield
      }) : () -> ()
      %dma_start3A_250 = arith.constant 2 : i32
      %dma_start3A_251 = arith.constant 0 : i32
      %dma_start3A_252 = tpu.memref_slice %arg7[%dma_start3A_250, %dma_start3A_251] : memref<4x128xi32, #tpu.memory_space<vmem>> -> memref<1x128xi32, #tpu.memory_space<vmem>>
      %dma_start3A_253 = tpu.memref_squeeze %dma_start3A_252 : memref<1x128xi32, #tpu.memory_space<vmem>> -> memref<128xi32, #tpu.memory_space<vmem>>
      %dma_start3A_254 = arith.constant 0 : i32
      %dma_start3A_255 = arith.constant 0 : i32
      %dma_start3A_256 = tpu.memref_slice %arg16[%dma_start3A_254, %dma_start3A_255] : memref<10240x32xf32, #tpu.memory_space<vmem_shared>> -> memref<10240x32xf32, #tpu.memory_space<vmem_shared>>
      tpu.enqueue_indirect_dma source(%dma_start3A_256 : memref<10240x32xf32, #tpu.memory_space<vmem_shared>>) target(%arg13 : memref<128x32xf32, #tpu.memory_space<vmem>>) offsets(%dma_start3A_253 : memref<128xi32, #tpu.memory_space<vmem>>) semaphore(%arg19 : memref<!tpu.dma_semaphore, #tpu.memory_space<semaphore_mem>>)
      %dma_wait3A_257 = arith.constant 3 : i32
      %dma_wait3A_258 = arith.constant 0 : i32
      %dma_wait3A_259 = tpu.memref_slice %arg8[%dma_wait3A_257, %dma_wait3A_258] : memref<4x128xi32, #tpu.memory_space<vmem>> -> memref<1x128xi32, #tpu.memory_space<vmem>>
      %dma_wait3A_260 = tpu.memref_squeeze %dma_wait3A_259 : memref<1x128xi32, #tpu.memory_space<vmem>> -> memref<128xi32, #tpu.memory_space<vmem>>
      %dma_wait3A_261 = arith.constant 0 : i32
      %dma_wait3A_262 = arith.constant 0 : i32
      %dma_wait3A_263 = tpu.memref_slice %arg16[%dma_wait3A_261, %dma_wait3A_262] : memref<10240x32xf32, #tpu.memory_space<vmem_shared>> -> memref<10240x32xf32, #tpu.memory_space<vmem_shared>>
      tpu.wait_indirect_dma semaphore(%arg20 : memref<!tpu.dma_semaphore, #tpu.memory_space<semaphore_mem>>) src(%dma_wait3A_263 : memref<10240x32xf32, #tpu.memory_space<vmem_shared>>) dst(%arg14 : memref<128x32xf32, #tpu.memory_space<vmem>>)
      %run_scoped3A_264 = arith.constant 3 : i32
      "tpu.region"() ({
        %run_scoped3A_290 = tpu.sem_alloc : memref<!tpu.dma_semaphore, #tpu.memory_space<semaphore_mem>>
        %dma_start3A_291 = arith.constant 0 : i32
        %dma_start3A_292 = tpu.memref_slice %arg10[%run_scoped3A_264, %dma_start3A_291] : memref<4x128xi32, #tpu.memory_space<vmem>> -> memref<1x128xi32, #tpu.memory_space<vmem>>
        %dma_start3A_293 = tpu.memref_squeeze %dma_start3A_292 : memref<1x128xi32, #tpu.memory_space<vmem>> -> memref<128xi32, #tpu.memory_space<vmem>>
        %dma_start3A_294 = arith.constant 0 : i32
        %dma_start3A_295 = arith.constant 0 : i32
        %dma_start3A_296 = tpu.memref_slice %arg15[%dma_start3A_294, %dma_start3A_295] : memref<10240x32xf32, #tpu.memory_space<vmem_shared>> -> memref<10240x32xf32, #tpu.memory_space<vmem_shared>>
        tpu.enqueue_indirect_dma source(%arg14 : memref<128x32xf32, #tpu.memory_space<vmem>>) target(%dma_start3A_296 : memref<10240x32xf32, #tpu.memory_space<vmem_shared>>) offsets(%dma_start3A_293 : memref<128xi32, #tpu.memory_space<vmem>>) semaphore(%run_scoped3A_290 : memref<!tpu.dma_semaphore, #tpu.memory_space<semaphore_mem>>) {add = true}
        %dma_wait3A_297 = arith.constant 0 : i32
        %dma_wait3A_298 = tpu.memref_slice %arg10[%run_scoped3A_264, %dma_wait3A_297] : memref<4x128xi32, #tpu.memory_space<vmem>> -> memref<1x128xi32, #tpu.memory_space<vmem>>
        %dma_wait3A_299 = tpu.memref_squeeze %dma_wait3A_298 : memref<1x128xi32, #tpu.memory_space<vmem>> -> memref<128xi32, #tpu.memory_space<vmem>>
        %dma_wait3A_300 = arith.constant 0 : i32
        %dma_wait3A_301 = arith.constant 0 : i32
        %dma_wait3A_302 = tpu.memref_slice %arg15[%dma_wait3A_300, %dma_wait3A_301] : memref<10240x32xf32, #tpu.memory_space<vmem_shared>> -> memref<10240x32xf32, #tpu.memory_space<vmem_shared>>
        tpu.wait_indirect_dma semaphore(%run_scoped3A_290 : memref<!tpu.dma_semaphore, #tpu.memory_space<semaphore_mem>>) src(%arg14 : memref<128x32xf32, #tpu.memory_space<vmem>>) dst(%dma_wait3A_302 : memref<10240x32xf32, #tpu.memory_space<vmem_shared>>)
        tpu.yield
      }) : () -> ()
      %dma_start3A_265 = arith.constant 3 : i32
      %dma_start3A_266 = arith.constant 0 : i32
      %dma_start3A_267 = tpu.memref_slice %arg7[%dma_start3A_265, %dma_start3A_266] : memref<4x128xi32, #tpu.memory_space<vmem>> -> memref<1x128xi32, #tpu.memory_space<vmem>>
      %dma_start3A_268 = tpu.memref_squeeze %dma_start3A_267 : memref<1x128xi32, #tpu.memory_space<vmem>> -> memref<128xi32, #tpu.memory_space<vmem>>
      %dma_start3A_269 = arith.constant 0 : i32
      %dma_start3A_270 = arith.constant 0 : i32
      %dma_start3A_271 = tpu.memref_slice %arg16[%dma_start3A_269, %dma_start3A_270] : memref<10240x32xf32, #tpu.memory_space<vmem_shared>> -> memref<10240x32xf32, #tpu.memory_space<vmem_shared>>
      tpu.enqueue_indirect_dma source(%dma_start3A_271 : memref<10240x32xf32, #tpu.memory_space<vmem_shared>>) target(%arg14 : memref<128x32xf32, #tpu.memory_space<vmem>>) offsets(%dma_start3A_268 : memref<128xi32, #tpu.memory_space<vmem>>) semaphore(%arg20 : memref<!tpu.dma_semaphore, #tpu.memory_space<semaphore_mem>>)
      %add3A_272 = arith.constant 2 : i32
      %add3A_273 = arith.addi %add3A_195, %add3A_272 : i32
      %rem3A_274 = arith.constant 40 : i32
      %rem3A_275 = arith.remsi %add3A_273, %rem3A_274 : i32
      %mul3A_276 = arith.constant 4 : i32
      %mul3A_277 = arith.muli %rem3A_275, %mul3A_276 : i32
      %dma_start3A_278 = arith.constant 0 : i32
      %dma_start3A_279 = tpu.memref_slice %arg3[%arg1, %mul3A_277, %dma_start3A_278] : memref<16x160x128xi32, #tpu.memory_space<hbm>> -> memref<1x4x128xi32, #tpu.memory_space<hbm>>
      %dma_start3A_280 = tpu.memref_squeeze %dma_start3A_279 : memref<1x4x128xi32, #tpu.memory_space<hbm>> -> memref<4x128xi32, #tpu.memory_space<hbm>>
      %dma_start3A_281 = arith.constant 0 : i32
      %dma_start3A_282 = tpu.memref_slice %arg3[%arg1, %mul3A_277, %dma_start3A_281] : memref<16x160x128xi32, #tpu.memory_space<hbm>> -> memref<1x4x128xi32, #tpu.memory_space<hbm>>
      %dma_start3A_283 = tpu.memref_squeeze %dma_start3A_282 : memref<1x4x128xi32, #tpu.memory_space<hbm>> -> memref<4x128xi32, #tpu.memory_space<hbm>>
      tpu.enqueue_dma source(%dma_start3A_283 : memref<4x128xi32, #tpu.memory_space<hbm>>) target(%arg8 : memref<4x128xi32, #tpu.memory_space<vmem>>) target_semaphore(%arg22 : memref<!tpu.dma_semaphore, #tpu.memory_space<semaphore_mem>>)
      %dma_start3A_284 = arith.constant 0 : i32
      %dma_start3A_285 = tpu.memref_slice %arg4[%arg1, %mul3A_277, %dma_start3A_284] : memref<16x160x128xi32, #tpu.memory_space<hbm>> -> memref<1x4x128xi32, #tpu.memory_space<hbm>>
      %dma_start3A_286 = tpu.memref_squeeze %dma_start3A_285 : memref<1x4x128xi32, #tpu.memory_space<hbm>> -> memref<4x128xi32, #tpu.memory_space<hbm>>
      %dma_start3A_287 = arith.constant 0 : i32
      %dma_start3A_288 = tpu.memref_slice %arg4[%arg1, %mul3A_277, %dma_start3A_287] : memref<16x160x128xi32, #tpu.memory_space<hbm>> -> memref<1x4x128xi32, #tpu.memory_space<hbm>>
      %dma_start3A_289 = tpu.memref_squeeze %dma_start3A_288 : memref<1x4x128xi32, #tpu.memory_space<hbm>> -> memref<4x128xi32, #tpu.memory_space<hbm>>
      tpu.enqueue_dma source(%dma_start3A_289 : memref<4x128xi32, #tpu.memory_space<hbm>>) target(%arg10 : memref<4x128xi32, #tpu.memory_space<vmem>>) target_semaphore(%arg22 : memref<!tpu.dma_semaphore, #tpu.memory_space<semaphore_mem>>)
    }
    %scan3A_49 = arith.constant 20 : i32
    %dma_wait3A = arith.constant 0 : i32
    %dma_wait3A_50 = arith.constant 0 : i32
    %dma_wait3A_51 = tpu.memref_slice %arg7[%dma_wait3A, %dma_wait3A_50] : memref<4x128xi32, #tpu.memory_space<vmem>> -> memref<1x128xi32, #tpu.memory_space<vmem>>
    %dma_wait3A_52 = tpu.memref_squeeze %dma_wait3A_51 : memref<1x128xi32, #tpu.memory_space<vmem>> -> memref<128xi32, #tpu.memory_space<vmem>>
    %dma_wait3A_53 = arith.constant 0 : i32
    %dma_wait3A_54 = arith.constant 0 : i32
    %dma_wait3A_55 = tpu.memref_slice %arg16[%dma_wait3A_53, %dma_wait3A_54] : memref<10240x32xf32, #tpu.memory_space<vmem_shared>> -> memref<10240x32xf32, #tpu.memory_space<vmem_shared>>
    tpu.wait_indirect_dma semaphore(%arg17 : memref<!tpu.dma_semaphore, #tpu.memory_space<semaphore_mem>>) src(%dma_wait3A_55 : memref<10240x32xf32, #tpu.memory_space<vmem_shared>>) dst(%arg11 : memref<128x32xf32, #tpu.memory_space<vmem>>)
    %dma_wait3A_56 = arith.constant 1 : i32
    %dma_wait3A_57 = arith.constant 0 : i32
    %dma_wait3A_58 = tpu.memref_slice %arg7[%dma_wait3A_56, %dma_wait3A_57] : memref<4x128xi32, #tpu.memory_space<vmem>> -> memref<1x128xi32, #tpu.memory_space<vmem>>
    %dma_wait3A_59 = tpu.memref_squeeze %dma_wait3A_58 : memref<1x128xi32, #tpu.memory_space<vmem>> -> memref<128xi32, #tpu.memory_space<vmem>>
    %dma_wait3A_60 = arith.constant 0 : i32
    %dma_wait3A_61 = arith.constant 0 : i32
    %dma_wait3A_62 = tpu.memref_slice %arg16[%dma_wait3A_60, %dma_wait3A_61] : memref<10240x32xf32, #tpu.memory_space<vmem_shared>> -> memref<10240x32xf32, #tpu.memory_space<vmem_shared>>
    tpu.wait_indirect_dma semaphore(%arg18 : memref<!tpu.dma_semaphore, #tpu.memory_space<semaphore_mem>>) src(%dma_wait3A_62 : memref<10240x32xf32, #tpu.memory_space<vmem_shared>>) dst(%arg12 : memref<128x32xf32, #tpu.memory_space<vmem>>)
    %dma_wait3A_63 = arith.constant 2 : i32
    %dma_wait3A_64 = arith.constant 0 : i32
    %dma_wait3A_65 = tpu.memref_slice %arg7[%dma_wait3A_63, %dma_wait3A_64] : memref<4x128xi32, #tpu.memory_space<vmem>> -> memref<1x128xi32, #tpu.memory_space<vmem>>
    %dma_wait3A_66 = tpu.memref_squeeze %dma_wait3A_65 : memref<1x128xi32, #tpu.memory_space<vmem>> -> memref<128xi32, #tpu.memory_space<vmem>>
    %dma_wait3A_67 = arith.constant 0 : i32
    %dma_wait3A_68 = arith.constant 0 : i32
    %dma_wait3A_69 = tpu.memref_slice %arg16[%dma_wait3A_67, %dma_wait3A_68] : memref<10240x32xf32, #tpu.memory_space<vmem_shared>> -> memref<10240x32xf32, #tpu.memory_space<vmem_shared>>
    tpu.wait_indirect_dma semaphore(%arg19 : memref<!tpu.dma_semaphore, #tpu.memory_space<semaphore_mem>>) src(%dma_wait3A_69 : memref<10240x32xf32, #tpu.memory_space<vmem_shared>>) dst(%arg13 : memref<128x32xf32, #tpu.memory_space<vmem>>)
    %dma_wait3A_70 = arith.constant 3 : i32
    %dma_wait3A_71 = arith.constant 0 : i32
    %dma_wait3A_72 = tpu.memref_slice %arg7[%dma_wait3A_70, %dma_wait3A_71] : memref<4x128xi32, #tpu.memory_space<vmem>> -> memref<1x128xi32, #tpu.memory_space<vmem>>
    %dma_wait3A_73 = tpu.memref_squeeze %dma_wait3A_72 : memref<1x128xi32, #tpu.memory_space<vmem>> -> memref<128xi32, #tpu.memory_space<vmem>>
    %dma_wait3A_74 = arith.constant 0 : i32
    %dma_wait3A_75 = arith.constant 0 : i32
    %dma_wait3A_76 = tpu.memref_slice %arg16[%dma_wait3A_74, %dma_wait3A_75] : memref<10240x32xf32, #tpu.memory_space<vmem_shared>> -> memref<10240x32xf32, #tpu.memory_space<vmem_shared>>
    tpu.wait_indirect_dma semaphore(%arg20 : memref<!tpu.dma_semaphore, #tpu.memory_space<semaphore_mem>>) src(%dma_wait3A_76 : memref<10240x32xf32, #tpu.memory_space<vmem_shared>>) dst(%arg14 : memref<128x32xf32, #tpu.memory_space<vmem>>)
    %dma_wait3A_77 = arith.constant 0 : i32
    %dma_wait3A_78 = arith.constant 0 : i32
    %dma_wait3A_79 = tpu.memref_slice %arg3[%arg1, %dma_wait3A_77, %dma_wait3A_78] : memref<16x160x128xi32, #tpu.memory_space<hbm>> -> memref<1x4x128xi32, #tpu.memory_space<hbm>>
    %dma_wait3A_80 = tpu.memref_squeeze %dma_wait3A_79 : memref<1x4x128xi32, #tpu.memory_space<hbm>> -> memref<4x128xi32, #tpu.memory_space<hbm>>
    %dma_wait3A_81 = arith.constant 0 : i32
    %dma_wait3A_82 = arith.constant 0 : i32
    %dma_wait3A_83 = tpu.memref_slice %arg3[%arg1, %dma_wait3A_81, %dma_wait3A_82] : memref<16x160x128xi32, #tpu.memory_space<hbm>> -> memref<1x4x128xi32, #tpu.memory_space<hbm>>
    %dma_wait3A_84 = tpu.memref_squeeze %dma_wait3A_83 : memref<1x4x128xi32, #tpu.memory_space<hbm>> -> memref<4x128xi32, #tpu.memory_space<hbm>>
    tpu.wait_dma2 semaphore(%arg22 : memref<!tpu.dma_semaphore, #tpu.memory_space<semaphore_mem>>) src(%dma_wait3A_84 : memref<4x128xi32, #tpu.memory_space<hbm>>) dst(%arg8 : memref<4x128xi32, #tpu.memory_space<vmem>>)
    %dma_wait3A_85 = arith.constant 0 : i32
    %dma_wait3A_86 = arith.constant 0 : i32
    %dma_wait3A_87 = tpu.memref_slice %arg4[%arg1, %dma_wait3A_85, %dma_wait3A_86] : memref<16x160x128xi32, #tpu.memory_space<hbm>> -> memref<1x4x128xi32, #tpu.memory_space<hbm>>
    %dma_wait3A_88 = tpu.memref_squeeze %dma_wait3A_87 : memref<1x4x128xi32, #tpu.memory_space<hbm>> -> memref<4x128xi32, #tpu.memory_space<hbm>>
    %dma_wait3A_89 = arith.constant 0 : i32
    %dma_wait3A_90 = arith.constant 0 : i32
    %dma_wait3A_91 = tpu.memref_slice %arg4[%arg1, %dma_wait3A_89, %dma_wait3A_90] : memref<16x160x128xi32, #tpu.memory_space<hbm>> -> memref<1x4x128xi32, #tpu.memory_space<hbm>>
    %dma_wait3A_92 = tpu.memref_squeeze %dma_wait3A_91 : memref<1x4x128xi32, #tpu.memory_space<hbm>> -> memref<4x128xi32, #tpu.memory_space<hbm>>
    tpu.wait_dma2 semaphore(%arg22 : memref<!tpu.dma_semaphore, #tpu.memory_space<semaphore_mem>>) src(%dma_wait3A_92 : memref<4x128xi32, #tpu.memory_space<hbm>>) dst(%arg10 : memref<4x128xi32, #tpu.memory_space<vmem>>)
    %barrier3A_93 = arith.constant 0 : index
    tpu.barrier barrier_id(%barrier3A_93)
    "tpu.region"() ({
      %run_scoped3A = tpu.sem_alloc : memref<!tpu.dma_semaphore, #tpu.memory_space<semaphore_mem>>
      %dma_start3A_94 = tpu.memref_slice %arg6[%mul3A_0, %mul3A_2] : memref<10240x128xf32, #tpu.memory_space<hbm>> -> memref<640x32xf32, #tpu.memory_space<hbm>>
      %dma_start3A_95 = arith.constant 0 : i32
      %dma_start3A_96 = tpu.memref_slice %arg15[%mul3A_0, %dma_start3A_95] : memref<10240x32xf32, #tpu.memory_space<vmem_shared>> -> memref<640x32xf32, #tpu.memory_space<vmem_shared>>
      tpu.enqueue_dma source(%dma_start3A_96 : memref<640x32xf32, #tpu.memory_space<vmem_shared>>) target(%dma_start3A_94 : memref<640x32xf32, #tpu.memory_space<hbm>>) target_semaphore(%run_scoped3A : memref<!tpu.dma_semaphore, #tpu.memory_space<semaphore_mem>>)
      %dma_wait3A_97 = tpu.memref_slice %arg6[%mul3A_0, %mul3A_2] : memref<10240x128xf32, #tpu.memory_space<hbm>> -> memref<640x32xf32, #tpu.memory_space<hbm>>
      %dma_wait3A_98 = arith.constant 0 : i32
      %dma_wait3A_99 = tpu.memref_slice %arg15[%mul3A_0, %dma_wait3A_98] : memref<10240x32xf32, #tpu.memory_space<vmem_shared>> -> memref<640x32xf32, #tpu.memory_space<vmem_shared>>
      tpu.wait_dma2 semaphore(%run_scoped3A : memref<!tpu.dma_semaphore, #tpu.memory_space<semaphore_mem>>) src(%dma_wait3A_99 : memref<640x32xf32, #tpu.memory_space<vmem_shared>>) dst(%dma_wait3A_97 : memref<640x32xf32, #tpu.memory_space<hbm>>)
      tpu.yield
    }) : () -> ()
    return
  }
}

module attributes {stable_mosaic.version = 14 : i64} {
  func.func @body(%arg0: i32, %arg1: memref<2000x128xf32, #tpu.memory_space<vmem>>, %arg2: memref<128x128xf32, #tpu.memory_space<vmem>>, %arg3: memref<128x128xf32, #tpu.memory_space<vmem>>, %arg4: memref<2000x128xf32, #tpu.memory_space<vmem>>, %arg5: memref<2000x128xf32, #tpu.memory_space<vmem>>) attributes {dimension_semantics = [#tpu.dimension_semantics<arbitrary>], iteration_bounds = array<i64: 5>, scalar_prefetch = 0 : i64, scratch_operands = 0 : i64, tpu.core_type = #tpu.core_type<tc>, window_params = [{transform_indices = @transform_0, window_bounds = array<i64: 2000, 128>}, {pipeline_mode = #tpu.pipeline_mode<synchronous>, transform_indices = @transform_1, window_bounds = array<i64: 128, 128>}, {pipeline_mode = #tpu.pipeline_mode<synchronous>, transform_indices = @transform_2, window_bounds = array<i64: 128, 128>}, {transform_indices = @transform_3, window_bounds = array<i64: 2000, 128>}, {transform_indices = @transform_4, window_bounds = array<i64: 2000, 128>}]} {
    %get3A = arith.constant 0 : index
    %get3A_0 = arith.constant 0 : index
    %get3A_1 = vector.load %arg1[%get3A, %get3A_0] : memref<2000x128xf32, #tpu.memory_space<vmem>>, vector<2000x128xf32>
    %get3A_2 = arith.constant 0 : index
    %get3A_3 = arith.constant 0 : index
    %get3A_4 = vector.load %arg2[%get3A_2, %get3A_3] : memref<128x128xf32, #tpu.memory_space<vmem>>, vector<128x128xf32>
    %dot_general3A = arith.constant dense<0.000000e+00> : vector<2000x128xf32>
    %dot_general3A_5 = tpu.matmul %get3A_1, %get3A_4, %dot_general3A {dimension_numbers = #tpu.dot_dimension_numbers<[1], [0], [0], [1], [0, 0, 1, 1], [], []>, precision = #tpu.contract_precision<fp32>, transpose_lhs_hint = false} : vector<2000x128xf32>, vector<128x128xf32>, vector<2000x128xf32> -> vector<2000x128xf32>
    %swap3A = arith.constant 0 : index
    %swap3A_6 = arith.constant 0 : index
    %swap3A_7 = vector.load %arg4[%swap3A, %swap3A_6] : memref<2000x128xf32, #tpu.memory_space<vmem>>, vector<2000x128xf32>
    tpu.vector_store %arg4[%swap3A, %swap3A_6], %dot_general3A_5 {strides = array<i32>} : memref<2000x128xf32, #tpu.memory_space<vmem>>, vector<2000x128xf32>,
    %get3A_8 = arith.constant 0 : index
    %get3A_9 = arith.constant 0 : index
    %get3A_10 = vector.load %arg3[%get3A_8, %get3A_9] : memref<128x128xf32, #tpu.memory_space<vmem>>, vector<128x128xf32>
    %dot_general3A_11 = arith.constant dense<0.000000e+00> : vector<2000x128xf32>
    %dot_general3A_12 = tpu.matmul %get3A_1, %get3A_10, %dot_general3A_11 {dimension_numbers = #tpu.dot_dimension_numbers<[1], [0], [0], [1], [0, 0, 1, 1], [], []>, precision = #tpu.contract_precision<fp32>, transpose_lhs_hint = false} : vector<2000x128xf32>, vector<128x128xf32>, vector<2000x128xf32> -> vector<2000x128xf32>
    %swap3A_13 = arith.constant 0 : index
    %swap3A_14 = arith.constant 0 : index
    %swap3A_15 = vector.load %arg5[%swap3A_13, %swap3A_14] : memref<2000x128xf32, #tpu.memory_space<vmem>>, vector<2000x128xf32>
    tpu.vector_store %arg5[%swap3A_13, %swap3A_14], %dot_general3A_12 {strides = array<i32>} : memref<2000x128xf32, #tpu.memory_space<vmem>>, vector<2000x128xf32>,
    return
  }
  func.func @transform_0(%arg0: i32) -> (i32, i32) {
    %c0_i32 = arith.constant 0 : i32
    %c0_i32_0 = arith.constant 0 : i32
    return %arg0, %c0_i32 : i32, i32
  }
  func.func @transform_1(%arg0: i32) -> (i32, i32) {
    %c0_i32 = arith.constant 0 : i32
    %c0_i32_0 = arith.constant 0 : i32
    %c0_i32_1 = arith.constant 0 : i32
    return %c0_i32, %c0_i32_0 : i32, i32
  }
  func.func @transform_2(%arg0: i32) -> (i32, i32) {
    %c0_i32 = arith.constant 0 : i32
    %c0_i32_0 = arith.constant 0 : i32
    %c0_i32_1 = arith.constant 0 : i32
    return %c0_i32, %c0_i32_0 : i32, i32
  }
  func.func @transform_3(%arg0: i32) -> (i32, i32) {
    %c0_i32 = arith.constant 0 : i32
    %c0_i32_0 = arith.constant 0 : i32
    return %arg0, %c0_i32 : i32, i32
  }
  func.func @transform_4(%arg0: i32) -> (i32, i32) {
    %c0_i32 = arith.constant 0 : i32
    %c0_i32_0 = arith.constant 0 : i32
    return %arg0, %c0_i32 : i32, i32
  }
}

module attributes {stable_mosaic.version = 14 : i64} {
  func.func @body(%arg0: i32, %arg1: memref<2000x128xf32, #tpu.memory_space<vmem>>, %arg2: memref<2000x128xf32, #tpu.memory_space<vmem>>, %arg3: memref<2000x128xf32, #tpu.memory_space<vmem>>, %arg4: memref<1x128xf32, #tpu.memory_space<vmem>>, %arg5: memref<128x128xf32, #tpu.memory_space<vmem>>, %arg6: memref<128x128xf32, #tpu.memory_space<vmem>>, %arg7: memref<2000x128xf32, #tpu.memory_space<vmem>>, %arg8: memref<2000x128xf32, #tpu.memory_space<vmem>>) attributes {dimension_semantics = [#tpu.dimension_semantics<arbitrary>], iteration_bounds = array<i64: 5>, scalar_prefetch = 0 : i64, scratch_operands = 0 : i64, tpu.core_type = #tpu.core_type<tc>, window_params = [{transform_indices = @transform_0, window_bounds = array<i64: 2000, 128>}, {transform_indices = @transform_1, window_bounds = array<i64: 2000, 128>}, {transform_indices = @transform_2, window_bounds = array<i64: 2000, 128>}, {pipeline_mode = #tpu.pipeline_mode<synchronous>, transform_indices = @transform_3, window_bounds = array<i64: 1, 128>}, {pipeline_mode = #tpu.pipeline_mode<synchronous>, transform_indices = @transform_4, window_bounds = array<i64: 128, 128>}, {pipeline_mode = #tpu.pipeline_mode<synchronous>, transform_indices = @transform_5, window_bounds = array<i64: 128, 128>}, {transform_indices = @transform_6, window_bounds = array<i64: 2000, 128>}, {transform_indices = @transform_7, window_bounds = array<i64: 2000, 128>}]} {
    %get3A = arith.constant 0 : index
    %get3A_0 = arith.constant 0 : index
    %get3A_1 = vector.load %arg3[%get3A, %get3A_0] : memref<2000x128xf32, #tpu.memory_space<vmem>>, vector<2000x1xf32>
    %get3A_2 = arith.constant 0 : index
    %get3A_3 = arith.constant 16 : index
    %get3A_4 = vector.load %arg3[%get3A_2, %get3A_3] : memref<2000x128xf32, #tpu.memory_space<vmem>>, vector<2000x1xf32>
    %add3A = arith.addf %get3A_1, %get3A_4 : vector<2000x1xf32>
    %max3A = arith.constant 1.000000e+00 : f32
    %max3A_5 = vector.broadcast %max3A : f32 to vector<2000x1xf32>
    %max3A_6 = arith.maximumf %add3A, %max3A_5 : vector<2000x1xf32>
    %div3A = arith.constant 1.000000e+00 : f32
    %div3A_7 = vector.broadcast %div3A : f32 to vector<2000x1xf32>
    %div3A_8 = arith.divf %div3A_7, %max3A_6 : vector<2000x1xf32>
    %get3A_9 = arith.constant 0 : index
    %get3A_10 = arith.constant 0 : index
    %get3A_11 = vector.load %arg2[%get3A_9, %get3A_10] : memref<2000x128xf32, #tpu.memory_space<vmem>>, vector<2000x128xf32>
    %mul3A = vector.broadcast %div3A_8 : vector<2000x1xf32> to vector<2000x128xf32>
    %mul3A_12 = arith.mulf %get3A_11, %mul3A : vector<2000x128xf32>
    %get3A_13 = arith.constant 0 : index
    %get3A_14 = arith.constant 0 : index
    %get3A_15 = vector.load %arg1[%get3A_13, %get3A_14] : memref<2000x128xf32, #tpu.memory_space<vmem>>, vector<2000x128xf32>
    %add3A_16 = arith.addf %get3A_15, %mul3A_12 : vector<2000x128xf32>
    %get3A_17 = arith.constant 0 : index
    %get3A_18 = arith.constant 0 : index
    %get3A_19 = vector.load %arg4[%get3A_17, %get3A_18] : memref<1x128xf32, #tpu.memory_space<vmem>>, vector<1x128xf32>
    %add3A_20 = vector.broadcast %get3A_19 : vector<1x128xf32> to vector<2000x128xf32>
    %add3A_21 = arith.addf %add3A_16, %add3A_20 : vector<2000x128xf32>
    %max3A_22 = arith.constant 0.000000e+00 : f32
    %max3A_23 = vector.broadcast %max3A_22 : f32 to vector<2000x128xf32>
    %max3A_24 = arith.maximumf %add3A_21, %max3A_23 : vector<2000x128xf32>
    %get3A_25 = arith.constant 0 : index
    %get3A_26 = arith.constant 0 : index
    %get3A_27 = vector.load %arg5[%get3A_25, %get3A_26] : memref<128x128xf32, #tpu.memory_space<vmem>>, vector<128x128xf32>
    %dot_general3A = arith.constant dense<0.000000e+00> : vector<2000x128xf32>
    %dot_general3A_28 = tpu.matmul %max3A_24, %get3A_27, %dot_general3A {dimension_numbers = #tpu.dot_dimension_numbers<[1], [0], [0], [1], [0, 0, 1, 1], [], []>, precision = #tpu.contract_precision<fp32>, transpose_lhs_hint = false} : vector<2000x128xf32>, vector<128x128xf32>, vector<2000x128xf32> -> vector<2000x128xf32>
    %swap3A = arith.constant 0 : index
    %swap3A_29 = arith.constant 0 : index
    %swap3A_30 = vector.load %arg7[%swap3A, %swap3A_29] : memref<2000x128xf32, #tpu.memory_space<vmem>>, vector<2000x128xf32>
    tpu.vector_store %arg7[%swap3A, %swap3A_29], %dot_general3A_28 {strides = array<i32>} : memref<2000x128xf32, #tpu.memory_space<vmem>>, vector<2000x128xf32>,
    %get3A_31 = arith.constant 0 : index
    %get3A_32 = arith.constant 0 : index
    %get3A_33 = vector.load %arg6[%get3A_31, %get3A_32] : memref<128x128xf32, #tpu.memory_space<vmem>>, vector<128x128xf32>
    %dot_general3A_34 = arith.constant dense<0.000000e+00> : vector<2000x128xf32>
    %dot_general3A_35 = tpu.matmul %max3A_24, %get3A_33, %dot_general3A_34 {dimension_numbers = #tpu.dot_dimension_numbers<[1], [0], [0], [1], [0, 0, 1, 1], [], []>, precision = #tpu.contract_precision<fp32>, transpose_lhs_hint = false} : vector<2000x128xf32>, vector<128x128xf32>, vector<2000x128xf32> -> vector<2000x128xf32>
    %swap3A_36 = arith.constant 0 : index
    %swap3A_37 = arith.constant 0 : index
    %swap3A_38 = vector.load %arg8[%swap3A_36, %swap3A_37] : memref<2000x128xf32, #tpu.memory_space<vmem>>, vector<2000x128xf32>
    tpu.vector_store %arg8[%swap3A_36, %swap3A_37], %dot_general3A_35 {strides = array<i32>} : memref<2000x128xf32, #tpu.memory_space<vmem>>, vector<2000x128xf32>,
    return
  }
  func.func @transform_0(%arg0: i32) -> (i32, i32) {
    %c0_i32 = arith.constant 0 : i32
    %c0_i32_0 = arith.constant 0 : i32
    return %arg0, %c0_i32 : i32, i32
  }
  func.func @transform_1(%arg0: i32) -> (i32, i32) {
    %c0_i32 = arith.constant 0 : i32
    %c0_i32_0 = arith.constant 0 : i32
    return %arg0, %c0_i32 : i32, i32
  }
  func.func @transform_2(%arg0: i32) -> (i32, i32) {
    %c0_i32 = arith.constant 0 : i32
    %c0_i32_0 = arith.constant 0 : i32
    return %arg0, %c0_i32 : i32, i32
  }
  func.func @transform_3(%arg0: i32) -> (i32, i32) {
    %c0_i32 = arith.constant 0 : i32
    %c0_i32_0 = arith.constant 0 : i32
    %c0_i32_1 = arith.constant 0 : i32
    return %c0_i32, %c0_i32_0 : i32, i32
  }
  func.func @transform_4(%arg0: i32) -> (i32, i32) {
    %c0_i32 = arith.constant 0 : i32
    %c0_i32_0 = arith.constant 0 : i32
    %c0_i32_1 = arith.constant 0 : i32
    return %c0_i32, %c0_i32_0 : i32, i32
  }
  func.func @transform_5(%arg0: i32) -> (i32, i32) {
    %c0_i32 = arith.constant 0 : i32
    %c0_i32_0 = arith.constant 0 : i32
    %c0_i32_1 = arith.constant 0 : i32
    return %c0_i32, %c0_i32_0 : i32, i32
  }
  func.func @transform_6(%arg0: i32) -> (i32, i32) {
    %c0_i32 = arith.constant 0 : i32
    %c0_i32_0 = arith.constant 0 : i32
    return %arg0, %c0_i32 : i32, i32
  }
  func.func @transform_7(%arg0: i32) -> (i32, i32) {
    %c0_i32 = arith.constant 0 : i32
    %c0_i32_0 = arith.constant 0 : i32
    return %arg0, %c0_i32 : i32, i32
  }
}

module attributes {stable_mosaic.version = 14 : i64} {
  func.func @body(%arg0: i32, %arg1: memref<2000x128xf32, #tpu.memory_space<vmem>>, %arg2: memref<2000x128xf32, #tpu.memory_space<vmem>>, %arg3: memref<2000x128xf32, #tpu.memory_space<vmem>>, %arg4: memref<1x128xf32, #tpu.memory_space<vmem>>, %arg5: memref<128x64xf32, #tpu.memory_space<vmem>>, %arg6: memref<128x64xf32, #tpu.memory_space<vmem>>, %arg7: memref<2000x64xf32, #tpu.memory_space<vmem>>, %arg8: memref<2000x128xf32, #tpu.memory_space<vmem>>) attributes {dimension_semantics = [#tpu.dimension_semantics<arbitrary>], iteration_bounds = array<i64: 5>, scalar_prefetch = 0 : i64, scratch_operands = 0 : i64, tpu.core_type = #tpu.core_type<tc>, window_params = [{transform_indices = @transform_0, window_bounds = array<i64: 2000, 128>}, {transform_indices = @transform_1, window_bounds = array<i64: 2000, 128>}, {transform_indices = @transform_2, window_bounds = array<i64: 2000, 128>}, {pipeline_mode = #tpu.pipeline_mode<synchronous>, transform_indices = @transform_3, window_bounds = array<i64: 1, 128>}, {pipeline_mode = #tpu.pipeline_mode<synchronous>, transform_indices = @transform_4, window_bounds = array<i64: 128, 64>}, {pipeline_mode = #tpu.pipeline_mode<synchronous>, transform_indices = @transform_5, window_bounds = array<i64: 128, 64>}, {transform_indices = @transform_6, window_bounds = array<i64: 2000, 64>}, {transform_indices = @transform_7, window_bounds = array<i64: 2000, 128>}]} {
    %get3A = arith.constant 0 : index
    %get3A_0 = arith.constant 0 : index
    %get3A_1 = vector.load %arg3[%get3A, %get3A_0] : memref<2000x128xf32, #tpu.memory_space<vmem>>, vector<2000x1xf32>
    %get3A_2 = arith.constant 0 : index
    %get3A_3 = arith.constant 16 : index
    %get3A_4 = vector.load %arg3[%get3A_2, %get3A_3] : memref<2000x128xf32, #tpu.memory_space<vmem>>, vector<2000x1xf32>
    %add3A = arith.addf %get3A_1, %get3A_4 : vector<2000x1xf32>
    %max3A = arith.constant 1.000000e+00 : f32
    %max3A_5 = vector.broadcast %max3A : f32 to vector<2000x1xf32>
    %max3A_6 = arith.maximumf %add3A, %max3A_5 : vector<2000x1xf32>
    %div3A = arith.constant 1.000000e+00 : f32
    %div3A_7 = vector.broadcast %div3A : f32 to vector<2000x1xf32>
    %div3A_8 = arith.divf %div3A_7, %max3A_6 : vector<2000x1xf32>
    %get3A_9 = arith.constant 0 : index
    %get3A_10 = arith.constant 0 : index
    %get3A_11 = vector.load %arg2[%get3A_9, %get3A_10] : memref<2000x128xf32, #tpu.memory_space<vmem>>, vector<2000x128xf32>
    %mul3A = vector.broadcast %div3A_8 : vector<2000x1xf32> to vector<2000x128xf32>
    %mul3A_12 = arith.mulf %get3A_11, %mul3A : vector<2000x128xf32>
    %get3A_13 = arith.constant 0 : index
    %get3A_14 = arith.constant 0 : index
    %get3A_15 = vector.load %arg1[%get3A_13, %get3A_14] : memref<2000x128xf32, #tpu.memory_space<vmem>>, vector<2000x128xf32>
    %add3A_16 = arith.addf %get3A_15, %mul3A_12 : vector<2000x128xf32>
    %get3A_17 = arith.constant 0 : index
    %get3A_18 = arith.constant 0 : index
    %get3A_19 = vector.load %arg4[%get3A_17, %get3A_18] : memref<1x128xf32, #tpu.memory_space<vmem>>, vector<1x128xf32>
    %add3A_20 = vector.broadcast %get3A_19 : vector<1x128xf32> to vector<2000x128xf32>
    %add3A_21 = arith.addf %add3A_16, %add3A_20 : vector<2000x128xf32>
    %max3A_22 = arith.constant 0.000000e+00 : f32
    %max3A_23 = vector.broadcast %max3A_22 : f32 to vector<2000x128xf32>
    %max3A_24 = arith.maximumf %add3A_21, %max3A_23 : vector<2000x128xf32>
    %get3A_25 = arith.constant 0 : index
    %get3A_26 = arith.constant 0 : index
    %get3A_27 = vector.load %arg5[%get3A_25, %get3A_26] : memref<128x64xf32, #tpu.memory_space<vmem>>, vector<128x64xf32>
    %dot_general3A = arith.constant dense<0.000000e+00> : vector<2000x64xf32>
    %dot_general3A_28 = tpu.matmul %max3A_24, %get3A_27, %dot_general3A {dimension_numbers = #tpu.dot_dimension_numbers<[1], [0], [0], [1], [0, 0, 1, 1], [], []>, precision = #tpu.contract_precision<fp32>, transpose_lhs_hint = false} : vector<2000x128xf32>, vector<128x64xf32>, vector<2000x64xf32> -> vector<2000x64xf32>
    %swap3A = arith.constant 0 : index
    %swap3A_29 = arith.constant 0 : index
    %swap3A_30 = vector.load %arg7[%swap3A, %swap3A_29] : memref<2000x64xf32, #tpu.memory_space<vmem>>, vector<2000x64xf32>
    tpu.vector_store %arg7[%swap3A, %swap3A_29], %dot_general3A_28 {strides = array<i32>} : memref<2000x64xf32, #tpu.memory_space<vmem>>, vector<2000x64xf32>,
    %get3A_31 = arith.constant 0 : index
    %get3A_32 = arith.constant 0 : index
    %get3A_33 = vector.load %arg6[%get3A_31, %get3A_32] : memref<128x64xf32, #tpu.memory_space<vmem>>, vector<128x64xf32>
    %dot_general3A_34 = arith.constant dense<0.000000e+00> : vector<2000x64xf32>
    %dot_general3A_35 = tpu.matmul %max3A_24, %get3A_33, %dot_general3A_34 {dimension_numbers = #tpu.dot_dimension_numbers<[1], [0], [0], [1], [0, 0, 1, 1], [], []>, precision = #tpu.contract_precision<fp32>, transpose_lhs_hint = false} : vector<2000x128xf32>, vector<128x64xf32>, vector<2000x64xf32> -> vector<2000x64xf32>
    %swap3A_36 = arith.constant 0 : index
    %swap3A_37 = arith.constant 0 : index
    %swap3A_38 = vector.load %arg8[%swap3A_36, %swap3A_37] : memref<2000x128xf32, #tpu.memory_space<vmem>>, vector<2000x64xf32>
    tpu.vector_store %arg8[%swap3A_36, %swap3A_37], %dot_general3A_35 {strides = array<i32>} : memref<2000x128xf32, #tpu.memory_space<vmem>>, vector<2000x64xf32>,
    return
  }
  func.func @transform_0(%arg0: i32) -> (i32, i32) {
    %c0_i32 = arith.constant 0 : i32
    %c0_i32_0 = arith.constant 0 : i32
    return %arg0, %c0_i32 : i32, i32
  }
  func.func @transform_1(%arg0: i32) -> (i32, i32) {
    %c0_i32 = arith.constant 0 : i32
    %c0_i32_0 = arith.constant 0 : i32
    return %arg0, %c0_i32 : i32, i32
  }
  func.func @transform_2(%arg0: i32) -> (i32, i32) {
    %c0_i32 = arith.constant 0 : i32
    %c0_i32_0 = arith.constant 0 : i32
    return %arg0, %c0_i32 : i32, i32
  }
  func.func @transform_3(%arg0: i32) -> (i32, i32) {
    %c0_i32 = arith.constant 0 : i32
    %c0_i32_0 = arith.constant 0 : i32
    %c0_i32_1 = arith.constant 0 : i32
    return %c0_i32, %c0_i32_0 : i32, i32
  }
  func.func @transform_4(%arg0: i32) -> (i32, i32) {
    %c0_i32 = arith.constant 0 : i32
    %c0_i32_0 = arith.constant 0 : i32
    %c0_i32_1 = arith.constant 0 : i32
    return %c0_i32, %c0_i32_0 : i32, i32
  }
  func.func @transform_5(%arg0: i32) -> (i32, i32) {
    %c0_i32 = arith.constant 0 : i32
    %c0_i32_0 = arith.constant 0 : i32
    %c0_i32_1 = arith.constant 0 : i32
    return %c0_i32, %c0_i32_0 : i32, i32
  }
  func.func @transform_6(%arg0: i32) -> (i32, i32) {
    %c0_i32 = arith.constant 0 : i32
    %c0_i32_0 = arith.constant 0 : i32
    return %arg0, %c0_i32 : i32, i32
  }
  func.func @transform_7(%arg0: i32) -> (i32, i32) {
    %c0_i32 = arith.constant 0 : i32
    %c0_i32_0 = arith.constant 0 : i32
    return %arg0, %c0_i32 : i32, i32
  }
}

module attributes {stable_mosaic.version = 14 : i64} {
  func.func @body(%arg0: memref<10000x64xf32, #tpu.memory_space<vmem>>, %arg1: memref<10240x128xf32, #tpu.memory_space<vmem>>, %arg2: memref<10240x128xf32, #tpu.memory_space<vmem>>, %arg3: memref<1x64xf32, #tpu.memory_space<vmem>>, %arg4: memref<64x64xf32, #tpu.memory_space<vmem>>, %arg5: memref<1x64xf32, #tpu.memory_space<vmem>>, %arg6: memref<64x64xf32, #tpu.memory_space<vmem>>, %arg7: memref<1x64xf32, #tpu.memory_space<vmem>>, %arg8: memref<64x64xf32, #tpu.memory_space<vmem>>, %arg9: memref<1x64xf32, #tpu.memory_space<vmem>>, %arg10: memref<1x64xf32, #tpu.memory_space<vmem>>) attributes {dimension_semantics = [], scalar_prefetch = 0 : i64, scratch_operands = 0 : i64, tpu.core_type = #tpu.core_type<tc>} {
    %get3A = arith.constant 0 : index
    %get3A_0 = arith.constant 0 : index
    %get3A_1 = vector.load %arg2[%get3A, %get3A_0] : memref<10240x128xf32, #tpu.memory_space<vmem>>, vector<10000x1xf32>
    %get3A_2 = arith.constant 0 : index
    %get3A_3 = arith.constant 16 : index
    %get3A_4 = vector.load %arg2[%get3A_2, %get3A_3] : memref<10240x128xf32, #tpu.memory_space<vmem>>, vector<10000x1xf32>
    %add3A = arith.addf %get3A_1, %get3A_4 : vector<10000x1xf32>
    %max3A = arith.constant 1.000000e+00 : f32
    %max3A_5 = vector.broadcast %max3A : f32 to vector<10000x1xf32>
    %max3A_6 = arith.maximumf %add3A, %max3A_5 : vector<10000x1xf32>
    %div3A = arith.constant 1.000000e+00 : f32
    %div3A_7 = vector.broadcast %div3A : f32 to vector<10000x1xf32>
    %div3A_8 = arith.divf %div3A_7, %max3A_6 : vector<10000x1xf32>
    %get3A_9 = arith.constant 0 : index
    %get3A_10 = arith.constant 0 : index
    %get3A_11 = vector.load %arg1[%get3A_9, %get3A_10] : memref<10240x128xf32, #tpu.memory_space<vmem>>, vector<10000x64xf32>
    %mul3A = vector.broadcast %div3A_8 : vector<10000x1xf32> to vector<10000x64xf32>
    %mul3A_12 = arith.mulf %get3A_11, %mul3A : vector<10000x64xf32>
    %get3A_13 = arith.constant 0 : index
    %get3A_14 = arith.constant 0 : index
    %get3A_15 = vector.load %arg0[%get3A_13, %get3A_14] : memref<10000x64xf32, #tpu.memory_space<vmem>>, vector<10000x64xf32>
    %add3A_16 = arith.addf %get3A_15, %mul3A_12 : vector<10000x64xf32>
    %get3A_17 = arith.constant 0 : index
    %get3A_18 = arith.constant 0 : index
    %get3A_19 = vector.load %arg3[%get3A_17, %get3A_18] : memref<1x64xf32, #tpu.memory_space<vmem>>, vector<1x64xf32>
    %add3A_20 = vector.broadcast %get3A_19 : vector<1x64xf32> to vector<10000x64xf32>
    %add3A_21 = arith.addf %add3A_16, %add3A_20 : vector<10000x64xf32>
    %max3A_22 = arith.constant 0.000000e+00 : f32
    %max3A_23 = vector.broadcast %max3A_22 : f32 to vector<10000x64xf32>
    %max3A_24 = arith.maximumf %add3A_21, %max3A_23 : vector<10000x64xf32>
    %reduce_sum3A = arith.constant dense<0.000000e+00> : vector<64xf32>
    %reduce_sum3A_25 = vector.multi_reduction <add>, %max3A_24, %reduce_sum3A [0] : vector<10000x64xf32> to vector<64xf32>
    %broadcast_in_dim3A = vector.shape_cast %reduce_sum3A_25 : vector<64xf32> to vector<1x64xf32>
    %mul3A_26 = arith.constant 9.99999974E-5 : f32
    %mul3A_27 = vector.broadcast %mul3A_26 : f32 to vector<1x64xf32>
    %mul3A_28 = arith.mulf %broadcast_in_dim3A, %mul3A_27 : vector<1x64xf32>
    %get3A_29 = arith.constant 0 : index
    %get3A_30 = arith.constant 0 : index
    %get3A_31 = vector.load %arg4[%get3A_29, %get3A_30] : memref<64x64xf32, #tpu.memory_space<vmem>>, vector<64x64xf32>
    %dot_general3A = arith.constant dense<0.000000e+00> : vector<1x64xf32>
    %dot_general3A_32 = tpu.matmul %mul3A_28, %get3A_31, %dot_general3A {dimension_numbers = #tpu.dot_dimension_numbers<[1], [0], [0], [1], [0, 0, 1, 1], [], []>, precision = #tpu.contract_precision<fp32>, transpose_lhs_hint = false} : vector<1x64xf32>, vector<64x64xf32>, vector<1x64xf32> -> vector<1x64xf32>
    %get3A_33 = arith.constant 0 : index
    %get3A_34 = arith.constant 0 : index
    %get3A_35 = vector.load %arg5[%get3A_33, %get3A_34] : memref<1x64xf32, #tpu.memory_space<vmem>>, vector<1x64xf32>
    %add3A_36 = arith.addf %dot_general3A_32, %get3A_35 : vector<1x64xf32>
    %max3A_37 = arith.constant 0.000000e+00 : f32
    %max3A_38 = vector.broadcast %max3A_37 : f32 to vector<1x64xf32>
    %max3A_39 = arith.maximumf %add3A_36, %max3A_38 : vector<1x64xf32>
    %get3A_40 = arith.constant 0 : index
    %get3A_41 = arith.constant 0 : index
    %get3A_42 = vector.load %arg6[%get3A_40, %get3A_41] : memref<64x64xf32, #tpu.memory_space<vmem>>, vector<64x64xf32>
    %dot_general3A_43 = arith.constant dense<0.000000e+00> : vector<1x64xf32>
    %dot_general3A_44 = tpu.matmul %max3A_39, %get3A_42, %dot_general3A_43 {dimension_numbers = #tpu.dot_dimension_numbers<[1], [0], [0], [1], [0, 0, 1, 1], [], []>, precision = #tpu.contract_precision<fp32>, transpose_lhs_hint = false} : vector<1x64xf32>, vector<64x64xf32>, vector<1x64xf32> -> vector<1x64xf32>
    %get3A_45 = arith.constant 0 : index
    %get3A_46 = arith.constant 0 : index
    %get3A_47 = vector.load %arg7[%get3A_45, %get3A_46] : memref<1x64xf32, #tpu.memory_space<vmem>>, vector<1x64xf32>
    %add3A_48 = arith.addf %dot_general3A_44, %get3A_47 : vector<1x64xf32>
    %max3A_49 = arith.constant 0.000000e+00 : f32
    %max3A_50 = vector.broadcast %max3A_49 : f32 to vector<1x64xf32>
    %max3A_51 = arith.maximumf %add3A_48, %max3A_50 : vector<1x64xf32>
    %get3A_52 = arith.constant 0 : index
    %get3A_53 = arith.constant 0 : index
    %get3A_54 = vector.load %arg8[%get3A_52, %get3A_53] : memref<64x64xf32, #tpu.memory_space<vmem>>, vector<64x64xf32>
    %dot_general3A_55 = arith.constant dense<0.000000e+00> : vector<1x64xf32>
    %dot_general3A_56 = tpu.matmul %max3A_51, %get3A_54, %dot_general3A_55 {dimension_numbers = #tpu.dot_dimension_numbers<[1], [0], [0], [1], [0, 0, 1, 1], [], []>, precision = #tpu.contract_precision<fp32>, transpose_lhs_hint = false} : vector<1x64xf32>, vector<64x64xf32>, vector<1x64xf32> -> vector<1x64xf32>
    %get3A_57 = arith.constant 0 : index
    %get3A_58 = arith.constant 0 : index
    %get3A_59 = vector.load %arg9[%get3A_57, %get3A_58] : memref<1x64xf32, #tpu.memory_space<vmem>>, vector<1x64xf32>
    %add3A_60 = arith.addf %dot_general3A_56, %get3A_59 : vector<1x64xf32>
    %swap3A = arith.constant 0 : index
    %swap3A_61 = arith.constant 0 : index
    %swap3A_62 = vector.load %arg10[%swap3A, %swap3A_61] : memref<1x64xf32, #tpu.memory_space<vmem>>, vector<1x64xf32>
    tpu.vector_store %arg10[%swap3A, %swap3A_61], %add3A_60 {strides = array<i32>} : memref<1x64xf32, #tpu.memory_space<vmem>>, vector<1x64xf32>,
    return
  }
}

</mosaic_0001>

<sc_bundles>
// kernel: kernel.10.cloned.1.call-start
scs
__scs_entry_jumppad:
0x0: {  	(pc) =	sbr.rel $0x88, $3  }
0x1: {  	(tag) =	ssettag $0x0;
	lr =	simm.s32 $0x1  }
0x2: {  	[smem:$0x3F90] =	sst lr;
	_ =	strace $0xD0000000  }
0x3: {  	_ = 	snop  }
0x4: {  	_ = 	snop  }
0x5: {  	_ = 	snop  }
0x6: {  	_ = 	snop  }
0x7: {  	_ = 	snop  }
__scs_overlays_trampoline_lowered:
0x8: {  	[smem:$0x3F9F] =	sst s0  }
0x9: {  	[smem:$0x3FA0] =	sst s1  }
0xa: {  	[smem:$0x3FA1] =	sst s2  }
0xb: {  	[smem:$0x3FA2] =	sst s3  }
0xc: {  	[smem:$0x3FA3] =	sst s4  }
0xd: {  	[smem:$0x3FA4] =	sst s5  }
0xe: {  	[smem:$0x3FA5] =	sst s6  }
0xf: {  	[smem:$0x3FA6] =	sst s7  }
0x10: {  	[smem:$0x3FA7] =	sst s8  }
0x11: {  	[smem:$0x3FA8] =	sst s9;
	s0 =	simm.s32 @!p0 $0x0  }
0x12: {  	s1 =	sld [smem:$0x3F8E];
	s0 =	simm.s32 @p0 $0x1  }
0x13: {  	[smem:$0x3FA9] =	sst s0;
	s0 =	simm.s32 @!p1 $0x0  }
0x14: {  	s2 =	sld [smem:$0x3F8D];
	s0 =	simm.s32 @p1 $0x1  }
0x15: {  	[smem:$0x3FAA] =	sst s0;
	s0 =	simm.s32 @!p2 $0x0  }
0x16: {  	s3 =	sld [smem:$0x3FDB];
	s0 =	simm.s32 @p2 $0x1  }
0x17: {  	s4 =	simm.s32 $0x1BF5;
	[smem:$0x3FAC] =	sst s0  }
0x18: {  	s0 =	sld [smem:$0x3F8F];
	_ =	swait.ge [sflag:s4], $0x0  }
0x19: {  	s7 =	sld [smem:$0x3F90]  }
0x1a: {  	s8 =	sadd.s32 $0xFFFFE003, lr  }
0x1b: {  	s9 =	sadd.s32 $0xFFFFFEF7, lr;
	s5 =	simm.s32 $0xFFFFFFFF;
	p2 =	slt.u32 s8, $0xFFFFF086  }
0x1c: {  	p1 =	slt.u32 s9, $0xF7A;
	s5 =	simm.s32 @!p2 $0x0  }
0x1d: {  	s5 =	simm.s32 @p1 $0x1;
	p0 =	seq.s32 s7, s2  }
0x1e: {  	s7 =	smul.u32 @!p0 $0xF7A, s2;
	p2 =	seq.s32 @!p0 s5, $0x0  }
0x1f: {  	s9 =	smul.u32 $0xF7A, s1;
	s8 =	simm.s32 @!p0 $0x1BF5;
	p2 =	por !p2, p0  }
0x20: {  	[sflag:s8] =	ssyncset.s32 @!p0 $0xFFFFF086;
	s6 =	sadd.s32 @!p0 s3, s7;
	s7 =	simm.s32 @!p0 $0x108  }
0x21: {  	s3 =	sadd.s32 s3, s9;
	s6 =	sadd.s32 @!p0 $0x88, s6;
	s7 =	simm.s32 @p2 $0x1082  }
0x22: {  	[simem:s7], [sflag:s8] =	dma.local @!p0 [hbm:s6], $0xF7A  }
0x23: {  	s9 =	sor.u32 $0xD0000000, s2;
	s6 =	simm.s32 $0x108;
	_ =	swait.ge @!p0 [sflag:s8], $0x0  }
0x24: {  	s3 =	sadd.s32 $0x88, s3;
	s6 =	simm.s32 @!p1 $0x1082;
	[sflag:s4] =	ssyncset.s32 $0xFFFFF086  }
0x25: {  	[simem:s6], [sflag:s4] =	dma.local [hbm:s3], $0xF7A  }
0x26: {  	[smem:$0x3F90] =	sst s1;
	(tag) =	ssettag s2;
	_ =	strace s9  }
0x27: {  	s1 =	sld [smem:$0x3FA0]  }
0x28: {  	s2 =	sld [smem:$0x3FA1]  }
0x29: {  	s4 =	sld [smem:$0x3FA3]  }
0x2a: {  	p0 =	seq.s32 s5, $0x0;
	s5 =	sld [smem:$0x3FA4]  }
0x2b: {  	s6 =	sld [smem:$0x3FA5]  }
0x2c: {  	s7 =	sld [smem:$0x3FA6]  }
0x2d: {  	s3 =	simm.s32 $0x108;
	s8 =	sld [smem:$0x3FA7]  }
0x2e: {  	s3 =	simm.s32 @!p0 $0x1082;
	s9 =	sld [smem:$0x3FA8]  }
0x2f: {  	lr =	sadd.s32 s0, s3;
	s0 =	sld [smem:$0x3F9F]  }
0x30: {  	s3 =	sld [smem:$0x3FA2]  }
0x31: {  	[smem:$0x3FAB] =	sst s10  }
0x32: {  	s10 =	sld [smem:$0x3FA9];
	_ =	sdelay $0x3  }
0x33: {  	p0 =	seq.s32 s10, $0x1;
	s10 =	sld [smem:$0x3FAB];
	_ =	sdelay $0x3  }
0x34: {  	[smem:$0x3FAB] =	sst s10  }
0x35: {  	s10 =	sld [smem:$0x3FAA];
	_ =	sdelay $0x3  }
0x36: {  	p1 =	seq.s32 s10, $0x1;
	s10 =	sld [smem:$0x3FAB];
	_ =	sdelay $0x3  }
0x37: {  	[smem:$0x3FAB] =	sst s10  }
0x38: {  	s10 =	sld [smem:$0x3FAC]  }
0x39: {  	_ = 	snop;
	(pc) =	sbr.ind lr, $3  }
0x3a: {  	_ = 	snop  }
0x3b: {  	_ = 	snop  }
0x3c: {  	p2 =	seq.s32 s10, $0x1;
	s10 =	sld [smem:$0x3FAB]  }
0x3d: {  	_ =	shalt  }
0x3e: {  	_ =	shalt  }
0x3f: {  	_ =	shalt  }
0x40: {  	_ =	shalt  }
0x41: {  	_ =	shalt  }
0x42: {  	_ =	shalt  }
0x43: {  	_ =	shalt  }
0x44: {  	_ =	shalt  }
0x45: {  	_ =	shalt  }
0x46: {  	_ =	shalt  }
0x47: {  	_ =	shalt  }
0x48: {  	_ =	shalt  }
0x49: {  	_ =	shalt  }
0x4a: {  	_ =	shalt  }
0x4b: {  	_ =	shalt  }
0x4c: {  	_ =	shalt  }
0x4d: {  	_ =	shalt  }
0x4e: {  	_ =	shalt  }
0x4f: {  	_ =	shalt  }
0x50: {  	_ =	shalt  }
0x51: {  	_ =	shalt  }
0x52: {  	_ =	shalt  }
0x53: {  	_ =	shalt  }
0x54: {  	_ =	shalt  }
0x55: {  	_ =	shalt  }
0x56: {  	_ =	shalt  }
0x57: {  	_ =	shalt  }
0x58: {  	_ =	shalt  }
0x59: {  	_ =	shalt  }
0x5a: {  	_ =	shalt  }
0x5b: {  	_ =	shalt  }
0x5c: {  	_ =	shalt  }
0x5d: {  	_ =	shalt  }
0x5e: {  	_ =	shalt  }
0x5f: {  	_ =	shalt  }
0x60: {  	_ =	shalt  }
0x61: {  	_ =	shalt  }
0x62: {  	_ =	shalt  }
0x63: {  	_ =	shalt  }
0x64: {  	_ =	shalt  }
0x65: {  	_ =	shalt  }
0x66: {  	_ =	shalt  }
0x67: {  	_ =	shalt  }
0x68: {  	_ =	shalt  }
0x69: {  	_ =	shalt  }
0x6a: {  	_ =	shalt  }
0x6b: {  	_ =	shalt  }
0x6c: {  	_ =	shalt  }
0x6d: {  	_ =	shalt  }
0x6e: {  	_ =	shalt  }
0x6f: {  	_ =	shalt  }
0x70: {  	_ =	shalt  }
0x71: {  	_ =	shalt  }
0x72: {  	_ =	shalt  }
0x73: {  	_ =	shalt  }
0x74: {  	_ =	shalt  }
0x75: {  	_ =	shalt  }
0x76: {  	_ =	shalt  }
0x77: {  	_ =	shalt  }
0x78: {  	_ =	shalt  }
0x79: {  	_ =	shalt  }
0x7a: {  	_ =	shalt  }
0x7b: {  	_ =	shalt  }
0x7c: {  	_ =	shalt  }
0x7d: {  	_ =	shalt  }
0x7e: {  	_ =	shalt  }
0x7f: {  	_ =	shalt  }
0x80: {  	_ =	shalt  }
0x81: {  	_ =	shalt  }
0x82: {  	_ =	shalt  }
0x83: {  	_ =	shalt  }
0x84: {  	_ =	shalt  }
0x85: {  	_ =	shalt  }
0x86: {  	_ =	shalt  }
0x87: {  	_ =	shalt  }
.Lfunc_end0:
.L_simem_size_0:
called_computation_lowered:
.L_overlay_start_0:
0x88: {  	s2 =	sld [smem:$0x3FD9]  }
0x89: {  	s3 =	sld [smem:$0x3FFE];
	_ =	sdelay $0x1  }
0x8a: {  	s1 =	srdreg.scid  }
0x8b: {  	s0 =	sand.u32 $0x1, s1  }
0x8c: {  	s16 =	sshll.u32 s0, $0xA;
	s2 =	sadd.s32 s3, s2  }
0x8d: {  	s2 =	sadd.s32 s2, s16  }
0x8e: {  	[smem:$0x3FB7] =	sst s2  }
0x8f: {  	_ = 	snop  }
0x90: {  	(tm) =	ssettm $0x1  }
0x91: {  	s17 =	sld [smem:$0x3FFB];
	_ =	sdelay $0x3  }
0x92: {  	_ =	strace s17  }
0x93: {  	s2 =	sld [smem:$0x3FFC];
	_ =	sdelay $0x3  }
0x94: {  	_ =	strace s2  }
0x95: {  	s2 =	sld [smem:$0x3FFD];
	_ =	sdelay $0x3  }
0x96: {  	_ =	strace s2  }
0x97: {  	_ =	strace $0x8FFFFFFF  }
0x98: {  	s18 =	sld [smem:$0x3FDB];
	_ =	sdelay $0x1  }
0x99: {  	s19 =	simm.s32 $_scs_section_size  }
0x9a: {  	s4 =	simm.s32 $_size__tile_overlayer_lowered;
	s5 =	simm.s32 $_tile_overlayer_lowered  }
0x9b: {  	s22 =	simm.s32 $0x1BFF;
	s21 =	sshll.u32 s5, $0x1;
	s2 =	sadd.s32 s19, s18  }
0x9c: {  	s6 =	simm.s32 $0x0;
	s20 =	sshll.u32 s4, $0x1;
	s4 =	sadd.s32 s21, s2  }
0x9d: {  	[timem:s6], [sflag:s22] =	dma.local [hbm:s4], s20  }
0x9e: {  	_ =	swait.ge [sflag:s22], s20  }
0x9f: {  	s3 =	ssub.s32 $0x0, s20;
	[sflag:s22] =	ssyncset.done $0x0  }
0xa0: {  	[sflag:s22] =	ssyncadd.s32 s3;
	_ =	sdelay $0x1  }
0xa1: {  	s23 =	simm.s32 $0x1B8B  }
0xa2: {  	_ =	swait.ge [sflag:s23], $0x1  }
0xa3: {  	[sflag:s23] =	ssyncset.done $0x0  }
0xa4: {  	s25 =	simm.s32 $0x1B8E;
	s24 =	sld [smem:$0x3FFE];
	[sflag:s23] =	ssyncadd.s32 $0xFFFFFFFF  }
0xa5: {  	s26 =	simm.s32 $execute0_lowered;
	[smem:$0x3FD2] =	sst s25  }
0xa6: {  	s4 =	sshll.u32 s26, $0x1;
	_ =	strace $0x80000046;
	[dreg:$0x1] =	wrdreg $0xFFFFFFFF  }
0xa7: {  	s28 =	simm.s32 $_size_execute0_lowered;
	s2 =	sadd.s32 s2, s4;
	[dreg:$0x0] =	wrdreg $0x0  }
0xa8: {  	s4 =	sshll.u32 s28, $0x1;
	[dreg:$0x2] =	wrdreg s2  }
0xa9: {  	[dreg:$0x3] =	wrdreg s4  }
0xaa: {  	[dreg:$0x4] =	wrdreg $0xC0  }
0xab: {  	_ =	task [dreg:s6], $0x5FFFF  }
0xac: {  	[dreg:$0x1] =	wrdreg $0xFFFFFFFF  }
0xad: {  	[dreg:$0x0] =	wrdreg $0x60  }
0xae: {  	[dreg:$0x2] =	wrdreg s24  }
0xaf: {  	[dreg:$0x3] =	wrdreg $0xC000  }
0xb0: {  	[dreg:$0x4] =	wrdreg $0x9  }
0xb1: {  	_ =	task.clear_ibuf [dreg:s6], $0x5FFFF;
	_ =	strace $0x90000046  }
0xb2: {  	s29 =	simm.s32 $0x9;
	_ =	strace $0x80000048  }
0xb3: {  	_ =	swait.ge [sflag:s29], $0x1  }
0xb4: {  	[sflag:s29] =	ssyncadd.s32 $0xFFFFFFFF  }
0xb5: {  	_ =	strace $0x90000048  }
0xb6: {  	_ =	sfence  }
0xb7: {  	s30 =	sld [smem:$0x0];
	_ =	sdelay $0x2  }
0xb8: {  	s31 =	sshll.u32 s1, $0xD;
	s1 =	sshrl.u32 s1, $0x2  }
0xb9: {  	s3 =	sand.u32 $0x4000, s31;
	s1 =	sadd.s32 s1, s30  }
0xba: {  	s0 =	sor.u32 s3, s0;
	s1 =	sshll.u32 s1, $0x11  }
0xbb: {  	s0 =	sor.u32 s1, s0  }
0xbc: {  	s0 =	sadd.s32 $0x8F2B, s0  }
0xbd: {  	[sflag:s0] =	ssyncadd.remote.s32 $0x1  }
0xbe: {  	_ =	sfence.sel $0xFFFF  }
0xbf: {  	[dreg:$0x0] =	wrdreg $0xFFFFFFFF;
	(pc) =	sbr.abs _section_cstart, $3  }
0xc0: {  	[dreg:$0x1] =	wrdreg $0xFFFFFFFF  }
0xc1: {  	_ =	task.clear_ibuf [dreg:s6], $0x2FFFF;
	_ =	strace $0x9FFFFFFF  }
0xc2: {  	(tm) =	ssettm $0x7FFFFFFF  }
0xc3: {  	_ =	shalt  }
tec
execute0_lowered:
.L_overlay_start_1:
0x0: {  	(tag) =	ssettag $0x1  }
0x1: {  	s4 =	rddreg [dreg:$0x0]  }
0x2: {  	s2 =	rddreg [dreg:$0x1]  }
0x3: {  	s0 =	rddreg [dreg:$0x2];
	s3 =	simm.s32 $0x0;
	s1 =	stileid.u32  }
0x4: {  	s6 =	srdreg.scid;
	s15 =	simm.s32 $0x2;
	s16 =	simm.s32 $0x80  }
0x5: {  	s17 =	simm.s32 $0x400;
	s18 =	simm.s32 $0x100;
	s19 =	simm.s32 $0x180  }
0x6: {  	s20 =	simm.s32 $0x1;
	s21 =	simm.s32 $0x280;
	s22 =	simm.s32 $0x300  }
0x7: {  	s23 =	simm.s32 $0x380;
	s24 =	simm.s32 $0x10;
	s5 =	smul.u32 $0x2800, s1  }
0x8: {  	[smem:$0x7FF] =	sst s3;
	s6 =	sand.u32 $0x1, s6;
	s7 =	smul.u32 $0x14000, s1  }
0x9: {  	s11 =	sadd.s32 $0x3C00, s4;
	s9 =	smul.u32 $0x5000, s1;
	s29 =	sshll.u32 s1, $0x6  }
0xa: {  	_ =	strace $0x80000047;
	s8 =	sshll.u32 s6, $0x4;
	s25 =	smul.u32 $0x2800, s6  }
0xb: {  	s6 =	ssub.s32 $0x2, s6;
	s10 =	sshrl.u32 s5, $0x3;
	s7 =	sor.u32 s8, s7  }
0xc: {  	s26 =	sshrl.u32 s6, $0x1;
	s14 =	sadd.s32 s5, s2;
	s10 =	sadd.s32 s10, s4  }
0xd: {  	s7 =	sshrl.u32 s7, $0x3;
	s9 =	sadd.s32 s25, s9;
	s13 =	ssub.s32 s6, s26  }
0xe: {  	s6 =	sor.u32 $0x1C03, s29;
	s25 =	simm.s32 $0x0;
	s12 =	sadd.s32 s7, s4  }
0xf: {  	s28 =	sshrl.u32 s9, $0x3;
	s4 =	sadd.s32 $0xDC00, s10;
	s30 =	sor.u32 $0x600, s9  }
0x10: {  	s31 =	sor.u32 $0x400, s9;
	s9 =	smax.u32 s13, $0x1;
	s13 =	simm.s32 $0x3  }
0x11: {  	s5 =	sadd.s32 s11, s28;
	s8 =	sadd.s32 $0x12C00, s12;
	s10 =	sshrl.u32 s30, $0x3  }
0x12: {  	s12 =	sshrl.u32 s31, $0x3;
	s7 =	sadd.s32 $0x40, s5;
	s10 =	sadd.s32 s10, s11  }
0x13: {  	v0 =	vimm.f32 $1.000000000e+00;
	s11 =	sadd.s32 s12, s11;
	s12 =	sshrl.u32 s14, $0x3;
	s14 =	simm.s32 $0x200  }
.LBB2_1:
0x14: {  	[spmem:s12], [sflag:s6] =	dma.local [hbm:s4], $0x500  }
0x15: {  	_ =	swait.ge [sflag:s13], $0x500  }
0x16: {  	[sflag:s13] =	ssyncset.done $0x0  }
0x17: {  	s26 =	simm.s32 $0x40;
	s28 =	simm.s32 $0x0;
	[sflag:s13] =	ssyncadd.s32 $0xFFFFFB00  }
.LBB2_2:
0x18: {  	p0 =	sne.s32 s26, $0x1FC0;
	[tilespmem:s28+$0x400] =	vst v0;
	s28 =	smov.u32 s26;
	s26 =	sadd.s32 $0x40, s26  }
.Ltmp0:
0x19: {  	(pc) =	sbr.rel @p0 .LBB2_2-.Ltmp0, $2  }
0x1a: {  	_ =	sdelay $0x2  }
0x1b: {  	s28 =	sshra.s32 s28, $0x2  }
0x1c: {  	[tilespmem:s28+$0x400] =	vst v0;
	s26 =	simm.s32 $0x0  }
0x1d: {  	[tilespmem:s26], [sflag:$0x3] =	stream.linear.gather [hbm4b:s5+s26], $0x200, $0x38;
	[tilespmem:$0x3400] =	vst v63  }
0x1e: {  	_ =	swait.ge [sflag:s13], $0x200  }
0x1f: {  	[sflag:s13] =	ssyncset.done $0x0  }
0x20: {  	[sflag:s13] =	ssyncadd.s32 $0xFFFFFE00  }
0x21: {  	[tilespmem:s14], [sflag:$0x2] =	stream.linear.gather [hbm4b:s7+s26], $0x200, $0x38;
	[tilespmem:$0x3400] =	vst v63  }
0x22: {  	[bflag:$0x0] =	sbarrier.arrive $0xFFFF  }
0x23: {  	_ =	swait.ge [sflag:s15], $0x200  }
0x24: {  	[sflag:s15] =	ssyncset.done $0x0  }
0x25: {  	[sflag:s15] =	ssyncadd.s32 $0xFFFFFE00  }
0x26: {  	[spmem:s2] =	stream.indirect.scatter.add.f32 [tilespmem:s17], [sflag:$0x3], $0x10, s3, s16, $0xb8;
	[tilespmem:$0x3400] =	vst v63  }
0x27: {  	_ =	swait.ge [sflag:s13], $0x800  }
0x28: {  	[sflag:s13] =	ssyncset.done $0x0  }
0x29: {  	[sflag:s13] =	ssyncadd.s32 $0xFFFFF800  }
0x2a: {  	[spmem:s2] =	stream.indirect.scatter.add.f32 [tilespmem:s17], [sflag:$0x3], $0x10, s16, s16, $0xb8;
	[tilespmem:$0x3400] =	vst v63  }
0x2b: {  	_ =	swait.ge [sflag:s13], $0x800  }
0x2c: {  	[sflag:s13] =	ssyncset.done $0x0  }
0x2d: {  	[sflag:s13] =	ssyncadd.s32 $0xFFFFF800  }
0x2e: {  	[spmem:s2] =	stream.indirect.scatter.add.f32 [tilespmem:s17], [sflag:$0x3], $0x10, s18, s16, $0xb8;
	[tilespmem:$0x3400] =	vst v63  }
0x2f: {  	_ =	swait.ge [sflag:s13], $0x800  }
0x30: {  	[sflag:s13] =	ssyncset.done $0x0  }
0x31: {  	[sflag:s13] =	ssyncadd.s32 $0xFFFFF800  }
0x32: {  	[spmem:s2] =	stream.indirect.scatter.add.f32 [tilespmem:s17], [sflag:$0x3], $0x10, s19, s16, $0xb8;
	[tilespmem:$0x3400] =	vst v63  }
0x33: {  	_ =	swait.ge [sflag:s13], $0x800  }
0x34: {  	[sflag:s13] =	ssyncset.done $0x0  }
0x35: {  	s31 =	sadd.s32 $0x0, s11;
	[sflag:s13] =	ssyncadd.s32 $0xFFFFF800  }
0x36: {  	[tilespmem:s3], [sflag:$0x1] =	stream.linear.gather [hbm4b:s31+s3], $0x200, $0x38;
	[tilespmem:$0x3400] =	vst v63  }
0x37: {  	_ =	swait.ge [sflag:s20], $0x200  }
0x38: {  	[sflag:s20] =	ssyncset.done $0x0  }
0x39: {  	[sflag:s20] =	ssyncadd.s32 $0xFFFFFE00  }
0x3a: {  	[spmem:s2] =	stream.indirect.scatter.add.f32 [tilespmem:s17], [sflag:$0x3], $0x10, s14, s16, $0xb8;
	[tilespmem:$0x3400] =	vst v63  }
0x3b: {  	_ =	swait.ge [sflag:s13], $0x800  }
0x3c: {  	[sflag:s13] =	ssyncset.done $0x0  }
0x3d: {  	[sflag:s13] =	ssyncadd.s32 $0xFFFFF800  }
0x3e: {  	[spmem:s2] =	stream.indirect.scatter.add.f32 [tilespmem:s17], [sflag:$0x3], $0x10, s21, s16, $0xb8;
	[tilespmem:$0x3400] =	vst v63  }
0x3f: {  	_ =	swait.ge [sflag:s13], $0x800  }
0x40: {  	[sflag:s13] =	ssyncset.done $0x0  }
0x41: {  	[sflag:s13] =	ssyncadd.s32 $0xFFFFF800  }
0x42: {  	[spmem:s2] =	stream.indirect.scatter.add.f32 [tilespmem:s17], [sflag:$0x3], $0x10, s22, s16, $0xb8;
	[tilespmem:$0x3400] =	vst v63  }
0x43: {  	_ =	swait.ge [sflag:s13], $0x800  }
0x44: {  	[sflag:s13] =	ssyncset.done $0x0  }
0x45: {  	[sflag:s13] =	ssyncadd.s32 $0xFFFFF800  }
0x46: {  	[spmem:s2] =	stream.indirect.scatter.add.f32 [tilespmem:s17], [sflag:$0x3], $0x10, s23, s16, $0xb8;
	[tilespmem:$0x3400] =	vst v63  }
0x47: {  	_ =	swait.ge [sflag:s13], $0x800  }
0x48: {  	[sflag:s13] =	ssyncset.done $0x0  }
0x49: {  	s28 =	sadd.s32 $0x0, s10;
	s26 =	simm.s32 $0x80;
	[sflag:s13] =	ssyncadd.s32 $0xFFFFF800  }
.LBB2_4:
0x4a: {  	[tilespmem:s14], [sflag:$0x2] =	stream.linear.gather [hbm4b:s28+s3], $0x200, $0x38;
	[tilespmem:$0x3400] =	vst v63  }
0x4b: {  	s28 =	smov.u32 s26  }
0x4c: {  	p0 =	sne.s32 s26, $0x400;
	s26 =	sadd.s32 $0x80, s26;
	_ =	swait.ge [sflag:s15], $0x200  }
0x4d: {  	[sflag:s15] =	ssyncset.done $0x0  }
0x4e: {  	[sflag:s15] =	ssyncadd.s32 $0xFFFFFE00  }
0x4f: {  	[spmem:s2] =	stream.indirect.scatter.add.f32 [tilespmem:s17], [sflag:$0x3], $0x10, s3, s16, $0xb8;
	[tilespmem:$0x3400] =	vst v63  }
0x50: {  	_ =	swait.ge [sflag:s13], $0x800  }
0x51: {  	[sflag:s13] =	ssyncset.done $0x0  }
0x52: {  	[sflag:s13] =	ssyncadd.s32 $0xFFFFF800  }
0x53: {  	[spmem:s2] =	stream.indirect.scatter.add.f32 [tilespmem:s17], [sflag:$0x3], $0x10, s16, s16, $0xb8;
	[tilespmem:$0x3400] =	vst v63  }
0x54: {  	_ =	swait.ge [sflag:s13], $0x800  }
0x55: {  	[sflag:s13] =	ssyncset.done $0x0  }
0x56: {  	[sflag:s13] =	ssyncadd.s32 $0xFFFFF800  }
0x57: {  	[spmem:s2] =	stream.indirect.scatter.add.f32 [tilespmem:s17], [sflag:$0x3], $0x10, s18, s16, $0xb8;
	[tilespmem:$0x3400] =	vst v63  }
0x58: {  	_ =	swait.ge [sflag:s13], $0x800  }
0x59: {  	[sflag:s13] =	ssyncset.done $0x0  }
0x5a: {  	[sflag:s13] =	ssyncadd.s32 $0xFFFFF800  }
0x5b: {  	[spmem:s2] =	stream.indirect.scatter.add.f32 [tilespmem:s17], [sflag:$0x3], $0x10, s19, s16, $0xb8;
	[tilespmem:$0x3400] =	vst v63  }
0x5c: {  	_ =	swait.ge [sflag:s13], $0x800  }
0x5d: {  	[sflag:s13] =	ssyncset.done $0x0  }
0x5e: {  	s29 =	sadd.s32 s28, s11;
	[sflag:s13] =	ssyncadd.s32 $0xFFFFF800  }
0x5f: {  	[tilespmem:s3], [sflag:$0x1] =	stream.linear.gather [hbm4b:s29+s3], $0x200, $0x38;
	[tilespmem:$0x3400] =	vst v63  }
0x60: {  	_ =	swait.ge [sflag:s20], $0x200  }
0x61: {  	[sflag:s20] =	ssyncset.done $0x0  }
0x62: {  	[sflag:s20] =	ssyncadd.s32 $0xFFFFFE00  }
0x63: {  	[spmem:s2] =	stream.indirect.scatter.add.f32 [tilespmem:s17], [sflag:$0x3], $0x10, s14, s16, $0xb8;
	[tilespmem:$0x3400] =	vst v63  }
0x64: {  	_ =	swait.ge [sflag:s13], $0x800  }
0x65: {  	[sflag:s13] =	ssyncset.done $0x0  }
0x66: {  	[sflag:s13] =	ssyncadd.s32 $0xFFFFF800  }
0x67: {  	[spmem:s2] =	stream.indirect.scatter.add.f32 [tilespmem:s17], [sflag:$0x3], $0x10, s21, s16, $0xb8;
	[tilespmem:$0x3400] =	vst v63  }
0x68: {  	_ =	swait.ge [sflag:s13], $0x800  }
0x69: {  	[sflag:s13] =	ssyncset.done $0x0  }
0x6a: {  	[sflag:s13] =	ssyncadd.s32 $0xFFFFF800  }
0x6b: {  	[spmem:s2] =	stream.indirect.scatter.add.f32 [tilespmem:s17], [sflag:$0x3], $0x10, s22, s16, $0xb8;
	[tilespmem:$0x3400] =	vst v63  }
0x6c: {  	_ =	swait.ge [sflag:s13], $0x800  }
0x6d: {  	[sflag:s13] =	ssyncset.done $0x0  }
.Ltmp1:
0x6e: {  	[sflag:s13] =	ssyncadd.s32 $0xFFFFF800;
	(pc) =	sbr.rel @p0 .LBB2_4-.Ltmp1, $4  }
0x6f: {  	[spmem:s2] =	stream.indirect.scatter.add.f32 [tilespmem:s17], [sflag:$0x3], $0x10, s23, s16, $0xb8;
	[tilespmem:$0x3400] =	vst v63  }
0x70: {  	_ =	swait.ge [sflag:s13], $0x800  }
0x71: {  	[sflag:s13] =	ssyncset.done $0x0  }
0x72: {  	s28 =	sadd.s32 s28, s10;
	[sflag:s13] =	ssyncadd.s32 $0xFFFFF800  }
0x73: {  	[tilespmem:s14], [sflag:$0x2] =	stream.linear.gather [hbm4b:s28+s3], $0x200, $0x38;
	[tilespmem:$0x3400] =	vst v63  }
0x74: {  	_ =	swait.ge [sflag:s15], $0x200  }
0x75: {  	[sflag:s15] =	ssyncset.done $0x0  }
0x76: {  	[sflag:s15] =	ssyncadd.s32 $0xFFFFFE00  }
0x77: {  	[spmem:s2] =	stream.indirect.scatter.add.f32 [tilespmem:s17], [sflag:$0x3], $0x10, s3, s16, $0xb8;
	[tilespmem:$0x3400] =	vst v63  }
0x78: {  	_ =	swait.ge [sflag:s13], $0x800  }
0x79: {  	[sflag:s13] =	ssyncset.done $0x0  }
0x7a: {  	[sflag:s13] =	ssyncadd.s32 $0xFFFFF800  }
0x7b: {  	[spmem:s2] =	stream.indirect.scatter.add.f32 [tilespmem:s17], [sflag:$0x3], $0x10, s16, s16, $0xb8;
	[tilespmem:$0x3400] =	vst v63  }
0x7c: {  	_ =	swait.ge [sflag:s13], $0x800  }
0x7d: {  	[sflag:s13] =	ssyncset.done $0x0  }
0x7e: {  	[sflag:s13] =	ssyncadd.s32 $0xFFFFF800  }
0x7f: {  	[spmem:s2] =	stream.indirect.scatter.add.f32 [tilespmem:s17], [sflag:$0x3], $0x10, s18, s16, $0xb8;
	[tilespmem:$0x3400] =	vst v63  }
0x80: {  	_ =	swait.ge [sflag:s13], $0x800  }
0x81: {  	[sflag:s13] =	ssyncset.done $0x0  }
0x82: {  	[sflag:s13] =	ssyncadd.s32 $0xFFFFF800  }
0x83: {  	[spmem:s2] =	stream.indirect.scatter.add.f32 [tilespmem:s17], [sflag:$0x3], $0x10, s19, s16, $0xb8;
	[tilespmem:$0x3400] =	vst v63  }
0x84: {  	_ =	swait.ge [sflag:s13], $0x800  }
0x85: {  	[sflag:s13] =	ssyncset.done $0x0  }
0x86: {  	[sflag:s13] =	ssyncadd.s32 $0xFFFFF800  }
0x87: {  	[tilespmem:s3], [sflag:$0x1] =	stream.linear.gather [hbm4b:s5+s3], $0x200, $0x38;
	[tilespmem:$0x3400] =	vst v63  }
0x88: {  	_ =	swait.ge [sflag:s20], $0x200  }
0x89: {  	[sflag:s20] =	ssyncset.done $0x0  }
0x8a: {  	[sflag:s20] =	ssyncadd.s32 $0xFFFFFE00  }
0x8b: {  	[spmem:s2] =	stream.indirect.scatter.add.f32 [tilespmem:s17], [sflag:$0x3], $0x10, s14, s16, $0xb8;
	[tilespmem:$0x3400] =	vst v63  }
0x8c: {  	_ =	swait.ge [sflag:s13], $0x800  }
0x8d: {  	[sflag:s13] =	ssyncset.done $0x0  }
0x8e: {  	[sflag:s13] =	ssyncadd.s32 $0xFFFFF800  }
0x8f: {  	[spmem:s2] =	stream.indirect.scatter.add.f32 [tilespmem:s17], [sflag:$0x3], $0x10, s21, s16, $0xb8;
	[tilespmem:$0x3400] =	vst v63  }
0x90: {  	_ =	swait.ge [sflag:s13], $0x800  }
0x91: {  	[sflag:s13] =	ssyncset.done $0x0  }
0x92: {  	[sflag:s13] =	ssyncadd.s32 $0xFFFFF800  }
0x93: {  	[spmem:s2] =	stream.indirect.scatter.add.f32 [tilespmem:s17], [sflag:$0x3], $0x10, s22, s16, $0xb8;
	[tilespmem:$0x3400] =	vst v63  }
0x94: {  	_ =	swait.ge [sflag:s13], $0x800  }
0x95: {  	[sflag:s13] =	ssyncset.done $0x0  }
0x96: {  	[sflag:s13] =	ssyncadd.s32 $0xFFFFF800  }
0x97: {  	[spmem:s2] =	stream.indirect.scatter.add.f32 [tilespmem:s17], [sflag:$0x3], $0x10, s23, s16, $0xb8;
	[tilespmem:$0x3400] =	vst v63  }
0x98: {  	_ =	swait.ge [sflag:s13], $0x800  }
0x99: {  	[sflag:s13] =	ssyncset.done $0x0  }
0x9a: {  	[sflag:s13] =	ssyncadd.s32 $0xFFFFF800  }
0x9b: {  	[tilespmem:s14], [sflag:$0x2] =	stream.linear.gather [hbm4b:s7+s3], $0x200, $0x38;
	[tilespmem:$0x3400] =	vst v63  }
0x9c: {  	_ =	swait.ge [sflag:s15], $0x200  }
0x9d: {  	s25 =	sadd.s32 $0x1, s25;
	[sflag:s15] =	ssyncset.done $0x0  }
0x9e: {  	p0 =	sne.s32 s25, s9;
	[sflag:s15] =	ssyncadd.s32 $0xFFFFFE00  }
.Ltmp2:
0x9f: {  	[bflag:$0x0] =	sbarrier.arrive $0xFFFF;
	(pc) =	sbr.rel @p0 .LBB2_1-.Ltmp2, $4  }
0xa0: {  	[hbm:s8@s24], [sflag:s6] =	dma.strided [spmem:s12@s15], $0x500, s20, $0x2   }
0xa1: {  	_ =	swait.ge [sflag:s13], $0x500  }
0xa2: {  	[sflag:s13] =	ssyncset.done $0x0  }
0xa3: {  	[sflag:s13] =	ssyncadd.s32 $0xFFFFFB00  }
0xa4: {  	_ =	sfence.sel $0x180000  }
0xa5: {  	[bflag:$0x0] =	sbarrier.arrive $0xFFFF  }
0xa6: {  	p0 =	sne.s32 s1, $0x0;
	_ =	strace $0x90000047  }
0xa7: {  	s0 =	sadd.s32 @!p0 $0x100000, s0;
	[bflag:$0x2] =	sbarrier.arrive $0xFFFF  }
0xa8: {  	[sflag:s0] =	ssyncadd.tile.s32 @!p0 $0x1;
	_ =	shalt  }
.Lfunc_end2:
_tile_overlayer_lowered:
.L_overlay_start_2:
0xa9: {  	(tag) =	ssettag $0x2  }
0xaa: {  	s0 =	rddreg [dreg:$0x0];
	s2 =	stileid.u32  }
0xab: {  	s1 =	rddreg [dreg:$0x1];
	p0 =	sne.s32 s2, $0x0  }
0xac: {  	s3 =	rddreg [dreg:$0x2];
	[bflag:$0x3] =	sbarrier.arrive $0xFFFF;
	s2 =	simm.s32 @!p0 $0x1C03  }
0xad: {  	[timem:s3], [sflag:s2] =	dma.local @!p0 [hbm:s0], s1  }
0xae: {  	s0 =	simm.s32 @!p0 $0x3  }
0xaf: {  	_ =	swait.ge @!p0 [sflag:s0], s1  }
0xb0: {  	s1 =	ssub.s32 @!p0 $0x0, s1;
	[sflag:s0] =	ssyncset.done @!p0 $0x0  }
0xb1: {  	[sflag:s0] =	ssyncadd.s32 @!p0 s1  }
0xb2: {  	[bflag:$0x3] =	sbarrier.arrive $0xFFFF  }
0xb3: {  	_ =	shalt  }

// kernel: kernel.13.cloned.1.call-start
scs
__scs_entry_jumppad:
0x0: {  	(pc) =	sbr.rel $0x88, $3  }
0x1: {  	(tag) =	ssettag $0x0;
	lr =	simm.s32 $0x1  }
0x2: {  	[smem:$0x3F90] =	sst lr;
	_ =	strace $0xD0000000  }
0x3: {  	_ = 	snop  }
0x4: {  	_ = 	snop  }
0x5: {  	_ = 	snop  }
0x6: {  	_ = 	snop  }
0x7: {  	_ = 	snop  }
__scs_overlays_trampoline_lowered:
0x8: {  	[smem:$0x3F9F] =	sst s0  }
0x9: {  	[smem:$0x3FA0] =	sst s1  }
0xa: {  	[smem:$0x3FA1] =	sst s2  }
0xb: {  	[smem:$0x3FA2] =	sst s3  }
0xc: {  	[smem:$0x3FA3] =	sst s4  }
0xd: {  	[smem:$0x3FA4] =	sst s5  }
0xe: {  	[smem:$0x3FA5] =	sst s6  }
0xf: {  	[smem:$0x3FA6] =	sst s7  }
0x10: {  	[smem:$0x3FA7] =	sst s8  }
0x11: {  	[smem:$0x3FA8] =	sst s9;
	s0 =	simm.s32 @!p0 $0x0  }
0x12: {  	s1 =	sld [smem:$0x3F8E];
	s0 =	simm.s32 @p0 $0x1  }
0x13: {  	[smem:$0x3FA9] =	sst s0;
	s0 =	simm.s32 @!p1 $0x0  }
0x14: {  	s2 =	sld [smem:$0x3F8D];
	s0 =	simm.s32 @p1 $0x1  }
0x15: {  	[smem:$0x3FAA] =	sst s0;
	s0 =	simm.s32 @!p2 $0x0  }
0x16: {  	s3 =	sld [smem:$0x3FDB];
	s0 =	simm.s32 @p2 $0x1  }
0x17: {  	s4 =	simm.s32 $0x1BF5;
	[smem:$0x3FAC] =	sst s0  }
0x18: {  	s0 =	sld [smem:$0x3F8F];
	_ =	swait.ge [sflag:s4], $0x0  }
0x19: {  	s7 =	sld [smem:$0x3F90]  }
0x1a: {  	s8 =	sadd.s32 $0xFFFFE003, lr  }
0x1b: {  	s9 =	sadd.s32 $0xFFFFFEF7, lr;
	s5 =	simm.s32 $0xFFFFFFFF;
	p2 =	slt.u32 s8, $0xFFFFF086  }
0x1c: {  	p1 =	slt.u32 s9, $0xF7A;
	s5 =	simm.s32 @!p2 $0x0  }
0x1d: {  	s5 =	simm.s32 @p1 $0x1;
	p0 =	seq.s32 s7, s2  }
0x1e: {  	s7 =	smul.u32 @!p0 $0xF7A, s2;
	p2 =	seq.s32 @!p0 s5, $0x0  }
0x1f: {  	s9 =	smul.u32 $0xF7A, s1;
	s8 =	simm.s32 @!p0 $0x1BF5;
	p2 =	por !p2, p0  }
0x20: {  	[sflag:s8] =	ssyncset.s32 @!p0 $0xFFFFF086;
	s6 =	sadd.s32 @!p0 s3, s7;
	s7 =	simm.s32 @!p0 $0x108  }
0x21: {  	s3 =	sadd.s32 s3, s9;
	s6 =	sadd.s32 @!p0 $0x88, s6;
	s7 =	simm.s32 @p2 $0x1082  }
0x22: {  	[simem:s7], [sflag:s8] =	dma.local @!p0 [hbm:s6], $0xF7A  }
0x23: {  	s9 =	sor.u32 $0xD0000000, s2;
	s6 =	simm.s32 $0x108;
	_ =	swait.ge @!p0 [sflag:s8], $0x0  }
0x24: {  	s3 =	sadd.s32 $0x88, s3;
	s6 =	simm.s32 @!p1 $0x1082;
	[sflag:s4] =	ssyncset.s32 $0xFFFFF086  }
0x25: {  	[simem:s6], [sflag:s4] =	dma.local [hbm:s3], $0xF7A  }
0x26: {  	[smem:$0x3F90] =	sst s1;
	(tag) =	ssettag s2;
	_ =	strace s9  }
0x27: {  	s1 =	sld [smem:$0x3FA0]  }
0x28: {  	s2 =	sld [smem:$0x3FA1]  }
0x29: {  	s4 =	sld [smem:$0x3FA3]  }
0x2a: {  	p0 =	seq.s32 s5, $0x0;
	s5 =	sld [smem:$0x3FA4]  }
0x2b: {  	s6 =	sld [smem:$0x3FA5]  }
0x2c: {  	s7 =	sld [smem:$0x3FA6]  }
0x2d: {  	s3 =	simm.s32 $0x108;
	s8 =	sld [smem:$0x3FA7]  }
0x2e: {  	s3 =	simm.s32 @!p0 $0x1082;
	s9 =	sld [smem:$0x3FA8]  }
0x2f: {  	lr =	sadd.s32 s0, s3;
	s0 =	sld [smem:$0x3F9F]  }
0x30: {  	s3 =	sld [smem:$0x3FA2]  }
0x31: {  	[smem:$0x3FAB] =	sst s10  }
0x32: {  	s10 =	sld [smem:$0x3FA9];
	_ =	sdelay $0x3  }
0x33: {  	p0 =	seq.s32 s10, $0x1;
	s10 =	sld [smem:$0x3FAB];
	_ =	sdelay $0x3  }
0x34: {  	[smem:$0x3FAB] =	sst s10  }
0x35: {  	s10 =	sld [smem:$0x3FAA];
	_ =	sdelay $0x3  }
0x36: {  	p1 =	seq.s32 s10, $0x1;
	s10 =	sld [smem:$0x3FAB];
	_ =	sdelay $0x3  }
0x37: {  	[smem:$0x3FAB] =	sst s10  }
0x38: {  	s10 =	sld [smem:$0x3FAC]  }
0x39: {  	_ = 	snop;
	(pc) =	sbr.ind lr, $3  }
0x3a: {  	_ = 	snop  }
0x3b: {  	_ = 	snop  }
0x3c: {  	p2 =	seq.s32 s10, $0x1;
	s10 =	sld [smem:$0x3FAB]  }
0x3d: {  	_ =	shalt  }
0x3e: {  	_ =	shalt  }
0x3f: {  	_ =	shalt  }
0x40: {  	_ =	shalt  }
0x41: {  	_ =	shalt  }
0x42: {  	_ =	shalt  }
0x43: {  	_ =	shalt  }
0x44: {  	_ =	shalt  }
0x45: {  	_ =	shalt  }
0x46: {  	_ =	shalt  }
0x47: {  	_ =	shalt  }
0x48: {  	_ =	shalt  }
0x49: {  	_ =	shalt  }
0x4a: {  	_ =	shalt  }
0x4b: {  	_ =	shalt  }
0x4c: {  	_ =	shalt  }
0x4d: {  	_ =	shalt  }
0x4e: {  	_ =	shalt  }
0x4f: {  	_ =	shalt  }
0x50: {  	_ =	shalt  }
0x51: {  	_ =	shalt  }
0x52: {  	_ =	shalt  }
0x53: {  	_ =	shalt  }
0x54: {  	_ =	shalt  }
0x55: {  	_ =	shalt  }
0x56: {  	_ =	shalt  }
0x57: {  	_ =	shalt  }
0x58: {  	_ =	shalt  }
0x59: {  	_ =	shalt  }
0x5a: {  	_ =	shalt  }
0x5b: {  	_ =	shalt  }
0x5c: {  	_ =	shalt  }
0x5d: {  	_ =	shalt  }
0x5e: {  	_ =	shalt  }
0x5f: {  	_ =	shalt  }
0x60: {  	_ =	shalt  }
0x61: {  	_ =	shalt  }
0x62: {  	_ =	shalt  }
0x63: {  	_ =	shalt  }
0x64: {  	_ =	shalt  }
0x65: {  	_ =	shalt  }
0x66: {  	_ =	shalt  }
0x67: {  	_ =	shalt  }
0x68: {  	_ =	shalt  }
0x69: {  	_ =	shalt  }
0x6a: {  	_ =	shalt  }
0x6b: {  	_ =	shalt  }
0x6c: {  	_ =	shalt  }
0x6d: {  	_ =	shalt  }
0x6e: {  	_ =	shalt  }
0x6f: {  	_ =	shalt  }
0x70: {  	_ =	shalt  }
0x71: {  	_ =	shalt  }
0x72: {  	_ =	shalt  }
0x73: {  	_ =	shalt  }
0x74: {  	_ =	shalt  }
0x75: {  	_ =	shalt  }
0x76: {  	_ =	shalt  }
0x77: {  	_ =	shalt  }
0x78: {  	_ =	shalt  }
0x79: {  	_ =	shalt  }
0x7a: {  	_ =	shalt  }
0x7b: {  	_ =	shalt  }
0x7c: {  	_ =	shalt  }
0x7d: {  	_ =	shalt  }
0x7e: {  	_ =	shalt  }
0x7f: {  	_ =	shalt  }
0x80: {  	_ =	shalt  }
0x81: {  	_ =	shalt  }
0x82: {  	_ =	shalt  }
0x83: {  	_ =	shalt  }
0x84: {  	_ =	shalt  }
0x85: {  	_ =	shalt  }
0x86: {  	_ =	shalt  }
0x87: {  	_ =	shalt  }
.Lfunc_end0:
.L_simem_size_0:
called_computation.1_lowered:
.L_overlay_start_0:
0x88: {  	s2 =	sld [smem:$0x3FD9]  }
0x89: {  	s3 =	sld [smem:$0x3FFE];
	_ =	sdelay $0x1  }
0x8a: {  	s1 =	srdreg.scid  }
0x8b: {  	s0 =	sand.u32 $0x1, s1  }
0x8c: {  	s16 =	sshll.u32 s0, $0xA;
	s2 =	sadd.s32 s3, s2  }
0x8d: {  	s2 =	sadd.s32 s2, s16  }
0x8e: {  	[smem:$0x3FB7] =	sst s2  }
0x8f: {  	_ = 	snop  }
0x90: {  	(tm) =	ssettm $0x1  }
0x91: {  	s17 =	sld [smem:$0x3FFB];
	_ =	sdelay $0x3  }
0x92: {  	_ =	strace s17  }
0x93: {  	s2 =	sld [smem:$0x3FFC];
	_ =	sdelay $0x3  }
0x94: {  	_ =	strace s2  }
0x95: {  	s2 =	sld [smem:$0x3FFD];
	_ =	sdelay $0x3  }
0x96: {  	_ =	strace s2  }
0x97: {  	_ =	strace $0x8FFFFFFF  }
0x98: {  	s18 =	sld [smem:$0x3FDB];
	_ =	sdelay $0x1  }
0x99: {  	s19 =	simm.s32 $_scs_section_size  }
0x9a: {  	s4 =	simm.s32 $_size__tile_overlayer_lowered;
	s5 =	simm.s32 $_tile_overlayer_lowered  }
0x9b: {  	s22 =	simm.s32 $0x1BFF;
	s21 =	sshll.u32 s5, $0x1;
	s2 =	sadd.s32 s19, s18  }
0x9c: {  	s6 =	simm.s32 $0x0;
	s20 =	sshll.u32 s4, $0x1;
	s4 =	sadd.s32 s21, s2  }
0x9d: {  	[timem:s6], [sflag:s22] =	dma.local [hbm:s4], s20  }
0x9e: {  	_ =	swait.ge [sflag:s22], s20  }
0x9f: {  	s3 =	ssub.s32 $0x0, s20;
	[sflag:s22] =	ssyncset.done $0x0  }
0xa0: {  	[sflag:s22] =	ssyncadd.s32 s3;
	_ =	sdelay $0x1  }
0xa1: {  	s23 =	simm.s32 $0x1B8B  }
0xa2: {  	_ =	swait.ge [sflag:s23], $0x1  }
0xa3: {  	[sflag:s23] =	ssyncset.done $0x0  }
0xa4: {  	s25 =	simm.s32 $0x1B8E;
	s24 =	sld [smem:$0x3FFE];
	[sflag:s23] =	ssyncadd.s32 $0xFFFFFFFF  }
0xa5: {  	s26 =	simm.s32 $execute0_lowered;
	[smem:$0x3FD2] =	sst s25  }
0xa6: {  	s4 =	sshll.u32 s26, $0x1;
	_ =	strace $0x80000049;
	[dreg:$0x1] =	wrdreg $0xFFFFFFFF  }
0xa7: {  	s28 =	simm.s32 $_size_execute0_lowered;
	s2 =	sadd.s32 s2, s4;
	[dreg:$0x0] =	wrdreg $0x0  }
0xa8: {  	s4 =	sshll.u32 s28, $0x1;
	[dreg:$0x2] =	wrdreg s2  }
0xa9: {  	[dreg:$0x3] =	wrdreg s4  }
0xaa: {  	[dreg:$0x4] =	wrdreg $0xC0  }
0xab: {  	_ =	task [dreg:s6], $0x5FFFF  }
0xac: {  	[dreg:$0x1] =	wrdreg $0xFFFFFFFF  }
0xad: {  	[dreg:$0x0] =	wrdreg $0x60  }
0xae: {  	[dreg:$0x2] =	wrdreg s24  }
0xaf: {  	[dreg:$0x3] =	wrdreg $0x88000  }
0xb0: {  	[dreg:$0x4] =	wrdreg $0x128000  }
0xb1: {  	[dreg:$0x5] =	wrdreg $0x9  }
0xb2: {  	_ =	task.clear_ibuf [dreg:s6], $0x6FFFF;
	_ =	strace $0x90000049  }
0xb3: {  	s29 =	simm.s32 $0x9;
	_ =	strace $0x8000004B  }
0xb4: {  	_ =	swait.ge [sflag:s29], $0x1  }
0xb5: {  	[sflag:s29] =	ssyncadd.s32 $0xFFFFFFFF  }
0xb6: {  	_ =	strace $0x9000004B  }
0xb7: {  	_ =	sfence  }
0xb8: {  	s30 =	sld [smem:$0x0];
	_ =	sdelay $0x2  }
0xb9: {  	s31 =	sshll.u32 s1, $0xD;
	s1 =	sshrl.u32 s1, $0x2  }
0xba: {  	s3 =	sand.u32 $0x4000, s31;
	s1 =	sadd.s32 s1, s30  }
0xbb: {  	s0 =	sor.u32 s3, s0;
	s1 =	sshll.u32 s1, $0x11  }
0xbc: {  	s0 =	sor.u32 s1, s0  }
0xbd: {  	s0 =	sadd.s32 $0x8F2B, s0  }
0xbe: {  	[sflag:s0] =	ssyncadd.remote.s32 $0x1  }
0xbf: {  	_ =	sfence.sel $0xFFFF  }
0xc0: {  	[dreg:$0x0] =	wrdreg $0xFFFFFFFF;
	(pc) =	sbr.abs _section_cstart, $3  }
0xc1: {  	[dreg:$0x1] =	wrdreg $0xFFFFFFFF  }
0xc2: {  	_ =	task.clear_ibuf [dreg:s6], $0x2FFFF;
	_ =	strace $0x9FFFFFFF  }
0xc3: {  	(tm) =	ssettm $0x7FFFFFFF  }
tec
execute0_lowered:
.L_overlay_start_1:
0x0: {  	(tag) =	ssettag $0x1  }
0x1: {  	s0 =	rddreg [dreg:$0x0]  }
0x2: {  	s1 =	rddreg [dreg:$0x1]  }
0x3: {  	s3 =	rddreg [dreg:$0x2];
	s4 =	simm.s32 $0x0;
	s11 =	stileid.u32  }
0x4: {  	s5 =	srdreg.scid;
	s18 =	simm.s32 $0x480;
	s19 =	simm.s32 $0x280  }
0x5: {  	s20 =	simm.s32 $0x500;
	s28 =	simm.s32 $0x2800;
	s29 =	simm.s32 $0x100  }
0x6: {  	s30 =	simm.s32 $0x4800;
	s31 =	simm.s32 $0x180;
	s2 =	smul.u32 $0xA000, s11  }
0x7: {  	[smem:$0x7FF] =	sst s4;
	s7 =	sand.u32 $0x1, s5;
	s8 =	smul.u32 $0x14000, s11  }
0x8: {  	s5 =	sadd.s32 $0x3AC00, s0;
	s6 =	sadd.s32 $0x3C00, s0;
	s25 =	sshll.u32 s11, $0x6  }
0x9: {  	_ =	strace $0x8000004A;
	s9 =	sshll.u32 s7, $0x6;
	[dreg:$0x4] =	wrdreg s18  }
0xa: {  	s7 =	ssub.s32 $0x2, s7;
	s18 =	simm.s32 $0x7;
	[dreg:$0x5] =	wrdreg s19  }
0xb: {  	[dreg:$0x6] =	wrdreg s20;
	s20 =	simm.s32 $0x1;
	s19 =	simm.s32 $0x8  }
0xc: {  	s10 =	sshrl.u32 s2, $0x3;
	s8 =	sor.u32 s9, s8;
	s22 =	sshrl.u32 s7, $0x1  }
0xd: {  	s24 =	sadd.s32 s2, s1;
	s2 =	sadd.s32 s2, s3;
	s21 =	sadd.s32 s10, s0  }
0xe: {  	s8 =	sshrl.u32 s8, $0x3;
	s23 =	ssub.s32 s7, s22;
	s7 =	smul.u32 $0x5000, s11  }
0xf: {  	s2 =	sshrl.u32 s2, $0x3;
	s22 =	simm.s32 $0x580;
	s10 =	simm.s32 $0x3  }
0x10: {  	s0 =	sadd.s32 s8, s0;
	s9 =	sadd.s32 $0x6CC00, s21;
	[dreg:$0x15] =	wrdreg s2  }
0x11: {  	s17 =	smax.u32 s23, $0x1;
	s21 =	simm.s32 $0x300;
	[dreg:$0x8] =	wrdreg s22  }
0x12: {  	s23 =	simm.s32 $0x380;
	s22 =	simm.s32 $0x10;
	[dreg:$0xd] =	wrdreg s9  }
0x13: {  	s2 =	simm.s32 $0x6;
	s8 =	simm.s32 $0x2;
	[dreg:$0x14] =	wrdreg s17  }
0x14: {  	s9 =	sor.u32 $0x1C07, s25;
	s26 =	sshrl.u32 s7, $0x3;
	[dreg:$0x7] =	wrdreg s21  }
0x15: {  	s12 =	sadd.s32 $0x44C00, s0;
	s0 =	sadd.s32 $0x80C00, s0;
	[dreg:$0x9] =	wrdreg s23  }
0x16: {  	s17 =	sshrl.u32 s24, $0x3;
	s24 =	simm.s32 $0x680;
	[dreg:$0xe] =	wrdreg s12  }
0x17: {  	s23 =	simm.s32 $0x400;
	s25 =	simm.s32 $0x700;
	[dreg:$0x13] =	wrdreg s0  }
0x18: {  	s13 =	sadd.s32 s5, s26;
	s14 =	sor.u32 $0x40, s26;
	[dreg:$0xa] =	wrdreg s24  }
0x19: {  	s11 =	sadd.s32 s6, s26;
	s24 =	simm.s32 $0x200;
	[dreg:$0xb] =	wrdreg s25  }
0x1a: {  	s26 =	simm.s32 $0x780;
	s25 =	simm.s32 $0x80;
	[dreg:$0xf] =	wrdreg s13  }
0x1b: {  	s0 =	simm.s32 $0x6800;
	s12 =	simm.s32 $0x5;
	[dreg:$0x10] =	wrdreg s11  }
0x1c: {  	s15 =	sadd.s32 s5, s14;
	s16 =	sadd.s32 s6, s14;
	[dreg:$0xc] =	wrdreg s26  }
0x1d: {  	s26 =	simm.s32 $0x800;
	s11 =	simm.s32 $0x4;
	[dreg:$0x11] =	wrdreg s15  }
0x1e: {  	s13 =	simm.s32 $0x600;
	s14 =	simm.s32 $0x0;
	[dreg:$0x12] =	wrdreg s16  }
.LBB2_1:
0x1f: {  	s15 =	rddreg [dreg:$0xd]  }
0x20: {  	[spmem:s17], [sflag:s9] =	dma.local [hbm:s15], $0x1400  }
0x21: {  	_ =	swait.ge [sflag:s18], $0x1400  }
0x22: {  	[sflag:s18] =	ssyncset.done $0x0;
	s21 =	rddreg [dreg:$0xe]  }
0x23: {  	s16 =	rddreg [dreg:$0x15];
	[sflag:s18] =	ssyncadd.s32 $0xFFFFEC00  }
0x24: {  	[spmem:s16@s19], [sflag:s9] =	dma.strided [hbm:s21@s22], $0x1400, s20, $0x8   }
0x25: {  	_ =	swait.ge [sflag:s18], $0x1400  }
0x26: {  	[sflag:s18] =	ssyncset.done $0x0  }
0x27: {  	s21 =	rddreg [dreg:$0xf];
	[sflag:s18] =	ssyncadd.s32 $0xFFFFEC00  }
0x28: {  	[tilespmem:s4], [sflag:$0x7] =	stream.linear.gather [hbm4b:s21+s4], $0x200, $0x38;
	[tilespmem:$0x1C800] =	vst v63  }
0x29: {  	_ =	swait.ge [sflag:s18], $0x200  }
0x2a: {  	[sflag:s18] =	ssyncset.done $0x0  }
0x2b: {  	s16 =	rddreg [dreg:$0x10];
	[sflag:s18] =	ssyncadd.s32 $0xFFFFFE00  }
0x2c: {  	[tilespmem:s23], [sflag:$0x7] =	stream.linear.gather [hbm4b:s16+s4], $0x200, $0x38;
	[tilespmem:$0x1C800] =	vst v63  }
0x2d: {  	_ =	swait.ge [sflag:s18], $0x200  }
0x2e: {  	[sflag:s18] =	ssyncset.done $0x0  }
0x2f: {  	s19 =	rddreg [dreg:$0x11];
	[sflag:s18] =	ssyncadd.s32 $0xFFFFFE00  }
0x30: {  	[tilespmem:s24], [sflag:$0x6] =	stream.linear.gather [hbm4b:s19+s4], $0x200, $0x38;
	[tilespmem:$0x1C800] =	vst v63  }
0x31: {  	s21 =	rddreg [dreg:$0x12]  }
0x32: {  	[tilespmem:s13], [sflag:$0x6] =	stream.linear.gather [hbm4b:s21+s4], $0x200, $0x38;
	[tilespmem:$0x1C800] =	vst v63  }
0x33: {  	[bflag:$0x0] =	sbarrier.arrive $0xFFFF  }
0x34: {  	[tilespmem:s26], [sflag:$0x1] =	stream.indirect.gather [spmem:s3], $0x40, s4, s25, $0xb8;
	[tilespmem:$0x1C800] =	vst v63  }
0x35: {  	_ = 	snop  }
0x36: {  	[tilespmem:s28], [sflag:$0x2] =	stream.indirect.gather [spmem:s3], $0x40, s25, s25, $0xb8;
	[tilespmem:$0x1C800] =	vst v63  }
0x37: {  	_ = 	snop  }
0x38: {  	[tilespmem:s30], [sflag:$0x3] =	stream.indirect.gather [spmem:s3], $0x40, s29, s25, $0xb8;
	[tilespmem:$0x1C800] =	vst v63  }
0x39: {  	_ = 	snop  }
0x3a: {  	[tilespmem:s0], [sflag:$0x4] =	stream.indirect.gather [spmem:s3], $0x40, s31, s25, $0xb8;
	[tilespmem:$0x1C800] =	vst v63  }
0x3b: {  	_ =	swait.ge [sflag:s2], $0x200  }
0x3c: {  	[sflag:s2] =	ssyncset.done $0x0  }
0x3d: {  	[sflag:s2] =	ssyncadd.s32 $0xFFFFFE00  }
0x3e: {  	_ =	swait.ge [sflag:s2], $0x200  }
0x3f: {  	[sflag:s2] =	ssyncset.done $0x0  }
0x40: {  	[sflag:s2] =	ssyncadd.s32 $0xFFFFFE00  }
0x41: {  	_ =	swait.ge [sflag:s20], $0x2000  }
0x42: {  	[sflag:s20] =	ssyncset.done $0x0  }
0x43: {  	[sflag:s20] =	ssyncadd.s32 $0xFFFFE000  }
0x44: {  	[spmem:s1] =	stream.indirect.scatter.add.f32 [tilespmem:s26], [sflag:$0x7], $0x40, s23, s25, $0xb8;
	[tilespmem:$0x1C800] =	vst v63  }
0x45: {  	_ =	swait.ge [sflag:s18], $0x2000  }
0x46: {  	[sflag:s18] =	ssyncset.done $0x0  }
0x47: {  	[sflag:s18] =	ssyncadd.s32 $0xFFFFE000  }
0x48: {  	[tilespmem:s26], [sflag:$0x1] =	stream.indirect.gather [spmem:s3], $0x40, s24, s25, $0xb8;
	[tilespmem:$0x1C800] =	vst v63  }
0x49: {  	_ =	swait.ge [sflag:s8], $0x2000  }
0x4a: {  	[sflag:s8] =	ssyncset.done $0x0  }
0x4b: {  	s16 =	rddreg [dreg:$0x4];
	[sflag:s8] =	ssyncadd.s32 $0xFFFFE000  }
0x4c: {  	[spmem:s1] =	stream.indirect.scatter.add.f32 [tilespmem:s28], [sflag:$0x7], $0x40, s16, s25, $0xb8;
	[tilespmem:$0x1C800] =	vst v63  }
0x4d: {  	_ =	swait.ge [sflag:s18], $0x2000  }
0x4e: {  	[sflag:s18] =	ssyncset.done $0x0  }
0x4f: {  	s19 =	rddreg [dreg:$0x5];
	[sflag:s18] =	ssyncadd.s32 $0xFFFFE000  }
0x50: {  	[tilespmem:s28], [sflag:$0x2] =	stream.indirect.gather [spmem:s3], $0x40, s19, s25, $0xb8;
	[tilespmem:$0x1C800] =	vst v63  }
0x51: {  	_ =	swait.ge [sflag:s10], $0x2000  }
0x52: {  	[sflag:s10] =	ssyncset.done $0x0  }
0x53: {  	s21 =	rddreg [dreg:$0x6];
	[sflag:s10] =	ssyncadd.s32 $0xFFFFE000  }
0x54: {  	[spmem:s1] =	stream.indirect.scatter.add.f32 [tilespmem:s30], [sflag:$0x7], $0x40, s21, s25, $0xb8;
	[tilespmem:$0x1C800] =	vst v63  }
0x55: {  	_ =	swait.ge [sflag:s18], $0x2000  }
0x56: {  	[sflag:s18] =	ssyncset.done $0x0  }
0x57: {  	s16 =	rddreg [dreg:$0x7];
	[sflag:s18] =	ssyncadd.s32 $0xFFFFE000  }
0x58: {  	[tilespmem:s30], [sflag:$0x3] =	stream.indirect.gather [spmem:s3], $0x40, s16, s25, $0xb8;
	[tilespmem:$0x1C800] =	vst v63  }
0x59: {  	_ =	swait.ge [sflag:s11], $0x2000  }
0x5a: {  	p0 =	por $0x0, $0x0;
	[sflag:s11] =	ssyncset.done $0x0  }
0x5b: {  	s15 =	simm.s32 $0x400;
	s19 =	rddreg [dreg:$0x8];
	[sflag:s11] =	ssyncadd.s32 $0xFFFFE000  }
0x5c: {  	[spmem:s1] =	stream.indirect.scatter.add.f32 [tilespmem:s0], [sflag:$0x7], $0x40, s19, s25, $0xb8;
	[tilespmem:$0x1C800] =	vst v63  }
0x5d: {  	s15 =	simm.s32 @p0 $0x0;
	_ =	swait.ge [sflag:s18], $0x2000  }
0x5e: {  	s15 =	sadd.s32 s7, s15;
	[sflag:s18] =	ssyncset.done $0x0  }
0x5f: {  	s15 =	sshrl.u32 s15, $0x3;
	s21 =	rddreg [dreg:$0x9];
	[sflag:s18] =	ssyncadd.s32 $0xFFFFE000  }
0x60: {  	[tilespmem:s0], [sflag:$0x4] =	stream.indirect.gather [spmem:s3], $0x40, s21, s25, $0xb8;
	[tilespmem:$0x1C800] =	vst v63  }
0x61: {  	s19 =	sadd.s32 s5, s15  }
0x62: {  	[tilespmem:s4], [sflag:$0x5] =	stream.linear.gather [hbm4b:s19+s4], $0x200, $0x38;
	[tilespmem:$0x1C800] =	vst v63  }
0x63: {  	s15 =	sadd.s32 s6, s15  }
0x64: {  	[tilespmem:s23], [sflag:$0x5] =	stream.linear.gather [hbm4b:s15+s4], $0x200, $0x38;
	[tilespmem:$0x1C800] =	vst v63  }
0x65: {  	_ =	swait.ge [sflag:s12], $0x200  }
0x66: {  	[sflag:s12] =	ssyncset.done $0x0  }
0x67: {  	[sflag:s12] =	ssyncadd.s32 $0xFFFFFE00  }
0x68: {  	_ =	swait.ge [sflag:s12], $0x200  }
0x69: {  	[sflag:s12] =	ssyncset.done $0x0  }
0x6a: {  	[sflag:s12] =	ssyncadd.s32 $0xFFFFFE00  }
0x6b: {  	_ =	swait.ge [sflag:s20], $0x2000  }
0x6c: {  	[sflag:s20] =	ssyncset.done $0x0  }
0x6d: {  	[sflag:s20] =	ssyncadd.s32 $0xFFFFE000  }
0x6e: {  	[spmem:s1] =	stream.indirect.scatter.add.f32 [tilespmem:s26], [sflag:$0x7], $0x40, s13, s25, $0xb8;
	[tilespmem:$0x1C800] =	vst v63  }
0x6f: {  	_ =	swait.ge [sflag:s18], $0x2000  }
0x70: {  	[sflag:s18] =	ssyncset.done $0x0  }
0x71: {  	[sflag:s18] =	ssyncadd.s32 $0xFFFFE000  }
0x72: {  	[tilespmem:s26], [sflag:$0x1] =	stream.indirect.gather [spmem:s3], $0x40, s4, s25, $0xb8;
	[tilespmem:$0x1C800] =	vst v63  }
0x73: {  	_ =	swait.ge [sflag:s8], $0x2000  }
0x74: {  	[sflag:s8] =	ssyncset.done $0x0  }
0x75: {  	s21 =	rddreg [dreg:$0xa];
	[sflag:s8] =	ssyncadd.s32 $0xFFFFE000  }
0x76: {  	[spmem:s1] =	stream.indirect.scatter.add.f32 [tilespmem:s28], [sflag:$0x7], $0x40, s21, s25, $0xb8;
	[tilespmem:$0x1C800] =	vst v63  }
0x77: {  	_ =	swait.ge [sflag:s18], $0x2000  }
0x78: {  	[sflag:s18] =	ssyncset.done $0x0  }
0x79: {  	[sflag:s18] =	ssyncadd.s32 $0xFFFFE000  }
0x7a: {  	[tilespmem:s28], [sflag:$0x2] =	stream.indirect.gather [spmem:s3], $0x40, s25, s25, $0xb8;
	[tilespmem:$0x1C800] =	vst v63  }
0x7b: {  	_ =	swait.ge [sflag:s10], $0x2000  }
0x7c: {  	[sflag:s10] =	ssyncset.done $0x0  }
0x7d: {  	s16 =	rddreg [dreg:$0xb];
	[sflag:s10] =	ssyncadd.s32 $0xFFFFE000  }
0x7e: {  	[spmem:s1] =	stream.indirect.scatter.add.f32 [tilespmem:s30], [sflag:$0x7], $0x40, s16, s25, $0xb8;
	[tilespmem:$0x1C800] =	vst v63  }
0x7f: {  	_ =	swait.ge [sflag:s18], $0x2000  }
0x80: {  	[sflag:s18] =	ssyncset.done $0x0  }
0x81: {  	[sflag:s18] =	ssyncadd.s32 $0xFFFFE000  }
0x82: {  	[tilespmem:s30], [sflag:$0x3] =	stream.indirect.gather [spmem:s3], $0x40, s29, s25, $0xb8;
	[tilespmem:$0x1C800] =	vst v63  }
0x83: {  	_ =	swait.ge [sflag:s11], $0x2000  }
0x84: {  	[sflag:s11] =	ssyncset.done $0x0  }
0x85: {  	s16 =	simm.s32 $0x600;
	s19 =	rddreg [dreg:$0xc];
	[sflag:s11] =	ssyncadd.s32 $0xFFFFE000  }
0x86: {  	[spmem:s1] =	stream.indirect.scatter.add.f32 [tilespmem:s0], [sflag:$0x7], $0x40, s19, s25, $0xb8;
	[tilespmem:$0x1C800] =	vst v63  }
0x87: {  	s16 =	simm.s32 @p0 $0x200;
	_ =	swait.ge [sflag:s18], $0x2000  }
0x88: {  	s21 =	sadd.s32 s7, s16;
	[sflag:s18] =	ssyncset.done $0x0  }
0x89: {  	s16 =	sshrl.u32 s21, $0x3;
	[sflag:s18] =	ssyncadd.s32 $0xFFFFE000  }
0x8a: {  	[tilespmem:s0], [sflag:$0x4] =	stream.indirect.gather [spmem:s3], $0x40, s31, s25, $0xb8;
	[tilespmem:$0x1C800] =	vst v63  }
0x8b: {  	s15 =	sadd.s32 s5, s16  }
0x8c: {  	[tilespmem:s24], [sflag:$0x6] =	stream.linear.gather [hbm4b:s15+s4], $0x200, $0x38;
	[tilespmem:$0x1C800] =	vst v63  }
0x8d: {  	s21 =	sadd.s32 s6, s16;
	s15 =	simm.s32 $0xA00  }
.LBB2_2:
0x8e: {  	[tilespmem:s13], [sflag:$0x6] =	stream.linear.gather [hbm4b:s21+s4], $0x200, $0x38;
	[tilespmem:$0x1C800] =	vst v63  }
0x8f: {  	_ =	swait.ge [sflag:s2], $0x200  }
0x90: {  	[sflag:s2] =	ssyncset.done $0x0  }
0x91: {  	[sflag:s2] =	ssyncadd.s32 $0xFFFFFE00  }
0x92: {  	_ =	swait.ge [sflag:s2], $0x200  }
0x93: {  	[sflag:s2] =	ssyncset.done $0x0  }
0x94: {  	[sflag:s2] =	ssyncadd.s32 $0xFFFFFE00  }
0x95: {  	_ =	swait.ge [sflag:s20], $0x2000  }
0x96: {  	[sflag:s20] =	ssyncset.done $0x0  }
0x97: {  	[sflag:s20] =	ssyncadd.s32 $0xFFFFE000  }
0x98: {  	[spmem:s1] =	stream.indirect.scatter.add.f32 [tilespmem:s26], [sflag:$0x7], $0x40, s23, s25, $0xb8;
	[tilespmem:$0x1C800] =	vst v63  }
0x99: {  	_ =	swait.ge [sflag:s18], $0x2000  }
0x9a: {  	[sflag:s18] =	ssyncset.done $0x0  }
0x9b: {  	[sflag:s18] =	ssyncadd.s32 $0xFFFFE000  }
0x9c: {  	[tilespmem:s26], [sflag:$0x1] =	stream.indirect.gather [spmem:s3], $0x40, s24, s25, $0xb8;
	[tilespmem:$0x1C800] =	vst v63  }
0x9d: {  	_ =	swait.ge [sflag:s8], $0x2000  }
0x9e: {  	[sflag:s8] =	ssyncset.done $0x0  }
0x9f: {  	s19 =	rddreg [dreg:$0x4];
	[sflag:s8] =	ssyncadd.s32 $0xFFFFE000  }
0xa0: {  	[spmem:s1] =	stream.indirect.scatter.add.f32 [tilespmem:s28], [sflag:$0x7], $0x40, s19, s25, $0xb8;
	[tilespmem:$0x1C800] =	vst v63  }
0xa1: {  	_ =	swait.ge [sflag:s18], $0x2000  }
0xa2: {  	[sflag:s18] =	ssyncset.done $0x0  }
0xa3: {  	s19 =	rddreg [dreg:$0x5];
	[sflag:s18] =	ssyncadd.s32 $0xFFFFE000  }
0xa4: {  	[tilespmem:s28], [sflag:$0x2] =	stream.indirect.gather [spmem:s3], $0x40, s19, s25, $0xb8;
	[tilespmem:$0x1C800] =	vst v63  }
0xa5: {  	_ =	swait.ge [sflag:s10], $0x2000  }
0xa6: {  	[sflag:s10] =	ssyncset.done $0x0  }
0xa7: {  	s19 =	rddreg [dreg:$0x6];
	[sflag:s10] =	ssyncadd.s32 $0xFFFFE000  }
0xa8: {  	[spmem:s1] =	stream.indirect.scatter.add.f32 [tilespmem:s30], [sflag:$0x7], $0x40, s19, s25, $0xb8;
	[tilespmem:$0x1C800] =	vst v63  }
0xa9: {  	_ =	swait.ge [sflag:s18], $0x2000  }
0xaa: {  	[sflag:s18] =	ssyncset.done $0x0  }
0xab: {  	s19 =	rddreg [dreg:$0x7];
	[sflag:s18] =	ssyncadd.s32 $0xFFFFE000  }
0xac: {  	[tilespmem:s30], [sflag:$0x3] =	stream.indirect.gather [spmem:s3], $0x40, s19, s25, $0xb8;
	[tilespmem:$0x1C800] =	vst v63  }
0xad: {  	s16 =	smov.u32 s15;
	_ =	swait.ge [sflag:s11], $0x2000  }
0xae: {  	p1 =	seq.s32 s16, $0x5200;
	[sflag:s11] =	ssyncset.done $0x0  }
0xaf: {  	s21 =	sadd.s32 $0xFFFFFE00, s16;
	s19 =	rddreg [dreg:$0x8];
	[sflag:s11] =	ssyncadd.s32 $0xFFFFE000  }
0xb0: {  	[spmem:s1] =	stream.indirect.scatter.add.f32 [tilespmem:s0], [sflag:$0x7], $0x40, s19, s25, $0xb8;
	[tilespmem:$0x1C800] =	vst v63  }
0xb1: {  	s21 =	simm.s32 @p1 $0x0;
	_ =	swait.ge [sflag:s18], $0x2000  }
0xb2: {  	s21 =	sadd.s32 s7, s21;
	[sflag:s18] =	ssyncset.done $0x0  }
0xb3: {  	s21 =	sshrl.u32 s21, $0x3;
	s19 =	rddreg [dreg:$0x9];
	[sflag:s18] =	ssyncadd.s32 $0xFFFFE000  }
0xb4: {  	[tilespmem:s0], [sflag:$0x4] =	stream.indirect.gather [spmem:s3], $0x40, s19, s25, $0xb8;
	[tilespmem:$0x1C800] =	vst v63  }
0xb5: {  	s19 =	sadd.s32 s5, s21  }
0xb6: {  	[tilespmem:s4], [sflag:$0x5] =	stream.linear.gather [hbm4b:s19+s4], $0x200, $0x38;
	[tilespmem:$0x1C800] =	vst v63  }
0xb7: {  	s21 =	sadd.s32 s6, s21  }
0xb8: {  	[tilespmem:s23], [sflag:$0x5] =	stream.linear.gather [hbm4b:s21+s4], $0x200, $0x38;
	[tilespmem:$0x1C800] =	vst v63  }
0xb9: {  	_ =	swait.ge [sflag:s12], $0x200  }
0xba: {  	[sflag:s12] =	ssyncset.done $0x0  }
0xbb: {  	[sflag:s12] =	ssyncadd.s32 $0xFFFFFE00  }
0xbc: {  	_ =	swait.ge [sflag:s12], $0x200  }
0xbd: {  	[sflag:s12] =	ssyncset.done $0x0  }
0xbe: {  	[sflag:s12] =	ssyncadd.s32 $0xFFFFFE00  }
0xbf: {  	_ =	swait.ge [sflag:s20], $0x2000  }
0xc0: {  	[sflag:s20] =	ssyncset.done $0x0  }
0xc1: {  	[sflag:s20] =	ssyncadd.s32 $0xFFFFE000  }
0xc2: {  	[spmem:s1] =	stream.indirect.scatter.add.f32 [tilespmem:s26], [sflag:$0x7], $0x40, s13, s25, $0xb8;
	[tilespmem:$0x1C800] =	vst v63  }
0xc3: {  	_ =	swait.ge [sflag:s18], $0x2000  }
0xc4: {  	[sflag:s18] =	ssyncset.done $0x0  }
0xc5: {  	[sflag:s18] =	ssyncadd.s32 $0xFFFFE000  }
0xc6: {  	[tilespmem:s26], [sflag:$0x1] =	stream.indirect.gather [spmem:s3], $0x40, s4, s25, $0xb8;
	[tilespmem:$0x1C800] =	vst v63  }
0xc7: {  	_ =	swait.ge [sflag:s8], $0x2000  }
0xc8: {  	[sflag:s8] =	ssyncset.done $0x0  }
0xc9: {  	s21 =	rddreg [dreg:$0xa];
	[sflag:s8] =	ssyncadd.s32 $0xFFFFE000  }
0xca: {  	[spmem:s1] =	stream.indirect.scatter.add.f32 [tilespmem:s28], [sflag:$0x7], $0x40, s21, s25, $0xb8;
	[tilespmem:$0x1C800] =	vst v63  }
0xcb: {  	_ =	swait.ge [sflag:s18], $0x2000  }
0xcc: {  	[sflag:s18] =	ssyncset.done $0x0  }
0xcd: {  	[sflag:s18] =	ssyncadd.s32 $0xFFFFE000  }
0xce: {  	[tilespmem:s28], [sflag:$0x2] =	stream.indirect.gather [spmem:s3], $0x40, s25, s25, $0xb8;
	[tilespmem:$0x1C800] =	vst v63  }
0xcf: {  	_ =	swait.ge [sflag:s10], $0x2000  }
0xd0: {  	[sflag:s10] =	ssyncset.done $0x0  }
0xd1: {  	s21 =	rddreg [dreg:$0xb];
	[sflag:s10] =	ssyncadd.s32 $0xFFFFE000  }
0xd2: {  	[spmem:s1] =	stream.indirect.scatter.add.f32 [tilespmem:s30], [sflag:$0x7], $0x40, s21, s25, $0xb8;
	[tilespmem:$0x1C800] =	vst v63  }
0xd3: {  	_ =	swait.ge [sflag:s18], $0x2000  }
0xd4: {  	[sflag:s18] =	ssyncset.done $0x0  }
0xd5: {  	[sflag:s18] =	ssyncadd.s32 $0xFFFFE000  }
0xd6: {  	[tilespmem:s30], [sflag:$0x3] =	stream.indirect.gather [spmem:s3], $0x40, s29, s25, $0xb8;
	[tilespmem:$0x1C800] =	vst v63  }
0xd7: {  	_ =	swait.ge [sflag:s11], $0x2000  }
0xd8: {  	[sflag:s11] =	ssyncset.done $0x0  }
0xd9: {  	s21 =	rddreg [dreg:$0xc];
	[sflag:s11] =	ssyncadd.s32 $0xFFFFE000  }
0xda: {  	[spmem:s1] =	stream.indirect.scatter.add.f32 [tilespmem:s0], [sflag:$0x7], $0x40, s21, s25, $0xb8;
	[tilespmem:$0x1C800] =	vst v63  }
0xdb: {  	p0 =	sne.s32 s15, $0x5200;
	s16 =	simm.s32 @p1 $0x200;
	_ =	swait.ge [sflag:s18], $0x2000  }
.Ltmp0:
0xdc: {  	s16 =	sadd.s32 s7, s16;
	[sflag:s18] =	ssyncset.done $0x0;
	(pc) =	sbr.rel @p0 .LBB2_2-.Ltmp0, $4  }
0xdd: {  	s16 =	sshrl.u32 s16, $0x3;
	[sflag:s18] =	ssyncadd.s32 $0xFFFFE000  }
0xde: {  	[tilespmem:s0], [sflag:$0x4] =	stream.indirect.gather [spmem:s3], $0x40, s31, s25, $0xb8;
	[tilespmem:$0x1C800] =	vst v63  }
0xdf: {  	s15 =	sadd.s32 $0x400, s15;
	s19 =	sadd.s32 s5, s16;
	s21 =	sadd.s32 s6, s16  }
0xe0: {  	[tilespmem:s24], [sflag:$0x6] =	stream.linear.gather [hbm4b:s19+s4], $0x200, $0x38;
	[tilespmem:$0x1C800] =	vst v63  }
0xe1: {  	[tilespmem:s13], [sflag:$0x6] =	stream.linear.gather [hbm4b:s21+s4], $0x200, $0x38;
	[tilespmem:$0x1C800] =	vst v63  }
0xe2: {  	_ =	swait.ge [sflag:s20], $0x2000  }
0xe3: {  	[sflag:s20] =	ssyncset.done $0x0  }
0xe4: {  	[sflag:s20] =	ssyncadd.s32 $0xFFFFE000  }
0xe5: {  	_ =	swait.ge [sflag:s8], $0x2000  }
0xe6: {  	[sflag:s8] =	ssyncset.done $0x0  }
0xe7: {  	[sflag:s8] =	ssyncadd.s32 $0xFFFFE000  }
0xe8: {  	_ =	swait.ge [sflag:s10], $0x2000  }
0xe9: {  	[sflag:s10] =	ssyncset.done $0x0  }
0xea: {  	[sflag:s10] =	ssyncadd.s32 $0xFFFFE000  }
0xeb: {  	_ =	swait.ge [sflag:s11], $0x2000  }
0xec: {  	[sflag:s11] =	ssyncset.done $0x0  }
0xed: {  	[sflag:s11] =	ssyncadd.s32 $0xFFFFE000  }
0xee: {  	_ =	swait.ge [sflag:s2], $0x200  }
0xef: {  	[sflag:s2] =	ssyncset.done $0x0  }
0xf0: {  	[sflag:s2] =	ssyncadd.s32 $0xFFFFFE00  }
0xf1: {  	_ =	swait.ge [sflag:s2], $0x200  }
0xf2: {  	[sflag:s2] =	ssyncset.done $0x0  }
0xf3: {  	[sflag:s2] =	ssyncadd.s32 $0xFFFFFE00  }
0xf4: {  	[bflag:$0x0] =	sbarrier.arrive $0xFFFF  }
0xf5: {  	s19 =	simm.s32 $0x8;
	s15 =	rddreg [dreg:$0x13]  }
0xf6: {  	[hbm:s15@s22], [sflag:s9] =	dma.strided [spmem:s17@s19], $0x1400, s20, $0x8   }
0xf7: {  	_ =	swait.ge [sflag:s18], $0x1400  }
0xf8: {  	s14 =	sadd.s32 $0x1, s14;
	s21 =	rddreg [dreg:$0x14]  }
0xf9: {  	p0 =	sne.s32 s14, s21  }
.Ltmp1:
0xfa: {  	_ = 	snop;
	(pc) =	sbr.rel @p0 .LBB2_1-.Ltmp1, $3  }
0xfb: {  	_ =	sdelay $0x1  }
0xfc: {  	[sflag:s18] =	ssyncset.done $0x0  }
0xfd: {  	[sflag:s18] =	ssyncadd.s32 $0xFFFFEC00  }
0xfe: {  	_ =	sfence.sel $0x180000  }
0xff: {  	[bflag:$0x0] =	sbarrier.arrive $0xFFFF  }
0x100: {  	_ =	strace $0x9000004A  }
0x101: {  	s0 =	stileid.u32;
	[bflag:$0x2] =	sbarrier.arrive $0xFFFF  }
0x102: {  	p0 =	sne.s32 s0, $0x0;
	s0 =	rddreg [dreg:$0x3]  }
0x103: {  	s0 =	sadd.s32 @!p0 $0x100000, s0  }
0x104: {  	[sflag:s0] =	ssyncadd.tile.s32 @!p0 $0x1;
	_ =	shalt  }
.Lfunc_end2:
_tile_overlayer_lowered:
.L_overlay_start_2:
0x105: {  	(tag) =	ssettag $0x2  }
0x106: {  	s0 =	rddreg [dreg:$0x0];
	s2 =	stileid.u32  }
0x107: {  	s1 =	rddreg [dreg:$0x1];
	p0 =	sne.s32 s2, $0x0  }
0x108: {  	s3 =	rddreg [dreg:$0x2];
	[bflag:$0x3] =	sbarrier.arrive $0xFFFF;
	s2 =	simm.s32 @!p0 $0x1C07  }
0x109: {  	[timem:s3], [sflag:s2] =	dma.local @!p0 [hbm:s0], s1  }
0x10a: {  	s0 =	simm.s32 @!p0 $0x7  }
0x10b: {  	_ =	swait.ge @!p0 [sflag:s0], s1  }
0x10c: {  	s1 =	ssub.s32 @!p0 $0x0, s1;
	[sflag:s0] =	ssyncset.done @!p0 $0x0  }
0x10d: {  	[sflag:s0] =	ssyncadd.s32 @!p0 s1  }
0x10e: {  	[bflag:$0x3] =	sbarrier.arrive $0xFFFF  }
0x10f: {  	_ =	shalt  }

// kernel: kernel.16.cloned.1.call-start
scs
__scs_entry_jumppad:
0x0: {  	(pc) =	sbr.rel $0x88, $3  }
0x1: {  	(tag) =	ssettag $0x0;
	lr =	simm.s32 $0x1  }
0x2: {  	[smem:$0x3F90] =	sst lr;
	_ =	strace $0xD0000000  }
0x3: {  	_ = 	snop  }
0x4: {  	_ = 	snop  }
0x5: {  	_ = 	snop  }
0x6: {  	_ = 	snop  }
0x7: {  	_ = 	snop  }
__scs_overlays_trampoline_lowered:
0x8: {  	[smem:$0x3F9F] =	sst s0  }
0x9: {  	[smem:$0x3FA0] =	sst s1  }
0xa: {  	[smem:$0x3FA1] =	sst s2  }
0xb: {  	[smem:$0x3FA2] =	sst s3  }
0xc: {  	[smem:$0x3FA3] =	sst s4  }
0xd: {  	[smem:$0x3FA4] =	sst s5  }
0xe: {  	[smem:$0x3FA5] =	sst s6  }
0xf: {  	[smem:$0x3FA6] =	sst s7  }
0x10: {  	[smem:$0x3FA7] =	sst s8  }
0x11: {  	[smem:$0x3FA8] =	sst s9;
	s0 =	simm.s32 @!p0 $0x0  }
0x12: {  	s1 =	sld [smem:$0x3F8E];
	s0 =	simm.s32 @p0 $0x1  }
0x13: {  	[smem:$0x3FA9] =	sst s0;
	s0 =	simm.s32 @!p1 $0x0  }
0x14: {  	s2 =	sld [smem:$0x3F8D];
	s0 =	simm.s32 @p1 $0x1  }
0x15: {  	[smem:$0x3FAA] =	sst s0;
	s0 =	simm.s32 @!p2 $0x0  }
0x16: {  	s3 =	sld [smem:$0x3FDB];
	s0 =	simm.s32 @p2 $0x1  }
0x17: {  	s4 =	simm.s32 $0x1BF5;
	[smem:$0x3FAC] =	sst s0  }
0x18: {  	s0 =	sld [smem:$0x3F8F];
	_ =	swait.ge [sflag:s4], $0x0  }
0x19: {  	s7 =	sld [smem:$0x3F90]  }
0x1a: {  	s8 =	sadd.s32 $0xFFFFE003, lr  }
0x1b: {  	s9 =	sadd.s32 $0xFFFFFEF7, lr;
	s5 =	simm.s32 $0xFFFFFFFF;
	p2 =	slt.u32 s8, $0xFFFFF086  }
0x1c: {  	p1 =	slt.u32 s9, $0xF7A;
	s5 =	simm.s32 @!p2 $0x0  }
0x1d: {  	s5 =	simm.s32 @p1 $0x1;
	p0 =	seq.s32 s7, s2  }
0x1e: {  	s7 =	smul.u32 @!p0 $0xF7A, s2;
	p2 =	seq.s32 @!p0 s5, $0x0  }
0x1f: {  	s9 =	smul.u32 $0xF7A, s1;
	s8 =	simm.s32 @!p0 $0x1BF5;
	p2 =	por !p2, p0  }
0x20: {  	[sflag:s8] =	ssyncset.s32 @!p0 $0xFFFFF086;
	s6 =	sadd.s32 @!p0 s3, s7;
	s7 =	simm.s32 @!p0 $0x108  }
0x21: {  	s3 =	sadd.s32 s3, s9;
	s6 =	sadd.s32 @!p0 $0x88, s6;
	s7 =	simm.s32 @p2 $0x1082  }
0x22: {  	[simem:s7], [sflag:s8] =	dma.local @!p0 [hbm:s6], $0xF7A  }
0x23: {  	s9 =	sor.u32 $0xD0000000, s2;
	s6 =	simm.s32 $0x108;
	_ =	swait.ge @!p0 [sflag:s8], $0x0  }
0x24: {  	s3 =	sadd.s32 $0x88, s3;
	s6 =	simm.s32 @!p1 $0x1082;
	[sflag:s4] =	ssyncset.s32 $0xFFFFF086  }
0x25: {  	[simem:s6], [sflag:s4] =	dma.local [hbm:s3], $0xF7A  }
0x26: {  	[smem:$0x3F90] =	sst s1;
	(tag) =	ssettag s2;
	_ =	strace s9  }
0x27: {  	s1 =	sld [smem:$0x3FA0]  }
0x28: {  	s2 =	sld [smem:$0x3FA1]  }
0x29: {  	s4 =	sld [smem:$0x3FA3]  }
0x2a: {  	p0 =	seq.s32 s5, $0x0;
	s5 =	sld [smem:$0x3FA4]  }
0x2b: {  	s6 =	sld [smem:$0x3FA5]  }
0x2c: {  	s7 =	sld [smem:$0x3FA6]  }
0x2d: {  	s3 =	simm.s32 $0x108;
	s8 =	sld [smem:$0x3FA7]  }
0x2e: {  	s3 =	simm.s32 @!p0 $0x1082;
	s9 =	sld [smem:$0x3FA8]  }
0x2f: {  	lr =	sadd.s32 s0, s3;
	s0 =	sld [smem:$0x3F9F]  }
0x30: {  	s3 =	sld [smem:$0x3FA2]  }
0x31: {  	[smem:$0x3FAB] =	sst s10  }
0x32: {  	s10 =	sld [smem:$0x3FA9];
	_ =	sdelay $0x3  }
0x33: {  	p0 =	seq.s32 s10, $0x1;
	s10 =	sld [smem:$0x3FAB];
	_ =	sdelay $0x3  }
0x34: {  	[smem:$0x3FAB] =	sst s10  }
0x35: {  	s10 =	sld [smem:$0x3FAA];
	_ =	sdelay $0x3  }
0x36: {  	p1 =	seq.s32 s10, $0x1;
	s10 =	sld [smem:$0x3FAB];
	_ =	sdelay $0x3  }
0x37: {  	[smem:$0x3FAB] =	sst s10  }
0x38: {  	s10 =	sld [smem:$0x3FAC]  }
0x39: {  	_ = 	snop;
	(pc) =	sbr.ind lr, $3  }
0x3a: {  	_ = 	snop  }
0x3b: {  	_ = 	snop  }
0x3c: {  	p2 =	seq.s32 s10, $0x1;
	s10 =	sld [smem:$0x3FAB]  }
0x3d: {  	_ =	shalt  }
0x3e: {  	_ =	shalt  }
0x3f: {  	_ =	shalt  }
0x40: {  	_ =	shalt  }
0x41: {  	_ =	shalt  }
0x42: {  	_ =	shalt  }
0x43: {  	_ =	shalt  }
0x44: {  	_ =	shalt  }
0x45: {  	_ =	shalt  }
0x46: {  	_ =	shalt  }
0x47: {  	_ =	shalt  }
0x48: {  	_ =	shalt  }
0x49: {  	_ =	shalt  }
0x4a: {  	_ =	shalt  }
0x4b: {  	_ =	shalt  }
0x4c: {  	_ =	shalt  }
0x4d: {  	_ =	shalt  }
0x4e: {  	_ =	shalt  }
0x4f: {  	_ =	shalt  }
0x50: {  	_ =	shalt  }
0x51: {  	_ =	shalt  }
0x52: {  	_ =	shalt  }
0x53: {  	_ =	shalt  }
0x54: {  	_ =	shalt  }
0x55: {  	_ =	shalt  }
0x56: {  	_ =	shalt  }
0x57: {  	_ =	shalt  }
0x58: {  	_ =	shalt  }
0x59: {  	_ =	shalt  }
0x5a: {  	_ =	shalt  }
0x5b: {  	_ =	shalt  }
0x5c: {  	_ =	shalt  }
0x5d: {  	_ =	shalt  }
0x5e: {  	_ =	shalt  }
0x5f: {  	_ =	shalt  }
0x60: {  	_ =	shalt  }
0x61: {  	_ =	shalt  }
0x62: {  	_ =	shalt  }
0x63: {  	_ =	shalt  }
0x64: {  	_ =	shalt  }
0x65: {  	_ =	shalt  }
0x66: {  	_ =	shalt  }
0x67: {  	_ =	shalt  }
0x68: {  	_ =	shalt  }
0x69: {  	_ =	shalt  }
0x6a: {  	_ =	shalt  }
0x6b: {  	_ =	shalt  }
0x6c: {  	_ =	shalt  }
0x6d: {  	_ =	shalt  }
0x6e: {  	_ =	shalt  }
0x6f: {  	_ =	shalt  }
0x70: {  	_ =	shalt  }
0x71: {  	_ =	shalt  }
0x72: {  	_ =	shalt  }
0x73: {  	_ =	shalt  }
0x74: {  	_ =	shalt  }
0x75: {  	_ =	shalt  }
0x76: {  	_ =	shalt  }
0x77: {  	_ =	shalt  }
0x78: {  	_ =	shalt  }
0x79: {  	_ =	shalt  }
0x7a: {  	_ =	shalt  }
0x7b: {  	_ =	shalt  }
0x7c: {  	_ =	shalt  }
0x7d: {  	_ =	shalt  }
0x7e: {  	_ =	shalt  }
0x7f: {  	_ =	shalt  }
0x80: {  	_ =	shalt  }
0x81: {  	_ =	shalt  }
0x82: {  	_ =	shalt  }
0x83: {  	_ =	shalt  }
0x84: {  	_ =	shalt  }
0x85: {  	_ =	shalt  }
0x86: {  	_ =	shalt  }
0x87: {  	_ =	shalt  }
.Lfunc_end0:
.L_simem_size_0:
called_computation.2_lowered:
.L_overlay_start_0:
0x88: {  	s2 =	sld [smem:$0x3FD9]  }
0x89: {  	s3 =	sld [smem:$0x3FFE];
	_ =	sdelay $0x1  }
0x8a: {  	s1 =	srdreg.scid  }
0x8b: {  	s0 =	sand.u32 $0x1, s1  }
0x8c: {  	s16 =	sshll.u32 s0, $0xA;
	s2 =	sadd.s32 s3, s2  }
0x8d: {  	s2 =	sadd.s32 s2, s16  }
0x8e: {  	[smem:$0x3FB7] =	sst s2  }
0x8f: {  	_ = 	snop  }
0x90: {  	(tm) =	ssettm $0x1  }
0x91: {  	s17 =	sld [smem:$0x3FFB];
	_ =	sdelay $0x3  }
0x92: {  	_ =	strace s17  }
0x93: {  	s2 =	sld [smem:$0x3FFC];
	_ =	sdelay $0x3  }
0x94: {  	_ =	strace s2  }
0x95: {  	s2 =	sld [smem:$0x3FFD];
	_ =	sdelay $0x3  }
0x96: {  	_ =	strace s2  }
0x97: {  	_ =	strace $0x8FFFFFFF  }
0x98: {  	s18 =	sld [smem:$0x3FDB];
	_ =	sdelay $0x1  }
0x99: {  	s19 =	simm.s32 $_scs_section_size  }
0x9a: {  	s4 =	simm.s32 $_size__tile_overlayer_lowered;
	s5 =	simm.s32 $_tile_overlayer_lowered  }
0x9b: {  	s22 =	simm.s32 $0x1BFF;
	s21 =	sshll.u32 s5, $0x1;
	s2 =	sadd.s32 s19, s18  }
0x9c: {  	s6 =	simm.s32 $0x0;
	s20 =	sshll.u32 s4, $0x1;
	s4 =	sadd.s32 s21, s2  }
0x9d: {  	[timem:s6], [sflag:s22] =	dma.local [hbm:s4], s20  }
0x9e: {  	_ =	swait.ge [sflag:s22], s20  }
0x9f: {  	s3 =	ssub.s32 $0x0, s20;
	[sflag:s22] =	ssyncset.done $0x0  }
0xa0: {  	[sflag:s22] =	ssyncadd.s32 s3;
	_ =	sdelay $0x1  }
0xa1: {  	s23 =	simm.s32 $0x1B8B  }
0xa2: {  	_ =	swait.ge [sflag:s23], $0x1  }
0xa3: {  	[sflag:s23] =	ssyncset.done $0x0  }
0xa4: {  	s25 =	simm.s32 $0x1B8E;
	s24 =	sld [smem:$0x3FFE];
	[sflag:s23] =	ssyncadd.s32 $0xFFFFFFFF  }
0xa5: {  	s26 =	simm.s32 $execute0_lowered;
	[smem:$0x3FD2] =	sst s25  }
0xa6: {  	s4 =	sshll.u32 s26, $0x1;
	_ =	strace $0x8000004C;
	[dreg:$0x1] =	wrdreg $0xFFFFFFFF  }
0xa7: {  	s28 =	simm.s32 $_size_execute0_lowered;
	s2 =	sadd.s32 s2, s4;
	[dreg:$0x0] =	wrdreg $0x0  }
0xa8: {  	s4 =	sshll.u32 s28, $0x1;
	[dreg:$0x2] =	wrdreg s2  }
0xa9: {  	[dreg:$0x3] =	wrdreg s4  }
0xaa: {  	[dreg:$0x4] =	wrdreg $0xC0  }
0xab: {  	_ =	task [dreg:s6], $0x5FFFF  }
0xac: {  	[dreg:$0x1] =	wrdreg $0xFFFFFFFF  }
0xad: {  	[dreg:$0x0] =	wrdreg $0x60  }
0xae: {  	[dreg:$0x2] =	wrdreg s24  }
0xaf: {  	[dreg:$0x3] =	wrdreg $0x88000  }
0xb0: {  	[dreg:$0x4] =	wrdreg $0x128000  }
0xb1: {  	[dreg:$0x5] =	wrdreg $0x9  }
0xb2: {  	_ =	task.clear_ibuf [dreg:s6], $0x6FFFF;
	_ =	strace $0x9000004C  }
0xb3: {  	s29 =	simm.s32 $0x9;
	_ =	strace $0x8000004E  }
0xb4: {  	_ =	swait.ge [sflag:s29], $0x1  }
0xb5: {  	[sflag:s29] =	ssyncadd.s32 $0xFFFFFFFF  }
0xb6: {  	_ =	strace $0x9000004E  }
0xb7: {  	_ =	sfence  }
0xb8: {  	s30 =	sld [smem:$0x0];
	_ =	sdelay $0x2  }
0xb9: {  	s31 =	sshll.u32 s1, $0xD;
	s1 =	sshrl.u32 s1, $0x2  }
0xba: {  	s3 =	sand.u32 $0x4000, s31;
	s1 =	sadd.s32 s1, s30  }
0xbb: {  	s0 =	sor.u32 s3, s0;
	s1 =	sshll.u32 s1, $0x11  }
0xbc: {  	s0 =	sor.u32 s1, s0  }
0xbd: {  	s0 =	sadd.s32 $0x8F2B, s0  }
0xbe: {  	[sflag:s0] =	ssyncadd.remote.s32 $0x1  }
0xbf: {  	_ =	sfence.sel $0xFFFF  }
0xc0: {  	[dreg:$0x0] =	wrdreg $0xFFFFFFFF;
	(pc) =	sbr.abs _section_cstart, $3  }
0xc1: {  	[dreg:$0x1] =	wrdreg $0xFFFFFFFF  }
0xc2: {  	_ =	task.clear_ibuf [dreg:s6], $0x2FFFF;
	_ =	strace $0x9FFFFFFF  }
0xc3: {  	(tm) =	ssettm $0x7FFFFFFF  }
tec
execute0_lowered:
.L_overlay_start_1:
0x0: {  	(tag) =	ssettag $0x1  }
0x1: {  	s0 =	rddreg [dreg:$0x0]  }
0x2: {  	s1 =	rddreg [dreg:$0x1]  }
0x3: {  	s3 =	rddreg [dreg:$0x2];
	s4 =	simm.s32 $0x0;
	s11 =	stileid.u32  }
0x4: {  	s5 =	srdreg.scid;
	s18 =	simm.s32 $0x480;
	s19 =	simm.s32 $0x280  }
0x5: {  	s20 =	simm.s32 $0x500;
	s28 =	simm.s32 $0x2800;
	s29 =	simm.s32 $0x100  }
0x6: {  	s30 =	simm.s32 $0x4800;
	s31 =	simm.s32 $0x180;
	s2 =	smul.u32 $0xA000, s11  }
0x7: {  	[smem:$0x7FF] =	sst s4;
	s7 =	sand.u32 $0x1, s5;
	s8 =	smul.u32 $0x14000, s11  }
0x8: {  	s5 =	sadd.s32 $0x3AC00, s0;
	s6 =	sadd.s32 $0x3C00, s0;
	s25 =	sshll.u32 s11, $0x6  }
0x9: {  	_ =	strace $0x8000004D;
	s9 =	sshll.u32 s7, $0x6;
	[dreg:$0x4] =	wrdreg s18  }
0xa: {  	s7 =	ssub.s32 $0x2, s7;
	s18 =	simm.s32 $0x7;
	[dreg:$0x5] =	wrdreg s19  }
0xb: {  	[dreg:$0x6] =	wrdreg s20;
	s20 =	simm.s32 $0x1;
	s19 =	simm.s32 $0x8  }
0xc: {  	s10 =	sshrl.u32 s2, $0x3;
	s8 =	sor.u32 s9, s8;
	s22 =	sshrl.u32 s7, $0x1  }
0xd: {  	s24 =	sadd.s32 s2, s1;
	s2 =	sadd.s32 s2, s3;
	s21 =	sadd.s32 s10, s0  }
0xe: {  	s8 =	sshrl.u32 s8, $0x3;
	s23 =	ssub.s32 s7, s22;
	s7 =	smul.u32 $0x5000, s11  }
0xf: {  	s2 =	sshrl.u32 s2, $0x3;
	s22 =	simm.s32 $0x580;
	s10 =	simm.s32 $0x3  }
0x10: {  	s0 =	sadd.s32 s8, s0;
	s9 =	sadd.s32 $0x6CC00, s21;
	[dreg:$0x15] =	wrdreg s2  }
0x11: {  	s17 =	smax.u32 s23, $0x1;
	s21 =	simm.s32 $0x300;
	[dreg:$0x8] =	wrdreg s22  }
0x12: {  	s23 =	simm.s32 $0x380;
	s22 =	simm.s32 $0x10;
	[dreg:$0xd] =	wrdreg s9  }
0x13: {  	s2 =	simm.s32 $0x6;
	s8 =	simm.s32 $0x2;
	[dreg:$0x14] =	wrdreg s17  }
0x14: {  	s9 =	sor.u32 $0x1C07, s25;
	s26 =	sshrl.u32 s7, $0x3;
	[dreg:$0x7] =	wrdreg s21  }
0x15: {  	s12 =	sadd.s32 $0x44C00, s0;
	s0 =	sadd.s32 $0x80C00, s0;
	[dreg:$0x9] =	wrdreg s23  }
0x16: {  	s17 =	sshrl.u32 s24, $0x3;
	s24 =	simm.s32 $0x680;
	[dreg:$0xe] =	wrdreg s12  }
0x17: {  	s23 =	simm.s32 $0x400;
	s25 =	simm.s32 $0x700;
	[dreg:$0x13] =	wrdreg s0  }
0x18: {  	s13 =	sadd.s32 s5, s26;
	s14 =	sor.u32 $0x40, s26;
	[dreg:$0xa] =	wrdreg s24  }
0x19: {  	s11 =	sadd.s32 s6, s26;
	s24 =	simm.s32 $0x200;
	[dreg:$0xb] =	wrdreg s25  }
0x1a: {  	s26 =	simm.s32 $0x780;
	s25 =	simm.s32 $0x80;
	[dreg:$0xf] =	wrdreg s13  }
0x1b: {  	s0 =	simm.s32 $0x6800;
	s12 =	simm.s32 $0x5;
	[dreg:$0x10] =	wrdreg s11  }
0x1c: {  	s15 =	sadd.s32 s5, s14;
	s16 =	sadd.s32 s6, s14;
	[dreg:$0xc] =	wrdreg s26  }
0x1d: {  	s26 =	simm.s32 $0x800;
	s11 =	simm.s32 $0x4;
	[dreg:$0x11] =	wrdreg s15  }
0x1e: {  	s13 =	simm.s32 $0x600;
	s14 =	simm.s32 $0x0;
	[dreg:$0x12] =	wrdreg s16  }
.LBB2_1:
0x1f: {  	s15 =	rddreg [dreg:$0xd]  }
0x20: {  	[spmem:s17], [sflag:s9] =	dma.local [hbm:s15], $0x1400  }
0x21: {  	_ =	swait.ge [sflag:s18], $0x1400  }
0x22: {  	[sflag:s18] =	ssyncset.done $0x0;
	s21 =	rddreg [dreg:$0xe]  }
0x23: {  	s16 =	rddreg [dreg:$0x15];
	[sflag:s18] =	ssyncadd.s32 $0xFFFFEC00  }
0x24: {  	[spmem:s16@s19], [sflag:s9] =	dma.strided [hbm:s21@s22], $0x1400, s20, $0x8   }
0x25: {  	_ =	swait.ge [sflag:s18], $0x1400  }
0x26: {  	[sflag:s18] =	ssyncset.done $0x0  }
0x27: {  	s21 =	rddreg [dreg:$0xf];
	[sflag:s18] =	ssyncadd.s32 $0xFFFFEC00  }
0x28: {  	[tilespmem:s4], [sflag:$0x7] =	stream.linear.gather [hbm4b:s21+s4], $0x200, $0x38;
	[tilespmem:$0x1C800] =	vst v63  }
0x29: {  	_ =	swait.ge [sflag:s18], $0x200  }
0x2a: {  	[sflag:s18] =	ssyncset.done $0x0  }
0x2b: {  	s16 =	rddreg [dreg:$0x10];
	[sflag:s18] =	ssyncadd.s32 $0xFFFFFE00  }
0x2c: {  	[tilespmem:s23], [sflag:$0x7] =	stream.linear.gather [hbm4b:s16+s4], $0x200, $0x38;
	[tilespmem:$0x1C800] =	vst v63  }
0x2d: {  	_ =	swait.ge [sflag:s18], $0x200  }
0x2e: {  	[sflag:s18] =	ssyncset.done $0x0  }
0x2f: {  	s19 =	rddreg [dreg:$0x11];
	[sflag:s18] =	ssyncadd.s32 $0xFFFFFE00  }
0x30: {  	[tilespmem:s24], [sflag:$0x6] =	stream.linear.gather [hbm4b:s19+s4], $0x200, $0x38;
	[tilespmem:$0x1C800] =	vst v63  }
0x31: {  	s21 =	rddreg [dreg:$0x12]  }
0x32: {  	[tilespmem:s13], [sflag:$0x6] =	stream.linear.gather [hbm4b:s21+s4], $0x200, $0x38;
	[tilespmem:$0x1C800] =	vst v63  }
0x33: {  	[bflag:$0x0] =	sbarrier.arrive $0xFFFF  }
0x34: {  	[tilespmem:s26], [sflag:$0x1] =	stream.indirect.gather [spmem:s3], $0x40, s4, s25, $0xb8;
	[tilespmem:$0x1C800] =	vst v63  }
0x35: {  	_ = 	snop  }
0x36: {  	[tilespmem:s28], [sflag:$0x2] =	stream.indirect.gather [spmem:s3], $0x40, s25, s25, $0xb8;
	[tilespmem:$0x1C800] =	vst v63  }
0x37: {  	_ = 	snop  }
0x38: {  	[tilespmem:s30], [sflag:$0x3] =	stream.indirect.gather [spmem:s3], $0x40, s29, s25, $0xb8;
	[tilespmem:$0x1C800] =	vst v63  }
0x39: {  	_ = 	snop  }
0x3a: {  	[tilespmem:s0], [sflag:$0x4] =	stream.indirect.gather [spmem:s3], $0x40, s31, s25, $0xb8;
	[tilespmem:$0x1C800] =	vst v63  }
0x3b: {  	_ =	swait.ge [sflag:s2], $0x200  }
0x3c: {  	[sflag:s2] =	ssyncset.done $0x0  }
0x3d: {  	[sflag:s2] =	ssyncadd.s32 $0xFFFFFE00  }
0x3e: {  	_ =	swait.ge [sflag:s2], $0x200  }
0x3f: {  	[sflag:s2] =	ssyncset.done $0x0  }
0x40: {  	[sflag:s2] =	ssyncadd.s32 $0xFFFFFE00  }
0x41: {  	_ =	swait.ge [sflag:s20], $0x2000  }
0x42: {  	[sflag:s20] =	ssyncset.done $0x0  }
0x43: {  	[sflag:s20] =	ssyncadd.s32 $0xFFFFE000  }
0x44: {  	[spmem:s1] =	stream.indirect.scatter.add.f32 [tilespmem:s26], [sflag:$0x7], $0x40, s23, s25, $0xb8;
	[tilespmem:$0x1C800] =	vst v63  }
0x45: {  	_ =	swait.ge [sflag:s18], $0x2000  }
0x46: {  	[sflag:s18] =	ssyncset.done $0x0  }
0x47: {  	[sflag:s18] =	ssyncadd.s32 $0xFFFFE000  }
0x48: {  	[tilespmem:s26], [sflag:$0x1] =	stream.indirect.gather [spmem:s3], $0x40, s24, s25, $0xb8;
	[tilespmem:$0x1C800] =	vst v63  }
0x49: {  	_ =	swait.ge [sflag:s8], $0x2000  }
0x4a: {  	[sflag:s8] =	ssyncset.done $0x0  }
0x4b: {  	s16 =	rddreg [dreg:$0x4];
	[sflag:s8] =	ssyncadd.s32 $0xFFFFE000  }
0x4c: {  	[spmem:s1] =	stream.indirect.scatter.add.f32 [tilespmem:s28], [sflag:$0x7], $0x40, s16, s25, $0xb8;
	[tilespmem:$0x1C800] =	vst v63  }
0x4d: {  	_ =	swait.ge [sflag:s18], $0x2000  }
0x4e: {  	[sflag:s18] =	ssyncset.done $0x0  }
0x4f: {  	s19 =	rddreg [dreg:$0x5];
	[sflag:s18] =	ssyncadd.s32 $0xFFFFE000  }
0x50: {  	[tilespmem:s28], [sflag:$0x2] =	stream.indirect.gather [spmem:s3], $0x40, s19, s25, $0xb8;
	[tilespmem:$0x1C800] =	vst v63  }
0x51: {  	_ =	swait.ge [sflag:s10], $0x2000  }
0x52: {  	[sflag:s10] =	ssyncset.done $0x0  }
0x53: {  	s21 =	rddreg [dreg:$0x6];
	[sflag:s10] =	ssyncadd.s32 $0xFFFFE000  }
0x54: {  	[spmem:s1] =	stream.indirect.scatter.add.f32 [tilespmem:s30], [sflag:$0x7], $0x40, s21, s25, $0xb8;
	[tilespmem:$0x1C800] =	vst v63  }
0x55: {  	_ =	swait.ge [sflag:s18], $0x2000  }
0x56: {  	[sflag:s18] =	ssyncset.done $0x0  }
0x57: {  	s16 =	rddreg [dreg:$0x7];
	[sflag:s18] =	ssyncadd.s32 $0xFFFFE000  }
0x58: {  	[tilespmem:s30], [sflag:$0x3] =	stream.indirect.gather [spmem:s3], $0x40, s16, s25, $0xb8;
	[tilespmem:$0x1C800] =	vst v63  }
0x59: {  	_ =	swait.ge [sflag:s11], $0x2000  }
0x5a: {  	p0 =	por $0x0, $0x0;
	[sflag:s11] =	ssyncset.done $0x0  }
0x5b: {  	s15 =	simm.s32 $0x400;
	s19 =	rddreg [dreg:$0x8];
	[sflag:s11] =	ssyncadd.s32 $0xFFFFE000  }
0x5c: {  	[spmem:s1] =	stream.indirect.scatter.add.f32 [tilespmem:s0], [sflag:$0x7], $0x40, s19, s25, $0xb8;
	[tilespmem:$0x1C800] =	vst v63  }
0x5d: {  	s15 =	simm.s32 @p0 $0x0;
	_ =	swait.ge [sflag:s18], $0x2000  }
0x5e: {  	s15 =	sadd.s32 s7, s15;
	[sflag:s18] =	ssyncset.done $0x0  }
0x5f: {  	s15 =	sshrl.u32 s15, $0x3;
	s21 =	rddreg [dreg:$0x9];
	[sflag:s18] =	ssyncadd.s32 $0xFFFFE000  }
0x60: {  	[tilespmem:s0], [sflag:$0x4] =	stream.indirect.gather [spmem:s3], $0x40, s21, s25, $0xb8;
	[tilespmem:$0x1C800] =	vst v63  }
0x61: {  	s19 =	sadd.s32 s5, s15  }
0x62: {  	[tilespmem:s4], [sflag:$0x5] =	stream.linear.gather [hbm4b:s19+s4], $0x200, $0x38;
	[tilespmem:$0x1C800] =	vst v63  }
0x63: {  	s15 =	sadd.s32 s6, s15  }
0x64: {  	[tilespmem:s23], [sflag:$0x5] =	stream.linear.gather [hbm4b:s15+s4], $0x200, $0x38;
	[tilespmem:$0x1C800] =	vst v63  }
0x65: {  	_ =	swait.ge [sflag:s12], $0x200  }
0x66: {  	[sflag:s12] =	ssyncset.done $0x0  }
0x67: {  	[sflag:s12] =	ssyncadd.s32 $0xFFFFFE00  }
0x68: {  	_ =	swait.ge [sflag:s12], $0x200  }
0x69: {  	[sflag:s12] =	ssyncset.done $0x0  }
0x6a: {  	[sflag:s12] =	ssyncadd.s32 $0xFFFFFE00  }
0x6b: {  	_ =	swait.ge [sflag:s20], $0x2000  }
0x6c: {  	[sflag:s20] =	ssyncset.done $0x0  }
0x6d: {  	[sflag:s20] =	ssyncadd.s32 $0xFFFFE000  }
0x6e: {  	[spmem:s1] =	stream.indirect.scatter.add.f32 [tilespmem:s26], [sflag:$0x7], $0x40, s13, s25, $0xb8;
	[tilespmem:$0x1C800] =	vst v63  }
0x6f: {  	_ =	swait.ge [sflag:s18], $0x2000  }
0x70: {  	[sflag:s18] =	ssyncset.done $0x0  }
0x71: {  	[sflag:s18] =	ssyncadd.s32 $0xFFFFE000  }
0x72: {  	[tilespmem:s26], [sflag:$0x1] =	stream.indirect.gather [spmem:s3], $0x40, s4, s25, $0xb8;
	[tilespmem:$0x1C800] =	vst v63  }
0x73: {  	_ =	swait.ge [sflag:s8], $0x2000  }
0x74: {  	[sflag:s8] =	ssyncset.done $0x0  }
0x75: {  	s21 =	rddreg [dreg:$0xa];
	[sflag:s8] =	ssyncadd.s32 $0xFFFFE000  }
0x76: {  	[spmem:s1] =	stream.indirect.scatter.add.f32 [tilespmem:s28], [sflag:$0x7], $0x40, s21, s25, $0xb8;
	[tilespmem:$0x1C800] =	vst v63  }
0x77: {  	_ =	swait.ge [sflag:s18], $0x2000  }
0x78: {  	[sflag:s18] =	ssyncset.done $0x0  }
0x79: {  	[sflag:s18] =	ssyncadd.s32 $0xFFFFE000  }
0x7a: {  	[tilespmem:s28], [sflag:$0x2] =	stream.indirect.gather [spmem:s3], $0x40, s25, s25, $0xb8;
	[tilespmem:$0x1C800] =	vst v63  }
0x7b: {  	_ =	swait.ge [sflag:s10], $0x2000  }
0x7c: {  	[sflag:s10] =	ssyncset.done $0x0  }
0x7d: {  	s16 =	rddreg [dreg:$0xb];
	[sflag:s10] =	ssyncadd.s32 $0xFFFFE000  }
0x7e: {  	[spmem:s1] =	stream.indirect.scatter.add.f32 [tilespmem:s30], [sflag:$0x7], $0x40, s16, s25, $0xb8;
	[tilespmem:$0x1C800] =	vst v63  }
0x7f: {  	_ =	swait.ge [sflag:s18], $0x2000  }
0x80: {  	[sflag:s18] =	ssyncset.done $0x0  }
0x81: {  	[sflag:s18] =	ssyncadd.s32 $0xFFFFE000  }
0x82: {  	[tilespmem:s30], [sflag:$0x3] =	stream.indirect.gather [spmem:s3], $0x40, s29, s25, $0xb8;
	[tilespmem:$0x1C800] =	vst v63  }
0x83: {  	_ =	swait.ge [sflag:s11], $0x2000  }
0x84: {  	[sflag:s11] =	ssyncset.done $0x0  }
0x85: {  	s16 =	simm.s32 $0x600;
	s19 =	rddreg [dreg:$0xc];
	[sflag:s11] =	ssyncadd.s32 $0xFFFFE000  }
0x86: {  	[spmem:s1] =	stream.indirect.scatter.add.f32 [tilespmem:s0], [sflag:$0x7], $0x40, s19, s25, $0xb8;
	[tilespmem:$0x1C800] =	vst v63  }
0x87: {  	s16 =	simm.s32 @p0 $0x200;
	_ =	swait.ge [sflag:s18], $0x2000  }
0x88: {  	s21 =	sadd.s32 s7, s16;
	[sflag:s18] =	ssyncset.done $0x0  }
0x89: {  	s16 =	sshrl.u32 s21, $0x3;
	[sflag:s18] =	ssyncadd.s32 $0xFFFFE000  }
0x8a: {  	[tilespmem:s0], [sflag:$0x4] =	stream.indirect.gather [spmem:s3], $0x40, s31, s25, $0xb8;
	[tilespmem:$0x1C800] =	vst v63  }
0x8b: {  	s15 =	sadd.s32 s5, s16  }
0x8c: {  	[tilespmem:s24], [sflag:$0x6] =	stream.linear.gather [hbm4b:s15+s4], $0x200, $0x38;
	[tilespmem:$0x1C800] =	vst v63  }
0x8d: {  	s21 =	sadd.s32 s6, s16;
	s15 =	simm.s32 $0xA00  }
.LBB2_2:
0x8e: {  	[tilespmem:s13], [sflag:$0x6] =	stream.linear.gather [hbm4b:s21+s4], $0x200, $0x38;
	[tilespmem:$0x1C800] =	vst v63  }
0x8f: {  	_ =	swait.ge [sflag:s2], $0x200  }
0x90: {  	[sflag:s2] =	ssyncset.done $0x0  }
0x91: {  	[sflag:s2] =	ssyncadd.s32 $0xFFFFFE00  }
0x92: {  	_ =	swait.ge [sflag:s2], $0x200  }
0x93: {  	[sflag:s2] =	ssyncset.done $0x0  }
0x94: {  	[sflag:s2] =	ssyncadd.s32 $0xFFFFFE00  }
0x95: {  	_ =	swait.ge [sflag:s20], $0x2000  }
0x96: {  	[sflag:s20] =	ssyncset.done $0x0  }
0x97: {  	[sflag:s20] =	ssyncadd.s32 $0xFFFFE000  }
0x98: {  	[spmem:s1] =	stream.indirect.scatter.add.f32 [tilespmem:s26], [sflag:$0x7], $0x40, s23, s25, $0xb8;
	[tilespmem:$0x1C800] =	vst v63  }
0x99: {  	_ =	swait.ge [sflag:s18], $0x2000  }
0x9a: {  	[sflag:s18] =	ssyncset.done $0x0  }
0x9b: {  	[sflag:s18] =	ssyncadd.s32 $0xFFFFE000  }
0x9c: {  	[tilespmem:s26], [sflag:$0x1] =	stream.indirect.gather [spmem:s3], $0x40, s24, s25, $0xb8;
	[tilespmem:$0x1C800] =	vst v63  }
0x9d: {  	_ =	swait.ge [sflag:s8], $0x2000  }
0x9e: {  	[sflag:s8] =	ssyncset.done $0x0  }
0x9f: {  	s19 =	rddreg [dreg:$0x4];
	[sflag:s8] =	ssyncadd.s32 $0xFFFFE000  }
0xa0: {  	[spmem:s1] =	stream.indirect.scatter.add.f32 [tilespmem:s28], [sflag:$0x7], $0x40, s19, s25, $0xb8;
	[tilespmem:$0x1C800] =	vst v63  }
0xa1: {  	_ =	swait.ge [sflag:s18], $0x2000  }
0xa2: {  	[sflag:s18] =	ssyncset.done $0x0  }
0xa3: {  	s19 =	rddreg [dreg:$0x5];
	[sflag:s18] =	ssyncadd.s32 $0xFFFFE000  }
0xa4: {  	[tilespmem:s28], [sflag:$0x2] =	stream.indirect.gather [spmem:s3], $0x40, s19, s25, $0xb8;
	[tilespmem:$0x1C800] =	vst v63  }
0xa5: {  	_ =	swait.ge [sflag:s10], $0x2000  }
0xa6: {  	[sflag:s10] =	ssyncset.done $0x0  }
0xa7: {  	s19 =	rddreg [dreg:$0x6];
	[sflag:s10] =	ssyncadd.s32 $0xFFFFE000  }
0xa8: {  	[spmem:s1] =	stream.indirect.scatter.add.f32 [tilespmem:s30], [sflag:$0x7], $0x40, s19, s25, $0xb8;
	[tilespmem:$0x1C800] =	vst v63  }
0xa9: {  	_ =	swait.ge [sflag:s18], $0x2000  }
0xaa: {  	[sflag:s18] =	ssyncset.done $0x0  }
0xab: {  	s19 =	rddreg [dreg:$0x7];
	[sflag:s18] =	ssyncadd.s32 $0xFFFFE000  }
0xac: {  	[tilespmem:s30], [sflag:$0x3] =	stream.indirect.gather [spmem:s3], $0x40, s19, s25, $0xb8;
	[tilespmem:$0x1C800] =	vst v63  }
0xad: {  	s16 =	smov.u32 s15;
	_ =	swait.ge [sflag:s11], $0x2000  }
0xae: {  	p1 =	seq.s32 s16, $0x5200;
	[sflag:s11] =	ssyncset.done $0x0  }
0xaf: {  	s21 =	sadd.s32 $0xFFFFFE00, s16;
	s19 =	rddreg [dreg:$0x8];
	[sflag:s11] =	ssyncadd.s32 $0xFFFFE000  }
0xb0: {  	[spmem:s1] =	stream.indirect.scatter.add.f32 [tilespmem:s0], [sflag:$0x7], $0x40, s19, s25, $0xb8;
	[tilespmem:$0x1C800] =	vst v63  }
0xb1: {  	s21 =	simm.s32 @p1 $0x0;
	_ =	swait.ge [sflag:s18], $0x2000  }
0xb2: {  	s21 =	sadd.s32 s7, s21;
	[sflag:s18] =	ssyncset.done $0x0  }
0xb3: {  	s21 =	sshrl.u32 s21, $0x3;
	s19 =	rddreg [dreg:$0x9];
	[sflag:s18] =	ssyncadd.s32 $0xFFFFE000  }
0xb4: {  	[tilespmem:s0], [sflag:$0x4] =	stream.indirect.gather [spmem:s3], $0x40, s19, s25, $0xb8;
	[tilespmem:$0x1C800] =	vst v63  }
0xb5: {  	s19 =	sadd.s32 s5, s21  }
0xb6: {  	[tilespmem:s4], [sflag:$0x5] =	stream.linear.gather [hbm4b:s19+s4], $0x200, $0x38;
	[tilespmem:$0x1C800] =	vst v63  }
0xb7: {  	s21 =	sadd.s32 s6, s21  }
0xb8: {  	[tilespmem:s23], [sflag:$0x5] =	stream.linear.gather [hbm4b:s21+s4], $0x200, $0x38;
	[tilespmem:$0x1C800] =	vst v63  }
0xb9: {  	_ =	swait.ge [sflag:s12], $0x200  }
0xba: {  	[sflag:s12] =	ssyncset.done $0x0  }
0xbb: {  	[sflag:s12] =	ssyncadd.s32 $0xFFFFFE00  }
0xbc: {  	_ =	swait.ge [sflag:s12], $0x200  }
0xbd: {  	[sflag:s12] =	ssyncset.done $0x0  }
0xbe: {  	[sflag:s12] =	ssyncadd.s32 $0xFFFFFE00  }
0xbf: {  	_ =	swait.ge [sflag:s20], $0x2000  }
0xc0: {  	[sflag:s20] =	ssyncset.done $0x0  }
0xc1: {  	[sflag:s20] =	ssyncadd.s32 $0xFFFFE000  }
0xc2: {  	[spmem:s1] =	stream.indirect.scatter.add.f32 [tilespmem:s26], [sflag:$0x7], $0x40, s13, s25, $0xb8;
	[tilespmem:$0x1C800] =	vst v63  }
0xc3: {  	_ =	swait.ge [sflag:s18], $0x2000  }
0xc4: {  	[sflag:s18] =	ssyncset.done $0x0  }
0xc5: {  	[sflag:s18] =	ssyncadd.s32 $0xFFFFE000  }
0xc6: {  	[tilespmem:s26], [sflag:$0x1] =	stream.indirect.gather [spmem:s3], $0x40, s4, s25, $0xb8;
	[tilespmem:$0x1C800] =	vst v63  }
0xc7: {  	_ =	swait.ge [sflag:s8], $0x2000  }
0xc8: {  	[sflag:s8] =	ssyncset.done $0x0  }
0xc9: {  	s21 =	rddreg [dreg:$0xa];
	[sflag:s8] =	ssyncadd.s32 $0xFFFFE000  }
0xca: {  	[spmem:s1] =	stream.indirect.scatter.add.f32 [tilespmem:s28], [sflag:$0x7], $0x40, s21, s25, $0xb8;
	[tilespmem:$0x1C800] =	vst v63  }
0xcb: {  	_ =	swait.ge [sflag:s18], $0x2000  }
0xcc: {  	[sflag:s18] =	ssyncset.done $0x0  }
0xcd: {  	[sflag:s18] =	ssyncadd.s32 $0xFFFFE000  }
0xce: {  	[tilespmem:s28], [sflag:$0x2] =	stream.indirect.gather [spmem:s3], $0x40, s25, s25, $0xb8;
	[tilespmem:$0x1C800] =	vst v63  }
0xcf: {  	_ =	swait.ge [sflag:s10], $0x2000  }
0xd0: {  	[sflag:s10] =	ssyncset.done $0x0  }
0xd1: {  	s21 =	rddreg [dreg:$0xb];
	[sflag:s10] =	ssyncadd.s32 $0xFFFFE000  }
0xd2: {  	[spmem:s1] =	stream.indirect.scatter.add.f32 [tilespmem:s30], [sflag:$0x7], $0x40, s21, s25, $0xb8;
	[tilespmem:$0x1C800] =	vst v63  }
0xd3: {  	_ =	swait.ge [sflag:s18], $0x2000  }
0xd4: {  	[sflag:s18] =	ssyncset.done $0x0  }
0xd5: {  	[sflag:s18] =	ssyncadd.s32 $0xFFFFE000  }
0xd6: {  	[tilespmem:s30], [sflag:$0x3] =	stream.indirect.gather [spmem:s3], $0x40, s29, s25, $0xb8;
	[tilespmem:$0x1C800] =	vst v63  }
0xd7: {  	_ =	swait.ge [sflag:s11], $0x2000  }
0xd8: {  	[sflag:s11] =	ssyncset.done $0x0  }
0xd9: {  	s21 =	rddreg [dreg:$0xc];
	[sflag:s11] =	ssyncadd.s32 $0xFFFFE000  }
0xda: {  	[spmem:s1] =	stream.indirect.scatter.add.f32 [tilespmem:s0], [sflag:$0x7], $0x40, s21, s25, $0xb8;
	[tilespmem:$0x1C800] =	vst v63  }
0xdb: {  	p0 =	sne.s32 s15, $0x5200;
	s16 =	simm.s32 @p1 $0x200;
	_ =	swait.ge [sflag:s18], $0x2000  }
.Ltmp0:
0xdc: {  	s16 =	sadd.s32 s7, s16;
	[sflag:s18] =	ssyncset.done $0x0;
	(pc) =	sbr.rel @p0 .LBB2_2-.Ltmp0, $4  }
0xdd: {  	s16 =	sshrl.u32 s16, $0x3;
	[sflag:s18] =	ssyncadd.s32 $0xFFFFE000  }
0xde: {  	[tilespmem:s0], [sflag:$0x4] =	stream.indirect.gather [spmem:s3], $0x40, s31, s25, $0xb8;
	[tilespmem:$0x1C800] =	vst v63  }
0xdf: {  	s15 =	sadd.s32 $0x400, s15;
	s19 =	sadd.s32 s5, s16;
	s21 =	sadd.s32 s6, s16  }
0xe0: {  	[tilespmem:s24], [sflag:$0x6] =	stream.linear.gather [hbm4b:s19+s4], $0x200, $0x38;
	[tilespmem:$0x1C800] =	vst v63  }
0xe1: {  	[tilespmem:s13], [sflag:$0x6] =	stream.linear.gather [hbm4b:s21+s4], $0x200, $0x38;
	[tilespmem:$0x1C800] =	vst v63  }
0xe2: {  	_ =	swait.ge [sflag:s20], $0x2000  }
0xe3: {  	[sflag:s20] =	ssyncset.done $0x0  }
0xe4: {  	[sflag:s20] =	ssyncadd.s32 $0xFFFFE000  }
0xe5: {  	_ =	swait.ge [sflag:s8], $0x2000  }
0xe6: {  	[sflag:s8] =	ssyncset.done $0x0  }
0xe7: {  	[sflag:s8] =	ssyncadd.s32 $0xFFFFE000  }
0xe8: {  	_ =	swait.ge [sflag:s10], $0x2000  }
0xe9: {  	[sflag:s10] =	ssyncset.done $0x0  }
0xea: {  	[sflag:s10] =	ssyncadd.s32 $0xFFFFE000  }
0xeb: {  	_ =	swait.ge [sflag:s11], $0x2000  }
0xec: {  	[sflag:s11] =	ssyncset.done $0x0  }
0xed: {  	[sflag:s11] =	ssyncadd.s32 $0xFFFFE000  }
0xee: {  	_ =	swait.ge [sflag:s2], $0x200  }
0xef: {  	[sflag:s2] =	ssyncset.done $0x0  }
0xf0: {  	[sflag:s2] =	ssyncadd.s32 $0xFFFFFE00  }
0xf1: {  	_ =	swait.ge [sflag:s2], $0x200  }
0xf2: {  	[sflag:s2] =	ssyncset.done $0x0  }
0xf3: {  	[sflag:s2] =	ssyncadd.s32 $0xFFFFFE00  }
0xf4: {  	[bflag:$0x0] =	sbarrier.arrive $0xFFFF  }
0xf5: {  	s19 =	simm.s32 $0x8;
	s15 =	rddreg [dreg:$0x13]  }
0xf6: {  	[hbm:s15@s22], [sflag:s9] =	dma.strided [spmem:s17@s19], $0x1400, s20, $0x8   }
0xf7: {  	_ =	swait.ge [sflag:s18], $0x1400  }
0xf8: {  	s14 =	sadd.s32 $0x1, s14;
	s21 =	rddreg [dreg:$0x14]  }
0xf9: {  	p0 =	sne.s32 s14, s21  }
.Ltmp1:
0xfa: {  	_ = 	snop;
	(pc) =	sbr.rel @p0 .LBB2_1-.Ltmp1, $3  }
0xfb: {  	_ =	sdelay $0x1  }
0xfc: {  	[sflag:s18] =	ssyncset.done $0x0  }
0xfd: {  	[sflag:s18] =	ssyncadd.s32 $0xFFFFEC00  }
0xfe: {  	_ =	sfence.sel $0x180000  }
0xff: {  	[bflag:$0x0] =	sbarrier.arrive $0xFFFF  }
0x100: {  	_ =	strace $0x9000004D  }
0x101: {  	s0 =	stileid.u32;
	[bflag:$0x2] =	sbarrier.arrive $0xFFFF  }
0x102: {  	p0 =	sne.s32 s0, $0x0;
	s0 =	rddreg [dreg:$0x3]  }
0x103: {  	s0 =	sadd.s32 @!p0 $0x100000, s0  }
0x104: {  	[sflag:s0] =	ssyncadd.tile.s32 @!p0 $0x1;
	_ =	shalt  }
.Lfunc_end2:
_tile_overlayer_lowered:
.L_overlay_start_2:
0x105: {  	(tag) =	ssettag $0x2  }
0x106: {  	s0 =	rddreg [dreg:$0x0];
	s2 =	stileid.u32  }
0x107: {  	s1 =	rddreg [dreg:$0x1];
	p0 =	sne.s32 s2, $0x0  }
0x108: {  	s3 =	rddreg [dreg:$0x2];
	[bflag:$0x3] =	sbarrier.arrive $0xFFFF;
	s2 =	simm.s32 @!p0 $0x1C07  }
0x109: {  	[timem:s3], [sflag:s2] =	dma.local @!p0 [hbm:s0], s1  }
0x10a: {  	s0 =	simm.s32 @!p0 $0x7  }
0x10b: {  	_ =	swait.ge @!p0 [sflag:s0], s1  }
0x10c: {  	s1 =	ssub.s32 @!p0 $0x0, s1;
	[sflag:s0] =	ssyncset.done @!p0 $0x0  }
0x10d: {  	[sflag:s0] =	ssyncadd.s32 @!p0 s1  }
0x10e: {  	[bflag:$0x3] =	sbarrier.arrive $0xFFFF  }
0x10f: {  	_ =	shalt  }

// kernel: kernel.19.cloned.1.call-start
scs
__scs_entry_jumppad:
0x0: {  	(pc) =	sbr.rel $0x88, $3  }
0x1: {  	(tag) =	ssettag $0x0;
	lr =	simm.s32 $0x1  }
0x2: {  	[smem:$0x3F90] =	sst lr;
	_ =	strace $0xD0000000  }
0x3: {  	_ = 	snop  }
0x4: {  	_ = 	snop  }
0x5: {  	_ = 	snop  }
0x6: {  	_ = 	snop  }
0x7: {  	_ = 	snop  }
__scs_overlays_trampoline_lowered:
0x8: {  	[smem:$0x3F9F] =	sst s0  }
0x9: {  	[smem:$0x3FA0] =	sst s1  }
0xa: {  	[smem:$0x3FA1] =	sst s2  }
0xb: {  	[smem:$0x3FA2] =	sst s3  }
0xc: {  	[smem:$0x3FA3] =	sst s4  }
0xd: {  	[smem:$0x3FA4] =	sst s5  }
0xe: {  	[smem:$0x3FA5] =	sst s6  }
0xf: {  	[smem:$0x3FA6] =	sst s7  }
0x10: {  	[smem:$0x3FA7] =	sst s8  }
0x11: {  	[smem:$0x3FA8] =	sst s9;
	s0 =	simm.s32 @!p0 $0x0  }
0x12: {  	s1 =	sld [smem:$0x3F8E];
	s0 =	simm.s32 @p0 $0x1  }
0x13: {  	[smem:$0x3FA9] =	sst s0;
	s0 =	simm.s32 @!p1 $0x0  }
0x14: {  	s2 =	sld [smem:$0x3F8D];
	s0 =	simm.s32 @p1 $0x1  }
0x15: {  	[smem:$0x3FAA] =	sst s0;
	s0 =	simm.s32 @!p2 $0x0  }
0x16: {  	s3 =	sld [smem:$0x3FDB];
	s0 =	simm.s32 @p2 $0x1  }
0x17: {  	s4 =	simm.s32 $0x1BF5;
	[smem:$0x3FAC] =	sst s0  }
0x18: {  	s0 =	sld [smem:$0x3F8F];
	_ =	swait.ge [sflag:s4], $0x0  }
0x19: {  	s7 =	sld [smem:$0x3F90]  }
0x1a: {  	s8 =	sadd.s32 $0xFFFFE003, lr  }
0x1b: {  	s9 =	sadd.s32 $0xFFFFFEF7, lr;
	s5 =	simm.s32 $0xFFFFFFFF;
	p2 =	slt.u32 s8, $0xFFFFF086  }
0x1c: {  	p1 =	slt.u32 s9, $0xF7A;
	s5 =	simm.s32 @!p2 $0x0  }
0x1d: {  	s5 =	simm.s32 @p1 $0x1;
	p0 =	seq.s32 s7, s2  }
0x1e: {  	s7 =	smul.u32 @!p0 $0xF7A, s2;
	p2 =	seq.s32 @!p0 s5, $0x0  }
0x1f: {  	s9 =	smul.u32 $0xF7A, s1;
	s8 =	simm.s32 @!p0 $0x1BF5;
	p2 =	por !p2, p0  }
0x20: {  	[sflag:s8] =	ssyncset.s32 @!p0 $0xFFFFF086;
	s6 =	sadd.s32 @!p0 s3, s7;
	s7 =	simm.s32 @!p0 $0x108  }
0x21: {  	s3 =	sadd.s32 s3, s9;
	s6 =	sadd.s32 @!p0 $0x88, s6;
	s7 =	simm.s32 @p2 $0x1082  }
0x22: {  	[simem:s7], [sflag:s8] =	dma.local @!p0 [hbm:s6], $0xF7A  }
0x23: {  	s9 =	sor.u32 $0xD0000000, s2;
	s6 =	simm.s32 $0x108;
	_ =	swait.ge @!p0 [sflag:s8], $0x0  }
0x24: {  	s3 =	sadd.s32 $0x88, s3;
	s6 =	simm.s32 @!p1 $0x1082;
	[sflag:s4] =	ssyncset.s32 $0xFFFFF086  }
0x25: {  	[simem:s6], [sflag:s4] =	dma.local [hbm:s3], $0xF7A  }
0x26: {  	[smem:$0x3F90] =	sst s1;
	(tag) =	ssettag s2;
	_ =	strace s9  }
0x27: {  	s1 =	sld [smem:$0x3FA0]  }
0x28: {  	s2 =	sld [smem:$0x3FA1]  }
0x29: {  	s4 =	sld [smem:$0x3FA3]  }
0x2a: {  	p0 =	seq.s32 s5, $0x0;
	s5 =	sld [smem:$0x3FA4]  }
0x2b: {  	s6 =	sld [smem:$0x3FA5]  }
0x2c: {  	s7 =	sld [smem:$0x3FA6]  }
0x2d: {  	s3 =	simm.s32 $0x108;
	s8 =	sld [smem:$0x3FA7]  }
0x2e: {  	s3 =	simm.s32 @!p0 $0x1082;
	s9 =	sld [smem:$0x3FA8]  }
0x2f: {  	lr =	sadd.s32 s0, s3;
	s0 =	sld [smem:$0x3F9F]  }
0x30: {  	s3 =	sld [smem:$0x3FA2]  }
0x31: {  	[smem:$0x3FAB] =	sst s10  }
0x32: {  	s10 =	sld [smem:$0x3FA9];
	_ =	sdelay $0x3  }
0x33: {  	p0 =	seq.s32 s10, $0x1;
	s10 =	sld [smem:$0x3FAB];
	_ =	sdelay $0x3  }
0x34: {  	[smem:$0x3FAB] =	sst s10  }
0x35: {  	s10 =	sld [smem:$0x3FAA];
	_ =	sdelay $0x3  }
0x36: {  	p1 =	seq.s32 s10, $0x1;
	s10 =	sld [smem:$0x3FAB];
	_ =	sdelay $0x3  }
0x37: {  	[smem:$0x3FAB] =	sst s10  }
0x38: {  	s10 =	sld [smem:$0x3FAC]  }
0x39: {  	_ = 	snop;
	(pc) =	sbr.ind lr, $3  }
0x3a: {  	_ = 	snop  }
0x3b: {  	_ = 	snop  }
0x3c: {  	p2 =	seq.s32 s10, $0x1;
	s10 =	sld [smem:$0x3FAB]  }
0x3d: {  	_ =	shalt  }
0x3e: {  	_ =	shalt  }
0x3f: {  	_ =	shalt  }
0x40: {  	_ =	shalt  }
0x41: {  	_ =	shalt  }
0x42: {  	_ =	shalt  }
0x43: {  	_ =	shalt  }
0x44: {  	_ =	shalt  }
0x45: {  	_ =	shalt  }
0x46: {  	_ =	shalt  }
0x47: {  	_ =	shalt  }
0x48: {  	_ =	shalt  }
0x49: {  	_ =	shalt  }
0x4a: {  	_ =	shalt  }
0x4b: {  	_ =	shalt  }
0x4c: {  	_ =	shalt  }
0x4d: {  	_ =	shalt  }
0x4e: {  	_ =	shalt  }
0x4f: {  	_ =	shalt  }
0x50: {  	_ =	shalt  }
0x51: {  	_ =	shalt  }
0x52: {  	_ =	shalt  }
0x53: {  	_ =	shalt  }
0x54: {  	_ =	shalt  }
0x55: {  	_ =	shalt  }
0x56: {  	_ =	shalt  }
0x57: {  	_ =	shalt  }
0x58: {  	_ =	shalt  }
0x59: {  	_ =	shalt  }
0x5a: {  	_ =	shalt  }
0x5b: {  	_ =	shalt  }
0x5c: {  	_ =	shalt  }
0x5d: {  	_ =	shalt  }
0x5e: {  	_ =	shalt  }
0x5f: {  	_ =	shalt  }
0x60: {  	_ =	shalt  }
0x61: {  	_ =	shalt  }
0x62: {  	_ =	shalt  }
0x63: {  	_ =	shalt  }
0x64: {  	_ =	shalt  }
0x65: {  	_ =	shalt  }
0x66: {  	_ =	shalt  }
0x67: {  	_ =	shalt  }
0x68: {  	_ =	shalt  }
0x69: {  	_ =	shalt  }
0x6a: {  	_ =	shalt  }
0x6b: {  	_ =	shalt  }
0x6c: {  	_ =	shalt  }
0x6d: {  	_ =	shalt  }
0x6e: {  	_ =	shalt  }
0x6f: {  	_ =	shalt  }
0x70: {  	_ =	shalt  }
0x71: {  	_ =	shalt  }
0x72: {  	_ =	shalt  }
0x73: {  	_ =	shalt  }
0x74: {  	_ =	shalt  }
0x75: {  	_ =	shalt  }
0x76: {  	_ =	shalt  }
0x77: {  	_ =	shalt  }
0x78: {  	_ =	shalt  }
0x79: {  	_ =	shalt  }
0x7a: {  	_ =	shalt  }
0x7b: {  	_ =	shalt  }
0x7c: {  	_ =	shalt  }
0x7d: {  	_ =	shalt  }
0x7e: {  	_ =	shalt  }
0x7f: {  	_ =	shalt  }
0x80: {  	_ =	shalt  }
0x81: {  	_ =	shalt  }
0x82: {  	_ =	shalt  }
0x83: {  	_ =	shalt  }
0x84: {  	_ =	shalt  }
0x85: {  	_ =	shalt  }
0x86: {  	_ =	shalt  }
0x87: {  	_ =	shalt  }
.Lfunc_end0:
.L_simem_size_0:
called_computation.3_lowered:
.L_overlay_start_0:
0x88: {  	s2 =	sld [smem:$0x3FD9]  }
0x89: {  	s3 =	sld [smem:$0x3FFE];
	_ =	sdelay $0x1  }
0x8a: {  	s1 =	srdreg.scid  }
0x8b: {  	s0 =	sand.u32 $0x1, s1  }
0x8c: {  	s16 =	sshll.u32 s0, $0xA;
	s2 =	sadd.s32 s3, s2  }
0x8d: {  	s2 =	sadd.s32 s2, s16  }
0x8e: {  	[smem:$0x3FB7] =	sst s2  }
0x8f: {  	_ = 	snop  }
0x90: {  	(tm) =	ssettm $0x1  }
0x91: {  	s17 =	sld [smem:$0x3FFB];
	_ =	sdelay $0x3  }
0x92: {  	_ =	strace s17  }
0x93: {  	s2 =	sld [smem:$0x3FFC];
	_ =	sdelay $0x3  }
0x94: {  	_ =	strace s2  }
0x95: {  	s2 =	sld [smem:$0x3FFD];
	_ =	sdelay $0x3  }
0x96: {  	_ =	strace s2  }
0x97: {  	_ =	strace $0x8FFFFFFF  }
0x98: {  	s18 =	sld [smem:$0x3FDB];
	_ =	sdelay $0x1  }
0x99: {  	s19 =	simm.s32 $_scs_section_size  }
0x9a: {  	s4 =	simm.s32 $_size__tile_overlayer_lowered;
	s5 =	simm.s32 $_tile_overlayer_lowered  }
0x9b: {  	s22 =	simm.s32 $0x1BFF;
	s21 =	sshll.u32 s5, $0x1;
	s2 =	sadd.s32 s19, s18  }
0x9c: {  	s6 =	simm.s32 $0x0;
	s20 =	sshll.u32 s4, $0x1;
	s4 =	sadd.s32 s21, s2  }
0x9d: {  	[timem:s6], [sflag:s22] =	dma.local [hbm:s4], s20  }
0x9e: {  	_ =	swait.ge [sflag:s22], s20  }
0x9f: {  	s3 =	ssub.s32 $0x0, s20;
	[sflag:s22] =	ssyncset.done $0x0  }
0xa0: {  	[sflag:s22] =	ssyncadd.s32 s3;
	_ =	sdelay $0x1  }
0xa1: {  	s23 =	simm.s32 $0x1B8B  }
0xa2: {  	_ =	swait.ge [sflag:s23], $0x1  }
0xa3: {  	[sflag:s23] =	ssyncset.done $0x0  }
0xa4: {  	s25 =	simm.s32 $0x1B8E;
	s24 =	sld [smem:$0x3FFE];
	[sflag:s23] =	ssyncadd.s32 $0xFFFFFFFF  }
0xa5: {  	s26 =	simm.s32 $execute0_lowered;
	[smem:$0x3FD2] =	sst s25  }
0xa6: {  	s4 =	sshll.u32 s26, $0x1;
	_ =	strace $0x8000004F;
	[dreg:$0x1] =	wrdreg $0xFFFFFFFF  }
0xa7: {  	s28 =	simm.s32 $_size_execute0_lowered;
	s2 =	sadd.s32 s2, s4;
	[dreg:$0x0] =	wrdreg $0x0  }
0xa8: {  	s4 =	sshll.u32 s28, $0x1;
	[dreg:$0x2] =	wrdreg s2  }
0xa9: {  	[dreg:$0x3] =	wrdreg s4  }
0xaa: {  	[dreg:$0x4] =	wrdreg $0xC0  }
0xab: {  	_ =	task [dreg:s6], $0x5FFFF  }
0xac: {  	[dreg:$0x1] =	wrdreg $0xFFFFFFFF  }
0xad: {  	[dreg:$0x0] =	wrdreg $0x60  }
0xae: {  	[dreg:$0x2] =	wrdreg s24  }
0xaf: {  	[dreg:$0x3] =	wrdreg $0x48000  }
0xb0: {  	[dreg:$0x4] =	wrdreg $0x98000  }
0xb1: {  	[dreg:$0x5] =	wrdreg $0x9  }
0xb2: {  	_ =	task.clear_ibuf [dreg:s6], $0x6FFFF;
	_ =	strace $0x9000004F  }
0xb3: {  	s29 =	simm.s32 $0x9;
	_ =	strace $0x80000051  }
0xb4: {  	_ =	swait.ge [sflag:s29], $0x1  }
0xb5: {  	[sflag:s29] =	ssyncadd.s32 $0xFFFFFFFF  }
0xb6: {  	_ =	strace $0x90000051  }
0xb7: {  	_ =	sfence  }
0xb8: {  	s30 =	sld [smem:$0x0];
	_ =	sdelay $0x2  }
0xb9: {  	s31 =	sshll.u32 s1, $0xD;
	s1 =	sshrl.u32 s1, $0x2  }
0xba: {  	s3 =	sand.u32 $0x4000, s31;
	s1 =	sadd.s32 s1, s30  }
0xbb: {  	s0 =	sor.u32 s3, s0;
	s1 =	sshll.u32 s1, $0x11  }
0xbc: {  	s0 =	sor.u32 s1, s0  }
0xbd: {  	s0 =	sadd.s32 $0x8F2B, s0  }
0xbe: {  	[sflag:s0] =	ssyncadd.remote.s32 $0x1  }
0xbf: {  	_ =	sfence.sel $0xFFFF  }
0xc0: {  	[dreg:$0x0] =	wrdreg $0xFFFFFFFF;
	(pc) =	sbr.abs _section_cstart, $3  }
0xc1: {  	[dreg:$0x1] =	wrdreg $0xFFFFFFFF  }
0xc2: {  	_ =	task.clear_ibuf [dreg:s6], $0x2FFFF;
	_ =	strace $0x9FFFFFFF  }
0xc3: {  	(tm) =	ssettm $0x7FFFFFFF  }
tec
execute0_lowered:
.L_overlay_start_1:
0x0: {  	(tag) =	ssettag $0x1  }
0x1: {  	s0 =	rddreg [dreg:$0x0]  }
0x2: {  	s1 =	rddreg [dreg:$0x1]  }
0x3: {  	s3 =	rddreg [dreg:$0x2];
	s4 =	simm.s32 $0x0;
	s12 =	stileid.u32  }
0x4: {  	s2 =	srdreg.scid;
	s17 =	simm.s32 $0x480;
	s18 =	simm.s32 $0x280  }
0x5: {  	s19 =	simm.s32 $0x500;
	s20 =	simm.s32 $0x300;
	s22 =	simm.s32 $0x580  }
0x6: {  	s28 =	simm.s32 $0x1800;
	s29 =	simm.s32 $0x100;
	s30 =	simm.s32 $0x2800  }
0x7: {  	s31 =	simm.s32 $0x180;
	[smem:$0x7FF] =	sst s4;
	s5 =	smul.u32 $0x5000, s12  }
0x8: {  	s2 =	sand.u32 $0x1, s2;
	s8 =	smul.u32 $0x14000, s12;
	s6 =	sadd.s32 $0x3AC00, s0  }
0x9: {  	s7 =	sadd.s32 $0x3C00, s0;
	_ =	strace $0x80000050;
	[dreg:$0x4] =	wrdreg s17  }
0xa: {  	s24 =	sshll.u32 s12, $0x6;
	s12 =	simm.s32 $0x600;
	[dreg:$0x5] =	wrdreg s18  }
0xb: {  	s9 =	sshll.u32 s2, $0x5;
	s2 =	ssub.s32 $0x2, s2;
	[dreg:$0x6] =	wrdreg s19  }
0xc: {  	s18 =	simm.s32 $0x7;
	[dreg:$0x7] =	wrdreg s20;
	s20 =	simm.s32 $0x1  }
0xd: {  	[dreg:$0x8] =	wrdreg s22;
	s22 =	simm.s32 $0x10;
	s10 =	sshrl.u32 s5, $0x3  }
0xe: {  	s8 =	sor.u32 s9, s8;
	s11 =	sshrl.u32 s2, $0x1;
	s25 =	sadd.s32 s5, s1  }
0xf: {  	s26 =	sadd.s32 s5, s3;
	s23 =	sadd.s32 s10, s0;
	s8 =	sshrl.u32 s8, $0x3  }
0x10: {  	s2 =	ssub.s32 s2, s11;
	s14 =	sor.u32 $0x40, s10;
	s21 =	sshrl.u32 s26, $0x3  }
0x11: {  	s17 =	sshrl.u32 s25, $0x3;
	s25 =	simm.s32 $0x700;
	[dreg:$0x15] =	wrdreg s21  }
0x12: {  	s26 =	simm.s32 $0x780;
	s11 =	simm.s32 $0x5;
	[dreg:$0xb] =	wrdreg s25  }
0x13: {  	s0 =	sadd.s32 s8, s0;
	s9 =	sadd.s32 $0x6CC00, s23;
	[dreg:$0xc] =	wrdreg s26  }
0x14: {  	s15 =	sadd.s32 s6, s14;
	s16 =	sadd.s32 s7, s14;
	[dreg:$0xd] =	wrdreg s9  }
0x15: {  	s2 =	smax.u32 s2, $0x1;
	s23 =	simm.s32 $0x380;
	[dreg:$0x11] =	wrdreg s15  }
0x16: {  	s21 =	simm.s32 $0x4;
	s25 =	simm.s32 $0x80;
	[dreg:$0x12] =	wrdreg s16  }
0x17: {  	s26 =	simm.s32 $0x800;
	s8 =	simm.s32 $0x2;
	[dreg:$0x14] =	wrdreg s2  }
0x18: {  	s9 =	sor.u32 $0x1C07, s24;
	s13 =	sadd.s32 $0x44C00, s0;
	[dreg:$0x9] =	wrdreg s23  }
0x19: {  	s0 =	sadd.s32 $0x76C00, s0;
	s24 =	simm.s32 $0x680;
	[dreg:$0xe] =	wrdreg s13  }
0x1a: {  	s23 =	simm.s32 $0x400;
	s2 =	simm.s32 $0x6;
	[dreg:$0x13] =	wrdreg s0  }
0x1b: {  	s13 =	sadd.s32 s6, s10;
	s10 =	sadd.s32 s7, s10;
	[dreg:$0xa] =	wrdreg s24  }
0x1c: {  	s24 =	simm.s32 $0x200;
	s0 =	simm.s32 $0x3800;
	[dreg:$0xf] =	wrdreg s13  }
0x1d: {  	[dreg:$0x10] =	wrdreg s10;
	s10 =	simm.s32 $0x3;
	s13 =	simm.s32 $0x0  }
.LBB2_1:
0x1e: {  	s14 =	rddreg [dreg:$0xd]  }
0x1f: {  	[spmem:s17], [sflag:s9] =	dma.local [hbm:s14], $0xA00  }
0x20: {  	_ =	swait.ge [sflag:s18], $0xA00  }
0x21: {  	[sflag:s18] =	ssyncset.done $0x0;
	s16 =	rddreg [dreg:$0xe]  }
0x22: {  	s15 =	rddreg [dreg:$0x15];
	[sflag:s18] =	ssyncadd.s32 $0xFFFFF600  }
0x23: {  	[spmem:s15@s21], [sflag:s9] =	dma.strided [hbm:s16@s22], $0xA00, s20, $0x4   }
0x24: {  	_ =	swait.ge [sflag:s18], $0xA00  }
0x25: {  	[sflag:s18] =	ssyncset.done $0x0  }
0x26: {  	s19 =	rddreg [dreg:$0xf];
	[sflag:s18] =	ssyncadd.s32 $0xFFFFF600  }
0x27: {  	[tilespmem:s4], [sflag:$0x7] =	stream.linear.gather [hbm4b:s19+s4], $0x200, $0x38;
	[tilespmem:$0xE800] =	vst v63  }
0x28: {  	_ =	swait.ge [sflag:s18], $0x200  }
0x29: {  	[sflag:s18] =	ssyncset.done $0x0  }
0x2a: {  	s15 =	rddreg [dreg:$0x10];
	[sflag:s18] =	ssyncadd.s32 $0xFFFFFE00  }
0x2b: {  	[tilespmem:s23], [sflag:$0x7] =	stream.linear.gather [hbm4b:s15+s4], $0x200, $0x38;
	[tilespmem:$0xE800] =	vst v63  }
0x2c: {  	_ =	swait.ge [sflag:s18], $0x200  }
0x2d: {  	[sflag:s18] =	ssyncset.done $0x0  }
0x2e: {  	s16 =	rddreg [dreg:$0x11];
	[sflag:s18] =	ssyncadd.s32 $0xFFFFFE00  }
0x2f: {  	[tilespmem:s24], [sflag:$0x6] =	stream.linear.gather [hbm4b:s16+s4], $0x200, $0x38;
	[tilespmem:$0xE800] =	vst v63  }
0x30: {  	s19 =	rddreg [dreg:$0x12]  }
0x31: {  	[tilespmem:s12], [sflag:$0x6] =	stream.linear.gather [hbm4b:s19+s4], $0x200, $0x38;
	[tilespmem:$0xE800] =	vst v63  }
0x32: {  	[bflag:$0x0] =	sbarrier.arrive $0xFFFF  }
0x33: {  	[tilespmem:s26], [sflag:$0x1] =	stream.indirect.gather [spmem:s3], $0x20, s4, s25, $0xb8;
	[tilespmem:$0xE800] =	vst v63  }
0x34: {  	_ = 	snop  }
0x35: {  	[tilespmem:s28], [sflag:$0x2] =	stream.indirect.gather [spmem:s3], $0x20, s25, s25, $0xb8;
	[tilespmem:$0xE800] =	vst v63  }
0x36: {  	_ = 	snop  }
0x37: {  	[tilespmem:s30], [sflag:$0x3] =	stream.indirect.gather [spmem:s3], $0x20, s29, s25, $0xb8;
	[tilespmem:$0xE800] =	vst v63  }
0x38: {  	_ = 	snop  }
0x39: {  	[tilespmem:s0], [sflag:$0x4] =	stream.indirect.gather [spmem:s3], $0x20, s31, s25, $0xb8;
	[tilespmem:$0xE800] =	vst v63  }
0x3a: {  	_ =	swait.ge [sflag:s2], $0x200  }
0x3b: {  	[sflag:s2] =	ssyncset.done $0x0  }
0x3c: {  	[sflag:s2] =	ssyncadd.s32 $0xFFFFFE00  }
0x3d: {  	_ =	swait.ge [sflag:s2], $0x200  }
0x3e: {  	[sflag:s2] =	ssyncset.done $0x0  }
0x3f: {  	[sflag:s2] =	ssyncadd.s32 $0xFFFFFE00  }
0x40: {  	_ =	swait.ge [sflag:s20], $0x1000  }
0x41: {  	[sflag:s20] =	ssyncset.done $0x0  }
0x42: {  	[sflag:s20] =	ssyncadd.s32 $0xFFFFF000  }
0x43: {  	[spmem:s1] =	stream.indirect.scatter.add.f32 [tilespmem:s26], [sflag:$0x7], $0x20, s23, s25, $0xb8;
	[tilespmem:$0xE800] =	vst v63  }
0x44: {  	_ =	swait.ge [sflag:s18], $0x1000  }
0x45: {  	[sflag:s18] =	ssyncset.done $0x0  }
0x46: {  	[sflag:s18] =	ssyncadd.s32 $0xFFFFF000  }
0x47: {  	[tilespmem:s26], [sflag:$0x1] =	stream.indirect.gather [spmem:s3], $0x20, s24, s25, $0xb8;
	[tilespmem:$0xE800] =	vst v63  }
0x48: {  	_ =	swait.ge [sflag:s8], $0x1000  }
0x49: {  	[sflag:s8] =	ssyncset.done $0x0  }
0x4a: {  	s15 =	rddreg [dreg:$0x4];
	[sflag:s8] =	ssyncadd.s32 $0xFFFFF000  }
0x4b: {  	[spmem:s1] =	stream.indirect.scatter.add.f32 [tilespmem:s28], [sflag:$0x7], $0x20, s15, s25, $0xb8;
	[tilespmem:$0xE800] =	vst v63  }
0x4c: {  	_ =	swait.ge [sflag:s18], $0x1000  }
0x4d: {  	[sflag:s18] =	ssyncset.done $0x0  }
0x4e: {  	s16 =	rddreg [dreg:$0x5];
	[sflag:s18] =	ssyncadd.s32 $0xFFFFF000  }
0x4f: {  	[tilespmem:s28], [sflag:$0x2] =	stream.indirect.gather [spmem:s3], $0x20, s16, s25, $0xb8;
	[tilespmem:$0xE800] =	vst v63  }
0x50: {  	_ =	swait.ge [sflag:s10], $0x1000  }
0x51: {  	[sflag:s10] =	ssyncset.done $0x0  }
0x52: {  	s19 =	rddreg [dreg:$0x6];
	[sflag:s10] =	ssyncadd.s32 $0xFFFFF000  }
0x53: {  	[spmem:s1] =	stream.indirect.scatter.add.f32 [tilespmem:s30], [sflag:$0x7], $0x20, s19, s25, $0xb8;
	[tilespmem:$0xE800] =	vst v63  }
0x54: {  	_ =	swait.ge [sflag:s18], $0x1000  }
0x55: {  	[sflag:s18] =	ssyncset.done $0x0  }
0x56: {  	s15 =	rddreg [dreg:$0x7];
	[sflag:s18] =	ssyncadd.s32 $0xFFFFF000  }
0x57: {  	[tilespmem:s30], [sflag:$0x3] =	stream.indirect.gather [spmem:s3], $0x20, s15, s25, $0xb8;
	[tilespmem:$0xE800] =	vst v63  }
0x58: {  	_ =	swait.ge [sflag:s21], $0x1000  }
0x59: {  	p0 =	por $0x0, $0x0;
	[sflag:s21] =	ssyncset.done $0x0  }
0x5a: {  	s14 =	simm.s32 $0x400;
	s16 =	rddreg [dreg:$0x8];
	[sflag:s21] =	ssyncadd.s32 $0xFFFFF000  }
0x5b: {  	[spmem:s1] =	stream.indirect.scatter.add.f32 [tilespmem:s0], [sflag:$0x7], $0x20, s16, s25, $0xb8;
	[tilespmem:$0xE800] =	vst v63  }
0x5c: {  	s14 =	simm.s32 @p0 $0x0;
	_ =	swait.ge [sflag:s18], $0x1000  }
0x5d: {  	s14 =	sadd.s32 s5, s14;
	[sflag:s18] =	ssyncset.done $0x0  }
0x5e: {  	s14 =	sshrl.u32 s14, $0x3;
	s19 =	rddreg [dreg:$0x9];
	[sflag:s18] =	ssyncadd.s32 $0xFFFFF000  }
0x5f: {  	[tilespmem:s0], [sflag:$0x4] =	stream.indirect.gather [spmem:s3], $0x20, s19, s25, $0xb8;
	[tilespmem:$0xE800] =	vst v63  }
0x60: {  	s16 =	sadd.s32 s6, s14  }
0x61: {  	[tilespmem:s4], [sflag:$0x5] =	stream.linear.gather [hbm4b:s16+s4], $0x200, $0x38;
	[tilespmem:$0xE800] =	vst v63  }
0x62: {  	s14 =	sadd.s32 s7, s14  }
0x63: {  	[tilespmem:s23], [sflag:$0x5] =	stream.linear.gather [hbm4b:s14+s4], $0x200, $0x38;
	[tilespmem:$0xE800] =	vst v63  }
0x64: {  	_ =	swait.ge [sflag:s11], $0x200  }
0x65: {  	[sflag:s11] =	ssyncset.done $0x0  }
0x66: {  	[sflag:s11] =	ssyncadd.s32 $0xFFFFFE00  }
0x67: {  	_ =	swait.ge [sflag:s11], $0x200  }
0x68: {  	[sflag:s11] =	ssyncset.done $0x0  }
0x69: {  	[sflag:s11] =	ssyncadd.s32 $0xFFFFFE00  }
0x6a: {  	_ =	swait.ge [sflag:s20], $0x1000  }
0x6b: {  	[sflag:s20] =	ssyncset.done $0x0  }
0x6c: {  	[sflag:s20] =	ssyncadd.s32 $0xFFFFF000  }
0x6d: {  	[spmem:s1] =	stream.indirect.scatter.add.f32 [tilespmem:s26], [sflag:$0x7], $0x20, s12, s25, $0xb8;
	[tilespmem:$0xE800] =	vst v63  }
0x6e: {  	_ =	swait.ge [sflag:s18], $0x1000  }
0x6f: {  	[sflag:s18] =	ssyncset.done $0x0  }
0x70: {  	[sflag:s18] =	ssyncadd.s32 $0xFFFFF000  }
0x71: {  	[tilespmem:s26], [sflag:$0x1] =	stream.indirect.gather [spmem:s3], $0x20, s4, s25, $0xb8;
	[tilespmem:$0xE800] =	vst v63  }
0x72: {  	_ =	swait.ge [sflag:s8], $0x1000  }
0x73: {  	[sflag:s8] =	ssyncset.done $0x0  }
0x74: {  	s19 =	rddreg [dreg:$0xa];
	[sflag:s8] =	ssyncadd.s32 $0xFFFFF000  }
0x75: {  	[spmem:s1] =	stream.indirect.scatter.add.f32 [tilespmem:s28], [sflag:$0x7], $0x20, s19, s25, $0xb8;
	[tilespmem:$0xE800] =	vst v63  }
0x76: {  	_ =	swait.ge [sflag:s18], $0x1000  }
0x77: {  	[sflag:s18] =	ssyncset.done $0x0  }
0x78: {  	[sflag:s18] =	ssyncadd.s32 $0xFFFFF000  }
0x79: {  	[tilespmem:s28], [sflag:$0x2] =	stream.indirect.gather [spmem:s3], $0x20, s25, s25, $0xb8;
	[tilespmem:$0xE800] =	vst v63  }
0x7a: {  	_ =	swait.ge [sflag:s10], $0x1000  }
0x7b: {  	[sflag:s10] =	ssyncset.done $0x0  }
0x7c: {  	s15 =	rddreg [dreg:$0xb];
	[sflag:s10] =	ssyncadd.s32 $0xFFFFF000  }
0x7d: {  	[spmem:s1] =	stream.indirect.scatter.add.f32 [tilespmem:s30], [sflag:$0x7], $0x20, s15, s25, $0xb8;
	[tilespmem:$0xE800] =	vst v63  }
0x7e: {  	_ =	swait.ge [sflag:s18], $0x1000  }
0x7f: {  	[sflag:s18] =	ssyncset.done $0x0  }
0x80: {  	[sflag:s18] =	ssyncadd.s32 $0xFFFFF000  }
0x81: {  	[tilespmem:s30], [sflag:$0x3] =	stream.indirect.gather [spmem:s3], $0x20, s29, s25, $0xb8;
	[tilespmem:$0xE800] =	vst v63  }
0x82: {  	_ =	swait.ge [sflag:s21], $0x1000  }
0x83: {  	[sflag:s21] =	ssyncset.done $0x0  }
0x84: {  	s15 =	simm.s32 $0x600;
	s16 =	rddreg [dreg:$0xc];
	[sflag:s21] =	ssyncadd.s32 $0xFFFFF000  }
0x85: {  	[spmem:s1] =	stream.indirect.scatter.add.f32 [tilespmem:s0], [sflag:$0x7], $0x20, s16, s25, $0xb8;
	[tilespmem:$0xE800] =	vst v63  }
0x86: {  	s15 =	simm.s32 @p0 $0x200;
	_ =	swait.ge [sflag:s18], $0x1000  }
0x87: {  	s19 =	sadd.s32 s5, s15;
	[sflag:s18] =	ssyncset.done $0x0  }
0x88: {  	s15 =	sshrl.u32 s19, $0x3;
	[sflag:s18] =	ssyncadd.s32 $0xFFFFF000  }
0x89: {  	[tilespmem:s0], [sflag:$0x4] =	stream.indirect.gather [spmem:s3], $0x20, s31, s25, $0xb8;
	[tilespmem:$0xE800] =	vst v63  }
0x8a: {  	s14 =	sadd.s32 s6, s15  }
0x8b: {  	[tilespmem:s24], [sflag:$0x6] =	stream.linear.gather [hbm4b:s14+s4], $0x200, $0x38;
	[tilespmem:$0xE800] =	vst v63  }
0x8c: {  	s16 =	sadd.s32 s7, s15;
	s14 =	simm.s32 $0xA00  }
.LBB2_2:
0x8d: {  	[tilespmem:s12], [sflag:$0x6] =	stream.linear.gather [hbm4b:s16+s4], $0x200, $0x38;
	[tilespmem:$0xE800] =	vst v63  }
0x8e: {  	_ =	swait.ge [sflag:s2], $0x200  }
0x8f: {  	[sflag:s2] =	ssyncset.done $0x0  }
0x90: {  	[sflag:s2] =	ssyncadd.s32 $0xFFFFFE00  }
0x91: {  	_ =	swait.ge [sflag:s2], $0x200  }
0x92: {  	[sflag:s2] =	ssyncset.done $0x0  }
0x93: {  	[sflag:s2] =	ssyncadd.s32 $0xFFFFFE00  }
0x94: {  	_ =	swait.ge [sflag:s20], $0x1000  }
0x95: {  	[sflag:s20] =	ssyncset.done $0x0  }
0x96: {  	[sflag:s20] =	ssyncadd.s32 $0xFFFFF000  }
0x97: {  	[spmem:s1] =	stream.indirect.scatter.add.f32 [tilespmem:s26], [sflag:$0x7], $0x20, s23, s25, $0xb8;
	[tilespmem:$0xE800] =	vst v63  }
0x98: {  	_ =	swait.ge [sflag:s18], $0x1000  }
0x99: {  	[sflag:s18] =	ssyncset.done $0x0  }
0x9a: {  	[sflag:s18] =	ssyncadd.s32 $0xFFFFF000  }
0x9b: {  	[tilespmem:s26], [sflag:$0x1] =	stream.indirect.gather [spmem:s3], $0x20, s24, s25, $0xb8;
	[tilespmem:$0xE800] =	vst v63  }
0x9c: {  	_ =	swait.ge [sflag:s8], $0x1000  }
0x9d: {  	[sflag:s8] =	ssyncset.done $0x0  }
0x9e: {  	s19 =	rddreg [dreg:$0x4];
	[sflag:s8] =	ssyncadd.s32 $0xFFFFF000  }
0x9f: {  	[spmem:s1] =	stream.indirect.scatter.add.f32 [tilespmem:s28], [sflag:$0x7], $0x20, s19, s25, $0xb8;
	[tilespmem:$0xE800] =	vst v63  }
0xa0: {  	_ =	swait.ge [sflag:s18], $0x1000  }
0xa1: {  	[sflag:s18] =	ssyncset.done $0x0  }
0xa2: {  	s19 =	rddreg [dreg:$0x5];
	[sflag:s18] =	ssyncadd.s32 $0xFFFFF000  }
0xa3: {  	[tilespmem:s28], [sflag:$0x2] =	stream.indirect.gather [spmem:s3], $0x20, s19, s25, $0xb8;
	[tilespmem:$0xE800] =	vst v63  }
0xa4: {  	_ =	swait.ge [sflag:s10], $0x1000  }
0xa5: {  	[sflag:s10] =	ssyncset.done $0x0  }
0xa6: {  	s19 =	rddreg [dreg:$0x6];
	[sflag:s10] =	ssyncadd.s32 $0xFFFFF000  }
0xa7: {  	[spmem:s1] =	stream.indirect.scatter.add.f32 [tilespmem:s30], [sflag:$0x7], $0x20, s19, s25, $0xb8;
	[tilespmem:$0xE800] =	vst v63  }
0xa8: {  	_ =	swait.ge [sflag:s18], $0x1000  }
0xa9: {  	[sflag:s18] =	ssyncset.done $0x0  }
0xaa: {  	s19 =	rddreg [dreg:$0x7];
	[sflag:s18] =	ssyncadd.s32 $0xFFFFF000  }
0xab: {  	[tilespmem:s30], [sflag:$0x3] =	stream.indirect.gather [spmem:s3], $0x20, s19, s25, $0xb8;
	[tilespmem:$0xE800] =	vst v63  }
0xac: {  	s15 =	smov.u32 s14;
	_ =	swait.ge [sflag:s21], $0x1000  }
0xad: {  	p1 =	seq.s32 s15, $0x5200;
	[sflag:s21] =	ssyncset.done $0x0  }
0xae: {  	s16 =	sadd.s32 $0xFFFFFE00, s15;
	s19 =	rddreg [dreg:$0x8];
	[sflag:s21] =	ssyncadd.s32 $0xFFFFF000  }
0xaf: {  	[spmem:s1] =	stream.indirect.scatter.add.f32 [tilespmem:s0], [sflag:$0x7], $0x20, s19, s25, $0xb8;
	[tilespmem:$0xE800] =	vst v63  }
0xb0: {  	s16 =	simm.s32 @p1 $0x0;
	_ =	swait.ge [sflag:s18], $0x1000  }
0xb1: {  	s16 =	sadd.s32 s5, s16;
	[sflag:s18] =	ssyncset.done $0x0  }
0xb2: {  	s16 =	sshrl.u32 s16, $0x3;
	s19 =	rddreg [dreg:$0x9];
	[sflag:s18] =	ssyncadd.s32 $0xFFFFF000  }
0xb3: {  	[tilespmem:s0], [sflag:$0x4] =	stream.indirect.gather [spmem:s3], $0x20, s19, s25, $0xb8;
	[tilespmem:$0xE800] =	vst v63  }
0xb4: {  	s19 =	sadd.s32 s6, s16  }
0xb5: {  	[tilespmem:s4], [sflag:$0x5] =	stream.linear.gather [hbm4b:s19+s4], $0x200, $0x38;
	[tilespmem:$0xE800] =	vst v63  }
0xb6: {  	s16 =	sadd.s32 s7, s16  }
0xb7: {  	[tilespmem:s23], [sflag:$0x5] =	stream.linear.gather [hbm4b:s16+s4], $0x200, $0x38;
	[tilespmem:$0xE800] =	vst v63  }
0xb8: {  	_ =	swait.ge [sflag:s11], $0x200  }
0xb9: {  	[sflag:s11] =	ssyncset.done $0x0  }
0xba: {  	[sflag:s11] =	ssyncadd.s32 $0xFFFFFE00  }
0xbb: {  	_ =	swait.ge [sflag:s11], $0x200  }
0xbc: {  	[sflag:s11] =	ssyncset.done $0x0  }
0xbd: {  	[sflag:s11] =	ssyncadd.s32 $0xFFFFFE00  }
0xbe: {  	_ =	swait.ge [sflag:s20], $0x1000  }
0xbf: {  	[sflag:s20] =	ssyncset.done $0x0  }
0xc0: {  	[sflag:s20] =	ssyncadd.s32 $0xFFFFF000  }
0xc1: {  	[spmem:s1] =	stream.indirect.scatter.add.f32 [tilespmem:s26], [sflag:$0x7], $0x20, s12, s25, $0xb8;
	[tilespmem:$0xE800] =	vst v63  }
0xc2: {  	_ =	swait.ge [sflag:s18], $0x1000  }
0xc3: {  	[sflag:s18] =	ssyncset.done $0x0  }
0xc4: {  	[sflag:s18] =	ssyncadd.s32 $0xFFFFF000  }
0xc5: {  	[tilespmem:s26], [sflag:$0x1] =	stream.indirect.gather [spmem:s3], $0x20, s4, s25, $0xb8;
	[tilespmem:$0xE800] =	vst v63  }
0xc6: {  	_ =	swait.ge [sflag:s8], $0x1000  }
0xc7: {  	[sflag:s8] =	ssyncset.done $0x0  }
0xc8: {  	s19 =	rddreg [dreg:$0xa];
	[sflag:s8] =	ssyncadd.s32 $0xFFFFF000  }
0xc9: {  	[spmem:s1] =	stream.indirect.scatter.add.f32 [tilespmem:s28], [sflag:$0x7], $0x20, s19, s25, $0xb8;
	[tilespmem:$0xE800] =	vst v63  }
0xca: {  	_ =	swait.ge [sflag:s18], $0x1000  }
0xcb: {  	[sflag:s18] =	ssyncset.done $0x0  }
0xcc: {  	[sflag:s18] =	ssyncadd.s32 $0xFFFFF000  }
0xcd: {  	[tilespmem:s28], [sflag:$0x2] =	stream.indirect.gather [spmem:s3], $0x20, s25, s25, $0xb8;
	[tilespmem:$0xE800] =	vst v63  }
0xce: {  	_ =	swait.ge [sflag:s10], $0x1000  }
0xcf: {  	[sflag:s10] =	ssyncset.done $0x0  }
0xd0: {  	s19 =	rddreg [dreg:$0xb];
	[sflag:s10] =	ssyncadd.s32 $0xFFFFF000  }
0xd1: {  	[spmem:s1] =	stream.indirect.scatter.add.f32 [tilespmem:s30], [sflag:$0x7], $0x20, s19, s25, $0xb8;
	[tilespmem:$0xE800] =	vst v63  }
0xd2: {  	_ =	swait.ge [sflag:s18], $0x1000  }
0xd3: {  	[sflag:s18] =	ssyncset.done $0x0  }
0xd4: {  	[sflag:s18] =	ssyncadd.s32 $0xFFFFF000  }
0xd5: {  	[tilespmem:s30], [sflag:$0x3] =	stream.indirect.gather [spmem:s3], $0x20, s29, s25, $0xb8;
	[tilespmem:$0xE800] =	vst v63  }
0xd6: {  	_ =	swait.ge [sflag:s21], $0x1000  }
0xd7: {  	[sflag:s21] =	ssyncset.done $0x0  }
0xd8: {  	s19 =	rddreg [dreg:$0xc];
	[sflag:s21] =	ssyncadd.s32 $0xFFFFF000  }
0xd9: {  	[spmem:s1] =	stream.indirect.scatter.add.f32 [tilespmem:s0], [sflag:$0x7], $0x20, s19, s25, $0xb8;
	[tilespmem:$0xE800] =	vst v63  }
0xda: {  	p0 =	sne.s32 s14, $0x5200;
	s15 =	simm.s32 @p1 $0x200;
	_ =	swait.ge [sflag:s18], $0x1000  }
.Ltmp0:
0xdb: {  	s15 =	sadd.s32 s5, s15;
	[sflag:s18] =	ssyncset.done $0x0;
	(pc) =	sbr.rel @p0 .LBB2_2-.Ltmp0, $4  }
0xdc: {  	s15 =	sshrl.u32 s15, $0x3;
	[sflag:s18] =	ssyncadd.s32 $0xFFFFF000  }
0xdd: {  	[tilespmem:s0], [sflag:$0x4] =	stream.indirect.gather [spmem:s3], $0x20, s31, s25, $0xb8;
	[tilespmem:$0xE800] =	vst v63  }
0xde: {  	s14 =	sadd.s32 $0x400, s14;
	s16 =	sadd.s32 s7, s15;
	s19 =	sadd.s32 s6, s15  }
0xdf: {  	[tilespmem:s24], [sflag:$0x6] =	stream.linear.gather [hbm4b:s19+s4], $0x200, $0x38;
	[tilespmem:$0xE800] =	vst v63  }
0xe0: {  	[tilespmem:s12], [sflag:$0x6] =	stream.linear.gather [hbm4b:s16+s4], $0x200, $0x38;
	[tilespmem:$0xE800] =	vst v63  }
0xe1: {  	_ =	swait.ge [sflag:s20], $0x1000  }
0xe2: {  	[sflag:s20] =	ssyncset.done $0x0  }
0xe3: {  	[sflag:s20] =	ssyncadd.s32 $0xFFFFF000  }
0xe4: {  	_ =	swait.ge [sflag:s8], $0x1000  }
0xe5: {  	[sflag:s8] =	ssyncset.done $0x0  }
0xe6: {  	[sflag:s8] =	ssyncadd.s32 $0xFFFFF000  }
0xe7: {  	_ =	swait.ge [sflag:s10], $0x1000  }
0xe8: {  	[sflag:s10] =	ssyncset.done $0x0  }
0xe9: {  	[sflag:s10] =	ssyncadd.s32 $0xFFFFF000  }
0xea: {  	_ =	swait.ge [sflag:s21], $0x1000  }
0xeb: {  	[sflag:s21] =	ssyncset.done $0x0  }
0xec: {  	[sflag:s21] =	ssyncadd.s32 $0xFFFFF000  }
0xed: {  	_ =	swait.ge [sflag:s2], $0x200  }
0xee: {  	[sflag:s2] =	ssyncset.done $0x0  }
0xef: {  	[sflag:s2] =	ssyncadd.s32 $0xFFFFFE00  }
0xf0: {  	_ =	swait.ge [sflag:s2], $0x200  }
0xf1: {  	[sflag:s2] =	ssyncset.done $0x0  }
0xf2: {  	[sflag:s2] =	ssyncadd.s32 $0xFFFFFE00  }
0xf3: {  	[bflag:$0x0] =	sbarrier.arrive $0xFFFF  }
0xf4: {  	s14 =	rddreg [dreg:$0x13]  }
0xf5: {  	[hbm:s14@s22], [sflag:s9] =	dma.strided [spmem:s17@s21], $0xA00, s20, $0x4   }
0xf6: {  	_ =	swait.ge [sflag:s18], $0xA00  }
0xf7: {  	s13 =	sadd.s32 $0x1, s13;
	s19 =	rddreg [dreg:$0x14]  }
0xf8: {  	p0 =	sne.s32 s13, s19  }
.Ltmp1:
0xf9: {  	_ = 	snop;
	(pc) =	sbr.rel @p0 .LBB2_1-.Ltmp1, $3  }
0xfa: {  	_ =	sdelay $0x1  }
0xfb: {  	[sflag:s18] =	ssyncset.done $0x0  }
0xfc: {  	[sflag:s18] =	ssyncadd.s32 $0xFFFFF600  }
0xfd: {  	_ =	sfence.sel $0x180000  }
0xfe: {  	[bflag:$0x0] =	sbarrier.arrive $0xFFFF  }
0xff: {  	_ =	strace $0x90000050  }
0x100: {  	s0 =	stileid.u32;
	[bflag:$0x2] =	sbarrier.arrive $0xFFFF  }
0x101: {  	p0 =	sne.s32 s0, $0x0;
	s0 =	rddreg [dreg:$0x3]  }
0x102: {  	s0 =	sadd.s32 @!p0 $0x100000, s0  }
0x103: {  	[sflag:s0] =	ssyncadd.tile.s32 @!p0 $0x1;
	_ =	shalt  }
.Lfunc_end2:
_tile_overlayer_lowered:
.L_overlay_start_2:
0x104: {  	(tag) =	ssettag $0x2  }
0x105: {  	s0 =	rddreg [dreg:$0x0];
	s2 =	stileid.u32  }
0x106: {  	s1 =	rddreg [dreg:$0x1];
	p0 =	sne.s32 s2, $0x0  }
0x107: {  	s3 =	rddreg [dreg:$0x2];
	[bflag:$0x3] =	sbarrier.arrive $0xFFFF;
	s2 =	simm.s32 @!p0 $0x1C07  }
0x108: {  	[timem:s3], [sflag:s2] =	dma.local @!p0 [hbm:s0], s1  }
0x109: {  	s0 =	simm.s32 @!p0 $0x7  }
0x10a: {  	_ =	swait.ge @!p0 [sflag:s0], s1  }
0x10b: {  	s1 =	ssub.s32 @!p0 $0x0, s1;
	[sflag:s0] =	ssyncset.done @!p0 $0x0  }
0x10c: {  	[sflag:s0] =	ssyncadd.s32 @!p0 s1  }
0x10d: {  	[bflag:$0x3] =	sbarrier.arrive $0xFFFF  }
0x10e: {  	_ =	shalt  }

</sc_bundles>
